<compile_context>
chip_gen: v7x
topology: tpu7x:2x2x1
jax: 0.10.2.dev20260603
libtpu: 0.0.44.dev20260713+nightly
codegen_flags: <defaults>
</compile_context>

<pallas_src>
import functools

import jax
import jax.numpy as jnp
import numpy as np
from jax import lax
from jax.experimental import pallas as pl
from jax.experimental.pallas import tpu as pltpu
from jax.experimental.pallas import tpu_sc as plsc

N = 10000
D = 128
E = 320000
NC = 2
NS = 16
CH = 128
E_PAD = 327680
N_SP = 10112
ZROWS = N_SP // NS
OROWS = N_SP // NS


NQ = 4
KC = 80
QC0 = KC // NQ


def _sc_body(r_hbm, srcp_hbm, dstp_hbm, out_hbm,
             i0, i1, rows0, rows1, agg_sh, sem_i, sem_r0, sem_r1):
    c = lax.axis_index("c")
    s = lax.axis_index("s")
    t = c * NS + s

    def init():
        def zrow(i, carry):
            for j in range(8):
                rows0[i, pl.ds(16 * j, 16)] = jnp.zeros((16,), jnp.float32)
            return carry

        lax.fori_loop(0, CH, zrow, 0)
        zbase = s * ZROWS
        for k in range(ZROWS // CH):
            pltpu.sync_copy(rows0, agg_sh.at[pl.ds(zbase + k * CH, CH)])
        rem = ZROWS % CH
        pltpu.sync_copy(rows0.at[pl.ds(0, rem)],
                        agg_sh.at[pl.ds(zbase + ZROWS - rem, rem)])

    def run(qch):
        pltpu.sync_copy(srcp_hbm.at[t, 0], i0.at[0])
        pltpu.sync_copy(dstp_hbm.at[t, 0], i0.at[1])
        plsc.subcore_barrier()

        def gather(iq, k, rows, sem):
            pltpu.async_copy(r_hbm.at[iq.at[0, k]], rows, sem)

        def gwait(iq, k, rows, sem):
            pltpu.make_async_copy(r_hbm.at[iq.at[0, k]], rows, sem).wait()

        def scat(iq, k, rows):
            pltpu.sync_copy(rows, agg_sh.at[iq.at[1, k]], add=True)

        for q in range(NQ):
            iq, inx = (i0, i1) if q % 2 == 0 else (i1, i0)
            if q < NQ - 1:
                pltpu.async_copy(srcp_hbm.at[t, q + 1], inx.at[0], sem_i)
                pltpu.async_copy(dstp_hbm.at[t, q + 1], inx.at[1], sem_i)
            gather(iq, 0, rows0, sem_r0)

            def body(j, carry):
                gather(iq, 2 * j + 1, rows1, sem_r1)
                gwait(iq, 2 * j, rows0, sem_r0)
                scat(iq, 2 * j, rows0)
                gather(iq, 2 * j + 2, rows0, sem_r0)
                gwait(iq, 2 * j + 1, rows1, sem_r1)
                scat(iq, 2 * j + 1, rows1)
                return carry

            lax.fori_loop(0, qch // 2 - 1, body, 0)
            gather(iq, qch - 1, rows1, sem_r1)
            gwait(iq, qch - 2, rows0, sem_r0)
            scat(iq, qch - 2, rows0)
            gwait(iq, qch - 1, rows1, sem_r1)
            scat(iq, qch - 1, rows1)
            if q < NQ - 1:
                pltpu.make_async_copy(srcp_hbm.at[t, q + 1], inx.at[0],
                                      sem_i).wait()
                pltpu.make_async_copy(dstp_hbm.at[t, q + 1], inx.at[1],
                                      sem_i).wait()

    init()
    run(QC0)
    plsc.subcore_barrier()
    pltpu.sync_copy(agg_sh.at[pl.ds(s * OROWS, OROWS)],
                    out_hbm.at[c, pl.ds(s * OROWS, OROWS)])


@functools.cache
def _make_sc_scatter():
    return pl.kernel(
        _sc_body,
        out_type=jax.ShapeDtypeStruct((NC, N_SP, D), jnp.float32),
        mesh=plsc.VectorSubcoreMesh(core_axis_name="c", subcore_axis_name="s",
                                    num_cores=NC, num_subcores=NS),
        scratch_types=[
            pltpu.VMEM((2, QC0, CH), jnp.int32),
            pltpu.VMEM((2, QC0, CH), jnp.int32),
            pltpu.VMEM((CH, D), jnp.float32),
            pltpu.VMEM((CH, D), jnp.float32),
            pltpu.VMEM_SHARED((N_SP, D), jnp.float32),
            pltpu.SemaphoreType.DMA,
            pltpu.SemaphoreType.DMA,
            pltpu.SemaphoreType.DMA,
        ],
    )


def _sc_scatter(r, srcp, dstp):
    return _make_sc_scatter()(r, srcp, dstp)


R = 1000
GRID = N // R

_CBN = float(np.float32(1.0) / np.sqrt(np.float32(1.0 + 1e-5)))


def _dot(a, b):
    return jnp.dot(a, b, preferred_element_type=jnp.float32)


def _kin_body(x_ref, w_ref, b_ref, vn_ref, hvn_ref, r_ref, pooled_ref):
    h0 = _dot(x_ref[...], w_ref[...]) + b_ref[...]
    hvn = h0 + vn_ref[...]
    hvn_ref[...] = hvn
    r_ref[...] = jnp.maximum(hvn, 0.0)
    ps = jnp.sum(hvn, axis=0, keepdims=True)

    @pl.when(pl.program_id(0) == 0)
    def _():
        pooled_ref[...] = ps

    @pl.when(pl.program_id(0) != 0)
    def _():
        pooled_ref[...] += ps


def _k_in(x, w_in, b_in, vn0):
    return pl.pallas_call(
        _kin_body,
        grid=(GRID,),
        in_specs=[
            pl.BlockSpec((R, D), lambda i: (i, 0)),
            pl.BlockSpec((D, D), lambda i: (0, 0)),
            pl.BlockSpec((1, D), lambda i: (0, 0)),
            pl.BlockSpec((1, D), lambda i: (0, 0)),
        ],
        out_specs=[
            pl.BlockSpec((R, D), lambda i: (i, 0)),
            pl.BlockSpec((R, D), lambda i: (i, 0)),
            pl.BlockSpec((1, D), lambda i: (0, 0)),
        ],
        out_shape=[
            jax.ShapeDtypeStruct((N, D), jnp.float32),
            jax.ShapeDtypeStruct((N, D), jnp.float32),
            jax.ShapeDtypeStruct((1, D), jnp.float32),
        ],
    )(x, w_in, b_in, vn0)


def _vnm_body(pooled_ref, vn_ref, w1_ref, b1_ref, g1_ref, be1_ref,
              w2_ref, b2_ref, g2_ref, be2_ref, out_ref):
    t = pooled_ref[...] + vn_ref[...]
    t = _dot(t, w1_ref[...]) + b1_ref[...]
    t = t * _CBN * g1_ref[...] + be1_ref[...]
    t = jnp.maximum(t, 0.0)
    t = _dot(t, w2_ref[...]) + b2_ref[...]
    t = t * _CBN * g2_ref[...] + be2_ref[...]
    out_ref[...] = jnp.maximum(t, 0.0)


def _k_vnm(pooled, vn, w1, b1, g1, be1, w2, b2, g2, be2):
    r2 = lambda a: a.reshape(1, D)
    return pl.pallas_call(
        _vnm_body,
        out_shape=jax.ShapeDtypeStruct((1, D), jnp.float32),
    )(pooled, vn, w1, r2(b1), r2(g1), r2(be1), w2, r2(b2), r2(g2), r2(be2))


def _gin_mlp(zsum, w1_ref, b1_ref, g1_ref, be1_ref, w2_ref, b2_ref,
             g2_ref, be2_ref):
    z = _dot(zsum, w1_ref[...]) + b1_ref[...]
    z = z * _CBN * g1_ref[...] + be1_ref[...]
    z = jnp.maximum(z, 0.0)
    z = _dot(z, w2_ref[...]) + b2_ref[...]
    z = z * _CBN * g2_ref[...] + be2_ref[...]
    return jnp.maximum(z, 0.0)


_W_SPECS = [
    pl.BlockSpec((D, D), lambda i: (0, 0)),
    pl.BlockSpec((1, D), lambda i: (0, 0)),
    pl.BlockSpec((1, D), lambda i: (0, 0)),
    pl.BlockSpec((1, D), lambda i: (0, 0)),
    pl.BlockSpec((D, D), lambda i: (0, 0)),
    pl.BlockSpec((1, D), lambda i: (0, 0)),
    pl.BlockSpec((1, D), lambda i: (0, 0)),
    pl.BlockSpec((1, D), lambda i: (0, 0)),
]


def _kmid_body(eps_ref, hvn_ref, p0_ref, p1_ref, w1_ref, b1_ref, g1_ref,
               be1_ref, w2_ref, b2_ref, g2_ref, be2_ref, vnn_ref,
               hvn1_ref, r1_ref, nrep_ref, pooled_ref):
    hvn = hvn_ref[...]
    zsum = (1.0 + eps_ref[0]) * hvn + (p0_ref[0] + p1_ref[0])
    out = _gin_mlp(zsum, w1_ref, b1_ref, g1_ref, be1_ref,
                   w2_ref, b2_ref, g2_ref, be2_ref)
    hvn1 = out + vnn_ref[...]
    hvn1_ref[...] = hvn1
    r1_ref[...] = jnp.maximum(hvn1, 0.0)
    nrep_ref[...] = hvn + hvn1
    ps = jnp.sum(hvn1, axis=0, keepdims=True)

    @pl.when(pl.program_id(0) == 0)
    def _():
        pooled_ref[...] = ps

    @pl.when(pl.program_id(0) != 0)
    def _():
        pooled_ref[...] += ps


def _k_mid(eps, hvn, p, weights, vnn):
    return pl.pallas_call(
        _kmid_body,
        grid=(GRID,),
        in_specs=[
            pl.BlockSpec(memory_space=pltpu.SMEM),
            pl.BlockSpec((R, D), lambda i: (i, 0)),
            pl.BlockSpec((1, R, D), lambda i: (0, i, 0)),
            pl.BlockSpec((1, R, D), lambda i: (1, i, 0)),
            *_W_SPECS,
            pl.BlockSpec((1, D), lambda i: (0, 0)),
        ],
        out_specs=[
            pl.BlockSpec((R, D), lambda i: (i, 0)),
            pl.BlockSpec((R, D), lambda i: (i, 0)),
            pl.BlockSpec((R, D), lambda i: (i, 0)),
            pl.BlockSpec((1, D), lambda i: (0, 0)),
        ],
        out_shape=[
            jax.ShapeDtypeStruct((N, D), jnp.float32),
            jax.ShapeDtypeStruct((N, D), jnp.float32),
            jax.ShapeDtypeStruct((N, D), jnp.float32),
            jax.ShapeDtypeStruct((1, D), jnp.float32),
        ],
    )(eps, hvn, p, p, *weights, vnn)


def _kfin_body(eps_ref, hvn_ref, p0_ref, p1_ref, w1_ref, b1_ref, g1_ref,
               be1_ref, w2_ref, b2_ref, g2_ref, be2_ref, vnn_ref, nrep_ref,
               out_ref):
    hvn = hvn_ref[...]
    zsum = (1.0 + eps_ref[0]) * hvn + (p0_ref[0] + p1_ref[0])
    out = _gin_mlp(zsum, w1_ref, b1_ref, g1_ref, be1_ref,
                   w2_ref, b2_ref, g2_ref, be2_ref)
    out_ref[...] = nrep_ref[...] + (out + vnn_ref[...])


def _k_fin(eps, hvn, p, weights, vnn, nrep):
    return pl.pallas_call(
        _kfin_body,
        grid=(GRID,),
        in_specs=[
            pl.BlockSpec(memory_space=pltpu.SMEM),
            pl.BlockSpec((R, D), lambda i: (i, 0)),
            pl.BlockSpec((1, R, D), lambda i: (0, i, 0)),
            pl.BlockSpec((1, R, D), lambda i: (1, i, 0)),
            *_W_SPECS,
            pl.BlockSpec((1, D), lambda i: (0, 0)),
            pl.BlockSpec((R, D), lambda i: (i, 0)),
        ],
        out_specs=pl.BlockSpec((R, D), lambda i: (i, 0)),
        out_shape=jax.ShapeDtypeStruct((N, D), jnp.float32),
    )(eps, hvn, p, p, *weights, vnn, nrep)


def kernel(x, edge_index, W_in, b_in, vn_emb, gin_eps, gin_W1, gin_b1,
           gin_bn_g, gin_bn_b, gin_W2, gin_b2, bn_g, bn_b, vn_W1, vn_b1,
           vn_bn1_g, vn_bn1_b, vn_W2, vn_b2, vn_bn2_g, vn_bn2_b):
    r2 = lambda a: a.reshape(1, D)

    pad = E_PAD - E
    pad_src = (jnp.arange(pad, dtype=jnp.int32) * 37) % N
    pad_dst = N + (jnp.arange(pad, dtype=jnp.int32) % (N_SP - N))
    src = jnp.concatenate([edge_index[0], pad_src])
    dst = jnp.concatenate([edge_index[1], pad_dst])

    srcp = src.reshape(NC * NS, NQ, QC0, CH)
    dstp = dst.reshape(NC * NS, NQ, QC0, CH)

    vn0 = vn_emb.astype(jnp.float32)

    def gin_weights(l):
        return (gin_W1[l], r2(gin_b1[l]), r2(gin_bn_g[l]), r2(gin_bn_b[l]),
                gin_W2[l], r2(gin_b2[l]), r2(bn_g[l]), r2(bn_b[l]))

    hvn0, r0, pooled0 = _k_in(x, W_in, r2(b_in), vn0)
    p = _sc_scatter(r0, srcp, dstp)
    vn1 = _k_vnm(pooled0, vn0, vn_W1[0], vn_b1[0], vn_bn1_g[0], vn_bn1_b[0],
                 vn_W2[0], vn_b2[0], vn_bn2_g[0], vn_bn2_b[0])
    hvn1, r1, nrep01, pooled1 = _k_mid(
        gin_eps[0].reshape(1), hvn0, p, gin_weights(0), vn1)

    p = _sc_scatter(r1, srcp, dstp)
    vn2 = _k_vnm(pooled1, vn1, vn_W1[1], vn_b1[1], vn_bn1_g[1], vn_bn1_b[1],
                 vn_W2[1], vn_b2[1], vn_bn2_g[1], vn_bn2_b[1])
    node_rep = _k_fin(
        gin_eps[1].reshape(1), hvn1, p, gin_weights(1), vn2, nrep01)
    return node_rep

# --- scband reference (transcript-rebuilt; emitter-appended) ---
"""Pipeline reference for scband-gnn-node-virtualnode-21930103014156 (READ-ONLY COPY).

The authoritative reference and input builder live on the scoring server;
editing this copy changes nothing except your own understanding.
"""

import jax, jax.numpy as jnp
import numpy as np

N = 10000
E = 320000
D = 128
L = 3

def _bn(z, g, b):
    # eval-mode BatchNorm1d with running_mean=0, running_var=1
    return z * (1.0 / jnp.sqrt(1.0 + 1e-5)) * g + b

def setup_inputs(seed: int = 0):
    key = jax.random.key(seed)
    ks = jax.random.split(key, 16)
    x = jax.random.normal(ks[0], (N, D), dtype=jnp.float32)
    edge_index = jax.random.randint(ks[1], (2, E), 0, N, dtype=jnp.int32)
    s = 0.05
    inp = {
        'x': x,
        'edge_index': edge_index,
        'W_in': s * jax.random.normal(ks[2], (D, D), dtype=jnp.float32),
        'b_in': s * jax.random.normal(ks[3], (D,), dtype=jnp.float32),
        'vn_emb': jnp.zeros((1, D), dtype=jnp.float32),
        'gin_eps': jnp.zeros((L,), dtype=jnp.float32),
        'gin_W1': s * jax.random.normal(ks[4], (L, D, D), dtype=jnp.float32),
        'gin_b1': s * jax.random.normal(ks[5], (L, D), dtype=jnp.float32),
        'gin_bn_g': jnp.ones((L, D), dtype=jnp.float32),
        'gin_bn_b': jnp.zeros((L, D), dtype=jnp.float32),
        'gin_W2': s * jax.random.normal(ks[6], (L, D, D), dtype=jnp.float32),
        'gin_b2': s * jax.random.normal(ks[7], (L, D), dtype=jnp.float32),
        'bn_g': jnp.ones((L, D), dtype=jnp.float32),
        'bn_b': jnp.zeros((L, D), dtype=jnp.float32),
        'vn_W1': s * jax.random.normal(ks[8], (L - 1, D, D), dtype=jnp.float32),
        'vn_b1': s * jax.random.normal(ks[9], (L - 1, D), dtype=jnp.float32),
        'vn_bn1_g': jnp.ones((L - 1, D), dtype=jnp.float32),
        'vn_bn1_b': jnp.zeros((L - 1, D), dtype=jnp.float32),
        'vn_W2': s * jax.random.normal(ks[10], (L - 1, D, D), dtype=jnp.float32),
        'vn_b2': s * jax.random.normal(ks[11], (L - 1, D), dtype=jnp.float32),
        'vn_bn2_g': jnp.ones((L - 1, D), dtype=jnp.float32),
        'vn_bn2_b': jnp.zeros((L - 1, D), dtype=jnp.float32),
    }
    return inp

def reference(x, edge_index, W_in, b_in, vn_emb, gin_eps, gin_W1, gin_b1, gin_bn_g, gin_bn_b, gin_W2, gin_b2, bn_g, bn_b, vn_W1, vn_b1, vn_bn1_g, vn_bn1_b, vn_W2, vn_b2, vn_bn2_g, vn_bn2_b):
    src = edge_index[0]
    dst = edge_index[1]
    # batch_size = 1; embedding lookup of index 0
    vn = vn_emb[jnp.zeros((1,), dtype=jnp.int32)]  # [1, D]
    h0 = x @ W_in + b_in
    h_list = [h0]
    for l in range(L):
        # add virtual node embedding (batch_id all zeros -> broadcast)
        h = h_list[l] + vn[0][None, :]
        h_list[l] = h
        # GINConv: relu on messages from source, sum at destination
        m = jax.nn.relu(h)[src]
        agg = jax.ops.segment_sum(m, dst, num_segments=N)
        z = (1.0 + gin_eps[l]) * h + agg
        z = z @ gin_W1[l] + gin_b1[l]
        z = _bn(z, gin_bn_g[l], gin_bn_b[l])
        z = jax.nn.relu(z)
        z = z @ gin_W2[l] + gin_b2[l]
        out = _bn(z, bn_g[l], bn_b[l])
        # dropout is no-op in eval mode; relu except last layer
        if l < L - 1:
            out = jax.nn.relu(out)
        h_list.append(out)
        if l < L - 1:
            pooled = jnp.sum(h_list[l], axis=0, keepdims=True)  # SumPooling over nodes, [1, D]
            t = pooled + vn
            t = t @ vn_W1[l] + vn_b1[l]
            t = _bn(t, vn_bn1_g[l], vn_bn1_b[l])
            t = jax.nn.relu(t)
            t = t @ vn_W2[l] + vn_b2[l]
            t = _bn(t, vn_bn2_g[l], vn_bn2_b[l])
            t = jax.nn.relu(t)
            vn = t
    # JK='sum': sums h_list[0..L-1] (note: excludes the final h_list entry)
    node_rep = h_list[0]
    for l in range(1, L):
        node_rep = node_rep + h_list[l]
    return node_rep

if __name__ == "__main__":
    import jax
    _d = setup_inputs()
    print(jax.jit(kernel)(*tuple(_d.values())))

</pallas_src>

<mosaic_0001>
#map = affine_map<(d0, d1) -> (0, 0)>
#map1 = affine_map<(d0, d1) -> (0, 0, 0, 0)>
#map2 = affine_map<(d0, d1) -> (0, 0, 0)>
module attributes {stable_mosaic.version = 14 : i64} {
  func.func @_sc_body(%arg0: i32, %arg1: i32, %arg2: memref<10000x128xf32, #tpu.memory_space<hbm>>, %arg3: memref<32x4x20x128xi32, #tpu.memory_space<hbm>>, %arg4: memref<32x4x20x128xi32, #tpu.memory_space<hbm>>, %arg5: memref<2x10112x128xf32, #tpu.memory_space<hbm>>, %arg6: memref<2x20x128xi32, #tpu.memory_space<vmem>>, %arg7: memref<2x20x128xi32, #tpu.memory_space<vmem>>, %arg8: memref<128x128xf32, #tpu.memory_space<vmem>>, %arg9: memref<128x128xf32, #tpu.memory_space<vmem>>, %arg10: memref<10112x128xf32, #tpu.memory_space<vmem_shared>>, %arg11: memref<!tpu.dma_semaphore, #tpu.memory_space<semaphore_mem>>, %arg12: memref<!tpu.dma_semaphore, #tpu.memory_space<semaphore_mem>>, %arg13: memref<!tpu.dma_semaphore, #tpu.memory_space<semaphore_mem>>) attributes {dimension_semantics = [#tpu.dimension_semantics<core_parallel>, #tpu.dimension_semantics<subcore_parallel>], iteration_bounds = array<i64: 2, 16>, scalar_prefetch = 0 : i64, scratch_operands = 8 : i64, tpu.core_type = #tpu.core_type<sc_vector_subcore>, window_params = [{transform_indices = #map}, {transform_indices = #map1}, {transform_indices = #map1}, {transform_indices = #map2}]} {
    %mul3A = arith.constant 16 : i32
    %mul3A_0 = arith.muli %arg0, %mul3A : i32
    %add3A = arith.addi %mul3A_0, %arg1 : i32
    %scan3A = arith.constant 0 : i32
    %scan3A_1 = arith.constant 0 : i32
    %scan3A_2 = arith.constant 128 : i32
    %scan3A_3 = arith.addi %scan3A_1, %scan3A_2 : i32
    %scan3A_4 = arith.constant 1 : i32
    scf.for %scan3A_409 = %scan3A_1 to %scan3A_3 step %scan3A_4  : i32 {
      %broadcast_in_dim3A = arith.constant 0.000000e+00 : f32
      %broadcast_in_dim3A_410 = vector.broadcast %broadcast_in_dim3A : f32 to vector<16xf32>
      %swap3A = arith.index_cast %scan3A_409 : i32 to index
      %swap3A_411 = arith.constant 0 : index
      %swap3A_412 = tpu.vector_load %arg8[%swap3A, %swap3A_411] {strides = array<i32>} : memref<128x128xf32, #tpu.memory_space<vmem>>, vector<1x16xf32>,
      %swap3A_413 = vector.shape_cast %swap3A_412 : vector<1x16xf32> to vector<16xf32>
      %swap3A_414 = vector.shape_cast %broadcast_in_dim3A_410 : vector<16xf32> to vector<1x16xf32>
      tpu.vector_store %arg8[%swap3A, %swap3A_411], %swap3A_414 {strides = array<i32>} : memref<128x128xf32, #tpu.memory_space<vmem>>, vector<1x16xf32>,
      %broadcast_in_dim3A_415 = arith.constant 0.000000e+00 : f32
      %broadcast_in_dim3A_416 = vector.broadcast %broadcast_in_dim3A_415 : f32 to vector<16xf32>
      %swap3A_417 = arith.index_cast %scan3A_409 : i32 to index
      %swap3A_418 = arith.constant 16 : index
      %swap3A_419 = tpu.vector_load %arg8[%swap3A_417, %swap3A_418] {strides = array<i32>} : memref<128x128xf32, #tpu.memory_space<vmem>>, vector<1x16xf32>,
      %swap3A_420 = vector.shape_cast %swap3A_419 : vector<1x16xf32> to vector<16xf32>
      %swap3A_421 = vector.shape_cast %broadcast_in_dim3A_416 : vector<16xf32> to vector<1x16xf32>
      tpu.vector_store %arg8[%swap3A_417, %swap3A_418], %swap3A_421 {strides = array<i32>} : memref<128x128xf32, #tpu.memory_space<vmem>>, vector<1x16xf32>,
      %broadcast_in_dim3A_422 = arith.constant 0.000000e+00 : f32
      %broadcast_in_dim3A_423 = vector.broadcast %broadcast_in_dim3A_422 : f32 to vector<16xf32>
      %swap3A_424 = arith.index_cast %scan3A_409 : i32 to index
      %swap3A_425 = arith.constant 32 : index
      %swap3A_426 = tpu.vector_load %arg8[%swap3A_424, %swap3A_425] {strides = array<i32>} : memref<128x128xf32, #tpu.memory_space<vmem>>, vector<1x16xf32>,
      %swap3A_427 = vector.shape_cast %swap3A_426 : vector<1x16xf32> to vector<16xf32>
      %swap3A_428 = vector.shape_cast %broadcast_in_dim3A_423 : vector<16xf32> to vector<1x16xf32>
      tpu.vector_store %arg8[%swap3A_424, %swap3A_425], %swap3A_428 {strides = array<i32>} : memref<128x128xf32, #tpu.memory_space<vmem>>, vector<1x16xf32>,
      %broadcast_in_dim3A_429 = arith.constant 0.000000e+00 : f32
      %broadcast_in_dim3A_430 = vector.broadcast %broadcast_in_dim3A_429 : f32 to vector<16xf32>
      %swap3A_431 = arith.index_cast %scan3A_409 : i32 to index
      %swap3A_432 = arith.constant 48 : index
      %swap3A_433 = tpu.vector_load %arg8[%swap3A_431, %swap3A_432] {strides = array<i32>} : memref<128x128xf32, #tpu.memory_space<vmem>>, vector<1x16xf32>,
      %swap3A_434 = vector.shape_cast %swap3A_433 : vector<1x16xf32> to vector<16xf32>
      %swap3A_435 = vector.shape_cast %broadcast_in_dim3A_430 : vector<16xf32> to vector<1x16xf32>
      tpu.vector_store %arg8[%swap3A_431, %swap3A_432], %swap3A_435 {strides = array<i32>} : memref<128x128xf32, #tpu.memory_space<vmem>>, vector<1x16xf32>,
      %broadcast_in_dim3A_436 = arith.constant 0.000000e+00 : f32
      %broadcast_in_dim3A_437 = vector.broadcast %broadcast_in_dim3A_436 : f32 to vector<16xf32>
      %swap3A_438 = arith.index_cast %scan3A_409 : i32 to index
      %swap3A_439 = arith.constant 64 : index
      %swap3A_440 = tpu.vector_load %arg8[%swap3A_438, %swap3A_439] {strides = array<i32>} : memref<128x128xf32, #tpu.memory_space<vmem>>, vector<1x16xf32>,
      %swap3A_441 = vector.shape_cast %swap3A_440 : vector<1x16xf32> to vector<16xf32>
      %swap3A_442 = vector.shape_cast %broadcast_in_dim3A_437 : vector<16xf32> to vector<1x16xf32>
      tpu.vector_store %arg8[%swap3A_438, %swap3A_439], %swap3A_442 {strides = array<i32>} : memref<128x128xf32, #tpu.memory_space<vmem>>, vector<1x16xf32>,
      %broadcast_in_dim3A_443 = arith.constant 0.000000e+00 : f32
      %broadcast_in_dim3A_444 = vector.broadcast %broadcast_in_dim3A_443 : f32 to vector<16xf32>
      %swap3A_445 = arith.index_cast %scan3A_409 : i32 to index
      %swap3A_446 = arith.constant 80 : index
      %swap3A_447 = tpu.vector_load %arg8[%swap3A_445, %swap3A_446] {strides = array<i32>} : memref<128x128xf32, #tpu.memory_space<vmem>>, vector<1x16xf32>,
      %swap3A_448 = vector.shape_cast %swap3A_447 : vector<1x16xf32> to vector<16xf32>
      %swap3A_449 = vector.shape_cast %broadcast_in_dim3A_444 : vector<16xf32> to vector<1x16xf32>
      tpu.vector_store %arg8[%swap3A_445, %swap3A_446], %swap3A_449 {strides = array<i32>} : memref<128x128xf32, #tpu.memory_space<vmem>>, vector<1x16xf32>,
      %broadcast_in_dim3A_450 = arith.constant 0.000000e+00 : f32
      %broadcast_in_dim3A_451 = vector.broadcast %broadcast_in_dim3A_450 : f32 to vector<16xf32>
      %swap3A_452 = arith.index_cast %scan3A_409 : i32 to index
      %swap3A_453 = arith.constant 96 : index
      %swap3A_454 = tpu.vector_load %arg8[%swap3A_452, %swap3A_453] {strides = array<i32>} : memref<128x128xf32, #tpu.memory_space<vmem>>, vector<1x16xf32>,
      %swap3A_455 = vector.shape_cast %swap3A_454 : vector<1x16xf32> to vector<16xf32>
      %swap3A_456 = vector.shape_cast %broadcast_in_dim3A_451 : vector<16xf32> to vector<1x16xf32>
      tpu.vector_store %arg8[%swap3A_452, %swap3A_453], %swap3A_456 {strides = array<i32>} : memref<128x128xf32, #tpu.memory_space<vmem>>, vector<1x16xf32>,
      %broadcast_in_dim3A_457 = arith.constant 0.000000e+00 : f32
      %broadcast_in_dim3A_458 = vector.broadcast %broadcast_in_dim3A_457 : f32 to vector<16xf32>
      %swap3A_459 = arith.index_cast %scan3A_409 : i32 to index
      %swap3A_460 = arith.constant 112 : index
      %swap3A_461 = tpu.vector_load %arg8[%swap3A_459, %swap3A_460] {strides = array<i32>} : memref<128x128xf32, #tpu.memory_space<vmem>>, vector<1x16xf32>,
      %swap3A_462 = vector.shape_cast %swap3A_461 : vector<1x16xf32> to vector<16xf32>
      %swap3A_463 = vector.shape_cast %broadcast_in_dim3A_458 : vector<16xf32> to vector<1x16xf32>
      tpu.vector_store %arg8[%swap3A_459, %swap3A_460], %swap3A_463 {strides = array<i32>} : memref<128x128xf32, #tpu.memory_space<vmem>>, vector<1x16xf32>,
    }
    %scan3A_5 = arith.constant 128 : i32
    %mul3A_6 = arith.constant 632 : i32
    %mul3A_7 = arith.muli %arg1, %mul3A_6 : i32
    %add3A_8 = arith.constant 0 : i32
    %add3A_9 = arith.addi %mul3A_7, %add3A_8 : i32
    "tpu.region"() ({
      %run_scoped3A_409 = tpu.sem_alloc : memref<!tpu.dma_semaphore, #tpu.memory_space<semaphore_mem>>
      %dma_start3A_410 = arith.constant 0 : i32
      %dma_start3A_411 = tpu.memref_slice %arg10[%add3A_9, %dma_start3A_410] : memref<10112x128xf32, #tpu.memory_space<vmem_shared>> -> memref<128x128xf32, #tpu.memory_space<vmem_shared>>
      %dma_start3A_412 = arith.constant 0 : i32
      %dma_start3A_413 = tpu.memref_slice %arg10[%add3A_9, %dma_start3A_412] : memref<10112x128xf32, #tpu.memory_space<vmem_shared>> -> memref<128x128xf32, #tpu.memory_space<vmem_shared>>
      tpu.enqueue_dma source(%arg8 : memref<128x128xf32, #tpu.memory_space<vmem>>) target(%dma_start3A_413 : memref<128x128xf32, #tpu.memory_space<vmem_shared>>) target_semaphore(%run_scoped3A_409 : memref<!tpu.dma_semaphore, #tpu.memory_space<semaphore_mem>>)
      %dma_wait3A_414 = arith.constant 0 : i32
      %dma_wait3A_415 = tpu.memref_slice %arg10[%add3A_9, %dma_wait3A_414] : memref<10112x128xf32, #tpu.memory_space<vmem_shared>> -> memref<128x128xf32, #tpu.memory_space<vmem_shared>>
      %dma_wait3A_416 = arith.constant 0 : i32
      %dma_wait3A_417 = tpu.memref_slice %arg10[%add3A_9, %dma_wait3A_416] : memref<10112x128xf32, #tpu.memory_space<vmem_shared>> -> memref<128x128xf32, #tpu.memory_space<vmem_shared>>
      tpu.wait_dma2 semaphore(%run_scoped3A_409 : memref<!tpu.dma_semaphore, #tpu.memory_space<semaphore_mem>>) src(%arg8 : memref<128x128xf32, #tpu.memory_space<vmem>>) dst(%dma_wait3A_417 : memref<128x128xf32, #tpu.memory_space<vmem_shared>>)
      tpu.yield
    }) : () -> ()
    %add3A_10 = arith.constant 128 : i32
    %add3A_11 = arith.addi %mul3A_7, %add3A_10 : i32
    "tpu.region"() ({
      %run_scoped3A_409 = tpu.sem_alloc : memref<!tpu.dma_semaphore, #tpu.memory_space<semaphore_mem>>
      %dma_start3A_410 = arith.constant 0 : i32
      %dma_start3A_411 = tpu.memref_slice %arg10[%add3A_11, %dma_start3A_410] : memref<10112x128xf32, #tpu.memory_space<vmem_shared>> -> memref<128x128xf32, #tpu.memory_space<vmem_shared>>
      %dma_start3A_412 = arith.constant 0 : i32
      %dma_start3A_413 = tpu.memref_slice %arg10[%add3A_11, %dma_start3A_412] : memref<10112x128xf32, #tpu.memory_space<vmem_shared>> -> memref<128x128xf32, #tpu.memory_space<vmem_shared>>
      tpu.enqueue_dma source(%arg8 : memref<128x128xf32, #tpu.memory_space<vmem>>) target(%dma_start3A_413 : memref<128x128xf32, #tpu.memory_space<vmem_shared>>) target_semaphore(%run_scoped3A_409 : memref<!tpu.dma_semaphore, #tpu.memory_space<semaphore_mem>>)
      %dma_wait3A_414 = arith.constant 0 : i32
      %dma_wait3A_415 = tpu.memref_slice %arg10[%add3A_11, %dma_wait3A_414] : memref<10112x128xf32, #tpu.memory_space<vmem_shared>> -> memref<128x128xf32, #tpu.memory_space<vmem_shared>>
      %dma_wait3A_416 = arith.constant 0 : i32
      %dma_wait3A_417 = tpu.memref_slice %arg10[%add3A_11, %dma_wait3A_416] : memref<10112x128xf32, #tpu.memory_space<vmem_shared>> -> memref<128x128xf32, #tpu.memory_space<vmem_shared>>
      tpu.wait_dma2 semaphore(%run_scoped3A_409 : memref<!tpu.dma_semaphore, #tpu.memory_space<semaphore_mem>>) src(%arg8 : memref<128x128xf32, #tpu.memory_space<vmem>>) dst(%dma_wait3A_417 : memref<128x128xf32, #tpu.memory_space<vmem_shared>>)
      tpu.yield
    }) : () -> ()
    %add3A_12 = arith.constant 256 : i32
    %add3A_13 = arith.addi %mul3A_7, %add3A_12 : i32
    "tpu.region"() ({
      %run_scoped3A_409 = tpu.sem_alloc : memref<!tpu.dma_semaphore, #tpu.memory_space<semaphore_mem>>
      %dma_start3A_410 = arith.constant 0 : i32
      %dma_start3A_411 = tpu.memref_slice %arg10[%add3A_13, %dma_start3A_410] : memref<10112x128xf32, #tpu.memory_space<vmem_shared>> -> memref<128x128xf32, #tpu.memory_space<vmem_shared>>
      %dma_start3A_412 = arith.constant 0 : i32
      %dma_start3A_413 = tpu.memref_slice %arg10[%add3A_13, %dma_start3A_412] : memref<10112x128xf32, #tpu.memory_space<vmem_shared>> -> memref<128x128xf32, #tpu.memory_space<vmem_shared>>
      tpu.enqueue_dma source(%arg8 : memref<128x128xf32, #tpu.memory_space<vmem>>) target(%dma_start3A_413 : memref<128x128xf32, #tpu.memory_space<vmem_shared>>) target_semaphore(%run_scoped3A_409 : memref<!tpu.dma_semaphore, #tpu.memory_space<semaphore_mem>>)
      %dma_wait3A_414 = arith.constant 0 : i32
      %dma_wait3A_415 = tpu.memref_slice %arg10[%add3A_13, %dma_wait3A_414] : memref<10112x128xf32, #tpu.memory_space<vmem_shared>> -> memref<128x128xf32, #tpu.memory_space<vmem_shared>>
      %dma_wait3A_416 = arith.constant 0 : i32
      %dma_wait3A_417 = tpu.memref_slice %arg10[%add3A_13, %dma_wait3A_416] : memref<10112x128xf32, #tpu.memory_space<vmem_shared>> -> memref<128x128xf32, #tpu.memory_space<vmem_shared>>
      tpu.wait_dma2 semaphore(%run_scoped3A_409 : memref<!tpu.dma_semaphore, #tpu.memory_space<semaphore_mem>>) src(%arg8 : memref<128x128xf32, #tpu.memory_space<vmem>>) dst(%dma_wait3A_417 : memref<128x128xf32, #tpu.memory_space<vmem_shared>>)
      tpu.yield
    }) : () -> ()
    %add3A_14 = arith.constant 384 : i32
    %add3A_15 = arith.addi %mul3A_7, %add3A_14 : i32
    "tpu.region"() ({
      %run_scoped3A_409 = tpu.sem_alloc : memref<!tpu.dma_semaphore, #tpu.memory_space<semaphore_mem>>
      %dma_start3A_410 = arith.constant 0 : i32
      %dma_start3A_411 = tpu.memref_slice %arg10[%add3A_15, %dma_start3A_410] : memref<10112x128xf32, #tpu.memory_space<vmem_shared>> -> memref<128x128xf32, #tpu.memory_space<vmem_shared>>
      %dma_start3A_412 = arith.constant 0 : i32
      %dma_start3A_413 = tpu.memref_slice %arg10[%add3A_15, %dma_start3A_412] : memref<10112x128xf32, #tpu.memory_space<vmem_shared>> -> memref<128x128xf32, #tpu.memory_space<vmem_shared>>
      tpu.enqueue_dma source(%arg8 : memref<128x128xf32, #tpu.memory_space<vmem>>) target(%dma_start3A_413 : memref<128x128xf32, #tpu.memory_space<vmem_shared>>) target_semaphore(%run_scoped3A_409 : memref<!tpu.dma_semaphore, #tpu.memory_space<semaphore_mem>>)
      %dma_wait3A_414 = arith.constant 0 : i32
      %dma_wait3A_415 = tpu.memref_slice %arg10[%add3A_15, %dma_wait3A_414] : memref<10112x128xf32, #tpu.memory_space<vmem_shared>> -> memref<128x128xf32, #tpu.memory_space<vmem_shared>>
      %dma_wait3A_416 = arith.constant 0 : i32
      %dma_wait3A_417 = tpu.memref_slice %arg10[%add3A_15, %dma_wait3A_416] : memref<10112x128xf32, #tpu.memory_space<vmem_shared>> -> memref<128x128xf32, #tpu.memory_space<vmem_shared>>
      tpu.wait_dma2 semaphore(%run_scoped3A_409 : memref<!tpu.dma_semaphore, #tpu.memory_space<semaphore_mem>>) src(%arg8 : memref<128x128xf32, #tpu.memory_space<vmem>>) dst(%dma_wait3A_417 : memref<128x128xf32, #tpu.memory_space<vmem_shared>>)
      tpu.yield
    }) : () -> ()
    %add3A_16 = arith.constant 632 : i32
    %add3A_17 = arith.addi %mul3A_7, %add3A_16 : i32
    %sub3A = arith.constant 120 : i32
    %sub3A_18 = arith.subi %add3A_17, %sub3A : i32
    "tpu.region"() ({
      %run_scoped3A_409 = tpu.sem_alloc : memref<!tpu.dma_semaphore, #tpu.memory_space<semaphore_mem>>
      %dma_start3A_410 = arith.constant 0 : i32
      %dma_start3A_411 = arith.constant 0 : i32
      %dma_start3A_412 = tpu.memref_slice %arg8[%dma_start3A_410, %dma_start3A_411] : memref<128x128xf32, #tpu.memory_space<vmem>> -> memref<120x128xf32, #tpu.memory_space<vmem>>
      %dma_start3A_413 = arith.constant 0 : i32
      %dma_start3A_414 = tpu.memref_slice %arg10[%sub3A_18, %dma_start3A_413] : memref<10112x128xf32, #tpu.memory_space<vmem_shared>> -> memref<120x128xf32, #tpu.memory_space<vmem_shared>>
      %dma_start3A_415 = arith.constant 0 : i32
      %dma_start3A_416 = tpu.memref_slice %arg10[%sub3A_18, %dma_start3A_415] : memref<10112x128xf32, #tpu.memory_space<vmem_shared>> -> memref<120x128xf32, #tpu.memory_space<vmem_shared>>
      %dma_start3A_417 = arith.constant 0 : i32
      %dma_start3A_418 = arith.constant 0 : i32
      %dma_start3A_419 = tpu.memref_slice %arg8[%dma_start3A_417, %dma_start3A_418] : memref<128x128xf32, #tpu.memory_space<vmem>> -> memref<120x128xf32, #tpu.memory_space<vmem>>
      tpu.enqueue_dma source(%dma_start3A_419 : memref<120x128xf32, #tpu.memory_space<vmem>>) target(%dma_start3A_416 : memref<120x128xf32, #tpu.memory_space<vmem_shared>>) target_semaphore(%run_scoped3A_409 : memref<!tpu.dma_semaphore, #tpu.memory_space<semaphore_mem>>)
      %dma_wait3A_420 = arith.constant 0 : i32
      %dma_wait3A_421 = arith.constant 0 : i32
      %dma_wait3A_422 = tpu.memref_slice %arg8[%dma_wait3A_420, %dma_wait3A_421] : memref<128x128xf32, #tpu.memory_space<vmem>> -> memref<120x128xf32, #tpu.memory_space<vmem>>
      %dma_wait3A_423 = arith.constant 0 : i32
      %dma_wait3A_424 = tpu.memref_slice %arg10[%sub3A_18, %dma_wait3A_423] : memref<10112x128xf32, #tpu.memory_space<vmem_shared>> -> memref<120x128xf32, #tpu.memory_space<vmem_shared>>
      %dma_wait3A_425 = arith.constant 0 : i32
      %dma_wait3A_426 = tpu.memref_slice %arg10[%sub3A_18, %dma_wait3A_425] : memref<10112x128xf32, #tpu.memory_space<vmem_shared>> -> memref<120x128xf32, #tpu.memory_space<vmem_shared>>
      %dma_wait3A_427 = arith.constant 0 : i32
      %dma_wait3A_428 = arith.constant 0 : i32
      %dma_wait3A_429 = tpu.memref_slice %arg8[%dma_wait3A_427, %dma_wait3A_428] : memref<128x128xf32, #tpu.memory_space<vmem>> -> memref<120x128xf32, #tpu.memory_space<vmem>>
      tpu.wait_dma2 semaphore(%run_scoped3A_409 : memref<!tpu.dma_semaphore, #tpu.memory_space<semaphore_mem>>) src(%dma_wait3A_429 : memref<120x128xf32, #tpu.memory_space<vmem>>) dst(%dma_wait3A_426 : memref<120x128xf32, #tpu.memory_space<vmem_shared>>)
      tpu.yield
    }) : () -> ()
    %run_scoped3A = arith.constant 0 : i32
    %run_scoped3A_19 = arith.constant 0 : i32
    "tpu.region"() ({
      %run_scoped3A_409 = tpu.sem_alloc : memref<!tpu.dma_semaphore, #tpu.memory_space<semaphore_mem>>
      %dma_start3A_410 = arith.constant 0 : i32
      %dma_start3A_411 = arith.constant 0 : i32
      %dma_start3A_412 = tpu.memref_slice %arg6[%run_scoped3A_19, %dma_start3A_410, %dma_start3A_411] : memref<2x20x128xi32, #tpu.memory_space<vmem>> -> memref<1x20x128xi32, #tpu.memory_space<vmem>>
      %dma_start3A_413 = tpu.memref_squeeze %dma_start3A_412 : memref<1x20x128xi32, #tpu.memory_space<vmem>> -> memref<20x128xi32, #tpu.memory_space<vmem>>
      %dma_start3A_414 = arith.constant 0 : i32
      %dma_start3A_415 = arith.constant 0 : i32
      %dma_start3A_416 = tpu.memref_slice %arg3[%add3A, %run_scoped3A, %dma_start3A_414, %dma_start3A_415] : memref<32x4x20x128xi32, #tpu.memory_space<hbm>> -> memref<1x1x20x128xi32, #tpu.memory_space<hbm>>
      %dma_start3A_417 = tpu.memref_squeeze %dma_start3A_416 : memref<1x1x20x128xi32, #tpu.memory_space<hbm>> -> memref<20x128xi32, #tpu.memory_space<hbm>>
      %dma_start3A_418 = arith.constant 0 : i32
      %dma_start3A_419 = arith.constant 0 : i32
      %dma_start3A_420 = tpu.memref_slice %arg6[%run_scoped3A_19, %dma_start3A_418, %dma_start3A_419] : memref<2x20x128xi32, #tpu.memory_space<vmem>> -> memref<1x20x128xi32, #tpu.memory_space<vmem>>
      %dma_start3A_421 = tpu.memref_squeeze %dma_start3A_420 : memref<1x20x128xi32, #tpu.memory_space<vmem>> -> memref<20x128xi32, #tpu.memory_space<vmem>>
      %dma_start3A_422 = arith.constant 0 : i32
      %dma_start3A_423 = arith.constant 0 : i32
      %dma_start3A_424 = tpu.memref_slice %arg3[%add3A, %run_scoped3A, %dma_start3A_422, %dma_start3A_423] : memref<32x4x20x128xi32, #tpu.memory_space<hbm>> -> memref<1x1x20x128xi32, #tpu.memory_space<hbm>>
      %dma_start3A_425 = tpu.memref_squeeze %dma_start3A_424 : memref<1x1x20x128xi32, #tpu.memory_space<hbm>> -> memref<20x128xi32, #tpu.memory_space<hbm>>
      tpu.enqueue_dma source(%dma_start3A_425 : memref<20x128xi32, #tpu.memory_space<hbm>>) target(%dma_start3A_421 : memref<20x128xi32, #tpu.memory_space<vmem>>) target_semaphore(%run_scoped3A_409 : memref<!tpu.dma_semaphore, #tpu.memory_space<semaphore_mem>>)
      %dma_wait3A_426 = arith.constant 0 : i32
      %dma_wait3A_427 = arith.constant 0 : i32
      %dma_wait3A_428 = tpu.memref_slice %arg6[%run_scoped3A_19, %dma_wait3A_426, %dma_wait3A_427] : memref<2x20x128xi32, #tpu.memory_space<vmem>> -> memref<1x20x128xi32, #tpu.memory_space<vmem>>
      %dma_wait3A_429 = tpu.memref_squeeze %dma_wait3A_428 : memref<1x20x128xi32, #tpu.memory_space<vmem>> -> memref<20x128xi32, #tpu.memory_space<vmem>>
      %dma_wait3A_430 = arith.constant 0 : i32
      %dma_wait3A_431 = arith.constant 0 : i32
      %dma_wait3A_432 = tpu.memref_slice %arg3[%add3A, %run_scoped3A, %dma_wait3A_430, %dma_wait3A_431] : memref<32x4x20x128xi32, #tpu.memory_space<hbm>> -> memref<1x1x20x128xi32, #tpu.memory_space<hbm>>
      %dma_wait3A_433 = tpu.memref_squeeze %dma_wait3A_432 : memref<1x1x20x128xi32, #tpu.memory_space<hbm>> -> memref<20x128xi32, #tpu.memory_space<hbm>>
      %dma_wait3A_434 = arith.constant 0 : i32
      %dma_wait3A_435 = arith.constant 0 : i32
      %dma_wait3A_436 = tpu.memref_slice %arg6[%run_scoped3A_19, %dma_wait3A_434, %dma_wait3A_435] : memref<2x20x128xi32, #tpu.memory_space<vmem>> -> memref<1x20x128xi32, #tpu.memory_space<vmem>>
      %dma_wait3A_437 = tpu.memref_squeeze %dma_wait3A_436 : memref<1x20x128xi32, #tpu.memory_space<vmem>> -> memref<20x128xi32, #tpu.memory_space<vmem>>
      %dma_wait3A_438 = arith.constant 0 : i32
      %dma_wait3A_439 = arith.constant 0 : i32
      %dma_wait3A_440 = tpu.memref_slice %arg3[%add3A, %run_scoped3A, %dma_wait3A_438, %dma_wait3A_439] : memref<32x4x20x128xi32, #tpu.memory_space<hbm>> -> memref<1x1x20x128xi32, #tpu.memory_space<hbm>>
      %dma_wait3A_441 = tpu.memref_squeeze %dma_wait3A_440 : memref<1x1x20x128xi32, #tpu.memory_space<hbm>> -> memref<20x128xi32, #tpu.memory_space<hbm>>
      tpu.wait_dma2 semaphore(%run_scoped3A_409 : memref<!tpu.dma_semaphore, #tpu.memory_space<semaphore_mem>>) src(%dma_wait3A_441 : memref<20x128xi32, #tpu.memory_space<hbm>>) dst(%dma_wait3A_437 : memref<20x128xi32, #tpu.memory_space<vmem>>)
      tpu.yield
    }) : () -> ()
    %run_scoped3A_20 = arith.constant 0 : i32
    %run_scoped3A_21 = arith.constant 1 : i32
    "tpu.region"() ({
      %run_scoped3A_409 = tpu.sem_alloc : memref<!tpu.dma_semaphore, #tpu.memory_space<semaphore_mem>>
      %dma_start3A_410 = arith.constant 0 : i32
      %dma_start3A_411 = arith.constant 0 : i32
      %dma_start3A_412 = tpu.memref_slice %arg6[%run_scoped3A_21, %dma_start3A_410, %dma_start3A_411] : memref<2x20x128xi32, #tpu.memory_space<vmem>> -> memref<1x20x128xi32, #tpu.memory_space<vmem>>
      %dma_start3A_413 = tpu.memref_squeeze %dma_start3A_412 : memref<1x20x128xi32, #tpu.memory_space<vmem>> -> memref<20x128xi32, #tpu.memory_space<vmem>>
      %dma_start3A_414 = arith.constant 0 : i32
      %dma_start3A_415 = arith.constant 0 : i32
      %dma_start3A_416 = tpu.memref_slice %arg4[%add3A, %run_scoped3A_20, %dma_start3A_414, %dma_start3A_415] : memref<32x4x20x128xi32, #tpu.memory_space<hbm>> -> memref<1x1x20x128xi32, #tpu.memory_space<hbm>>
      %dma_start3A_417 = tpu.memref_squeeze %dma_start3A_416 : memref<1x1x20x128xi32, #tpu.memory_space<hbm>> -> memref<20x128xi32, #tpu.memory_space<hbm>>
      %dma_start3A_418 = arith.constant 0 : i32
      %dma_start3A_419 = arith.constant 0 : i32
      %dma_start3A_420 = tpu.memref_slice %arg6[%run_scoped3A_21, %dma_start3A_418, %dma_start3A_419] : memref<2x20x128xi32, #tpu.memory_space<vmem>> -> memref<1x20x128xi32, #tpu.memory_space<vmem>>
      %dma_start3A_421 = tpu.memref_squeeze %dma_start3A_420 : memref<1x20x128xi32, #tpu.memory_space<vmem>> -> memref<20x128xi32, #tpu.memory_space<vmem>>
      %dma_start3A_422 = arith.constant 0 : i32
      %dma_start3A_423 = arith.constant 0 : i32
      %dma_start3A_424 = tpu.memref_slice %arg4[%add3A, %run_scoped3A_20, %dma_start3A_422, %dma_start3A_423] : memref<32x4x20x128xi32, #tpu.memory_space<hbm>> -> memref<1x1x20x128xi32, #tpu.memory_space<hbm>>
      %dma_start3A_425 = tpu.memref_squeeze %dma_start3A_424 : memref<1x1x20x128xi32, #tpu.memory_space<hbm>> -> memref<20x128xi32, #tpu.memory_space<hbm>>
      tpu.enqueue_dma source(%dma_start3A_425 : memref<20x128xi32, #tpu.memory_space<hbm>>) target(%dma_start3A_421 : memref<20x128xi32, #tpu.memory_space<vmem>>) target_semaphore(%run_scoped3A_409 : memref<!tpu.dma_semaphore, #tpu.memory_space<semaphore_mem>>)
      %dma_wait3A_426 = arith.constant 0 : i32
      %dma_wait3A_427 = arith.constant 0 : i32
      %dma_wait3A_428 = tpu.memref_slice %arg6[%run_scoped3A_21, %dma_wait3A_426, %dma_wait3A_427] : memref<2x20x128xi32, #tpu.memory_space<vmem>> -> memref<1x20x128xi32, #tpu.memory_space<vmem>>
      %dma_wait3A_429 = tpu.memref_squeeze %dma_wait3A_428 : memref<1x20x128xi32, #tpu.memory_space<vmem>> -> memref<20x128xi32, #tpu.memory_space<vmem>>
      %dma_wait3A_430 = arith.constant 0 : i32
      %dma_wait3A_431 = arith.constant 0 : i32
      %dma_wait3A_432 = tpu.memref_slice %arg4[%add3A, %run_scoped3A_20, %dma_wait3A_430, %dma_wait3A_431] : memref<32x4x20x128xi32, #tpu.memory_space<hbm>> -> memref<1x1x20x128xi32, #tpu.memory_space<hbm>>
      %dma_wait3A_433 = tpu.memref_squeeze %dma_wait3A_432 : memref<1x1x20x128xi32, #tpu.memory_space<hbm>> -> memref<20x128xi32, #tpu.memory_space<hbm>>
      %dma_wait3A_434 = arith.constant 0 : i32
      %dma_wait3A_435 = arith.constant 0 : i32
      %dma_wait3A_436 = tpu.memref_slice %arg6[%run_scoped3A_21, %dma_wait3A_434, %dma_wait3A_435] : memref<2x20x128xi32, #tpu.memory_space<vmem>> -> memref<1x20x128xi32, #tpu.memory_space<vmem>>
      %dma_wait3A_437 = tpu.memref_squeeze %dma_wait3A_436 : memref<1x20x128xi32, #tpu.memory_space<vmem>> -> memref<20x128xi32, #tpu.memory_space<vmem>>
      %dma_wait3A_438 = arith.constant 0 : i32
      %dma_wait3A_439 = arith.constant 0 : i32
      %dma_wait3A_440 = tpu.memref_slice %arg4[%add3A, %run_scoped3A_20, %dma_wait3A_438, %dma_wait3A_439] : memref<32x4x20x128xi32, #tpu.memory_space<hbm>> -> memref<1x1x20x128xi32, #tpu.memory_space<hbm>>
      %dma_wait3A_441 = tpu.memref_squeeze %dma_wait3A_440 : memref<1x1x20x128xi32, #tpu.memory_space<hbm>> -> memref<20x128xi32, #tpu.memory_space<hbm>>
      tpu.wait_dma2 semaphore(%run_scoped3A_409 : memref<!tpu.dma_semaphore, #tpu.memory_space<semaphore_mem>>) src(%dma_wait3A_441 : memref<20x128xi32, #tpu.memory_space<hbm>>) dst(%dma_wait3A_437 : memref<20x128xi32, #tpu.memory_space<vmem>>)
      tpu.yield
    }) : () -> ()
    %barrier3A = arith.constant 0 : index
    tpu.barrier barrier_id(%barrier3A)
    %dma_start3A = arith.constant 1 : i32
    %dma_start3A_22 = arith.constant 0 : i32
    %dma_start3A_23 = arith.constant 0 : i32
    %dma_start3A_24 = arith.constant 0 : i32
    %dma_start3A_25 = tpu.memref_slice %arg7[%dma_start3A_22, %dma_start3A_23, %dma_start3A_24] : memref<2x20x128xi32, #tpu.memory_space<vmem>> -> memref<1x20x128xi32, #tpu.memory_space<vmem>>
    %dma_start3A_26 = tpu.memref_squeeze %dma_start3A_25 : memref<1x20x128xi32, #tpu.memory_space<vmem>> -> memref<20x128xi32, #tpu.memory_space<vmem>>
    %dma_start3A_27 = arith.constant 0 : i32
    %dma_start3A_28 = arith.constant 0 : i32
    %dma_start3A_29 = tpu.memref_slice %arg3[%add3A, %dma_start3A, %dma_start3A_27, %dma_start3A_28] : memref<32x4x20x128xi32, #tpu.memory_space<hbm>> -> memref<1x1x20x128xi32, #tpu.memory_space<hbm>>
    %dma_start3A_30 = tpu.memref_squeeze %dma_start3A_29 : memref<1x1x20x128xi32, #tpu.memory_space<hbm>> -> memref<20x128xi32, #tpu.memory_space<hbm>>
    %dma_start3A_31 = arith.constant 0 : i32
    %dma_start3A_32 = arith.constant 0 : i32
    %dma_start3A_33 = tpu.memref_slice %arg7[%dma_start3A_22, %dma_start3A_31, %dma_start3A_32] : memref<2x20x128xi32, #tpu.memory_space<vmem>> -> memref<1x20x128xi32, #tpu.memory_space<vmem>>
    %dma_start3A_34 = tpu.memref_squeeze %dma_start3A_33 : memref<1x20x128xi32, #tpu.memory_space<vmem>> -> memref<20x128xi32, #tpu.memory_space<vmem>>
    %dma_start3A_35 = arith.constant 0 : i32
    %dma_start3A_36 = arith.constant 0 : i32
    %dma_start3A_37 = tpu.memref_slice %arg3[%add3A, %dma_start3A, %dma_start3A_35, %dma_start3A_36] : memref<32x4x20x128xi32, #tpu.memory_space<hbm>> -> memref<1x1x20x128xi32, #tpu.memory_space<hbm>>
    %dma_start3A_38 = tpu.memref_squeeze %dma_start3A_37 : memref<1x1x20x128xi32, #tpu.memory_space<hbm>> -> memref<20x128xi32, #tpu.memory_space<hbm>>
    tpu.enqueue_dma source(%dma_start3A_38 : memref<20x128xi32, #tpu.memory_space<hbm>>) target(%dma_start3A_34 : memref<20x128xi32, #tpu.memory_space<vmem>>) target_semaphore(%arg11 : memref<!tpu.dma_semaphore, #tpu.memory_space<semaphore_mem>>)
    %dma_start3A_39 = arith.constant 1 : i32
    %dma_start3A_40 = arith.constant 1 : i32
    %dma_start3A_41 = arith.constant 0 : i32
    %dma_start3A_42 = arith.constant 0 : i32
    %dma_start3A_43 = tpu.memref_slice %arg7[%dma_start3A_40, %dma_start3A_41, %dma_start3A_42] : memref<2x20x128xi32, #tpu.memory_space<vmem>> -> memref<1x20x128xi32, #tpu.memory_space<vmem>>
    %dma_start3A_44 = tpu.memref_squeeze %dma_start3A_43 : memref<1x20x128xi32, #tpu.memory_space<vmem>> -> memref<20x128xi32, #tpu.memory_space<vmem>>
    %dma_start3A_45 = arith.constant 0 : i32
    %dma_start3A_46 = arith.constant 0 : i32
    %dma_start3A_47 = tpu.memref_slice %arg4[%add3A, %dma_start3A_39, %dma_start3A_45, %dma_start3A_46] : memref<32x4x20x128xi32, #tpu.memory_space<hbm>> -> memref<1x1x20x128xi32, #tpu.memory_space<hbm>>
    %dma_start3A_48 = tpu.memref_squeeze %dma_start3A_47 : memref<1x1x20x128xi32, #tpu.memory_space<hbm>> -> memref<20x128xi32, #tpu.memory_space<hbm>>
    %dma_start3A_49 = arith.constant 0 : i32
    %dma_start3A_50 = arith.constant 0 : i32
    %dma_start3A_51 = tpu.memref_slice %arg7[%dma_start3A_40, %dma_start3A_49, %dma_start3A_50] : memref<2x20x128xi32, #tpu.memory_space<vmem>> -> memref<1x20x128xi32, #tpu.memory_space<vmem>>
    %dma_start3A_52 = tpu.memref_squeeze %dma_start3A_51 : memref<1x20x128xi32, #tpu.memory_space<vmem>> -> memref<20x128xi32, #tpu.memory_space<vmem>>
    %dma_start3A_53 = arith.constant 0 : i32
    %dma_start3A_54 = arith.constant 0 : i32
    %dma_start3A_55 = tpu.memref_slice %arg4[%add3A, %dma_start3A_39, %dma_start3A_53, %dma_start3A_54] : memref<32x4x20x128xi32, #tpu.memory_space<hbm>> -> memref<1x1x20x128xi32, #tpu.memory_space<hbm>>
    %dma_start3A_56 = tpu.memref_squeeze %dma_start3A_55 : memref<1x1x20x128xi32, #tpu.memory_space<hbm>> -> memref<20x128xi32, #tpu.memory_space<hbm>>
    tpu.enqueue_dma source(%dma_start3A_56 : memref<20x128xi32, #tpu.memory_space<hbm>>) target(%dma_start3A_52 : memref<20x128xi32, #tpu.memory_space<vmem>>) target_semaphore(%arg11 : memref<!tpu.dma_semaphore, #tpu.memory_space<semaphore_mem>>)
    %dma_start3A_57 = arith.constant 0 : i32
    %dma_start3A_58 = arith.constant 0 : i32
    %dma_start3A_59 = arith.constant 0 : i32
    %dma_start3A_60 = tpu.memref_slice %arg6[%dma_start3A_57, %dma_start3A_58, %dma_start3A_59] : memref<2x20x128xi32, #tpu.memory_space<vmem>> -> memref<1x1x128xi32, #tpu.memory_space<vmem>>
    %dma_start3A_61 = tpu.memref_squeeze %dma_start3A_60 : memref<1x1x128xi32, #tpu.memory_space<vmem>> -> memref<128xi32, #tpu.memory_space<vmem>>
    %dma_start3A_62 = arith.constant 0 : i32
    %dma_start3A_63 = arith.constant 0 : i32
    %dma_start3A_64 = tpu.memref_slice %arg2[%dma_start3A_62, %dma_start3A_63] : memref<10000x128xf32, #tpu.memory_space<hbm>> -> memref<10000x128xf32, #tpu.memory_space<hbm>>
    tpu.enqueue_indirect_dma source(%dma_start3A_64 : memref<10000x128xf32, #tpu.memory_space<hbm>>) target(%arg8 : memref<128x128xf32, #tpu.memory_space<vmem>>) offsets(%dma_start3A_61 : memref<128xi32, #tpu.memory_space<vmem>>) semaphore(%arg12 : memref<!tpu.dma_semaphore, #tpu.memory_space<semaphore_mem>>)
    %scan3A_65 = arith.constant 0 : i32
    %scan3A_66 = arith.constant 0 : i32
    %scan3A_67 = arith.constant 9 : i32
    %scan3A_68 = arith.addi %scan3A_66, %scan3A_67 : i32
    %scan3A_69 = arith.constant 1 : i32
    scf.for %scan3A_409 = %scan3A_66 to %scan3A_68 step %scan3A_69  : i32 {
      %mul3A_410 = arith.constant 2 : i32
      %mul3A_411 = arith.muli %mul3A_410, %scan3A_409 : i32
      %add3A_412 = arith.constant 1 : i32
      %add3A_413 = arith.addi %mul3A_411, %add3A_412 : i32
      %dma_start3A_414 = arith.constant 0 : i32
      %dma_start3A_415 = arith.constant 0 : i32
      %dma_start3A_416 = tpu.memref_slice %arg6[%dma_start3A_414, %add3A_413, %dma_start3A_415] : memref<2x20x128xi32, #tpu.memory_space<vmem>> -> memref<1x1x128xi32, #tpu.memory_space<vmem>>
      %dma_start3A_417 = tpu.memref_squeeze %dma_start3A_416 : memref<1x1x128xi32, #tpu.memory_space<vmem>> -> memref<128xi32, #tpu.memory_space<vmem>>
      %dma_start3A_418 = arith.constant 0 : i32
      %dma_start3A_419 = arith.constant 0 : i32
      %dma_start3A_420 = tpu.memref_slice %arg2[%dma_start3A_418, %dma_start3A_419] : memref<10000x128xf32, #tpu.memory_space<hbm>> -> memref<10000x128xf32, #tpu.memory_space<hbm>>
      tpu.enqueue_indirect_dma source(%dma_start3A_420 : memref<10000x128xf32, #tpu.memory_space<hbm>>) target(%arg9 : memref<128x128xf32, #tpu.memory_space<vmem>>) offsets(%dma_start3A_417 : memref<128xi32, #tpu.memory_space<vmem>>) semaphore(%arg13 : memref<!tpu.dma_semaphore, #tpu.memory_space<semaphore_mem>>)
      %mul3A_421 = arith.constant 2 : i32
      %mul3A_422 = arith.muli %mul3A_421, %scan3A_409 : i32
      %dma_wait3A_423 = arith.constant 0 : i32
      %dma_wait3A_424 = arith.constant 0 : i32
      %dma_wait3A_425 = tpu.memref_slice %arg6[%dma_wait3A_423, %mul3A_422, %dma_wait3A_424] : memref<2x20x128xi32, #tpu.memory_space<vmem>> -> memref<1x1x128xi32, #tpu.memory_space<vmem>>
      %dma_wait3A_426 = tpu.memref_squeeze %dma_wait3A_425 : memref<1x1x128xi32, #tpu.memory_space<vmem>> -> memref<128xi32, #tpu.memory_space<vmem>>
      %dma_wait3A_427 = arith.constant 0 : i32
      %dma_wait3A_428 = arith.constant 0 : i32
      %dma_wait3A_429 = tpu.memref_slice %arg2[%dma_wait3A_427, %dma_wait3A_428] : memref<10000x128xf32, #tpu.memory_space<hbm>> -> memref<10000x128xf32, #tpu.memory_space<hbm>>
      tpu.wait_indirect_dma semaphore(%arg12 : memref<!tpu.dma_semaphore, #tpu.memory_space<semaphore_mem>>) src(%dma_wait3A_429 : memref<10000x128xf32, #tpu.memory_space<hbm>>) dst(%arg8 : memref<128x128xf32, #tpu.memory_space<vmem>>)
      %mul3A_430 = arith.constant 2 : i32
      %mul3A_431 = arith.muli %mul3A_430, %scan3A_409 : i32
      %run_scoped3A_432 = arith.constant 1 : i32
      "tpu.region"() ({
        %run_scoped3A_460 = tpu.sem_alloc : memref<!tpu.dma_semaphore, #tpu.memory_space<semaphore_mem>>
        %dma_start3A_461 = arith.constant 0 : i32
        %dma_start3A_462 = tpu.memref_slice %arg6[%run_scoped3A_432, %mul3A_431, %dma_start3A_461] : memref<2x20x128xi32, #tpu.memory_space<vmem>> -> memref<1x1x128xi32, #tpu.memory_space<vmem>>
        %dma_start3A_463 = tpu.memref_squeeze %dma_start3A_462 : memref<1x1x128xi32, #tpu.memory_space<vmem>> -> memref<128xi32, #tpu.memory_space<vmem>>
        %dma_start3A_464 = arith.constant 0 : i32
        %dma_start3A_465 = arith.constant 0 : i32
        %dma_start3A_466 = tpu.memref_slice %arg10[%dma_start3A_464, %dma_start3A_465] : memref<10112x128xf32, #tpu.memory_space<vmem_shared>> -> memref<10112x128xf32, #tpu.memory_space<vmem_shared>>
        tpu.enqueue_indirect_dma source(%arg8 : memref<128x128xf32, #tpu.memory_space<vmem>>) target(%dma_start3A_466 : memref<10112x128xf32, #tpu.memory_space<vmem_shared>>) offsets(%dma_start3A_463 : memref<128xi32, #tpu.memory_space<vmem>>) semaphore(%run_scoped3A_460 : memref<!tpu.dma_semaphore, #tpu.memory_space<semaphore_mem>>) {add = true}
        %dma_wait3A_467 = arith.constant 0 : i32
        %dma_wait3A_468 = tpu.memref_slice %arg6[%run_scoped3A_432, %mul3A_431, %dma_wait3A_467] : memref<2x20x128xi32, #tpu.memory_space<vmem>> -> memref<1x1x128xi32, #tpu.memory_space<vmem>>
        %dma_wait3A_469 = tpu.memref_squeeze %dma_wait3A_468 : memref<1x1x128xi32, #tpu.memory_space<vmem>> -> memref<128xi32, #tpu.memory_space<vmem>>
        %dma_wait3A_470 = arith.constant 0 : i32
        %dma_wait3A_471 = arith.constant 0 : i32
        %dma_wait3A_472 = tpu.memref_slice %arg10[%dma_wait3A_470, %dma_wait3A_471] : memref<10112x128xf32, #tpu.memory_space<vmem_shared>> -> memref<10112x128xf32, #tpu.memory_space<vmem_shared>>
        tpu.wait_indirect_dma semaphore(%run_scoped3A_460 : memref<!tpu.dma_semaphore, #tpu.memory_space<semaphore_mem>>) src(%arg8 : memref<128x128xf32, #tpu.memory_space<vmem>>) dst(%dma_wait3A_472 : memref<10112x128xf32, #tpu.memory_space<vmem_shared>>)
        tpu.yield
      }) : () -> ()
      %mul3A_433 = arith.constant 2 : i32
      %mul3A_434 = arith.muli %mul3A_433, %scan3A_409 : i32
      %add3A_435 = arith.constant 2 : i32
      %add3A_436 = arith.addi %mul3A_434, %add3A_435 : i32
      %dma_start3A_437 = arith.constant 0 : i32
      %dma_start3A_438 = arith.constant 0 : i32
      %dma_start3A_439 = tpu.memref_slice %arg6[%dma_start3A_437, %add3A_436, %dma_start3A_438] : memref<2x20x128xi32, #tpu.memory_space<vmem>> -> memref<1x1x128xi32, #tpu.memory_space<vmem>>
      %dma_start3A_440 = tpu.memref_squeeze %dma_start3A_439 : memref<1x1x128xi32, #tpu.memory_space<vmem>> -> memref<128xi32, #tpu.memory_space<vmem>>
      %dma_start3A_441 = arith.constant 0 : i32
      %dma_start3A_442 = arith.constant 0 : i32
      %dma_start3A_443 = tpu.memref_slice %arg2[%dma_start3A_441, %dma_start3A_442] : memref<10000x128xf32, #tpu.memory_space<hbm>> -> memref<10000x128xf32, #tpu.memory_space<hbm>>
      tpu.enqueue_indirect_dma source(%dma_start3A_443 : memref<10000x128xf32, #tpu.memory_space<hbm>>) target(%arg8 : memref<128x128xf32, #tpu.memory_space<vmem>>) offsets(%dma_start3A_440 : memref<128xi32, #tpu.memory_space<vmem>>) semaphore(%arg12 : memref<!tpu.dma_semaphore, #tpu.memory_space<semaphore_mem>>)
      %mul3A_444 = arith.constant 2 : i32
      %mul3A_445 = arith.muli %mul3A_444, %scan3A_409 : i32
      %add3A_446 = arith.constant 1 : i32
      %add3A_447 = arith.addi %mul3A_445, %add3A_446 : i32
      %dma_wait3A_448 = arith.constant 0 : i32
      %dma_wait3A_449 = arith.constant 0 : i32
      %dma_wait3A_450 = tpu.memref_slice %arg6[%dma_wait3A_448, %add3A_447, %dma_wait3A_449] : memref<2x20x128xi32, #tpu.memory_space<vmem>> -> memref<1x1x128xi32, #tpu.memory_space<vmem>>
      %dma_wait3A_451 = tpu.memref_squeeze %dma_wait3A_450 : memref<1x1x128xi32, #tpu.memory_space<vmem>> -> memref<128xi32, #tpu.memory_space<vmem>>
      %dma_wait3A_452 = arith.constant 0 : i32
      %dma_wait3A_453 = arith.constant 0 : i32
      %dma_wait3A_454 = tpu.memref_slice %arg2[%dma_wait3A_452, %dma_wait3A_453] : memref<10000x128xf32, #tpu.memory_space<hbm>> -> memref<10000x128xf32, #tpu.memory_space<hbm>>
      tpu.wait_indirect_dma semaphore(%arg13 : memref<!tpu.dma_semaphore, #tpu.memory_space<semaphore_mem>>) src(%dma_wait3A_454 : memref<10000x128xf32, #tpu.memory_space<hbm>>) dst(%arg9 : memref<128x128xf32, #tpu.memory_space<vmem>>)
      %mul3A_455 = arith.constant 2 : i32
      %mul3A_456 = arith.muli %mul3A_455, %scan3A_409 : i32
      %add3A_457 = arith.constant 1 : i32
      %add3A_458 = arith.addi %mul3A_456, %add3A_457 : i32
      %run_scoped3A_459 = arith.constant 1 : i32
      "tpu.region"() ({
        %run_scoped3A_460 = tpu.sem_alloc : memref<!tpu.dma_semaphore, #tpu.memory_space<semaphore_mem>>
        %dma_start3A_461 = arith.constant 0 : i32
        %dma_start3A_462 = tpu.memref_slice %arg6[%run_scoped3A_459, %add3A_458, %dma_start3A_461] : memref<2x20x128xi32, #tpu.memory_space<vmem>> -> memref<1x1x128xi32, #tpu.memory_space<vmem>>
        %dma_start3A_463 = tpu.memref_squeeze %dma_start3A_462 : memref<1x1x128xi32, #tpu.memory_space<vmem>> -> memref<128xi32, #tpu.memory_space<vmem>>
        %dma_start3A_464 = arith.constant 0 : i32
        %dma_start3A_465 = arith.constant 0 : i32
        %dma_start3A_466 = tpu.memref_slice %arg10[%dma_start3A_464, %dma_start3A_465] : memref<10112x128xf32, #tpu.memory_space<vmem_shared>> -> memref<10112x128xf32, #tpu.memory_space<vmem_shared>>
        tpu.enqueue_indirect_dma source(%arg9 : memref<128x128xf32, #tpu.memory_space<vmem>>) target(%dma_start3A_466 : memref<10112x128xf32, #tpu.memory_space<vmem_shared>>) offsets(%dma_start3A_463 : memref<128xi32, #tpu.memory_space<vmem>>) semaphore(%run_scoped3A_460 : memref<!tpu.dma_semaphore, #tpu.memory_space<semaphore_mem>>) {add = true}
        %dma_wait3A_467 = arith.constant 0 : i32
        %dma_wait3A_468 = tpu.memref_slice %arg6[%run_scoped3A_459, %add3A_458, %dma_wait3A_467] : memref<2x20x128xi32, #tpu.memory_space<vmem>> -> memref<1x1x128xi32, #tpu.memory_space<vmem>>
        %dma_wait3A_469 = tpu.memref_squeeze %dma_wait3A_468 : memref<1x1x128xi32, #tpu.memory_space<vmem>> -> memref<128xi32, #tpu.memory_space<vmem>>
        %dma_wait3A_470 = arith.constant 0 : i32
        %dma_wait3A_471 = arith.constant 0 : i32
        %dma_wait3A_472 = tpu.memref_slice %arg10[%dma_wait3A_470, %dma_wait3A_471] : memref<10112x128xf32, #tpu.memory_space<vmem_shared>> -> memref<10112x128xf32, #tpu.memory_space<vmem_shared>>
        tpu.wait_indirect_dma semaphore(%run_scoped3A_460 : memref<!tpu.dma_semaphore, #tpu.memory_space<semaphore_mem>>) src(%arg9 : memref<128x128xf32, #tpu.memory_space<vmem>>) dst(%dma_wait3A_472 : memref<10112x128xf32, #tpu.memory_space<vmem_shared>>)
        tpu.yield
      }) : () -> ()
    }
    %scan3A_70 = arith.constant 9 : i32
    %dma_start3A_71 = arith.constant 0 : i32
    %dma_start3A_72 = arith.constant 19 : i32
    %dma_start3A_73 = arith.constant 0 : i32
    %dma_start3A_74 = tpu.memref_slice %arg6[%dma_start3A_71, %dma_start3A_72, %dma_start3A_73] : memref<2x20x128xi32, #tpu.memory_space<vmem>> -> memref<1x1x128xi32, #tpu.memory_space<vmem>>
    %dma_start3A_75 = tpu.memref_squeeze %dma_start3A_74 : memref<1x1x128xi32, #tpu.memory_space<vmem>> -> memref<128xi32, #tpu.memory_space<vmem>>
    %dma_start3A_76 = arith.constant 0 : i32
    %dma_start3A_77 = arith.constant 0 : i32
    %dma_start3A_78 = tpu.memref_slice %arg2[%dma_start3A_76, %dma_start3A_77] : memref<10000x128xf32, #tpu.memory_space<hbm>> -> memref<10000x128xf32, #tpu.memory_space<hbm>>
    tpu.enqueue_indirect_dma source(%dma_start3A_78 : memref<10000x128xf32, #tpu.memory_space<hbm>>) target(%arg9 : memref<128x128xf32, #tpu.memory_space<vmem>>) offsets(%dma_start3A_75 : memref<128xi32, #tpu.memory_space<vmem>>) semaphore(%arg13 : memref<!tpu.dma_semaphore, #tpu.memory_space<semaphore_mem>>)
    %dma_wait3A = arith.constant 0 : i32
    %dma_wait3A_79 = arith.constant 18 : i32
    %dma_wait3A_80 = arith.constant 0 : i32
    %dma_wait3A_81 = tpu.memref_slice %arg6[%dma_wait3A, %dma_wait3A_79, %dma_wait3A_80] : memref<2x20x128xi32, #tpu.memory_space<vmem>> -> memref<1x1x128xi32, #tpu.memory_space<vmem>>
    %dma_wait3A_82 = tpu.memref_squeeze %dma_wait3A_81 : memref<1x1x128xi32, #tpu.memory_space<vmem>> -> memref<128xi32, #tpu.memory_space<vmem>>
    %dma_wait3A_83 = arith.constant 0 : i32
    %dma_wait3A_84 = arith.constant 0 : i32
    %dma_wait3A_85 = tpu.memref_slice %arg2[%dma_wait3A_83, %dma_wait3A_84] : memref<10000x128xf32, #tpu.memory_space<hbm>> -> memref<10000x128xf32, #tpu.memory_space<hbm>>
    tpu.wait_indirect_dma semaphore(%arg12 : memref<!tpu.dma_semaphore, #tpu.memory_space<semaphore_mem>>) src(%dma_wait3A_85 : memref<10000x128xf32, #tpu.memory_space<hbm>>) dst(%arg8 : memref<128x128xf32, #tpu.memory_space<vmem>>)
    %run_scoped3A_86 = arith.constant 1 : i32
    %run_scoped3A_87 = arith.constant 18 : i32
    "tpu.region"() ({
      %run_scoped3A_409 = tpu.sem_alloc : memref<!tpu.dma_semaphore, #tpu.memory_space<semaphore_mem>>
      %dma_start3A_410 = arith.constant 0 : i32
      %dma_start3A_411 = tpu.memref_slice %arg6[%run_scoped3A_86, %run_scoped3A_87, %dma_start3A_410] : memref<2x20x128xi32, #tpu.memory_space<vmem>> -> memref<1x1x128xi32, #tpu.memory_space<vmem>>
      %dma_start3A_412 = tpu.memref_squeeze %dma_start3A_411 : memref<1x1x128xi32, #tpu.memory_space<vmem>> -> memref<128xi32, #tpu.memory_space<vmem>>
      %dma_start3A_413 = arith.constant 0 : i32
      %dma_start3A_414 = arith.constant 0 : i32
      %dma_start3A_415 = tpu.memref_slice %arg10[%dma_start3A_413, %dma_start3A_414] : memref<10112x128xf32, #tpu.memory_space<vmem_shared>> -> memref<10112x128xf32, #tpu.memory_space<vmem_shared>>
      tpu.enqueue_indirect_dma source(%arg8 : memref<128x128xf32, #tpu.memory_space<vmem>>) target(%dma_start3A_415 : memref<10112x128xf32, #tpu.memory_space<vmem_shared>>) offsets(%dma_start3A_412 : memref<128xi32, #tpu.memory_space<vmem>>) semaphore(%run_scoped3A_409 : memref<!tpu.dma_semaphore, #tpu.memory_space<semaphore_mem>>) {add = true}
      %dma_wait3A_416 = arith.constant 0 : i32
      %dma_wait3A_417 = tpu.memref_slice %arg6[%run_scoped3A_86, %run_scoped3A_87, %dma_wait3A_416] : memref<2x20x128xi32, #tpu.memory_space<vmem>> -> memref<1x1x128xi32, #tpu.memory_space<vmem>>
      %dma_wait3A_418 = tpu.memref_squeeze %dma_wait3A_417 : memref<1x1x128xi32, #tpu.memory_space<vmem>> -> memref<128xi32, #tpu.memory_space<vmem>>
      %dma_wait3A_419 = arith.constant 0 : i32
      %dma_wait3A_420 = arith.constant 0 : i32
      %dma_wait3A_421 = tpu.memref_slice %arg10[%dma_wait3A_419, %dma_wait3A_420] : memref<10112x128xf32, #tpu.memory_space<vmem_shared>> -> memref<10112x128xf32, #tpu.memory_space<vmem_shared>>
      tpu.wait_indirect_dma semaphore(%run_scoped3A_409 : memref<!tpu.dma_semaphore, #tpu.memory_space<semaphore_mem>>) src(%arg8 : memref<128x128xf32, #tpu.memory_space<vmem>>) dst(%dma_wait3A_421 : memref<10112x128xf32, #tpu.memory_space<vmem_shared>>)
      tpu.yield
    }) : () -> ()
    %dma_wait3A_88 = arith.constant 0 : i32
    %dma_wait3A_89 = arith.constant 19 : i32
    %dma_wait3A_90 = arith.constant 0 : i32
    %dma_wait3A_91 = tpu.memref_slice %arg6[%dma_wait3A_88, %dma_wait3A_89, %dma_wait3A_90] : memref<2x20x128xi32, #tpu.memory_space<vmem>> -> memref<1x1x128xi32, #tpu.memory_space<vmem>>
    %dma_wait3A_92 = tpu.memref_squeeze %dma_wait3A_91 : memref<1x1x128xi32, #tpu.memory_space<vmem>> -> memref<128xi32, #tpu.memory_space<vmem>>
    %dma_wait3A_93 = arith.constant 0 : i32
    %dma_wait3A_94 = arith.constant 0 : i32
    %dma_wait3A_95 = tpu.memref_slice %arg2[%dma_wait3A_93, %dma_wait3A_94] : memref<10000x128xf32, #tpu.memory_space<hbm>> -> memref<10000x128xf32, #tpu.memory_space<hbm>>
    tpu.wait_indirect_dma semaphore(%arg13 : memref<!tpu.dma_semaphore, #tpu.memory_space<semaphore_mem>>) src(%dma_wait3A_95 : memref<10000x128xf32, #tpu.memory_space<hbm>>) dst(%arg9 : memref<128x128xf32, #tpu.memory_space<vmem>>)
    %run_scoped3A_96 = arith.constant 1 : i32
    %run_scoped3A_97 = arith.constant 19 : i32
    "tpu.region"() ({
      %run_scoped3A_409 = tpu.sem_alloc : memref<!tpu.dma_semaphore, #tpu.memory_space<semaphore_mem>>
      %dma_start3A_410 = arith.constant 0 : i32
      %dma_start3A_411 = tpu.memref_slice %arg6[%run_scoped3A_96, %run_scoped3A_97, %dma_start3A_410] : memref<2x20x128xi32, #tpu.memory_space<vmem>> -> memref<1x1x128xi32, #tpu.memory_space<vmem>>
      %dma_start3A_412 = tpu.memref_squeeze %dma_start3A_411 : memref<1x1x128xi32, #tpu.memory_space<vmem>> -> memref<128xi32, #tpu.memory_space<vmem>>
      %dma_start3A_413 = arith.constant 0 : i32
      %dma_start3A_414 = arith.constant 0 : i32
      %dma_start3A_415 = tpu.memref_slice %arg10[%dma_start3A_413, %dma_start3A_414] : memref<10112x128xf32, #tpu.memory_space<vmem_shared>> -> memref<10112x128xf32, #tpu.memory_space<vmem_shared>>
      tpu.enqueue_indirect_dma source(%arg9 : memref<128x128xf32, #tpu.memory_space<vmem>>) target(%dma_start3A_415 : memref<10112x128xf32, #tpu.memory_space<vmem_shared>>) offsets(%dma_start3A_412 : memref<128xi32, #tpu.memory_space<vmem>>) semaphore(%run_scoped3A_409 : memref<!tpu.dma_semaphore, #tpu.memory_space<semaphore_mem>>) {add = true}
      %dma_wait3A_416 = arith.constant 0 : i32
      %dma_wait3A_417 = tpu.memref_slice %arg6[%run_scoped3A_96, %run_scoped3A_97, %dma_wait3A_416] : memref<2x20x128xi32, #tpu.memory_space<vmem>> -> memref<1x1x128xi32, #tpu.memory_space<vmem>>
      %dma_wait3A_418 = tpu.memref_squeeze %dma_wait3A_417 : memref<1x1x128xi32, #tpu.memory_space<vmem>> -> memref<128xi32, #tpu.memory_space<vmem>>
      %dma_wait3A_419 = arith.constant 0 : i32
      %dma_wait3A_420 = arith.constant 0 : i32
      %dma_wait3A_421 = tpu.memref_slice %arg10[%dma_wait3A_419, %dma_wait3A_420] : memref<10112x128xf32, #tpu.memory_space<vmem_shared>> -> memref<10112x128xf32, #tpu.memory_space<vmem_shared>>
      tpu.wait_indirect_dma semaphore(%run_scoped3A_409 : memref<!tpu.dma_semaphore, #tpu.memory_space<semaphore_mem>>) src(%arg9 : memref<128x128xf32, #tpu.memory_space<vmem>>) dst(%dma_wait3A_421 : memref<10112x128xf32, #tpu.memory_space<vmem_shared>>)
      tpu.yield
    }) : () -> ()
    %dma_wait3A_98 = arith.constant 1 : i32
    %dma_wait3A_99 = arith.constant 0 : i32
    %dma_wait3A_100 = arith.constant 0 : i32
    %dma_wait3A_101 = arith.constant 0 : i32
    %dma_wait3A_102 = tpu.memref_slice %arg7[%dma_wait3A_99, %dma_wait3A_100, %dma_wait3A_101] : memref<2x20x128xi32, #tpu.memory_space<vmem>> -> memref<1x20x128xi32, #tpu.memory_space<vmem>>
    %dma_wait3A_103 = tpu.memref_squeeze %dma_wait3A_102 : memref<1x20x128xi32, #tpu.memory_space<vmem>> -> memref<20x128xi32, #tpu.memory_space<vmem>>
    %dma_wait3A_104 = arith.constant 0 : i32
    %dma_wait3A_105 = arith.constant 0 : i32
    %dma_wait3A_106 = tpu.memref_slice %arg3[%add3A, %dma_wait3A_98, %dma_wait3A_104, %dma_wait3A_105] : memref<32x4x20x128xi32, #tpu.memory_space<hbm>> -> memref<1x1x20x128xi32, #tpu.memory_space<hbm>>
    %dma_wait3A_107 = tpu.memref_squeeze %dma_wait3A_106 : memref<1x1x20x128xi32, #tpu.memory_space<hbm>> -> memref<20x128xi32, #tpu.memory_space<hbm>>
    %dma_wait3A_108 = arith.constant 0 : i32
    %dma_wait3A_109 = arith.constant 0 : i32
    %dma_wait3A_110 = tpu.memref_slice %arg7[%dma_wait3A_99, %dma_wait3A_108, %dma_wait3A_109] : memref<2x20x128xi32, #tpu.memory_space<vmem>> -> memref<1x20x128xi32, #tpu.memory_space<vmem>>
    %dma_wait3A_111 = tpu.memref_squeeze %dma_wait3A_110 : memref<1x20x128xi32, #tpu.memory_space<vmem>> -> memref<20x128xi32, #tpu.memory_space<vmem>>
    %dma_wait3A_112 = arith.constant 0 : i32
    %dma_wait3A_113 = arith.constant 0 : i32
    %dma_wait3A_114 = tpu.memref_slice %arg3[%add3A, %dma_wait3A_98, %dma_wait3A_112, %dma_wait3A_113] : memref<32x4x20x128xi32, #tpu.memory_space<hbm>> -> memref<1x1x20x128xi32, #tpu.memory_space<hbm>>
    %dma_wait3A_115 = tpu.memref_squeeze %dma_wait3A_114 : memref<1x1x20x128xi32, #tpu.memory_space<hbm>> -> memref<20x128xi32, #tpu.memory_space<hbm>>
    tpu.wait_dma2 semaphore(%arg11 : memref<!tpu.dma_semaphore, #tpu.memory_space<semaphore_mem>>) src(%dma_wait3A_115 : memref<20x128xi32, #tpu.memory_space<hbm>>) dst(%dma_wait3A_111 : memref<20x128xi32, #tpu.memory_space<vmem>>)
    %dma_wait3A_116 = arith.constant 1 : i32
    %dma_wait3A_117 = arith.constant 1 : i32
    %dma_wait3A_118 = arith.constant 0 : i32
    %dma_wait3A_119 = arith.constant 0 : i32
    %dma_wait3A_120 = tpu.memref_slice %arg7[%dma_wait3A_117, %dma_wait3A_118, %dma_wait3A_119] : memref<2x20x128xi32, #tpu.memory_space<vmem>> -> memref<1x20x128xi32, #tpu.memory_space<vmem>>
    %dma_wait3A_121 = tpu.memref_squeeze %dma_wait3A_120 : memref<1x20x128xi32, #tpu.memory_space<vmem>> -> memref<20x128xi32, #tpu.memory_space<vmem>>
    %dma_wait3A_122 = arith.constant 0 : i32
    %dma_wait3A_123 = arith.constant 0 : i32
    %dma_wait3A_124 = tpu.memref_slice %arg4[%add3A, %dma_wait3A_116, %dma_wait3A_122, %dma_wait3A_123] : memref<32x4x20x128xi32, #tpu.memory_space<hbm>> -> memref<1x1x20x128xi32, #tpu.memory_space<hbm>>
    %dma_wait3A_125 = tpu.memref_squeeze %dma_wait3A_124 : memref<1x1x20x128xi32, #tpu.memory_space<hbm>> -> memref<20x128xi32, #tpu.memory_space<hbm>>
    %dma_wait3A_126 = arith.constant 0 : i32
    %dma_wait3A_127 = arith.constant 0 : i32
    %dma_wait3A_128 = tpu.memref_slice %arg7[%dma_wait3A_117, %dma_wait3A_126, %dma_wait3A_127] : memref<2x20x128xi32, #tpu.memory_space<vmem>> -> memref<1x20x128xi32, #tpu.memory_space<vmem>>
    %dma_wait3A_129 = tpu.memref_squeeze %dma_wait3A_128 : memref<1x20x128xi32, #tpu.memory_space<vmem>> -> memref<20x128xi32, #tpu.memory_space<vmem>>
    %dma_wait3A_130 = arith.constant 0 : i32
    %dma_wait3A_131 = arith.constant 0 : i32
    %dma_wait3A_132 = tpu.memref_slice %arg4[%add3A, %dma_wait3A_116, %dma_wait3A_130, %dma_wait3A_131] : memref<32x4x20x128xi32, #tpu.memory_space<hbm>> -> memref<1x1x20x128xi32, #tpu.memory_space<hbm>>
    %dma_wait3A_133 = tpu.memref_squeeze %dma_wait3A_132 : memref<1x1x20x128xi32, #tpu.memory_space<hbm>> -> memref<20x128xi32, #tpu.memory_space<hbm>>
    tpu.wait_dma2 semaphore(%arg11 : memref<!tpu.dma_semaphore, #tpu.memory_space<semaphore_mem>>) src(%dma_wait3A_133 : memref<20x128xi32, #tpu.memory_space<hbm>>) dst(%dma_wait3A_129 : memref<20x128xi32, #tpu.memory_space<vmem>>)
    %dma_start3A_134 = arith.constant 2 : i32
    %dma_start3A_135 = arith.constant 0 : i32
    %dma_start3A_136 = arith.constant 0 : i32
    %dma_start3A_137 = arith.constant 0 : i32
    %dma_start3A_138 = tpu.memref_slice %arg6[%dma_start3A_135, %dma_start3A_136, %dma_start3A_137] : memref<2x20x128xi32, #tpu.memory_space<vmem>> -> memref<1x20x128xi32, #tpu.memory_space<vmem>>
    %dma_start3A_139 = tpu.memref_squeeze %dma_start3A_138 : memref<1x20x128xi32, #tpu.memory_space<vmem>> -> memref<20x128xi32, #tpu.memory_space<vmem>>
    %dma_start3A_140 = arith.constant 0 : i32
    %dma_start3A_141 = arith.constant 0 : i32
    %dma_start3A_142 = tpu.memref_slice %arg3[%add3A, %dma_start3A_134, %dma_start3A_140, %dma_start3A_141] : memref<32x4x20x128xi32, #tpu.memory_space<hbm>> -> memref<1x1x20x128xi32, #tpu.memory_space<hbm>>
    %dma_start3A_143 = tpu.memref_squeeze %dma_start3A_142 : memref<1x1x20x128xi32, #tpu.memory_space<hbm>> -> memref<20x128xi32, #tpu.memory_space<hbm>>
    %dma_start3A_144 = arith.constant 0 : i32
    %dma_start3A_145 = arith.constant 0 : i32
    %dma_start3A_146 = tpu.memref_slice %arg6[%dma_start3A_135, %dma_start3A_144, %dma_start3A_145] : memref<2x20x128xi32, #tpu.memory_space<vmem>> -> memref<1x20x128xi32, #tpu.memory_space<vmem>>
    %dma_start3A_147 = tpu.memref_squeeze %dma_start3A_146 : memref<1x20x128xi32, #tpu.memory_space<vmem>> -> memref<20x128xi32, #tpu.memory_space<vmem>>
    %dma_start3A_148 = arith.constant 0 : i32
    %dma_start3A_149 = arith.constant 0 : i32
    %dma_start3A_150 = tpu.memref_slice %arg3[%add3A, %dma_start3A_134, %dma_start3A_148, %dma_start3A_149] : memref<32x4x20x128xi32, #tpu.memory_space<hbm>> -> memref<1x1x20x128xi32, #tpu.memory_space<hbm>>
    %dma_start3A_151 = tpu.memref_squeeze %dma_start3A_150 : memref<1x1x20x128xi32, #tpu.memory_space<hbm>> -> memref<20x128xi32, #tpu.memory_space<hbm>>
    tpu.enqueue_dma source(%dma_start3A_151 : memref<20x128xi32, #tpu.memory_space<hbm>>) target(%dma_start3A_147 : memref<20x128xi32, #tpu.memory_space<vmem>>) target_semaphore(%arg11 : memref<!tpu.dma_semaphore, #tpu.memory_space<semaphore_mem>>)
    %dma_start3A_152 = arith.constant 2 : i32
    %dma_start3A_153 = arith.constant 1 : i32
    %dma_start3A_154 = arith.constant 0 : i32
    %dma_start3A_155 = arith.constant 0 : i32
    %dma_start3A_156 = tpu.memref_slice %arg6[%dma_start3A_153, %dma_start3A_154, %dma_start3A_155] : memref<2x20x128xi32, #tpu.memory_space<vmem>> -> memref<1x20x128xi32, #tpu.memory_space<vmem>>
    %dma_start3A_157 = tpu.memref_squeeze %dma_start3A_156 : memref<1x20x128xi32, #tpu.memory_space<vmem>> -> memref<20x128xi32, #tpu.memory_space<vmem>>
    %dma_start3A_158 = arith.constant 0 : i32
    %dma_start3A_159 = arith.constant 0 : i32
    %dma_start3A_160 = tpu.memref_slice %arg4[%add3A, %dma_start3A_152, %dma_start3A_158, %dma_start3A_159] : memref<32x4x20x128xi32, #tpu.memory_space<hbm>> -> memref<1x1x20x128xi32, #tpu.memory_space<hbm>>
    %dma_start3A_161 = tpu.memref_squeeze %dma_start3A_160 : memref<1x1x20x128xi32, #tpu.memory_space<hbm>> -> memref<20x128xi32, #tpu.memory_space<hbm>>
    %dma_start3A_162 = arith.constant 0 : i32
    %dma_start3A_163 = arith.constant 0 : i32
    %dma_start3A_164 = tpu.memref_slice %arg6[%dma_start3A_153, %dma_start3A_162, %dma_start3A_163] : memref<2x20x128xi32, #tpu.memory_space<vmem>> -> memref<1x20x128xi32, #tpu.memory_space<vmem>>
    %dma_start3A_165 = tpu.memref_squeeze %dma_start3A_164 : memref<1x20x128xi32, #tpu.memory_space<vmem>> -> memref<20x128xi32, #tpu.memory_space<vmem>>
    %dma_start3A_166 = arith.constant 0 : i32
    %dma_start3A_167 = arith.constant 0 : i32
    %dma_start3A_168 = tpu.memref_slice %arg4[%add3A, %dma_start3A_152, %dma_start3A_166, %dma_start3A_167] : memref<32x4x20x128xi32, #tpu.memory_space<hbm>> -> memref<1x1x20x128xi32, #tpu.memory_space<hbm>>
    %dma_start3A_169 = tpu.memref_squeeze %dma_start3A_168 : memref<1x1x20x128xi32, #tpu.memory_space<hbm>> -> memref<20x128xi32, #tpu.memory_space<hbm>>
    tpu.enqueue_dma source(%dma_start3A_169 : memref<20x128xi32, #tpu.memory_space<hbm>>) target(%dma_start3A_165 : memref<20x128xi32, #tpu.memory_space<vmem>>) target_semaphore(%arg11 : memref<!tpu.dma_semaphore, #tpu.memory_space<semaphore_mem>>)
    %dma_start3A_170 = arith.constant 0 : i32
    %dma_start3A_171 = arith.constant 0 : i32
    %dma_start3A_172 = arith.constant 0 : i32
    %dma_start3A_173 = tpu.memref_slice %arg7[%dma_start3A_170, %dma_start3A_171, %dma_start3A_172] : memref<2x20x128xi32, #tpu.memory_space<vmem>> -> memref<1x1x128xi32, #tpu.memory_space<vmem>>
    %dma_start3A_174 = tpu.memref_squeeze %dma_start3A_173 : memref<1x1x128xi32, #tpu.memory_space<vmem>> -> memref<128xi32, #tpu.memory_space<vmem>>
    %dma_start3A_175 = arith.constant 0 : i32
    %dma_start3A_176 = arith.constant 0 : i32
    %dma_start3A_177 = tpu.memref_slice %arg2[%dma_start3A_175, %dma_start3A_176] : memref<10000x128xf32, #tpu.memory_space<hbm>> -> memref<10000x128xf32, #tpu.memory_space<hbm>>
    tpu.enqueue_indirect_dma source(%dma_start3A_177 : memref<10000x128xf32, #tpu.memory_space<hbm>>) target(%arg8 : memref<128x128xf32, #tpu.memory_space<vmem>>) offsets(%dma_start3A_174 : memref<128xi32, #tpu.memory_space<vmem>>) semaphore(%arg12 : memref<!tpu.dma_semaphore, #tpu.memory_space<semaphore_mem>>)
    %scan3A_178 = arith.constant 0 : i32
    %scan3A_179 = arith.constant 0 : i32
    %scan3A_180 = arith.constant 9 : i32
    %scan3A_181 = arith.addi %scan3A_179, %scan3A_180 : i32
    %scan3A_182 = arith.constant 1 : i32
    scf.for %scan3A_409 = %scan3A_179 to %scan3A_181 step %scan3A_182  : i32 {
      %mul3A_410 = arith.constant 2 : i32
      %mul3A_411 = arith.muli %mul3A_410, %scan3A_409 : i32
      %add3A_412 = arith.constant 1 : i32
      %add3A_413 = arith.addi %mul3A_411, %add3A_412 : i32
      %dma_start3A_414 = arith.constant 0 : i32
      %dma_start3A_415 = arith.constant 0 : i32
      %dma_start3A_416 = tpu.memref_slice %arg7[%dma_start3A_414, %add3A_413, %dma_start3A_415] : memref<2x20x128xi32, #tpu.memory_space<vmem>> -> memref<1x1x128xi32, #tpu.memory_space<vmem>>
      %dma_start3A_417 = tpu.memref_squeeze %dma_start3A_416 : memref<1x1x128xi32, #tpu.memory_space<vmem>> -> memref<128xi32, #tpu.memory_space<vmem>>
      %dma_start3A_418 = arith.constant 0 : i32
      %dma_start3A_419 = arith.constant 0 : i32
      %dma_start3A_420 = tpu.memref_slice %arg2[%dma_start3A_418, %dma_start3A_419] : memref<10000x128xf32, #tpu.memory_space<hbm>> -> memref<10000x128xf32, #tpu.memory_space<hbm>>
      tpu.enqueue_indirect_dma source(%dma_start3A_420 : memref<10000x128xf32, #tpu.memory_space<hbm>>) target(%arg9 : memref<128x128xf32, #tpu.memory_space<vmem>>) offsets(%dma_start3A_417 : memref<128xi32, #tpu.memory_space<vmem>>) semaphore(%arg13 : memref<!tpu.dma_semaphore, #tpu.memory_space<semaphore_mem>>)
      %mul3A_421 = arith.constant 2 : i32
      %mul3A_422 = arith.muli %mul3A_421, %scan3A_409 : i32
      %dma_wait3A_423 = arith.constant 0 : i32
      %dma_wait3A_424 = arith.constant 0 : i32
      %dma_wait3A_425 = tpu.memref_slice %arg7[%dma_wait3A_423, %mul3A_422, %dma_wait3A_424] : memref<2x20x128xi32, #tpu.memory_space<vmem>> -> memref<1x1x128xi32, #tpu.memory_space<vmem>>
      %dma_wait3A_426 = tpu.memref_squeeze %dma_wait3A_425 : memref<1x1x128xi32, #tpu.memory_space<vmem>> -> memref<128xi32, #tpu.memory_space<vmem>>
      %dma_wait3A_427 = arith.constant 0 : i32
      %dma_wait3A_428 = arith.constant 0 : i32
      %dma_wait3A_429 = tpu.memref_slice %arg2[%dma_wait3A_427, %dma_wait3A_428] : memref<10000x128xf32, #tpu.memory_space<hbm>> -> memref<10000x128xf32, #tpu.memory_space<hbm>>
      tpu.wait_indirect_dma semaphore(%arg12 : memref<!tpu.dma_semaphore, #tpu.memory_space<semaphore_mem>>) src(%dma_wait3A_429 : memref<10000x128xf32, #tpu.memory_space<hbm>>) dst(%arg8 : memref<128x128xf32, #tpu.memory_space<vmem>>)
      %mul3A_430 = arith.constant 2 : i32
      %mul3A_431 = arith.muli %mul3A_430, %scan3A_409 : i32
      %run_scoped3A_432 = arith.constant 1 : i32
      "tpu.region"() ({
        %run_scoped3A_460 = tpu.sem_alloc : memref<!tpu.dma_semaphore, #tpu.memory_space<semaphore_mem>>
        %dma_start3A_461 = arith.constant 0 : i32
        %dma_start3A_462 = tpu.memref_slice %arg7[%run_scoped3A_432, %mul3A_431, %dma_start3A_461] : memref<2x20x128xi32, #tpu.memory_space<vmem>> -> memref<1x1x128xi32, #tpu.memory_space<vmem>>
        %dma_start3A_463 = tpu.memref_squeeze %dma_start3A_462 : memref<1x1x128xi32, #tpu.memory_space<vmem>> -> memref<128xi32, #tpu.memory_space<vmem>>
        %dma_start3A_464 = arith.constant 0 : i32
        %dma_start3A_465 = arith.constant 0 : i32
        %dma_start3A_466 = tpu.memref_slice %arg10[%dma_start3A_464, %dma_start3A_465] : memref<10112x128xf32, #tpu.memory_space<vmem_shared>> -> memref<10112x128xf32, #tpu.memory_space<vmem_shared>>
        tpu.enqueue_indirect_dma source(%arg8 : memref<128x128xf32, #tpu.memory_space<vmem>>) target(%dma_start3A_466 : memref<10112x128xf32, #tpu.memory_space<vmem_shared>>) offsets(%dma_start3A_463 : memref<128xi32, #tpu.memory_space<vmem>>) semaphore(%run_scoped3A_460 : memref<!tpu.dma_semaphore, #tpu.memory_space<semaphore_mem>>) {add = true}
        %dma_wait3A_467 = arith.constant 0 : i32
        %dma_wait3A_468 = tpu.memref_slice %arg7[%run_scoped3A_432, %mul3A_431, %dma_wait3A_467] : memref<2x20x128xi32, #tpu.memory_space<vmem>> -> memref<1x1x128xi32, #tpu.memory_space<vmem>>
        %dma_wait3A_469 = tpu.memref_squeeze %dma_wait3A_468 : memref<1x1x128xi32, #tpu.memory_space<vmem>> -> memref<128xi32, #tpu.memory_space<vmem>>
        %dma_wait3A_470 = arith.constant 0 : i32
        %dma_wait3A_471 = arith.constant 0 : i32
        %dma_wait3A_472 = tpu.memref_slice %arg10[%dma_wait3A_470, %dma_wait3A_471] : memref<10112x128xf32, #tpu.memory_space<vmem_shared>> -> memref<10112x128xf32, #tpu.memory_space<vmem_shared>>
        tpu.wait_indirect_dma semaphore(%run_scoped3A_460 : memref<!tpu.dma_semaphore, #tpu.memory_space<semaphore_mem>>) src(%arg8 : memref<128x128xf32, #tpu.memory_space<vmem>>) dst(%dma_wait3A_472 : memref<10112x128xf32, #tpu.memory_space<vmem_shared>>)
        tpu.yield
      }) : () -> ()
      %mul3A_433 = arith.constant 2 : i32
      %mul3A_434 = arith.muli %mul3A_433, %scan3A_409 : i32
      %add3A_435 = arith.constant 2 : i32
      %add3A_436 = arith.addi %mul3A_434, %add3A_435 : i32
      %dma_start3A_437 = arith.constant 0 : i32
      %dma_start3A_438 = arith.constant 0 : i32
      %dma_start3A_439 = tpu.memref_slice %arg7[%dma_start3A_437, %add3A_436, %dma_start3A_438] : memref<2x20x128xi32, #tpu.memory_space<vmem>> -> memref<1x1x128xi32, #tpu.memory_space<vmem>>
      %dma_start3A_440 = tpu.memref_squeeze %dma_start3A_439 : memref<1x1x128xi32, #tpu.memory_space<vmem>> -> memref<128xi32, #tpu.memory_space<vmem>>
      %dma_start3A_441 = arith.constant 0 : i32
      %dma_start3A_442 = arith.constant 0 : i32
      %dma_start3A_443 = tpu.memref_slice %arg2[%dma_start3A_441, %dma_start3A_442] : memref<10000x128xf32, #tpu.memory_space<hbm>> -> memref<10000x128xf32, #tpu.memory_space<hbm>>
      tpu.enqueue_indirect_dma source(%dma_start3A_443 : memref<10000x128xf32, #tpu.memory_space<hbm>>) target(%arg8 : memref<128x128xf32, #tpu.memory_space<vmem>>) offsets(%dma_start3A_440 : memref<128xi32, #tpu.memory_space<vmem>>) semaphore(%arg12 : memref<!tpu.dma_semaphore, #tpu.memory_space<semaphore_mem>>)
      %mul3A_444 = arith.constant 2 : i32
      %mul3A_445 = arith.muli %mul3A_444, %scan3A_409 : i32
      %add3A_446 = arith.constant 1 : i32
      %add3A_447 = arith.addi %mul3A_445, %add3A_446 : i32
      %dma_wait3A_448 = arith.constant 0 : i32
      %dma_wait3A_449 = arith.constant 0 : i32
      %dma_wait3A_450 = tpu.memref_slice %arg7[%dma_wait3A_448, %add3A_447, %dma_wait3A_449] : memref<2x20x128xi32, #tpu.memory_space<vmem>> -> memref<1x1x128xi32, #tpu.memory_space<vmem>>
      %dma_wait3A_451 = tpu.memref_squeeze %dma_wait3A_450 : memref<1x1x128xi32, #tpu.memory_space<vmem>> -> memref<128xi32, #tpu.memory_space<vmem>>
      %dma_wait3A_452 = arith.constant 0 : i32
      %dma_wait3A_453 = arith.constant 0 : i32
      %dma_wait3A_454 = tpu.memref_slice %arg2[%dma_wait3A_452, %dma_wait3A_453] : memref<10000x128xf32, #tpu.memory_space<hbm>> -> memref<10000x128xf32, #tpu.memory_space<hbm>>
      tpu.wait_indirect_dma semaphore(%arg13 : memref<!tpu.dma_semaphore, #tpu.memory_space<semaphore_mem>>) src(%dma_wait3A_454 : memref<10000x128xf32, #tpu.memory_space<hbm>>) dst(%arg9 : memref<128x128xf32, #tpu.memory_space<vmem>>)
      %mul3A_455 = arith.constant 2 : i32
      %mul3A_456 = arith.muli %mul3A_455, %scan3A_409 : i32
      %add3A_457 = arith.constant 1 : i32
      %add3A_458 = arith.addi %mul3A_456, %add3A_457 : i32
      %run_scoped3A_459 = arith.constant 1 : i32
      "tpu.region"() ({
        %run_scoped3A_460 = tpu.sem_alloc : memref<!tpu.dma_semaphore, #tpu.memory_space<semaphore_mem>>
        %dma_start3A_461 = arith.constant 0 : i32
        %dma_start3A_462 = tpu.memref_slice %arg7[%run_scoped3A_459, %add3A_458, %dma_start3A_461] : memref<2x20x128xi32, #tpu.memory_space<vmem>> -> memref<1x1x128xi32, #tpu.memory_space<vmem>>
        %dma_start3A_463 = tpu.memref_squeeze %dma_start3A_462 : memref<1x1x128xi32, #tpu.memory_space<vmem>> -> memref<128xi32, #tpu.memory_space<vmem>>
        %dma_start3A_464 = arith.constant 0 : i32
        %dma_start3A_465 = arith.constant 0 : i32
        %dma_start3A_466 = tpu.memref_slice %arg10[%dma_start3A_464, %dma_start3A_465] : memref<10112x128xf32, #tpu.memory_space<vmem_shared>> -> memref<10112x128xf32, #tpu.memory_space<vmem_shared>>
        tpu.enqueue_indirect_dma source(%arg9 : memref<128x128xf32, #tpu.memory_space<vmem>>) target(%dma_start3A_466 : memref<10112x128xf32, #tpu.memory_space<vmem_shared>>) offsets(%dma_start3A_463 : memref<128xi32, #tpu.memory_space<vmem>>) semaphore(%run_scoped3A_460 : memref<!tpu.dma_semaphore, #tpu.memory_space<semaphore_mem>>) {add = true}
        %dma_wait3A_467 = arith.constant 0 : i32
        %dma_wait3A_468 = tpu.memref_slice %arg7[%run_scoped3A_459, %add3A_458, %dma_wait3A_467] : memref<2x20x128xi32, #tpu.memory_space<vmem>> -> memref<1x1x128xi32, #tpu.memory_space<vmem>>
        %dma_wait3A_469 = tpu.memref_squeeze %dma_wait3A_468 : memref<1x1x128xi32, #tpu.memory_space<vmem>> -> memref<128xi32, #tpu.memory_space<vmem>>
        %dma_wait3A_470 = arith.constant 0 : i32
        %dma_wait3A_471 = arith.constant 0 : i32
        %dma_wait3A_472 = tpu.memref_slice %arg10[%dma_wait3A_470, %dma_wait3A_471] : memref<10112x128xf32, #tpu.memory_space<vmem_shared>> -> memref<10112x128xf32, #tpu.memory_space<vmem_shared>>
        tpu.wait_indirect_dma semaphore(%run_scoped3A_460 : memref<!tpu.dma_semaphore, #tpu.memory_space<semaphore_mem>>) src(%arg9 : memref<128x128xf32, #tpu.memory_space<vmem>>) dst(%dma_wait3A_472 : memref<10112x128xf32, #tpu.memory_space<vmem_shared>>)
        tpu.yield
      }) : () -> ()
    }
    %scan3A_183 = arith.constant 9 : i32
    %dma_start3A_184 = arith.constant 0 : i32
    %dma_start3A_185 = arith.constant 19 : i32
    %dma_start3A_186 = arith.constant 0 : i32
    %dma_start3A_187 = tpu.memref_slice %arg7[%dma_start3A_184, %dma_start3A_185, %dma_start3A_186] : memref<2x20x128xi32, #tpu.memory_space<vmem>> -> memref<1x1x128xi32, #tpu.memory_space<vmem>>
    %dma_start3A_188 = tpu.memref_squeeze %dma_start3A_187 : memref<1x1x128xi32, #tpu.memory_space<vmem>> -> memref<128xi32, #tpu.memory_space<vmem>>
    %dma_start3A_189 = arith.constant 0 : i32
    %dma_start3A_190 = arith.constant 0 : i32
    %dma_start3A_191 = tpu.memref_slice %arg2[%dma_start3A_189, %dma_start3A_190] : memref<10000x128xf32, #tpu.memory_space<hbm>> -> memref<10000x128xf32, #tpu.memory_space<hbm>>
    tpu.enqueue_indirect_dma source(%dma_start3A_191 : memref<10000x128xf32, #tpu.memory_space<hbm>>) target(%arg9 : memref<128x128xf32, #tpu.memory_space<vmem>>) offsets(%dma_start3A_188 : memref<128xi32, #tpu.memory_space<vmem>>) semaphore(%arg13 : memref<!tpu.dma_semaphore, #tpu.memory_space<semaphore_mem>>)
    %dma_wait3A_192 = arith.constant 0 : i32
    %dma_wait3A_193 = arith.constant 18 : i32
    %dma_wait3A_194 = arith.constant 0 : i32
    %dma_wait3A_195 = tpu.memref_slice %arg7[%dma_wait3A_192, %dma_wait3A_193, %dma_wait3A_194] : memref<2x20x128xi32, #tpu.memory_space<vmem>> -> memref<1x1x128xi32, #tpu.memory_space<vmem>>
    %dma_wait3A_196 = tpu.memref_squeeze %dma_wait3A_195 : memref<1x1x128xi32, #tpu.memory_space<vmem>> -> memref<128xi32, #tpu.memory_space<vmem>>
    %dma_wait3A_197 = arith.constant 0 : i32
    %dma_wait3A_198 = arith.constant 0 : i32
    %dma_wait3A_199 = tpu.memref_slice %arg2[%dma_wait3A_197, %dma_wait3A_198] : memref<10000x128xf32, #tpu.memory_space<hbm>> -> memref<10000x128xf32, #tpu.memory_space<hbm>>
    tpu.wait_indirect_dma semaphore(%arg12 : memref<!tpu.dma_semaphore, #tpu.memory_space<semaphore_mem>>) src(%dma_wait3A_199 : memref<10000x128xf32, #tpu.memory_space<hbm>>) dst(%arg8 : memref<128x128xf32, #tpu.memory_space<vmem>>)
    %run_scoped3A_200 = arith.constant 1 : i32
    %run_scoped3A_201 = arith.constant 18 : i32
    "tpu.region"() ({
      %run_scoped3A_409 = tpu.sem_alloc : memref<!tpu.dma_semaphore, #tpu.memory_space<semaphore_mem>>
      %dma_start3A_410 = arith.constant 0 : i32
      %dma_start3A_411 = tpu.memref_slice %arg7[%run_scoped3A_200, %run_scoped3A_201, %dma_start3A_410] : memref<2x20x128xi32, #tpu.memory_space<vmem>> -> memref<1x1x128xi32, #tpu.memory_space<vmem>>
      %dma_start3A_412 = tpu.memref_squeeze %dma_start3A_411 : memref<1x1x128xi32, #tpu.memory_space<vmem>> -> memref<128xi32, #tpu.memory_space<vmem>>
      %dma_start3A_413 = arith.constant 0 : i32
      %dma_start3A_414 = arith.constant 0 : i32
      %dma_start3A_415 = tpu.memref_slice %arg10[%dma_start3A_413, %dma_start3A_414] : memref<10112x128xf32, #tpu.memory_space<vmem_shared>> -> memref<10112x128xf32, #tpu.memory_space<vmem_shared>>
      tpu.enqueue_indirect_dma source(%arg8 : memref<128x128xf32, #tpu.memory_space<vmem>>) target(%dma_start3A_415 : memref<10112x128xf32, #tpu.memory_space<vmem_shared>>) offsets(%dma_start3A_412 : memref<128xi32, #tpu.memory_space<vmem>>) semaphore(%run_scoped3A_409 : memref<!tpu.dma_semaphore, #tpu.memory_space<semaphore_mem>>) {add = true}
      %dma_wait3A_416 = arith.constant 0 : i32
      %dma_wait3A_417 = tpu.memref_slice %arg7[%run_scoped3A_200, %run_scoped3A_201, %dma_wait3A_416] : memref<2x20x128xi32, #tpu.memory_space<vmem>> -> memref<1x1x128xi32, #tpu.memory_space<vmem>>
      %dma_wait3A_418 = tpu.memref_squeeze %dma_wait3A_417 : memref<1x1x128xi32, #tpu.memory_space<vmem>> -> memref<128xi32, #tpu.memory_space<vmem>>
      %dma_wait3A_419 = arith.constant 0 : i32
      %dma_wait3A_420 = arith.constant 0 : i32
      %dma_wait3A_421 = tpu.memref_slice %arg10[%dma_wait3A_419, %dma_wait3A_420] : memref<10112x128xf32, #tpu.memory_space<vmem_shared>> -> memref<10112x128xf32, #tpu.memory_space<vmem_shared>>
      tpu.wait_indirect_dma semaphore(%run_scoped3A_409 : memref<!tpu.dma_semaphore, #tpu.memory_space<semaphore_mem>>) src(%arg8 : memref<128x128xf32, #tpu.memory_space<vmem>>) dst(%dma_wait3A_421 : memref<10112x128xf32, #tpu.memory_space<vmem_shared>>)
      tpu.yield
    }) : () -> ()
    %dma_wait3A_202 = arith.constant 0 : i32
    %dma_wait3A_203 = arith.constant 19 : i32
    %dma_wait3A_204 = arith.constant 0 : i32
    %dma_wait3A_205 = tpu.memref_slice %arg7[%dma_wait3A_202, %dma_wait3A_203, %dma_wait3A_204] : memref<2x20x128xi32, #tpu.memory_space<vmem>> -> memref<1x1x128xi32, #tpu.memory_space<vmem>>
    %dma_wait3A_206 = tpu.memref_squeeze %dma_wait3A_205 : memref<1x1x128xi32, #tpu.memory_space<vmem>> -> memref<128xi32, #tpu.memory_space<vmem>>
    %dma_wait3A_207 = arith.constant 0 : i32
    %dma_wait3A_208 = arith.constant 0 : i32
    %dma_wait3A_209 = tpu.memref_slice %arg2[%dma_wait3A_207, %dma_wait3A_208] : memref<10000x128xf32, #tpu.memory_space<hbm>> -> memref<10000x128xf32, #tpu.memory_space<hbm>>
    tpu.wait_indirect_dma semaphore(%arg13 : memref<!tpu.dma_semaphore, #tpu.memory_space<semaphore_mem>>) src(%dma_wait3A_209 : memref<10000x128xf32, #tpu.memory_space<hbm>>) dst(%arg9 : memref<128x128xf32, #tpu.memory_space<vmem>>)
    %run_scoped3A_210 = arith.constant 1 : i32
    %run_scoped3A_211 = arith.constant 19 : i32
    "tpu.region"() ({
      %run_scoped3A_409 = tpu.sem_alloc : memref<!tpu.dma_semaphore, #tpu.memory_space<semaphore_mem>>
      %dma_start3A_410 = arith.constant 0 : i32
      %dma_start3A_411 = tpu.memref_slice %arg7[%run_scoped3A_210, %run_scoped3A_211, %dma_start3A_410] : memref<2x20x128xi32, #tpu.memory_space<vmem>> -> memref<1x1x128xi32, #tpu.memory_space<vmem>>
      %dma_start3A_412 = tpu.memref_squeeze %dma_start3A_411 : memref<1x1x128xi32, #tpu.memory_space<vmem>> -> memref<128xi32, #tpu.memory_space<vmem>>
      %dma_start3A_413 = arith.constant 0 : i32
      %dma_start3A_414 = arith.constant 0 : i32
      %dma_start3A_415 = tpu.memref_slice %arg10[%dma_start3A_413, %dma_start3A_414] : memref<10112x128xf32, #tpu.memory_space<vmem_shared>> -> memref<10112x128xf32, #tpu.memory_space<vmem_shared>>
      tpu.enqueue_indirect_dma source(%arg9 : memref<128x128xf32, #tpu.memory_space<vmem>>) target(%dma_start3A_415 : memref<10112x128xf32, #tpu.memory_space<vmem_shared>>) offsets(%dma_start3A_412 : memref<128xi32, #tpu.memory_space<vmem>>) semaphore(%run_scoped3A_409 : memref<!tpu.dma_semaphore, #tpu.memory_space<semaphore_mem>>) {add = true}
      %dma_wait3A_416 = arith.constant 0 : i32
      %dma_wait3A_417 = tpu.memref_slice %arg7[%run_scoped3A_210, %run_scoped3A_211, %dma_wait3A_416] : memref<2x20x128xi32, #tpu.memory_space<vmem>> -> memref<1x1x128xi32, #tpu.memory_space<vmem>>
      %dma_wait3A_418 = tpu.memref_squeeze %dma_wait3A_417 : memref<1x1x128xi32, #tpu.memory_space<vmem>> -> memref<128xi32, #tpu.memory_space<vmem>>
      %dma_wait3A_419 = arith.constant 0 : i32
      %dma_wait3A_420 = arith.constant 0 : i32
      %dma_wait3A_421 = tpu.memref_slice %arg10[%dma_wait3A_419, %dma_wait3A_420] : memref<10112x128xf32, #tpu.memory_space<vmem_shared>> -> memref<10112x128xf32, #tpu.memory_space<vmem_shared>>
      tpu.wait_indirect_dma semaphore(%run_scoped3A_409 : memref<!tpu.dma_semaphore, #tpu.memory_space<semaphore_mem>>) src(%arg9 : memref<128x128xf32, #tpu.memory_space<vmem>>) dst(%dma_wait3A_421 : memref<10112x128xf32, #tpu.memory_space<vmem_shared>>)
      tpu.yield
    }) : () -> ()
    %dma_wait3A_212 = arith.constant 2 : i32
    %dma_wait3A_213 = arith.constant 0 : i32
    %dma_wait3A_214 = arith.constant 0 : i32
    %dma_wait3A_215 = arith.constant 0 : i32
    %dma_wait3A_216 = tpu.memref_slice %arg6[%dma_wait3A_213, %dma_wait3A_214, %dma_wait3A_215] : memref<2x20x128xi32, #tpu.memory_space<vmem>> -> memref<1x20x128xi32, #tpu.memory_space<vmem>>
    %dma_wait3A_217 = tpu.memref_squeeze %dma_wait3A_216 : memref<1x20x128xi32, #tpu.memory_space<vmem>> -> memref<20x128xi32, #tpu.memory_space<vmem>>
    %dma_wait3A_218 = arith.constant 0 : i32
    %dma_wait3A_219 = arith.constant 0 : i32
    %dma_wait3A_220 = tpu.memref_slice %arg3[%add3A, %dma_wait3A_212, %dma_wait3A_218, %dma_wait3A_219] : memref<32x4x20x128xi32, #tpu.memory_space<hbm>> -> memref<1x1x20x128xi32, #tpu.memory_space<hbm>>
    %dma_wait3A_221 = tpu.memref_squeeze %dma_wait3A_220 : memref<1x1x20x128xi32, #tpu.memory_space<hbm>> -> memref<20x128xi32, #tpu.memory_space<hbm>>
    %dma_wait3A_222 = arith.constant 0 : i32
    %dma_wait3A_223 = arith.constant 0 : i32
    %dma_wait3A_224 = tpu.memref_slice %arg6[%dma_wait3A_213, %dma_wait3A_222, %dma_wait3A_223] : memref<2x20x128xi32, #tpu.memory_space<vmem>> -> memref<1x20x128xi32, #tpu.memory_space<vmem>>
    %dma_wait3A_225 = tpu.memref_squeeze %dma_wait3A_224 : memref<1x20x128xi32, #tpu.memory_space<vmem>> -> memref<20x128xi32, #tpu.memory_space<vmem>>
    %dma_wait3A_226 = arith.constant 0 : i32
    %dma_wait3A_227 = arith.constant 0 : i32
    %dma_wait3A_228 = tpu.memref_slice %arg3[%add3A, %dma_wait3A_212, %dma_wait3A_226, %dma_wait3A_227] : memref<32x4x20x128xi32, #tpu.memory_space<hbm>> -> memref<1x1x20x128xi32, #tpu.memory_space<hbm>>
    %dma_wait3A_229 = tpu.memref_squeeze %dma_wait3A_228 : memref<1x1x20x128xi32, #tpu.memory_space<hbm>> -> memref<20x128xi32, #tpu.memory_space<hbm>>
    tpu.wait_dma2 semaphore(%arg11 : memref<!tpu.dma_semaphore, #tpu.memory_space<semaphore_mem>>) src(%dma_wait3A_229 : memref<20x128xi32, #tpu.memory_space<hbm>>) dst(%dma_wait3A_225 : memref<20x128xi32, #tpu.memory_space<vmem>>)
    %dma_wait3A_230 = arith.constant 2 : i32
    %dma_wait3A_231 = arith.constant 1 : i32
    %dma_wait3A_232 = arith.constant 0 : i32
    %dma_wait3A_233 = arith.constant 0 : i32
    %dma_wait3A_234 = tpu.memref_slice %arg6[%dma_wait3A_231, %dma_wait3A_232, %dma_wait3A_233] : memref<2x20x128xi32, #tpu.memory_space<vmem>> -> memref<1x20x128xi32, #tpu.memory_space<vmem>>
    %dma_wait3A_235 = tpu.memref_squeeze %dma_wait3A_234 : memref<1x20x128xi32, #tpu.memory_space<vmem>> -> memref<20x128xi32, #tpu.memory_space<vmem>>
    %dma_wait3A_236 = arith.constant 0 : i32
    %dma_wait3A_237 = arith.constant 0 : i32
    %dma_wait3A_238 = tpu.memref_slice %arg4[%add3A, %dma_wait3A_230, %dma_wait3A_236, %dma_wait3A_237] : memref<32x4x20x128xi32, #tpu.memory_space<hbm>> -> memref<1x1x20x128xi32, #tpu.memory_space<hbm>>
    %dma_wait3A_239 = tpu.memref_squeeze %dma_wait3A_238 : memref<1x1x20x128xi32, #tpu.memory_space<hbm>> -> memref<20x128xi32, #tpu.memory_space<hbm>>
    %dma_wait3A_240 = arith.constant 0 : i32
    %dma_wait3A_241 = arith.constant 0 : i32
    %dma_wait3A_242 = tpu.memref_slice %arg6[%dma_wait3A_231, %dma_wait3A_240, %dma_wait3A_241] : memref<2x20x128xi32, #tpu.memory_space<vmem>> -> memref<1x20x128xi32, #tpu.memory_space<vmem>>
    %dma_wait3A_243 = tpu.memref_squeeze %dma_wait3A_242 : memref<1x20x128xi32, #tpu.memory_space<vmem>> -> memref<20x128xi32, #tpu.memory_space<vmem>>
    %dma_wait3A_244 = arith.constant 0 : i32
    %dma_wait3A_245 = arith.constant 0 : i32
    %dma_wait3A_246 = tpu.memref_slice %arg4[%add3A, %dma_wait3A_230, %dma_wait3A_244, %dma_wait3A_245] : memref<32x4x20x128xi32, #tpu.memory_space<hbm>> -> memref<1x1x20x128xi32, #tpu.memory_space<hbm>>
    %dma_wait3A_247 = tpu.memref_squeeze %dma_wait3A_246 : memref<1x1x20x128xi32, #tpu.memory_space<hbm>> -> memref<20x128xi32, #tpu.memory_space<hbm>>
    tpu.wait_dma2 semaphore(%arg11 : memref<!tpu.dma_semaphore, #tpu.memory_space<semaphore_mem>>) src(%dma_wait3A_247 : memref<20x128xi32, #tpu.memory_space<hbm>>) dst(%dma_wait3A_243 : memref<20x128xi32, #tpu.memory_space<vmem>>)
    %dma_start3A_248 = arith.constant 3 : i32
    %dma_start3A_249 = arith.constant 0 : i32
    %dma_start3A_250 = arith.constant 0 : i32
    %dma_start3A_251 = arith.constant 0 : i32
    %dma_start3A_252 = tpu.memref_slice %arg7[%dma_start3A_249, %dma_start3A_250, %dma_start3A_251] : memref<2x20x128xi32, #tpu.memory_space<vmem>> -> memref<1x20x128xi32, #tpu.memory_space<vmem>>
    %dma_start3A_253 = tpu.memref_squeeze %dma_start3A_252 : memref<1x20x128xi32, #tpu.memory_space<vmem>> -> memref<20x128xi32, #tpu.memory_space<vmem>>
    %dma_start3A_254 = arith.constant 0 : i32
    %dma_start3A_255 = arith.constant 0 : i32
    %dma_start3A_256 = tpu.memref_slice %arg3[%add3A, %dma_start3A_248, %dma_start3A_254, %dma_start3A_255] : memref<32x4x20x128xi32, #tpu.memory_space<hbm>> -> memref<1x1x20x128xi32, #tpu.memory_space<hbm>>
    %dma_start3A_257 = tpu.memref_squeeze %dma_start3A_256 : memref<1x1x20x128xi32, #tpu.memory_space<hbm>> -> memref<20x128xi32, #tpu.memory_space<hbm>>
    %dma_start3A_258 = arith.constant 0 : i32
    %dma_start3A_259 = arith.constant 0 : i32
    %dma_start3A_260 = tpu.memref_slice %arg7[%dma_start3A_249, %dma_start3A_258, %dma_start3A_259] : memref<2x20x128xi32, #tpu.memory_space<vmem>> -> memref<1x20x128xi32, #tpu.memory_space<vmem>>
    %dma_start3A_261 = tpu.memref_squeeze %dma_start3A_260 : memref<1x20x128xi32, #tpu.memory_space<vmem>> -> memref<20x128xi32, #tpu.memory_space<vmem>>
    %dma_start3A_262 = arith.constant 0 : i32
    %dma_start3A_263 = arith.constant 0 : i32
    %dma_start3A_264 = tpu.memref_slice %arg3[%add3A, %dma_start3A_248, %dma_start3A_262, %dma_start3A_263] : memref<32x4x20x128xi32, #tpu.memory_space<hbm>> -> memref<1x1x20x128xi32, #tpu.memory_space<hbm>>
    %dma_start3A_265 = tpu.memref_squeeze %dma_start3A_264 : memref<1x1x20x128xi32, #tpu.memory_space<hbm>> -> memref<20x128xi32, #tpu.memory_space<hbm>>
    tpu.enqueue_dma source(%dma_start3A_265 : memref<20x128xi32, #tpu.memory_space<hbm>>) target(%dma_start3A_261 : memref<20x128xi32, #tpu.memory_space<vmem>>) target_semaphore(%arg11 : memref<!tpu.dma_semaphore, #tpu.memory_space<semaphore_mem>>)
    %dma_start3A_266 = arith.constant 3 : i32
    %dma_start3A_267 = arith.constant 1 : i32
    %dma_start3A_268 = arith.constant 0 : i32
    %dma_start3A_269 = arith.constant 0 : i32
    %dma_start3A_270 = tpu.memref_slice %arg7[%dma_start3A_267, %dma_start3A_268, %dma_start3A_269] : memref<2x20x128xi32, #tpu.memory_space<vmem>> -> memref<1x20x128xi32, #tpu.memory_space<vmem>>
    %dma_start3A_271 = tpu.memref_squeeze %dma_start3A_270 : memref<1x20x128xi32, #tpu.memory_space<vmem>> -> memref<20x128xi32, #tpu.memory_space<vmem>>
    %dma_start3A_272 = arith.constant 0 : i32
    %dma_start3A_273 = arith.constant 0 : i32
    %dma_start3A_274 = tpu.memref_slice %arg4[%add3A, %dma_start3A_266, %dma_start3A_272, %dma_start3A_273] : memref<32x4x20x128xi32, #tpu.memory_space<hbm>> -> memref<1x1x20x128xi32, #tpu.memory_space<hbm>>
    %dma_start3A_275 = tpu.memref_squeeze %dma_start3A_274 : memref<1x1x20x128xi32, #tpu.memory_space<hbm>> -> memref<20x128xi32, #tpu.memory_space<hbm>>
    %dma_start3A_276 = arith.constant 0 : i32
    %dma_start3A_277 = arith.constant 0 : i32
    %dma_start3A_278 = tpu.memref_slice %arg7[%dma_start3A_267, %dma_start3A_276, %dma_start3A_277] : memref<2x20x128xi32, #tpu.memory_space<vmem>> -> memref<1x20x128xi32, #tpu.memory_space<vmem>>
    %dma_start3A_279 = tpu.memref_squeeze %dma_start3A_278 : memref<1x20x128xi32, #tpu.memory_space<vmem>> -> memref<20x128xi32, #tpu.memory_space<vmem>>
    %dma_start3A_280 = arith.constant 0 : i32
    %dma_start3A_281 = arith.constant 0 : i32
    %dma_start3A_282 = tpu.memref_slice %arg4[%add3A, %dma_start3A_266, %dma_start3A_280, %dma_start3A_281] : memref<32x4x20x128xi32, #tpu.memory_space<hbm>> -> memref<1x1x20x128xi32, #tpu.memory_space<hbm>>
    %dma_start3A_283 = tpu.memref_squeeze %dma_start3A_282 : memref<1x1x20x128xi32, #tpu.memory_space<hbm>> -> memref<20x128xi32, #tpu.memory_space<hbm>>
    tpu.enqueue_dma source(%dma_start3A_283 : memref<20x128xi32, #tpu.memory_space<hbm>>) target(%dma_start3A_279 : memref<20x128xi32, #tpu.memory_space<vmem>>) target_semaphore(%arg11 : memref<!tpu.dma_semaphore, #tpu.memory_space<semaphore_mem>>)
    %dma_start3A_284 = arith.constant 0 : i32
    %dma_start3A_285 = arith.constant 0 : i32
    %dma_start3A_286 = arith.constant 0 : i32
    %dma_start3A_287 = tpu.memref_slice %arg6[%dma_start3A_284, %dma_start3A_285, %dma_start3A_286] : memref<2x20x128xi32, #tpu.memory_space<vmem>> -> memref<1x1x128xi32, #tpu.memory_space<vmem>>
    %dma_start3A_288 = tpu.memref_squeeze %dma_start3A_287 : memref<1x1x128xi32, #tpu.memory_space<vmem>> -> memref<128xi32, #tpu.memory_space<vmem>>
    %dma_start3A_289 = arith.constant 0 : i32
    %dma_start3A_290 = arith.constant 0 : i32
    %dma_start3A_291 = tpu.memref_slice %arg2[%dma_start3A_289, %dma_start3A_290] : memref<10000x128xf32, #tpu.memory_space<hbm>> -> memref<10000x128xf32, #tpu.memory_space<hbm>>
    tpu.enqueue_indirect_dma source(%dma_start3A_291 : memref<10000x128xf32, #tpu.memory_space<hbm>>) target(%arg8 : memref<128x128xf32, #tpu.memory_space<vmem>>) offsets(%dma_start3A_288 : memref<128xi32, #tpu.memory_space<vmem>>) semaphore(%arg12 : memref<!tpu.dma_semaphore, #tpu.memory_space<semaphore_mem>>)
    %scan3A_292 = arith.constant 0 : i32
    %scan3A_293 = arith.constant 0 : i32
    %scan3A_294 = arith.constant 9 : i32
    %scan3A_295 = arith.addi %scan3A_293, %scan3A_294 : i32
    %scan3A_296 = arith.constant 1 : i32
    scf.for %scan3A_409 = %scan3A_293 to %scan3A_295 step %scan3A_296  : i32 {
      %mul3A_410 = arith.constant 2 : i32
      %mul3A_411 = arith.muli %mul3A_410, %scan3A_409 : i32
      %add3A_412 = arith.constant 1 : i32
      %add3A_413 = arith.addi %mul3A_411, %add3A_412 : i32
      %dma_start3A_414 = arith.constant 0 : i32
      %dma_start3A_415 = arith.constant 0 : i32
      %dma_start3A_416 = tpu.memref_slice %arg6[%dma_start3A_414, %add3A_413, %dma_start3A_415] : memref<2x20x128xi32, #tpu.memory_space<vmem>> -> memref<1x1x128xi32, #tpu.memory_space<vmem>>
      %dma_start3A_417 = tpu.memref_squeeze %dma_start3A_416 : memref<1x1x128xi32, #tpu.memory_space<vmem>> -> memref<128xi32, #tpu.memory_space<vmem>>
      %dma_start3A_418 = arith.constant 0 : i32
      %dma_start3A_419 = arith.constant 0 : i32
      %dma_start3A_420 = tpu.memref_slice %arg2[%dma_start3A_418, %dma_start3A_419] : memref<10000x128xf32, #tpu.memory_space<hbm>> -> memref<10000x128xf32, #tpu.memory_space<hbm>>
      tpu.enqueue_indirect_dma source(%dma_start3A_420 : memref<10000x128xf32, #tpu.memory_space<hbm>>) target(%arg9 : memref<128x128xf32, #tpu.memory_space<vmem>>) offsets(%dma_start3A_417 : memref<128xi32, #tpu.memory_space<vmem>>) semaphore(%arg13 : memref<!tpu.dma_semaphore, #tpu.memory_space<semaphore_mem>>)
      %mul3A_421 = arith.constant 2 : i32
      %mul3A_422 = arith.muli %mul3A_421, %scan3A_409 : i32
      %dma_wait3A_423 = arith.constant 0 : i32
      %dma_wait3A_424 = arith.constant 0 : i32
      %dma_wait3A_425 = tpu.memref_slice %arg6[%dma_wait3A_423, %mul3A_422, %dma_wait3A_424] : memref<2x20x128xi32, #tpu.memory_space<vmem>> -> memref<1x1x128xi32, #tpu.memory_space<vmem>>
      %dma_wait3A_426 = tpu.memref_squeeze %dma_wait3A_425 : memref<1x1x128xi32, #tpu.memory_space<vmem>> -> memref<128xi32, #tpu.memory_space<vmem>>
      %dma_wait3A_427 = arith.constant 0 : i32
      %dma_wait3A_428 = arith.constant 0 : i32
      %dma_wait3A_429 = tpu.memref_slice %arg2[%dma_wait3A_427, %dma_wait3A_428] : memref<10000x128xf32, #tpu.memory_space<hbm>> -> memref<10000x128xf32, #tpu.memory_space<hbm>>
      tpu.wait_indirect_dma semaphore(%arg12 : memref<!tpu.dma_semaphore, #tpu.memory_space<semaphore_mem>>) src(%dma_wait3A_429 : memref<10000x128xf32, #tpu.memory_space<hbm>>) dst(%arg8 : memref<128x128xf32, #tpu.memory_space<vmem>>)
      %mul3A_430 = arith.constant 2 : i32
      %mul3A_431 = arith.muli %mul3A_430, %scan3A_409 : i32
      %run_scoped3A_432 = arith.constant 1 : i32
      "tpu.region"() ({
        %run_scoped3A_460 = tpu.sem_alloc : memref<!tpu.dma_semaphore, #tpu.memory_space<semaphore_mem>>
        %dma_start3A_461 = arith.constant 0 : i32
        %dma_start3A_462 = tpu.memref_slice %arg6[%run_scoped3A_432, %mul3A_431, %dma_start3A_461] : memref<2x20x128xi32, #tpu.memory_space<vmem>> -> memref<1x1x128xi32, #tpu.memory_space<vmem>>
        %dma_start3A_463 = tpu.memref_squeeze %dma_start3A_462 : memref<1x1x128xi32, #tpu.memory_space<vmem>> -> memref<128xi32, #tpu.memory_space<vmem>>
        %dma_start3A_464 = arith.constant 0 : i32
        %dma_start3A_465 = arith.constant 0 : i32
        %dma_start3A_466 = tpu.memref_slice %arg10[%dma_start3A_464, %dma_start3A_465] : memref<10112x128xf32, #tpu.memory_space<vmem_shared>> -> memref<10112x128xf32, #tpu.memory_space<vmem_shared>>
        tpu.enqueue_indirect_dma source(%arg8 : memref<128x128xf32, #tpu.memory_space<vmem>>) target(%dma_start3A_466 : memref<10112x128xf32, #tpu.memory_space<vmem_shared>>) offsets(%dma_start3A_463 : memref<128xi32, #tpu.memory_space<vmem>>) semaphore(%run_scoped3A_460 : memref<!tpu.dma_semaphore, #tpu.memory_space<semaphore_mem>>) {add = true}
        %dma_wait3A_467 = arith.constant 0 : i32
        %dma_wait3A_468 = tpu.memref_slice %arg6[%run_scoped3A_432, %mul3A_431, %dma_wait3A_467] : memref<2x20x128xi32, #tpu.memory_space<vmem>> -> memref<1x1x128xi32, #tpu.memory_space<vmem>>
        %dma_wait3A_469 = tpu.memref_squeeze %dma_wait3A_468 : memref<1x1x128xi32, #tpu.memory_space<vmem>> -> memref<128xi32, #tpu.memory_space<vmem>>
        %dma_wait3A_470 = arith.constant 0 : i32
        %dma_wait3A_471 = arith.constant 0 : i32
        %dma_wait3A_472 = tpu.memref_slice %arg10[%dma_wait3A_470, %dma_wait3A_471] : memref<10112x128xf32, #tpu.memory_space<vmem_shared>> -> memref<10112x128xf32, #tpu.memory_space<vmem_shared>>
        tpu.wait_indirect_dma semaphore(%run_scoped3A_460 : memref<!tpu.dma_semaphore, #tpu.memory_space<semaphore_mem>>) src(%arg8 : memref<128x128xf32, #tpu.memory_space<vmem>>) dst(%dma_wait3A_472 : memref<10112x128xf32, #tpu.memory_space<vmem_shared>>)
        tpu.yield
      }) : () -> ()
      %mul3A_433 = arith.constant 2 : i32
      %mul3A_434 = arith.muli %mul3A_433, %scan3A_409 : i32
      %add3A_435 = arith.constant 2 : i32
      %add3A_436 = arith.addi %mul3A_434, %add3A_435 : i32
      %dma_start3A_437 = arith.constant 0 : i32
      %dma_start3A_438 = arith.constant 0 : i32
      %dma_start3A_439 = tpu.memref_slice %arg6[%dma_start3A_437, %add3A_436, %dma_start3A_438] : memref<2x20x128xi32, #tpu.memory_space<vmem>> -> memref<1x1x128xi32, #tpu.memory_space<vmem>>
      %dma_start3A_440 = tpu.memref_squeeze %dma_start3A_439 : memref<1x1x128xi32, #tpu.memory_space<vmem>> -> memref<128xi32, #tpu.memory_space<vmem>>
      %dma_start3A_441 = arith.constant 0 : i32
      %dma_start3A_442 = arith.constant 0 : i32
      %dma_start3A_443 = tpu.memref_slice %arg2[%dma_start3A_441, %dma_start3A_442] : memref<10000x128xf32, #tpu.memory_space<hbm>> -> memref<10000x128xf32, #tpu.memory_space<hbm>>
      tpu.enqueue_indirect_dma source(%dma_start3A_443 : memref<10000x128xf32, #tpu.memory_space<hbm>>) target(%arg8 : memref<128x128xf32, #tpu.memory_space<vmem>>) offsets(%dma_start3A_440 : memref<128xi32, #tpu.memory_space<vmem>>) semaphore(%arg12 : memref<!tpu.dma_semaphore, #tpu.memory_space<semaphore_mem>>)
      %mul3A_444 = arith.constant 2 : i32
      %mul3A_445 = arith.muli %mul3A_444, %scan3A_409 : i32
      %add3A_446 = arith.constant 1 : i32
      %add3A_447 = arith.addi %mul3A_445, %add3A_446 : i32
      %dma_wait3A_448 = arith.constant 0 : i32
      %dma_wait3A_449 = arith.constant 0 : i32
      %dma_wait3A_450 = tpu.memref_slice %arg6[%dma_wait3A_448, %add3A_447, %dma_wait3A_449] : memref<2x20x128xi32, #tpu.memory_space<vmem>> -> memref<1x1x128xi32, #tpu.memory_space<vmem>>
      %dma_wait3A_451 = tpu.memref_squeeze %dma_wait3A_450 : memref<1x1x128xi32, #tpu.memory_space<vmem>> -> memref<128xi32, #tpu.memory_space<vmem>>
      %dma_wait3A_452 = arith.constant 0 : i32
      %dma_wait3A_453 = arith.constant 0 : i32
      %dma_wait3A_454 = tpu.memref_slice %arg2[%dma_wait3A_452, %dma_wait3A_453] : memref<10000x128xf32, #tpu.memory_space<hbm>> -> memref<10000x128xf32, #tpu.memory_space<hbm>>
      tpu.wait_indirect_dma semaphore(%arg13 : memref<!tpu.dma_semaphore, #tpu.memory_space<semaphore_mem>>) src(%dma_wait3A_454 : memref<10000x128xf32, #tpu.memory_space<hbm>>) dst(%arg9 : memref<128x128xf32, #tpu.memory_space<vmem>>)
      %mul3A_455 = arith.constant 2 : i32
      %mul3A_456 = arith.muli %mul3A_455, %scan3A_409 : i32
      %add3A_457 = arith.constant 1 : i32
      %add3A_458 = arith.addi %mul3A_456, %add3A_457 : i32
      %run_scoped3A_459 = arith.constant 1 : i32
      "tpu.region"() ({
        %run_scoped3A_460 = tpu.sem_alloc : memref<!tpu.dma_semaphore, #tpu.memory_space<semaphore_mem>>
        %dma_start3A_461 = arith.constant 0 : i32
        %dma_start3A_462 = tpu.memref_slice %arg6[%run_scoped3A_459, %add3A_458, %dma_start3A_461] : memref<2x20x128xi32, #tpu.memory_space<vmem>> -> memref<1x1x128xi32, #tpu.memory_space<vmem>>
        %dma_start3A_463 = tpu.memref_squeeze %dma_start3A_462 : memref<1x1x128xi32, #tpu.memory_space<vmem>> -> memref<128xi32, #tpu.memory_space<vmem>>
        %dma_start3A_464 = arith.constant 0 : i32
        %dma_start3A_465 = arith.constant 0 : i32
        %dma_start3A_466 = tpu.memref_slice %arg10[%dma_start3A_464, %dma_start3A_465] : memref<10112x128xf32, #tpu.memory_space<vmem_shared>> -> memref<10112x128xf32, #tpu.memory_space<vmem_shared>>
        tpu.enqueue_indirect_dma source(%arg9 : memref<128x128xf32, #tpu.memory_space<vmem>>) target(%dma_start3A_466 : memref<10112x128xf32, #tpu.memory_space<vmem_shared>>) offsets(%dma_start3A_463 : memref<128xi32, #tpu.memory_space<vmem>>) semaphore(%run_scoped3A_460 : memref<!tpu.dma_semaphore, #tpu.memory_space<semaphore_mem>>) {add = true}
        %dma_wait3A_467 = arith.constant 0 : i32
        %dma_wait3A_468 = tpu.memref_slice %arg6[%run_scoped3A_459, %add3A_458, %dma_wait3A_467] : memref<2x20x128xi32, #tpu.memory_space<vmem>> -> memref<1x1x128xi32, #tpu.memory_space<vmem>>
        %dma_wait3A_469 = tpu.memref_squeeze %dma_wait3A_468 : memref<1x1x128xi32, #tpu.memory_space<vmem>> -> memref<128xi32, #tpu.memory_space<vmem>>
        %dma_wait3A_470 = arith.constant 0 : i32
        %dma_wait3A_471 = arith.constant 0 : i32
        %dma_wait3A_472 = tpu.memref_slice %arg10[%dma_wait3A_470, %dma_wait3A_471] : memref<10112x128xf32, #tpu.memory_space<vmem_shared>> -> memref<10112x128xf32, #tpu.memory_space<vmem_shared>>
        tpu.wait_indirect_dma semaphore(%run_scoped3A_460 : memref<!tpu.dma_semaphore, #tpu.memory_space<semaphore_mem>>) src(%arg9 : memref<128x128xf32, #tpu.memory_space<vmem>>) dst(%dma_wait3A_472 : memref<10112x128xf32, #tpu.memory_space<vmem_shared>>)
        tpu.yield
      }) : () -> ()
    }
    %scan3A_297 = arith.constant 9 : i32
    %dma_start3A_298 = arith.constant 0 : i32
    %dma_start3A_299 = arith.constant 19 : i32
    %dma_start3A_300 = arith.constant 0 : i32
    %dma_start3A_301 = tpu.memref_slice %arg6[%dma_start3A_298, %dma_start3A_299, %dma_start3A_300] : memref<2x20x128xi32, #tpu.memory_space<vmem>> -> memref<1x1x128xi32, #tpu.memory_space<vmem>>
    %dma_start3A_302 = tpu.memref_squeeze %dma_start3A_301 : memref<1x1x128xi32, #tpu.memory_space<vmem>> -> memref<128xi32, #tpu.memory_space<vmem>>
    %dma_start3A_303 = arith.constant 0 : i32
    %dma_start3A_304 = arith.constant 0 : i32
    %dma_start3A_305 = tpu.memref_slice %arg2[%dma_start3A_303, %dma_start3A_304] : memref<10000x128xf32, #tpu.memory_space<hbm>> -> memref<10000x128xf32, #tpu.memory_space<hbm>>
    tpu.enqueue_indirect_dma source(%dma_start3A_305 : memref<10000x128xf32, #tpu.memory_space<hbm>>) target(%arg9 : memref<128x128xf32, #tpu.memory_space<vmem>>) offsets(%dma_start3A_302 : memref<128xi32, #tpu.memory_space<vmem>>) semaphore(%arg13 : memref<!tpu.dma_semaphore, #tpu.memory_space<semaphore_mem>>)
    %dma_wait3A_306 = arith.constant 0 : i32
    %dma_wait3A_307 = arith.constant 18 : i32
    %dma_wait3A_308 = arith.constant 0 : i32
    %dma_wait3A_309 = tpu.memref_slice %arg6[%dma_wait3A_306, %dma_wait3A_307, %dma_wait3A_308] : memref<2x20x128xi32, #tpu.memory_space<vmem>> -> memref<1x1x128xi32, #tpu.memory_space<vmem>>
    %dma_wait3A_310 = tpu.memref_squeeze %dma_wait3A_309 : memref<1x1x128xi32, #tpu.memory_space<vmem>> -> memref<128xi32, #tpu.memory_space<vmem>>
    %dma_wait3A_311 = arith.constant 0 : i32
    %dma_wait3A_312 = arith.constant 0 : i32
    %dma_wait3A_313 = tpu.memref_slice %arg2[%dma_wait3A_311, %dma_wait3A_312] : memref<10000x128xf32, #tpu.memory_space<hbm>> -> memref<10000x128xf32, #tpu.memory_space<hbm>>
    tpu.wait_indirect_dma semaphore(%arg12 : memref<!tpu.dma_semaphore, #tpu.memory_space<semaphore_mem>>) src(%dma_wait3A_313 : memref<10000x128xf32, #tpu.memory_space<hbm>>) dst(%arg8 : memref<128x128xf32, #tpu.memory_space<vmem>>)
    %run_scoped3A_314 = arith.constant 1 : i32
    %run_scoped3A_315 = arith.constant 18 : i32
    "tpu.region"() ({
      %run_scoped3A_409 = tpu.sem_alloc : memref<!tpu.dma_semaphore, #tpu.memory_space<semaphore_mem>>
      %dma_start3A_410 = arith.constant 0 : i32
      %dma_start3A_411 = tpu.memref_slice %arg6[%run_scoped3A_314, %run_scoped3A_315, %dma_start3A_410] : memref<2x20x128xi32, #tpu.memory_space<vmem>> -> memref<1x1x128xi32, #tpu.memory_space<vmem>>
      %dma_start3A_412 = tpu.memref_squeeze %dma_start3A_411 : memref<1x1x128xi32, #tpu.memory_space<vmem>> -> memref<128xi32, #tpu.memory_space<vmem>>
      %dma_start3A_413 = arith.constant 0 : i32
      %dma_start3A_414 = arith.constant 0 : i32
      %dma_start3A_415 = tpu.memref_slice %arg10[%dma_start3A_413, %dma_start3A_414] : memref<10112x128xf32, #tpu.memory_space<vmem_shared>> -> memref<10112x128xf32, #tpu.memory_space<vmem_shared>>
      tpu.enqueue_indirect_dma source(%arg8 : memref<128x128xf32, #tpu.memory_space<vmem>>) target(%dma_start3A_415 : memref<10112x128xf32, #tpu.memory_space<vmem_shared>>) offsets(%dma_start3A_412 : memref<128xi32, #tpu.memory_space<vmem>>) semaphore(%run_scoped3A_409 : memref<!tpu.dma_semaphore, #tpu.memory_space<semaphore_mem>>) {add = true}
      %dma_wait3A_416 = arith.constant 0 : i32
      %dma_wait3A_417 = tpu.memref_slice %arg6[%run_scoped3A_314, %run_scoped3A_315, %dma_wait3A_416] : memref<2x20x128xi32, #tpu.memory_space<vmem>> -> memref<1x1x128xi32, #tpu.memory_space<vmem>>
      %dma_wait3A_418 = tpu.memref_squeeze %dma_wait3A_417 : memref<1x1x128xi32, #tpu.memory_space<vmem>> -> memref<128xi32, #tpu.memory_space<vmem>>
      %dma_wait3A_419 = arith.constant 0 : i32
      %dma_wait3A_420 = arith.constant 0 : i32
      %dma_wait3A_421 = tpu.memref_slice %arg10[%dma_wait3A_419, %dma_wait3A_420] : memref<10112x128xf32, #tpu.memory_space<vmem_shared>> -> memref<10112x128xf32, #tpu.memory_space<vmem_shared>>
      tpu.wait_indirect_dma semaphore(%run_scoped3A_409 : memref<!tpu.dma_semaphore, #tpu.memory_space<semaphore_mem>>) src(%arg8 : memref<128x128xf32, #tpu.memory_space<vmem>>) dst(%dma_wait3A_421 : memref<10112x128xf32, #tpu.memory_space<vmem_shared>>)
      tpu.yield
    }) : () -> ()
    %dma_wait3A_316 = arith.constant 0 : i32
    %dma_wait3A_317 = arith.constant 19 : i32
    %dma_wait3A_318 = arith.constant 0 : i32
    %dma_wait3A_319 = tpu.memref_slice %arg6[%dma_wait3A_316, %dma_wait3A_317, %dma_wait3A_318] : memref<2x20x128xi32, #tpu.memory_space<vmem>> -> memref<1x1x128xi32, #tpu.memory_space<vmem>>
    %dma_wait3A_320 = tpu.memref_squeeze %dma_wait3A_319 : memref<1x1x128xi32, #tpu.memory_space<vmem>> -> memref<128xi32, #tpu.memory_space<vmem>>
    %dma_wait3A_321 = arith.constant 0 : i32
    %dma_wait3A_322 = arith.constant 0 : i32
    %dma_wait3A_323 = tpu.memref_slice %arg2[%dma_wait3A_321, %dma_wait3A_322] : memref<10000x128xf32, #tpu.memory_space<hbm>> -> memref<10000x128xf32, #tpu.memory_space<hbm>>
    tpu.wait_indirect_dma semaphore(%arg13 : memref<!tpu.dma_semaphore, #tpu.memory_space<semaphore_mem>>) src(%dma_wait3A_323 : memref<10000x128xf32, #tpu.memory_space<hbm>>) dst(%arg9 : memref<128x128xf32, #tpu.memory_space<vmem>>)
    %run_scoped3A_324 = arith.constant 1 : i32
    %run_scoped3A_325 = arith.constant 19 : i32
    "tpu.region"() ({
      %run_scoped3A_409 = tpu.sem_alloc : memref<!tpu.dma_semaphore, #tpu.memory_space<semaphore_mem>>
      %dma_start3A_410 = arith.constant 0 : i32
      %dma_start3A_411 = tpu.memref_slice %arg6[%run_scoped3A_324, %run_scoped3A_325, %dma_start3A_410] : memref<2x20x128xi32, #tpu.memory_space<vmem>> -> memref<1x1x128xi32, #tpu.memory_space<vmem>>
      %dma_start3A_412 = tpu.memref_squeeze %dma_start3A_411 : memref<1x1x128xi32, #tpu.memory_space<vmem>> -> memref<128xi32, #tpu.memory_space<vmem>>
      %dma_start3A_413 = arith.constant 0 : i32
      %dma_start3A_414 = arith.constant 0 : i32
      %dma_start3A_415 = tpu.memref_slice %arg10[%dma_start3A_413, %dma_start3A_414] : memref<10112x128xf32, #tpu.memory_space<vmem_shared>> -> memref<10112x128xf32, #tpu.memory_space<vmem_shared>>
      tpu.enqueue_indirect_dma source(%arg9 : memref<128x128xf32, #tpu.memory_space<vmem>>) target(%dma_start3A_415 : memref<10112x128xf32, #tpu.memory_space<vmem_shared>>) offsets(%dma_start3A_412 : memref<128xi32, #tpu.memory_space<vmem>>) semaphore(%run_scoped3A_409 : memref<!tpu.dma_semaphore, #tpu.memory_space<semaphore_mem>>) {add = true}
      %dma_wait3A_416 = arith.constant 0 : i32
      %dma_wait3A_417 = tpu.memref_slice %arg6[%run_scoped3A_324, %run_scoped3A_325, %dma_wait3A_416] : memref<2x20x128xi32, #tpu.memory_space<vmem>> -> memref<1x1x128xi32, #tpu.memory_space<vmem>>
      %dma_wait3A_418 = tpu.memref_squeeze %dma_wait3A_417 : memref<1x1x128xi32, #tpu.memory_space<vmem>> -> memref<128xi32, #tpu.memory_space<vmem>>
      %dma_wait3A_419 = arith.constant 0 : i32
      %dma_wait3A_420 = arith.constant 0 : i32
      %dma_wait3A_421 = tpu.memref_slice %arg10[%dma_wait3A_419, %dma_wait3A_420] : memref<10112x128xf32, #tpu.memory_space<vmem_shared>> -> memref<10112x128xf32, #tpu.memory_space<vmem_shared>>
      tpu.wait_indirect_dma semaphore(%run_scoped3A_409 : memref<!tpu.dma_semaphore, #tpu.memory_space<semaphore_mem>>) src(%arg9 : memref<128x128xf32, #tpu.memory_space<vmem>>) dst(%dma_wait3A_421 : memref<10112x128xf32, #tpu.memory_space<vmem_shared>>)
      tpu.yield
    }) : () -> ()
    %dma_wait3A_326 = arith.constant 3 : i32
    %dma_wait3A_327 = arith.constant 0 : i32
    %dma_wait3A_328 = arith.constant 0 : i32
    %dma_wait3A_329 = arith.constant 0 : i32
    %dma_wait3A_330 = tpu.memref_slice %arg7[%dma_wait3A_327, %dma_wait3A_328, %dma_wait3A_329] : memref<2x20x128xi32, #tpu.memory_space<vmem>> -> memref<1x20x128xi32, #tpu.memory_space<vmem>>
    %dma_wait3A_331 = tpu.memref_squeeze %dma_wait3A_330 : memref<1x20x128xi32, #tpu.memory_space<vmem>> -> memref<20x128xi32, #tpu.memory_space<vmem>>
    %dma_wait3A_332 = arith.constant 0 : i32
    %dma_wait3A_333 = arith.constant 0 : i32
    %dma_wait3A_334 = tpu.memref_slice %arg3[%add3A, %dma_wait3A_326, %dma_wait3A_332, %dma_wait3A_333] : memref<32x4x20x128xi32, #tpu.memory_space<hbm>> -> memref<1x1x20x128xi32, #tpu.memory_space<hbm>>
    %dma_wait3A_335 = tpu.memref_squeeze %dma_wait3A_334 : memref<1x1x20x128xi32, #tpu.memory_space<hbm>> -> memref<20x128xi32, #tpu.memory_space<hbm>>
    %dma_wait3A_336 = arith.constant 0 : i32
    %dma_wait3A_337 = arith.constant 0 : i32
    %dma_wait3A_338 = tpu.memref_slice %arg7[%dma_wait3A_327, %dma_wait3A_336, %dma_wait3A_337] : memref<2x20x128xi32, #tpu.memory_space<vmem>> -> memref<1x20x128xi32, #tpu.memory_space<vmem>>
    %dma_wait3A_339 = tpu.memref_squeeze %dma_wait3A_338 : memref<1x20x128xi32, #tpu.memory_space<vmem>> -> memref<20x128xi32, #tpu.memory_space<vmem>>
    %dma_wait3A_340 = arith.constant 0 : i32
    %dma_wait3A_341 = arith.constant 0 : i32
    %dma_wait3A_342 = tpu.memref_slice %arg3[%add3A, %dma_wait3A_326, %dma_wait3A_340, %dma_wait3A_341] : memref<32x4x20x128xi32, #tpu.memory_space<hbm>> -> memref<1x1x20x128xi32, #tpu.memory_space<hbm>>
    %dma_wait3A_343 = tpu.memref_squeeze %dma_wait3A_342 : memref<1x1x20x128xi32, #tpu.memory_space<hbm>> -> memref<20x128xi32, #tpu.memory_space<hbm>>
    tpu.wait_dma2 semaphore(%arg11 : memref<!tpu.dma_semaphore, #tpu.memory_space<semaphore_mem>>) src(%dma_wait3A_343 : memref<20x128xi32, #tpu.memory_space<hbm>>) dst(%dma_wait3A_339 : memref<20x128xi32, #tpu.memory_space<vmem>>)
    %dma_wait3A_344 = arith.constant 3 : i32
    %dma_wait3A_345 = arith.constant 1 : i32
    %dma_wait3A_346 = arith.constant 0 : i32
    %dma_wait3A_347 = arith.constant 0 : i32
    %dma_wait3A_348 = tpu.memref_slice %arg7[%dma_wait3A_345, %dma_wait3A_346, %dma_wait3A_347] : memref<2x20x128xi32, #tpu.memory_space<vmem>> -> memref<1x20x128xi32, #tpu.memory_space<vmem>>
    %dma_wait3A_349 = tpu.memref_squeeze %dma_wait3A_348 : memref<1x20x128xi32, #tpu.memory_space<vmem>> -> memref<20x128xi32, #tpu.memory_space<vmem>>
    %dma_wait3A_350 = arith.constant 0 : i32
    %dma_wait3A_351 = arith.constant 0 : i32
    %dma_wait3A_352 = tpu.memref_slice %arg4[%add3A, %dma_wait3A_344, %dma_wait3A_350, %dma_wait3A_351] : memref<32x4x20x128xi32, #tpu.memory_space<hbm>> -> memref<1x1x20x128xi32, #tpu.memory_space<hbm>>
    %dma_wait3A_353 = tpu.memref_squeeze %dma_wait3A_352 : memref<1x1x20x128xi32, #tpu.memory_space<hbm>> -> memref<20x128xi32, #tpu.memory_space<hbm>>
    %dma_wait3A_354 = arith.constant 0 : i32
    %dma_wait3A_355 = arith.constant 0 : i32
    %dma_wait3A_356 = tpu.memref_slice %arg7[%dma_wait3A_345, %dma_wait3A_354, %dma_wait3A_355] : memref<2x20x128xi32, #tpu.memory_space<vmem>> -> memref<1x20x128xi32, #tpu.memory_space<vmem>>
    %dma_wait3A_357 = tpu.memref_squeeze %dma_wait3A_356 : memref<1x20x128xi32, #tpu.memory_space<vmem>> -> memref<20x128xi32, #tpu.memory_space<vmem>>
    %dma_wait3A_358 = arith.constant 0 : i32
    %dma_wait3A_359 = arith.constant 0 : i32
    %dma_wait3A_360 = tpu.memref_slice %arg4[%add3A, %dma_wait3A_344, %dma_wait3A_358, %dma_wait3A_359] : memref<32x4x20x128xi32, #tpu.memory_space<hbm>> -> memref<1x1x20x128xi32, #tpu.memory_space<hbm>>
    %dma_wait3A_361 = tpu.memref_squeeze %dma_wait3A_360 : memref<1x1x20x128xi32, #tpu.memory_space<hbm>> -> memref<20x128xi32, #tpu.memory_space<hbm>>
    tpu.wait_dma2 semaphore(%arg11 : memref<!tpu.dma_semaphore, #tpu.memory_space<semaphore_mem>>) src(%dma_wait3A_361 : memref<20x128xi32, #tpu.memory_space<hbm>>) dst(%dma_wait3A_357 : memref<20x128xi32, #tpu.memory_space<vmem>>)
    %dma_start3A_362 = arith.constant 0 : i32
    %dma_start3A_363 = arith.constant 0 : i32
    %dma_start3A_364 = arith.constant 0 : i32
    %dma_start3A_365 = tpu.memref_slice %arg7[%dma_start3A_362, %dma_start3A_363, %dma_start3A_364] : memref<2x20x128xi32, #tpu.memory_space<vmem>> -> memref<1x1x128xi32, #tpu.memory_space<vmem>>
    %dma_start3A_366 = tpu.memref_squeeze %dma_start3A_365 : memref<1x1x128xi32, #tpu.memory_space<vmem>> -> memref<128xi32, #tpu.memory_space<vmem>>
    %dma_start3A_367 = arith.constant 0 : i32
    %dma_start3A_368 = arith.constant 0 : i32
    %dma_start3A_369 = tpu.memref_slice %arg2[%dma_start3A_367, %dma_start3A_368] : memref<10000x128xf32, #tpu.memory_space<hbm>> -> memref<10000x128xf32, #tpu.memory_space<hbm>>
    tpu.enqueue_indirect_dma source(%dma_start3A_369 : memref<10000x128xf32, #tpu.memory_space<hbm>>) target(%arg8 : memref<128x128xf32, #tpu.memory_space<vmem>>) offsets(%dma_start3A_366 : memref<128xi32, #tpu.memory_space<vmem>>) semaphore(%arg12 : memref<!tpu.dma_semaphore, #tpu.memory_space<semaphore_mem>>)
    %scan3A_370 = arith.constant 0 : i32
    %scan3A_371 = arith.constant 0 : i32
    %scan3A_372 = arith.constant 9 : i32
    %scan3A_373 = arith.addi %scan3A_371, %scan3A_372 : i32
    %scan3A_374 = arith.constant 1 : i32
    scf.for %scan3A_409 = %scan3A_371 to %scan3A_373 step %scan3A_374  : i32 {
      %mul3A_410 = arith.constant 2 : i32
      %mul3A_411 = arith.muli %mul3A_410, %scan3A_409 : i32
      %add3A_412 = arith.constant 1 : i32
      %add3A_413 = arith.addi %mul3A_411, %add3A_412 : i32
      %dma_start3A_414 = arith.constant 0 : i32
      %dma_start3A_415 = arith.constant 0 : i32
      %dma_start3A_416 = tpu.memref_slice %arg7[%dma_start3A_414, %add3A_413, %dma_start3A_415] : memref<2x20x128xi32, #tpu.memory_space<vmem>> -> memref<1x1x128xi32, #tpu.memory_space<vmem>>
      %dma_start3A_417 = tpu.memref_squeeze %dma_start3A_416 : memref<1x1x128xi32, #tpu.memory_space<vmem>> -> memref<128xi32, #tpu.memory_space<vmem>>
      %dma_start3A_418 = arith.constant 0 : i32
      %dma_start3A_419 = arith.constant 0 : i32
      %dma_start3A_420 = tpu.memref_slice %arg2[%dma_start3A_418, %dma_start3A_419] : memref<10000x128xf32, #tpu.memory_space<hbm>> -> memref<10000x128xf32, #tpu.memory_space<hbm>>
      tpu.enqueue_indirect_dma source(%dma_start3A_420 : memref<10000x128xf32, #tpu.memory_space<hbm>>) target(%arg9 : memref<128x128xf32, #tpu.memory_space<vmem>>) offsets(%dma_start3A_417 : memref<128xi32, #tpu.memory_space<vmem>>) semaphore(%arg13 : memref<!tpu.dma_semaphore, #tpu.memory_space<semaphore_mem>>)
      %mul3A_421 = arith.constant 2 : i32
      %mul3A_422 = arith.muli %mul3A_421, %scan3A_409 : i32
      %dma_wait3A_423 = arith.constant 0 : i32
      %dma_wait3A_424 = arith.constant 0 : i32
      %dma_wait3A_425 = tpu.memref_slice %arg7[%dma_wait3A_423, %mul3A_422, %dma_wait3A_424] : memref<2x20x128xi32, #tpu.memory_space<vmem>> -> memref<1x1x128xi32, #tpu.memory_space<vmem>>
      %dma_wait3A_426 = tpu.memref_squeeze %dma_wait3A_425 : memref<1x1x128xi32, #tpu.memory_space<vmem>> -> memref<128xi32, #tpu.memory_space<vmem>>
      %dma_wait3A_427 = arith.constant 0 : i32
      %dma_wait3A_428 = arith.constant 0 : i32
      %dma_wait3A_429 = tpu.memref_slice %arg2[%dma_wait3A_427, %dma_wait3A_428] : memref<10000x128xf32, #tpu.memory_space<hbm>> -> memref<10000x128xf32, #tpu.memory_space<hbm>>
      tpu.wait_indirect_dma semaphore(%arg12 : memref<!tpu.dma_semaphore, #tpu.memory_space<semaphore_mem>>) src(%dma_wait3A_429 : memref<10000x128xf32, #tpu.memory_space<hbm>>) dst(%arg8 : memref<128x128xf32, #tpu.memory_space<vmem>>)
      %mul3A_430 = arith.constant 2 : i32
      %mul3A_431 = arith.muli %mul3A_430, %scan3A_409 : i32
      %run_scoped3A_432 = arith.constant 1 : i32
      "tpu.region"() ({
        %run_scoped3A_460 = tpu.sem_alloc : memref<!tpu.dma_semaphore, #tpu.memory_space<semaphore_mem>>
        %dma_start3A_461 = arith.constant 0 : i32
        %dma_start3A_462 = tpu.memref_slice %arg7[%run_scoped3A_432, %mul3A_431, %dma_start3A_461] : memref<2x20x128xi32, #tpu.memory_space<vmem>> -> memref<1x1x128xi32, #tpu.memory_space<vmem>>
        %dma_start3A_463 = tpu.memref_squeeze %dma_start3A_462 : memref<1x1x128xi32, #tpu.memory_space<vmem>> -> memref<128xi32, #tpu.memory_space<vmem>>
        %dma_start3A_464 = arith.constant 0 : i32
        %dma_start3A_465 = arith.constant 0 : i32
        %dma_start3A_466 = tpu.memref_slice %arg10[%dma_start3A_464, %dma_start3A_465] : memref<10112x128xf32, #tpu.memory_space<vmem_shared>> -> memref<10112x128xf32, #tpu.memory_space<vmem_shared>>
        tpu.enqueue_indirect_dma source(%arg8 : memref<128x128xf32, #tpu.memory_space<vmem>>) target(%dma_start3A_466 : memref<10112x128xf32, #tpu.memory_space<vmem_shared>>) offsets(%dma_start3A_463 : memref<128xi32, #tpu.memory_space<vmem>>) semaphore(%run_scoped3A_460 : memref<!tpu.dma_semaphore, #tpu.memory_space<semaphore_mem>>) {add = true}
        %dma_wait3A_467 = arith.constant 0 : i32
        %dma_wait3A_468 = tpu.memref_slice %arg7[%run_scoped3A_432, %mul3A_431, %dma_wait3A_467] : memref<2x20x128xi32, #tpu.memory_space<vmem>> -> memref<1x1x128xi32, #tpu.memory_space<vmem>>
        %dma_wait3A_469 = tpu.memref_squeeze %dma_wait3A_468 : memref<1x1x128xi32, #tpu.memory_space<vmem>> -> memref<128xi32, #tpu.memory_space<vmem>>
        %dma_wait3A_470 = arith.constant 0 : i32
        %dma_wait3A_471 = arith.constant 0 : i32
        %dma_wait3A_472 = tpu.memref_slice %arg10[%dma_wait3A_470, %dma_wait3A_471] : memref<10112x128xf32, #tpu.memory_space<vmem_shared>> -> memref<10112x128xf32, #tpu.memory_space<vmem_shared>>
        tpu.wait_indirect_dma semaphore(%run_scoped3A_460 : memref<!tpu.dma_semaphore, #tpu.memory_space<semaphore_mem>>) src(%arg8 : memref<128x128xf32, #tpu.memory_space<vmem>>) dst(%dma_wait3A_472 : memref<10112x128xf32, #tpu.memory_space<vmem_shared>>)
        tpu.yield
      }) : () -> ()
      %mul3A_433 = arith.constant 2 : i32
      %mul3A_434 = arith.muli %mul3A_433, %scan3A_409 : i32
      %add3A_435 = arith.constant 2 : i32
      %add3A_436 = arith.addi %mul3A_434, %add3A_435 : i32
      %dma_start3A_437 = arith.constant 0 : i32
      %dma_start3A_438 = arith.constant 0 : i32
      %dma_start3A_439 = tpu.memref_slice %arg7[%dma_start3A_437, %add3A_436, %dma_start3A_438] : memref<2x20x128xi32, #tpu.memory_space<vmem>> -> memref<1x1x128xi32, #tpu.memory_space<vmem>>
      %dma_start3A_440 = tpu.memref_squeeze %dma_start3A_439 : memref<1x1x128xi32, #tpu.memory_space<vmem>> -> memref<128xi32, #tpu.memory_space<vmem>>
      %dma_start3A_441 = arith.constant 0 : i32
      %dma_start3A_442 = arith.constant 0 : i32
      %dma_start3A_443 = tpu.memref_slice %arg2[%dma_start3A_441, %dma_start3A_442] : memref<10000x128xf32, #tpu.memory_space<hbm>> -> memref<10000x128xf32, #tpu.memory_space<hbm>>
      tpu.enqueue_indirect_dma source(%dma_start3A_443 : memref<10000x128xf32, #tpu.memory_space<hbm>>) target(%arg8 : memref<128x128xf32, #tpu.memory_space<vmem>>) offsets(%dma_start3A_440 : memref<128xi32, #tpu.memory_space<vmem>>) semaphore(%arg12 : memref<!tpu.dma_semaphore, #tpu.memory_space<semaphore_mem>>)
      %mul3A_444 = arith.constant 2 : i32
      %mul3A_445 = arith.muli %mul3A_444, %scan3A_409 : i32
      %add3A_446 = arith.constant 1 : i32
      %add3A_447 = arith.addi %mul3A_445, %add3A_446 : i32
      %dma_wait3A_448 = arith.constant 0 : i32
      %dma_wait3A_449 = arith.constant 0 : i32
      %dma_wait3A_450 = tpu.memref_slice %arg7[%dma_wait3A_448, %add3A_447, %dma_wait3A_449] : memref<2x20x128xi32, #tpu.memory_space<vmem>> -> memref<1x1x128xi32, #tpu.memory_space<vmem>>
      %dma_wait3A_451 = tpu.memref_squeeze %dma_wait3A_450 : memref<1x1x128xi32, #tpu.memory_space<vmem>> -> memref<128xi32, #tpu.memory_space<vmem>>
      %dma_wait3A_452 = arith.constant 0 : i32
      %dma_wait3A_453 = arith.constant 0 : i32
      %dma_wait3A_454 = tpu.memref_slice %arg2[%dma_wait3A_452, %dma_wait3A_453] : memref<10000x128xf32, #tpu.memory_space<hbm>> -> memref<10000x128xf32, #tpu.memory_space<hbm>>
      tpu.wait_indirect_dma semaphore(%arg13 : memref<!tpu.dma_semaphore, #tpu.memory_space<semaphore_mem>>) src(%dma_wait3A_454 : memref<10000x128xf32, #tpu.memory_space<hbm>>) dst(%arg9 : memref<128x128xf32, #tpu.memory_space<vmem>>)
      %mul3A_455 = arith.constant 2 : i32
      %mul3A_456 = arith.muli %mul3A_455, %scan3A_409 : i32
      %add3A_457 = arith.constant 1 : i32
      %add3A_458 = arith.addi %mul3A_456, %add3A_457 : i32
      %run_scoped3A_459 = arith.constant 1 : i32
      "tpu.region"() ({
        %run_scoped3A_460 = tpu.sem_alloc : memref<!tpu.dma_semaphore, #tpu.memory_space<semaphore_mem>>
        %dma_start3A_461 = arith.constant 0 : i32
        %dma_start3A_462 = tpu.memref_slice %arg7[%run_scoped3A_459, %add3A_458, %dma_start3A_461] : memref<2x20x128xi32, #tpu.memory_space<vmem>> -> memref<1x1x128xi32, #tpu.memory_space<vmem>>
        %dma_start3A_463 = tpu.memref_squeeze %dma_start3A_462 : memref<1x1x128xi32, #tpu.memory_space<vmem>> -> memref<128xi32, #tpu.memory_space<vmem>>
        %dma_start3A_464 = arith.constant 0 : i32
        %dma_start3A_465 = arith.constant 0 : i32
        %dma_start3A_466 = tpu.memref_slice %arg10[%dma_start3A_464, %dma_start3A_465] : memref<10112x128xf32, #tpu.memory_space<vmem_shared>> -> memref<10112x128xf32, #tpu.memory_space<vmem_shared>>
        tpu.enqueue_indirect_dma source(%arg9 : memref<128x128xf32, #tpu.memory_space<vmem>>) target(%dma_start3A_466 : memref<10112x128xf32, #tpu.memory_space<vmem_shared>>) offsets(%dma_start3A_463 : memref<128xi32, #tpu.memory_space<vmem>>) semaphore(%run_scoped3A_460 : memref<!tpu.dma_semaphore, #tpu.memory_space<semaphore_mem>>) {add = true}
        %dma_wait3A_467 = arith.constant 0 : i32
        %dma_wait3A_468 = tpu.memref_slice %arg7[%run_scoped3A_459, %add3A_458, %dma_wait3A_467] : memref<2x20x128xi32, #tpu.memory_space<vmem>> -> memref<1x1x128xi32, #tpu.memory_space<vmem>>
        %dma_wait3A_469 = tpu.memref_squeeze %dma_wait3A_468 : memref<1x1x128xi32, #tpu.memory_space<vmem>> -> memref<128xi32, #tpu.memory_space<vmem>>
        %dma_wait3A_470 = arith.constant 0 : i32
        %dma_wait3A_471 = arith.constant 0 : i32
        %dma_wait3A_472 = tpu.memref_slice %arg10[%dma_wait3A_470, %dma_wait3A_471] : memref<10112x128xf32, #tpu.memory_space<vmem_shared>> -> memref<10112x128xf32, #tpu.memory_space<vmem_shared>>
        tpu.wait_indirect_dma semaphore(%run_scoped3A_460 : memref<!tpu.dma_semaphore, #tpu.memory_space<semaphore_mem>>) src(%arg9 : memref<128x128xf32, #tpu.memory_space<vmem>>) dst(%dma_wait3A_472 : memref<10112x128xf32, #tpu.memory_space<vmem_shared>>)
        tpu.yield
      }) : () -> ()
    }
    %scan3A_375 = arith.constant 9 : i32
    %dma_start3A_376 = arith.constant 0 : i32
    %dma_start3A_377 = arith.constant 19 : i32
    %dma_start3A_378 = arith.constant 0 : i32
    %dma_start3A_379 = tpu.memref_slice %arg7[%dma_start3A_376, %dma_start3A_377, %dma_start3A_378] : memref<2x20x128xi32, #tpu.memory_space<vmem>> -> memref<1x1x128xi32, #tpu.memory_space<vmem>>
    %dma_start3A_380 = tpu.memref_squeeze %dma_start3A_379 : memref<1x1x128xi32, #tpu.memory_space<vmem>> -> memref<128xi32, #tpu.memory_space<vmem>>
    %dma_start3A_381 = arith.constant 0 : i32
    %dma_start3A_382 = arith.constant 0 : i32
    %dma_start3A_383 = tpu.memref_slice %arg2[%dma_start3A_381, %dma_start3A_382] : memref<10000x128xf32, #tpu.memory_space<hbm>> -> memref<10000x128xf32, #tpu.memory_space<hbm>>
    tpu.enqueue_indirect_dma source(%dma_start3A_383 : memref<10000x128xf32, #tpu.memory_space<hbm>>) target(%arg9 : memref<128x128xf32, #tpu.memory_space<vmem>>) offsets(%dma_start3A_380 : memref<128xi32, #tpu.memory_space<vmem>>) semaphore(%arg13 : memref<!tpu.dma_semaphore, #tpu.memory_space<semaphore_mem>>)
    %dma_wait3A_384 = arith.constant 0 : i32
    %dma_wait3A_385 = arith.constant 18 : i32
    %dma_wait3A_386 = arith.constant 0 : i32
    %dma_wait3A_387 = tpu.memref_slice %arg7[%dma_wait3A_384, %dma_wait3A_385, %dma_wait3A_386] : memref<2x20x128xi32, #tpu.memory_space<vmem>> -> memref<1x1x128xi32, #tpu.memory_space<vmem>>
    %dma_wait3A_388 = tpu.memref_squeeze %dma_wait3A_387 : memref<1x1x128xi32, #tpu.memory_space<vmem>> -> memref<128xi32, #tpu.memory_space<vmem>>
    %dma_wait3A_389 = arith.constant 0 : i32
    %dma_wait3A_390 = arith.constant 0 : i32
    %dma_wait3A_391 = tpu.memref_slice %arg2[%dma_wait3A_389, %dma_wait3A_390] : memref<10000x128xf32, #tpu.memory_space<hbm>> -> memref<10000x128xf32, #tpu.memory_space<hbm>>
    tpu.wait_indirect_dma semaphore(%arg12 : memref<!tpu.dma_semaphore, #tpu.memory_space<semaphore_mem>>) src(%dma_wait3A_391 : memref<10000x128xf32, #tpu.memory_space<hbm>>) dst(%arg8 : memref<128x128xf32, #tpu.memory_space<vmem>>)
    %run_scoped3A_392 = arith.constant 1 : i32
    %run_scoped3A_393 = arith.constant 18 : i32
    "tpu.region"() ({
      %run_scoped3A_409 = tpu.sem_alloc : memref<!tpu.dma_semaphore, #tpu.memory_space<semaphore_mem>>
      %dma_start3A_410 = arith.constant 0 : i32
      %dma_start3A_411 = tpu.memref_slice %arg7[%run_scoped3A_392, %run_scoped3A_393, %dma_start3A_410] : memref<2x20x128xi32, #tpu.memory_space<vmem>> -> memref<1x1x128xi32, #tpu.memory_space<vmem>>
      %dma_start3A_412 = tpu.memref_squeeze %dma_start3A_411 : memref<1x1x128xi32, #tpu.memory_space<vmem>> -> memref<128xi32, #tpu.memory_space<vmem>>
      %dma_start3A_413 = arith.constant 0 : i32
      %dma_start3A_414 = arith.constant 0 : i32
      %dma_start3A_415 = tpu.memref_slice %arg10[%dma_start3A_413, %dma_start3A_414] : memref<10112x128xf32, #tpu.memory_space<vmem_shared>> -> memref<10112x128xf32, #tpu.memory_space<vmem_shared>>
      tpu.enqueue_indirect_dma source(%arg8 : memref<128x128xf32, #tpu.memory_space<vmem>>) target(%dma_start3A_415 : memref<10112x128xf32, #tpu.memory_space<vmem_shared>>) offsets(%dma_start3A_412 : memref<128xi32, #tpu.memory_space<vmem>>) semaphore(%run_scoped3A_409 : memref<!tpu.dma_semaphore, #tpu.memory_space<semaphore_mem>>) {add = true}
      %dma_wait3A_416 = arith.constant 0 : i32
      %dma_wait3A_417 = tpu.memref_slice %arg7[%run_scoped3A_392, %run_scoped3A_393, %dma_wait3A_416] : memref<2x20x128xi32, #tpu.memory_space<vmem>> -> memref<1x1x128xi32, #tpu.memory_space<vmem>>
      %dma_wait3A_418 = tpu.memref_squeeze %dma_wait3A_417 : memref<1x1x128xi32, #tpu.memory_space<vmem>> -> memref<128xi32, #tpu.memory_space<vmem>>
      %dma_wait3A_419 = arith.constant 0 : i32
      %dma_wait3A_420 = arith.constant 0 : i32
      %dma_wait3A_421 = tpu.memref_slice %arg10[%dma_wait3A_419, %dma_wait3A_420] : memref<10112x128xf32, #tpu.memory_space<vmem_shared>> -> memref<10112x128xf32, #tpu.memory_space<vmem_shared>>
      tpu.wait_indirect_dma semaphore(%run_scoped3A_409 : memref<!tpu.dma_semaphore, #tpu.memory_space<semaphore_mem>>) src(%arg8 : memref<128x128xf32, #tpu.memory_space<vmem>>) dst(%dma_wait3A_421 : memref<10112x128xf32, #tpu.memory_space<vmem_shared>>)
      tpu.yield
    }) : () -> ()
    %dma_wait3A_394 = arith.constant 0 : i32
    %dma_wait3A_395 = arith.constant 19 : i32
    %dma_wait3A_396 = arith.constant 0 : i32
    %dma_wait3A_397 = tpu.memref_slice %arg7[%dma_wait3A_394, %dma_wait3A_395, %dma_wait3A_396] : memref<2x20x128xi32, #tpu.memory_space<vmem>> -> memref<1x1x128xi32, #tpu.memory_space<vmem>>
    %dma_wait3A_398 = tpu.memref_squeeze %dma_wait3A_397 : memref<1x1x128xi32, #tpu.memory_space<vmem>> -> memref<128xi32, #tpu.memory_space<vmem>>
    %dma_wait3A_399 = arith.constant 0 : i32
    %dma_wait3A_400 = arith.constant 0 : i32
    %dma_wait3A_401 = tpu.memref_slice %arg2[%dma_wait3A_399, %dma_wait3A_400] : memref<10000x128xf32, #tpu.memory_space<hbm>> -> memref<10000x128xf32, #tpu.memory_space<hbm>>
    tpu.wait_indirect_dma semaphore(%arg13 : memref<!tpu.dma_semaphore, #tpu.memory_space<semaphore_mem>>) src(%dma_wait3A_401 : memref<10000x128xf32, #tpu.memory_space<hbm>>) dst(%arg9 : memref<128x128xf32, #tpu.memory_space<vmem>>)
    %run_scoped3A_402 = arith.constant 1 : i32
    %run_scoped3A_403 = arith.constant 19 : i32
    "tpu.region"() ({
      %run_scoped3A_409 = tpu.sem_alloc : memref<!tpu.dma_semaphore, #tpu.memory_space<semaphore_mem>>
      %dma_start3A_410 = arith.constant 0 : i32
      %dma_start3A_411 = tpu.memref_slice %arg7[%run_scoped3A_402, %run_scoped3A_403, %dma_start3A_410] : memref<2x20x128xi32, #tpu.memory_space<vmem>> -> memref<1x1x128xi32, #tpu.memory_space<vmem>>
      %dma_start3A_412 = tpu.memref_squeeze %dma_start3A_411 : memref<1x1x128xi32, #tpu.memory_space<vmem>> -> memref<128xi32, #tpu.memory_space<vmem>>
      %dma_start3A_413 = arith.constant 0 : i32
      %dma_start3A_414 = arith.constant 0 : i32
      %dma_start3A_415 = tpu.memref_slice %arg10[%dma_start3A_413, %dma_start3A_414] : memref<10112x128xf32, #tpu.memory_space<vmem_shared>> -> memref<10112x128xf32, #tpu.memory_space<vmem_shared>>
      tpu.enqueue_indirect_dma source(%arg9 : memref<128x128xf32, #tpu.memory_space<vmem>>) target(%dma_start3A_415 : memref<10112x128xf32, #tpu.memory_space<vmem_shared>>) offsets(%dma_start3A_412 : memref<128xi32, #tpu.memory_space<vmem>>) semaphore(%run_scoped3A_409 : memref<!tpu.dma_semaphore, #tpu.memory_space<semaphore_mem>>) {add = true}
      %dma_wait3A_416 = arith.constant 0 : i32
      %dma_wait3A_417 = tpu.memref_slice %arg7[%run_scoped3A_402, %run_scoped3A_403, %dma_wait3A_416] : memref<2x20x128xi32, #tpu.memory_space<vmem>> -> memref<1x1x128xi32, #tpu.memory_space<vmem>>
      %dma_wait3A_418 = tpu.memref_squeeze %dma_wait3A_417 : memref<1x1x128xi32, #tpu.memory_space<vmem>> -> memref<128xi32, #tpu.memory_space<vmem>>
      %dma_wait3A_419 = arith.constant 0 : i32
      %dma_wait3A_420 = arith.constant 0 : i32
      %dma_wait3A_421 = tpu.memref_slice %arg10[%dma_wait3A_419, %dma_wait3A_420] : memref<10112x128xf32, #tpu.memory_space<vmem_shared>> -> memref<10112x128xf32, #tpu.memory_space<vmem_shared>>
      tpu.wait_indirect_dma semaphore(%run_scoped3A_409 : memref<!tpu.dma_semaphore, #tpu.memory_space<semaphore_mem>>) src(%arg9 : memref<128x128xf32, #tpu.memory_space<vmem>>) dst(%dma_wait3A_421 : memref<10112x128xf32, #tpu.memory_space<vmem_shared>>)
      tpu.yield
    }) : () -> ()
    %barrier3A_404 = arith.constant 0 : index
    tpu.barrier barrier_id(%barrier3A_404)
    %mul3A_405 = arith.constant 632 : i32
    %mul3A_406 = arith.muli %arg1, %mul3A_405 : i32
    %mul3A_407 = arith.constant 632 : i32
    %mul3A_408 = arith.muli %arg1, %mul3A_407 : i32
    "tpu.region"() ({
      %run_scoped3A_409 = tpu.sem_alloc : memref<!tpu.dma_semaphore, #tpu.memory_space<semaphore_mem>>
      %dma_start3A_410 = arith.constant 0 : i32
      %dma_start3A_411 = tpu.memref_slice %arg5[%arg0, %mul3A_408, %dma_start3A_410] : memref<2x10112x128xf32, #tpu.memory_space<hbm>> -> memref<1x632x128xf32, #tpu.memory_space<hbm>>
      %dma_start3A_412 = tpu.memref_squeeze %dma_start3A_411 : memref<1x632x128xf32, #tpu.memory_space<hbm>> -> memref<632x128xf32, #tpu.memory_space<hbm>>
      %dma_start3A_413 = arith.constant 0 : i32
      %dma_start3A_414 = tpu.memref_slice %arg10[%mul3A_406, %dma_start3A_413] : memref<10112x128xf32, #tpu.memory_space<vmem_shared>> -> memref<632x128xf32, #tpu.memory_space<vmem_shared>>
      tpu.enqueue_dma source(%dma_start3A_414 : memref<632x128xf32, #tpu.memory_space<vmem_shared>>) target(%dma_start3A_412 : memref<632x128xf32, #tpu.memory_space<hbm>>) target_semaphore(%run_scoped3A_409 : memref<!tpu.dma_semaphore, #tpu.memory_space<semaphore_mem>>)
      %dma_wait3A_415 = arith.constant 0 : i32
      %dma_wait3A_416 = tpu.memref_slice %arg5[%arg0, %mul3A_408, %dma_wait3A_415] : memref<2x10112x128xf32, #tpu.memory_space<hbm>> -> memref<1x632x128xf32, #tpu.memory_space<hbm>>
      %dma_wait3A_417 = tpu.memref_squeeze %dma_wait3A_416 : memref<1x632x128xf32, #tpu.memory_space<hbm>> -> memref<632x128xf32, #tpu.memory_space<hbm>>
      %dma_wait3A_418 = arith.constant 0 : i32
      %dma_wait3A_419 = tpu.memref_slice %arg10[%mul3A_406, %dma_wait3A_418] : memref<10112x128xf32, #tpu.memory_space<vmem_shared>> -> memref<632x128xf32, #tpu.memory_space<vmem_shared>>
      tpu.wait_dma2 semaphore(%run_scoped3A_409 : memref<!tpu.dma_semaphore, #tpu.memory_space<semaphore_mem>>) src(%dma_wait3A_419 : memref<632x128xf32, #tpu.memory_space<vmem_shared>>) dst(%dma_wait3A_417 : memref<632x128xf32, #tpu.memory_space<hbm>>)
      tpu.yield
    }) : () -> ()
    return
  }
}

#map = affine_map<(d0, d1) -> (0, 0)>
#map1 = affine_map<(d0, d1) -> (0, 0, 0, 0)>
#map2 = affine_map<(d0, d1) -> (0, 0, 0)>
module attributes {stable_mosaic.version = 14 : i64} {
  func.func @_sc_body(%arg0: i32, %arg1: i32, %arg2: memref<10000x128xf32, #tpu.memory_space<hbm>>, %arg3: memref<32x4x20x128xi32, #tpu.memory_space<hbm>>, %arg4: memref<32x4x20x128xi32, #tpu.memory_space<hbm>>, %arg5: memref<2x10112x128xf32, #tpu.memory_space<hbm>>, %arg6: memref<2x20x128xi32, #tpu.memory_space<vmem>>, %arg7: memref<2x20x128xi32, #tpu.memory_space<vmem>>, %arg8: memref<128x128xf32, #tpu.memory_space<vmem>>, %arg9: memref<128x128xf32, #tpu.memory_space<vmem>>, %arg10: memref<10112x128xf32, #tpu.memory_space<vmem_shared>>, %arg11: memref<!tpu.dma_semaphore, #tpu.memory_space<semaphore_mem>>, %arg12: memref<!tpu.dma_semaphore, #tpu.memory_space<semaphore_mem>>, %arg13: memref<!tpu.dma_semaphore, #tpu.memory_space<semaphore_mem>>) attributes {dimension_semantics = [#tpu.dimension_semantics<core_parallel>, #tpu.dimension_semantics<subcore_parallel>], iteration_bounds = array<i64: 2, 16>, scalar_prefetch = 0 : i64, scratch_operands = 8 : i64, tpu.core_type = #tpu.core_type<sc_vector_subcore>, window_params = [{transform_indices = #map}, {transform_indices = #map1}, {transform_indices = #map1}, {transform_indices = #map2}]} {
    %mul3A = arith.constant 16 : i32
    %mul3A_0 = arith.muli %arg0, %mul3A : i32
    %add3A = arith.addi %mul3A_0, %arg1 : i32
    %scan3A = arith.constant 0 : i32
    %scan3A_1 = arith.constant 0 : i32
    %scan3A_2 = arith.constant 128 : i32
    %scan3A_3 = arith.addi %scan3A_1, %scan3A_2 : i32
    %scan3A_4 = arith.constant 1 : i32
    scf.for %scan3A_409 = %scan3A_1 to %scan3A_3 step %scan3A_4  : i32 {
      %broadcast_in_dim3A = arith.constant 0.000000e+00 : f32
      %broadcast_in_dim3A_410 = vector.broadcast %broadcast_in_dim3A : f32 to vector<16xf32>
      %swap3A = arith.index_cast %scan3A_409 : i32 to index
      %swap3A_411 = arith.constant 0 : index
      %swap3A_412 = tpu.vector_load %arg8[%swap3A, %swap3A_411] {strides = array<i32>} : memref<128x128xf32, #tpu.memory_space<vmem>>, vector<1x16xf32>,
      %swap3A_413 = vector.shape_cast %swap3A_412 : vector<1x16xf32> to vector<16xf32>
      %swap3A_414 = vector.shape_cast %broadcast_in_dim3A_410 : vector<16xf32> to vector<1x16xf32>
      tpu.vector_store %arg8[%swap3A, %swap3A_411], %swap3A_414 {strides = array<i32>} : memref<128x128xf32, #tpu.memory_space<vmem>>, vector<1x16xf32>,
      %broadcast_in_dim3A_415 = arith.constant 0.000000e+00 : f32
      %broadcast_in_dim3A_416 = vector.broadcast %broadcast_in_dim3A_415 : f32 to vector<16xf32>
      %swap3A_417 = arith.index_cast %scan3A_409 : i32 to index
      %swap3A_418 = arith.constant 16 : index
      %swap3A_419 = tpu.vector_load %arg8[%swap3A_417, %swap3A_418] {strides = array<i32>} : memref<128x128xf32, #tpu.memory_space<vmem>>, vector<1x16xf32>,
      %swap3A_420 = vector.shape_cast %swap3A_419 : vector<1x16xf32> to vector<16xf32>
      %swap3A_421 = vector.shape_cast %broadcast_in_dim3A_416 : vector<16xf32> to vector<1x16xf32>
      tpu.vector_store %arg8[%swap3A_417, %swap3A_418], %swap3A_421 {strides = array<i32>} : memref<128x128xf32, #tpu.memory_space<vmem>>, vector<1x16xf32>,
      %broadcast_in_dim3A_422 = arith.constant 0.000000e+00 : f32
      %broadcast_in_dim3A_423 = vector.broadcast %broadcast_in_dim3A_422 : f32 to vector<16xf32>
      %swap3A_424 = arith.index_cast %scan3A_409 : i32 to index
      %swap3A_425 = arith.constant 32 : index
      %swap3A_426 = tpu.vector_load %arg8[%swap3A_424, %swap3A_425] {strides = array<i32>} : memref<128x128xf32, #tpu.memory_space<vmem>>, vector<1x16xf32>,
      %swap3A_427 = vector.shape_cast %swap3A_426 : vector<1x16xf32> to vector<16xf32>
      %swap3A_428 = vector.shape_cast %broadcast_in_dim3A_423 : vector<16xf32> to vector<1x16xf32>
      tpu.vector_store %arg8[%swap3A_424, %swap3A_425], %swap3A_428 {strides = array<i32>} : memref<128x128xf32, #tpu.memory_space<vmem>>, vector<1x16xf32>,
      %broadcast_in_dim3A_429 = arith.constant 0.000000e+00 : f32
      %broadcast_in_dim3A_430 = vector.broadcast %broadcast_in_dim3A_429 : f32 to vector<16xf32>
      %swap3A_431 = arith.index_cast %scan3A_409 : i32 to index
      %swap3A_432 = arith.constant 48 : index
      %swap3A_433 = tpu.vector_load %arg8[%swap3A_431, %swap3A_432] {strides = array<i32>} : memref<128x128xf32, #tpu.memory_space<vmem>>, vector<1x16xf32>,
      %swap3A_434 = vector.shape_cast %swap3A_433 : vector<1x16xf32> to vector<16xf32>
      %swap3A_435 = vector.shape_cast %broadcast_in_dim3A_430 : vector<16xf32> to vector<1x16xf32>
      tpu.vector_store %arg8[%swap3A_431, %swap3A_432], %swap3A_435 {strides = array<i32>} : memref<128x128xf32, #tpu.memory_space<vmem>>, vector<1x16xf32>,
      %broadcast_in_dim3A_436 = arith.constant 0.000000e+00 : f32
      %broadcast_in_dim3A_437 = vector.broadcast %broadcast_in_dim3A_436 : f32 to vector<16xf32>
      %swap3A_438 = arith.index_cast %scan3A_409 : i32 to index
      %swap3A_439 = arith.constant 64 : index
      %swap3A_440 = tpu.vector_load %arg8[%swap3A_438, %swap3A_439] {strides = array<i32>} : memref<128x128xf32, #tpu.memory_space<vmem>>, vector<1x16xf32>,
      %swap3A_441 = vector.shape_cast %swap3A_440 : vector<1x16xf32> to vector<16xf32>
      %swap3A_442 = vector.shape_cast %broadcast_in_dim3A_437 : vector<16xf32> to vector<1x16xf32>
      tpu.vector_store %arg8[%swap3A_438, %swap3A_439], %swap3A_442 {strides = array<i32>} : memref<128x128xf32, #tpu.memory_space<vmem>>, vector<1x16xf32>,
      %broadcast_in_dim3A_443 = arith.constant 0.000000e+00 : f32
      %broadcast_in_dim3A_444 = vector.broadcast %broadcast_in_dim3A_443 : f32 to vector<16xf32>
      %swap3A_445 = arith.index_cast %scan3A_409 : i32 to index
      %swap3A_446 = arith.constant 80 : index
      %swap3A_447 = tpu.vector_load %arg8[%swap3A_445, %swap3A_446] {strides = array<i32>} : memref<128x128xf32, #tpu.memory_space<vmem>>, vector<1x16xf32>,
      %swap3A_448 = vector.shape_cast %swap3A_447 : vector<1x16xf32> to vector<16xf32>
      %swap3A_449 = vector.shape_cast %broadcast_in_dim3A_444 : vector<16xf32> to vector<1x16xf32>
      tpu.vector_store %arg8[%swap3A_445, %swap3A_446], %swap3A_449 {strides = array<i32>} : memref<128x128xf32, #tpu.memory_space<vmem>>, vector<1x16xf32>,
      %broadcast_in_dim3A_450 = arith.constant 0.000000e+00 : f32
      %broadcast_in_dim3A_451 = vector.broadcast %broadcast_in_dim3A_450 : f32 to vector<16xf32>
      %swap3A_452 = arith.index_cast %scan3A_409 : i32 to index
      %swap3A_453 = arith.constant 96 : index
      %swap3A_454 = tpu.vector_load %arg8[%swap3A_452, %swap3A_453] {strides = array<i32>} : memref<128x128xf32, #tpu.memory_space<vmem>>, vector<1x16xf32>,
      %swap3A_455 = vector.shape_cast %swap3A_454 : vector<1x16xf32> to vector<16xf32>
      %swap3A_456 = vector.shape_cast %broadcast_in_dim3A_451 : vector<16xf32> to vector<1x16xf32>
      tpu.vector_store %arg8[%swap3A_452, %swap3A_453], %swap3A_456 {strides = array<i32>} : memref<128x128xf32, #tpu.memory_space<vmem>>, vector<1x16xf32>,
      %broadcast_in_dim3A_457 = arith.constant 0.000000e+00 : f32
      %broadcast_in_dim3A_458 = vector.broadcast %broadcast_in_dim3A_457 : f32 to vector<16xf32>
      %swap3A_459 = arith.index_cast %scan3A_409 : i32 to index
      %swap3A_460 = arith.constant 112 : index
      %swap3A_461 = tpu.vector_load %arg8[%swap3A_459, %swap3A_460] {strides = array<i32>} : memref<128x128xf32, #tpu.memory_space<vmem>>, vector<1x16xf32>,
      %swap3A_462 = vector.shape_cast %swap3A_461 : vector<1x16xf32> to vector<16xf32>
      %swap3A_463 = vector.shape_cast %broadcast_in_dim3A_458 : vector<16xf32> to vector<1x16xf32>
      tpu.vector_store %arg8[%swap3A_459, %swap3A_460], %swap3A_463 {strides = array<i32>} : memref<128x128xf32, #tpu.memory_space<vmem>>, vector<1x16xf32>,
    }
    %scan3A_5 = arith.constant 128 : i32
    %mul3A_6 = arith.constant 632 : i32
    %mul3A_7 = arith.muli %arg1, %mul3A_6 : i32
    %add3A_8 = arith.constant 0 : i32
    %add3A_9 = arith.addi %mul3A_7, %add3A_8 : i32
    "tpu.region"() ({
      %run_scoped3A_409 = tpu.sem_alloc : memref<!tpu.dma_semaphore, #tpu.memory_space<semaphore_mem>>
      %dma_start3A_410 = arith.constant 0 : i32
      %dma_start3A_411 = tpu.memref_slice %arg10[%add3A_9, %dma_start3A_410] : memref<10112x128xf32, #tpu.memory_space<vmem_shared>> -> memref<128x128xf32, #tpu.memory_space<vmem_shared>>
      %dma_start3A_412 = arith.constant 0 : i32
      %dma_start3A_413 = tpu.memref_slice %arg10[%add3A_9, %dma_start3A_412] : memref<10112x128xf32, #tpu.memory_space<vmem_shared>> -> memref<128x128xf32, #tpu.memory_space<vmem_shared>>
      tpu.enqueue_dma source(%arg8 : memref<128x128xf32, #tpu.memory_space<vmem>>) target(%dma_start3A_413 : memref<128x128xf32, #tpu.memory_space<vmem_shared>>) target_semaphore(%run_scoped3A_409 : memref<!tpu.dma_semaphore, #tpu.memory_space<semaphore_mem>>)
      %dma_wait3A_414 = arith.constant 0 : i32
      %dma_wait3A_415 = tpu.memref_slice %arg10[%add3A_9, %dma_wait3A_414] : memref<10112x128xf32, #tpu.memory_space<vmem_shared>> -> memref<128x128xf32, #tpu.memory_space<vmem_shared>>
      %dma_wait3A_416 = arith.constant 0 : i32
      %dma_wait3A_417 = tpu.memref_slice %arg10[%add3A_9, %dma_wait3A_416] : memref<10112x128xf32, #tpu.memory_space<vmem_shared>> -> memref<128x128xf32, #tpu.memory_space<vmem_shared>>
      tpu.wait_dma2 semaphore(%run_scoped3A_409 : memref<!tpu.dma_semaphore, #tpu.memory_space<semaphore_mem>>) src(%arg8 : memref<128x128xf32, #tpu.memory_space<vmem>>) dst(%dma_wait3A_417 : memref<128x128xf32, #tpu.memory_space<vmem_shared>>)
      tpu.yield
    }) : () -> ()
    %add3A_10 = arith.constant 128 : i32
    %add3A_11 = arith.addi %mul3A_7, %add3A_10 : i32
    "tpu.region"() ({
      %run_scoped3A_409 = tpu.sem_alloc : memref<!tpu.dma_semaphore, #tpu.memory_space<semaphore_mem>>
      %dma_start3A_410 = arith.constant 0 : i32
      %dma_start3A_411 = tpu.memref_slice %arg10[%add3A_11, %dma_start3A_410] : memref<10112x128xf32, #tpu.memory_space<vmem_shared>> -> memref<128x128xf32, #tpu.memory_space<vmem_shared>>
      %dma_start3A_412 = arith.constant 0 : i32
      %dma_start3A_413 = tpu.memref_slice %arg10[%add3A_11, %dma_start3A_412] : memref<10112x128xf32, #tpu.memory_space<vmem_shared>> -> memref<128x128xf32, #tpu.memory_space<vmem_shared>>
      tpu.enqueue_dma source(%arg8 : memref<128x128xf32, #tpu.memory_space<vmem>>) target(%dma_start3A_413 : memref<128x128xf32, #tpu.memory_space<vmem_shared>>) target_semaphore(%run_scoped3A_409 : memref<!tpu.dma_semaphore, #tpu.memory_space<semaphore_mem>>)
      %dma_wait3A_414 = arith.constant 0 : i32
      %dma_wait3A_415 = tpu.memref_slice %arg10[%add3A_11, %dma_wait3A_414] : memref<10112x128xf32, #tpu.memory_space<vmem_shared>> -> memref<128x128xf32, #tpu.memory_space<vmem_shared>>
      %dma_wait3A_416 = arith.constant 0 : i32
      %dma_wait3A_417 = tpu.memref_slice %arg10[%add3A_11, %dma_wait3A_416] : memref<10112x128xf32, #tpu.memory_space<vmem_shared>> -> memref<128x128xf32, #tpu.memory_space<vmem_shared>>
      tpu.wait_dma2 semaphore(%run_scoped3A_409 : memref<!tpu.dma_semaphore, #tpu.memory_space<semaphore_mem>>) src(%arg8 : memref<128x128xf32, #tpu.memory_space<vmem>>) dst(%dma_wait3A_417 : memref<128x128xf32, #tpu.memory_space<vmem_shared>>)
      tpu.yield
    }) : () -> ()
    %add3A_12 = arith.constant 256 : i32
    %add3A_13 = arith.addi %mul3A_7, %add3A_12 : i32
    "tpu.region"() ({
      %run_scoped3A_409 = tpu.sem_alloc : memref<!tpu.dma_semaphore, #tpu.memory_space<semaphore_mem>>
      %dma_start3A_410 = arith.constant 0 : i32
      %dma_start3A_411 = tpu.memref_slice %arg10[%add3A_13, %dma_start3A_410] : memref<10112x128xf32, #tpu.memory_space<vmem_shared>> -> memref<128x128xf32, #tpu.memory_space<vmem_shared>>
      %dma_start3A_412 = arith.constant 0 : i32
      %dma_start3A_413 = tpu.memref_slice %arg10[%add3A_13, %dma_start3A_412] : memref<10112x128xf32, #tpu.memory_space<vmem_shared>> -> memref<128x128xf32, #tpu.memory_space<vmem_shared>>
      tpu.enqueue_dma source(%arg8 : memref<128x128xf32, #tpu.memory_space<vmem>>) target(%dma_start3A_413 : memref<128x128xf32, #tpu.memory_space<vmem_shared>>) target_semaphore(%run_scoped3A_409 : memref<!tpu.dma_semaphore, #tpu.memory_space<semaphore_mem>>)
      %dma_wait3A_414 = arith.constant 0 : i32
      %dma_wait3A_415 = tpu.memref_slice %arg10[%add3A_13, %dma_wait3A_414] : memref<10112x128xf32, #tpu.memory_space<vmem_shared>> -> memref<128x128xf32, #tpu.memory_space<vmem_shared>>
      %dma_wait3A_416 = arith.constant 0 : i32
      %dma_wait3A_417 = tpu.memref_slice %arg10[%add3A_13, %dma_wait3A_416] : memref<10112x128xf32, #tpu.memory_space<vmem_shared>> -> memref<128x128xf32, #tpu.memory_space<vmem_shared>>
      tpu.wait_dma2 semaphore(%run_scoped3A_409 : memref<!tpu.dma_semaphore, #tpu.memory_space<semaphore_mem>>) src(%arg8 : memref<128x128xf32, #tpu.memory_space<vmem>>) dst(%dma_wait3A_417 : memref<128x128xf32, #tpu.memory_space<vmem_shared>>)
      tpu.yield
    }) : () -> ()
    %add3A_14 = arith.constant 384 : i32
    %add3A_15 = arith.addi %mul3A_7, %add3A_14 : i32
    "tpu.region"() ({
      %run_scoped3A_409 = tpu.sem_alloc : memref<!tpu.dma_semaphore, #tpu.memory_space<semaphore_mem>>
      %dma_start3A_410 = arith.constant 0 : i32
      %dma_start3A_411 = tpu.memref_slice %arg10[%add3A_15, %dma_start3A_410] : memref<10112x128xf32, #tpu.memory_space<vmem_shared>> -> memref<128x128xf32, #tpu.memory_space<vmem_shared>>
      %dma_start3A_412 = arith.constant 0 : i32
      %dma_start3A_413 = tpu.memref_slice %arg10[%add3A_15, %dma_start3A_412] : memref<10112x128xf32, #tpu.memory_space<vmem_shared>> -> memref<128x128xf32, #tpu.memory_space<vmem_shared>>
      tpu.enqueue_dma source(%arg8 : memref<128x128xf32, #tpu.memory_space<vmem>>) target(%dma_start3A_413 : memref<128x128xf32, #tpu.memory_space<vmem_shared>>) target_semaphore(%run_scoped3A_409 : memref<!tpu.dma_semaphore, #tpu.memory_space<semaphore_mem>>)
      %dma_wait3A_414 = arith.constant 0 : i32
      %dma_wait3A_415 = tpu.memref_slice %arg10[%add3A_15, %dma_wait3A_414] : memref<10112x128xf32, #tpu.memory_space<vmem_shared>> -> memref<128x128xf32, #tpu.memory_space<vmem_shared>>
      %dma_wait3A_416 = arith.constant 0 : i32
      %dma_wait3A_417 = tpu.memref_slice %arg10[%add3A_15, %dma_wait3A_416] : memref<10112x128xf32, #tpu.memory_space<vmem_shared>> -> memref<128x128xf32, #tpu.memory_space<vmem_shared>>
      tpu.wait_dma2 semaphore(%run_scoped3A_409 : memref<!tpu.dma_semaphore, #tpu.memory_space<semaphore_mem>>) src(%arg8 : memref<128x128xf32, #tpu.memory_space<vmem>>) dst(%dma_wait3A_417 : memref<128x128xf32, #tpu.memory_space<vmem_shared>>)
      tpu.yield
    }) : () -> ()
    %add3A_16 = arith.constant 632 : i32
    %add3A_17 = arith.addi %mul3A_7, %add3A_16 : i32
    %sub3A = arith.constant 120 : i32
    %sub3A_18 = arith.subi %add3A_17, %sub3A : i32
    "tpu.region"() ({
      %run_scoped3A_409 = tpu.sem_alloc : memref<!tpu.dma_semaphore, #tpu.memory_space<semaphore_mem>>
      %dma_start3A_410 = arith.constant 0 : i32
      %dma_start3A_411 = arith.constant 0 : i32
      %dma_start3A_412 = tpu.memref_slice %arg8[%dma_start3A_410, %dma_start3A_411] : memref<128x128xf32, #tpu.memory_space<vmem>> -> memref<120x128xf32, #tpu.memory_space<vmem>>
      %dma_start3A_413 = arith.constant 0 : i32
      %dma_start3A_414 = tpu.memref_slice %arg10[%sub3A_18, %dma_start3A_413] : memref<10112x128xf32, #tpu.memory_space<vmem_shared>> -> memref<120x128xf32, #tpu.memory_space<vmem_shared>>
      %dma_start3A_415 = arith.constant 0 : i32
      %dma_start3A_416 = tpu.memref_slice %arg10[%sub3A_18, %dma_start3A_415] : memref<10112x128xf32, #tpu.memory_space<vmem_shared>> -> memref<120x128xf32, #tpu.memory_space<vmem_shared>>
      %dma_start3A_417 = arith.constant 0 : i32
      %dma_start3A_418 = arith.constant 0 : i32
      %dma_start3A_419 = tpu.memref_slice %arg8[%dma_start3A_417, %dma_start3A_418] : memref<128x128xf32, #tpu.memory_space<vmem>> -> memref<120x128xf32, #tpu.memory_space<vmem>>
      tpu.enqueue_dma source(%dma_start3A_419 : memref<120x128xf32, #tpu.memory_space<vmem>>) target(%dma_start3A_416 : memref<120x128xf32, #tpu.memory_space<vmem_shared>>) target_semaphore(%run_scoped3A_409 : memref<!tpu.dma_semaphore, #tpu.memory_space<semaphore_mem>>)
      %dma_wait3A_420 = arith.constant 0 : i32
      %dma_wait3A_421 = arith.constant 0 : i32
      %dma_wait3A_422 = tpu.memref_slice %arg8[%dma_wait3A_420, %dma_wait3A_421] : memref<128x128xf32, #tpu.memory_space<vmem>> -> memref<120x128xf32, #tpu.memory_space<vmem>>
      %dma_wait3A_423 = arith.constant 0 : i32
      %dma_wait3A_424 = tpu.memref_slice %arg10[%sub3A_18, %dma_wait3A_423] : memref<10112x128xf32, #tpu.memory_space<vmem_shared>> -> memref<120x128xf32, #tpu.memory_space<vmem_shared>>
      %dma_wait3A_425 = arith.constant 0 : i32
      %dma_wait3A_426 = tpu.memref_slice %arg10[%sub3A_18, %dma_wait3A_425] : memref<10112x128xf32, #tpu.memory_space<vmem_shared>> -> memref<120x128xf32, #tpu.memory_space<vmem_shared>>
      %dma_wait3A_427 = arith.constant 0 : i32
      %dma_wait3A_428 = arith.constant 0 : i32
      %dma_wait3A_429 = tpu.memref_slice %arg8[%dma_wait3A_427, %dma_wait3A_428] : memref<128x128xf32, #tpu.memory_space<vmem>> -> memref<120x128xf32, #tpu.memory_space<vmem>>
      tpu.wait_dma2 semaphore(%run_scoped3A_409 : memref<!tpu.dma_semaphore, #tpu.memory_space<semaphore_mem>>) src(%dma_wait3A_429 : memref<120x128xf32, #tpu.memory_space<vmem>>) dst(%dma_wait3A_426 : memref<120x128xf32, #tpu.memory_space<vmem_shared>>)
      tpu.yield
    }) : () -> ()
    %run_scoped3A = arith.constant 0 : i32
    %run_scoped3A_19 = arith.constant 0 : i32
    "tpu.region"() ({
      %run_scoped3A_409 = tpu.sem_alloc : memref<!tpu.dma_semaphore, #tpu.memory_space<semaphore_mem>>
      %dma_start3A_410 = arith.constant 0 : i32
      %dma_start3A_411 = arith.constant 0 : i32
      %dma_start3A_412 = tpu.memref_slice %arg6[%run_scoped3A_19, %dma_start3A_410, %dma_start3A_411] : memref<2x20x128xi32, #tpu.memory_space<vmem>> -> memref<1x20x128xi32, #tpu.memory_space<vmem>>
      %dma_start3A_413 = tpu.memref_squeeze %dma_start3A_412 : memref<1x20x128xi32, #tpu.memory_space<vmem>> -> memref<20x128xi32, #tpu.memory_space<vmem>>
      %dma_start3A_414 = arith.constant 0 : i32
      %dma_start3A_415 = arith.constant 0 : i32
      %dma_start3A_416 = tpu.memref_slice %arg3[%add3A, %run_scoped3A, %dma_start3A_414, %dma_start3A_415] : memref<32x4x20x128xi32, #tpu.memory_space<hbm>> -> memref<1x1x20x128xi32, #tpu.memory_space<hbm>>
      %dma_start3A_417 = tpu.memref_squeeze %dma_start3A_416 : memref<1x1x20x128xi32, #tpu.memory_space<hbm>> -> memref<20x128xi32, #tpu.memory_space<hbm>>
      %dma_start3A_418 = arith.constant 0 : i32
      %dma_start3A_419 = arith.constant 0 : i32
      %dma_start3A_420 = tpu.memref_slice %arg6[%run_scoped3A_19, %dma_start3A_418, %dma_start3A_419] : memref<2x20x128xi32, #tpu.memory_space<vmem>> -> memref<1x20x128xi32, #tpu.memory_space<vmem>>
      %dma_start3A_421 = tpu.memref_squeeze %dma_start3A_420 : memref<1x20x128xi32, #tpu.memory_space<vmem>> -> memref<20x128xi32, #tpu.memory_space<vmem>>
      %dma_start3A_422 = arith.constant 0 : i32
      %dma_start3A_423 = arith.constant 0 : i32
      %dma_start3A_424 = tpu.memref_slice %arg3[%add3A, %run_scoped3A, %dma_start3A_422, %dma_start3A_423] : memref<32x4x20x128xi32, #tpu.memory_space<hbm>> -> memref<1x1x20x128xi32, #tpu.memory_space<hbm>>
      %dma_start3A_425 = tpu.memref_squeeze %dma_start3A_424 : memref<1x1x20x128xi32, #tpu.memory_space<hbm>> -> memref<20x128xi32, #tpu.memory_space<hbm>>
      tpu.enqueue_dma source(%dma_start3A_425 : memref<20x128xi32, #tpu.memory_space<hbm>>) target(%dma_start3A_421 : memref<20x128xi32, #tpu.memory_space<vmem>>) target_semaphore(%run_scoped3A_409 : memref<!tpu.dma_semaphore, #tpu.memory_space<semaphore_mem>>)
      %dma_wait3A_426 = arith.constant 0 : i32
      %dma_wait3A_427 = arith.constant 0 : i32
      %dma_wait3A_428 = tpu.memref_slice %arg6[%run_scoped3A_19, %dma_wait3A_426, %dma_wait3A_427] : memref<2x20x128xi32, #tpu.memory_space<vmem>> -> memref<1x20x128xi32, #tpu.memory_space<vmem>>
      %dma_wait3A_429 = tpu.memref_squeeze %dma_wait3A_428 : memref<1x20x128xi32, #tpu.memory_space<vmem>> -> memref<20x128xi32, #tpu.memory_space<vmem>>
      %dma_wait3A_430 = arith.constant 0 : i32
      %dma_wait3A_431 = arith.constant 0 : i32
      %dma_wait3A_432 = tpu.memref_slice %arg3[%add3A, %run_scoped3A, %dma_wait3A_430, %dma_wait3A_431] : memref<32x4x20x128xi32, #tpu.memory_space<hbm>> -> memref<1x1x20x128xi32, #tpu.memory_space<hbm>>
      %dma_wait3A_433 = tpu.memref_squeeze %dma_wait3A_432 : memref<1x1x20x128xi32, #tpu.memory_space<hbm>> -> memref<20x128xi32, #tpu.memory_space<hbm>>
      %dma_wait3A_434 = arith.constant 0 : i32
      %dma_wait3A_435 = arith.constant 0 : i32
      %dma_wait3A_436 = tpu.memref_slice %arg6[%run_scoped3A_19, %dma_wait3A_434, %dma_wait3A_435] : memref<2x20x128xi32, #tpu.memory_space<vmem>> -> memref<1x20x128xi32, #tpu.memory_space<vmem>>
      %dma_wait3A_437 = tpu.memref_squeeze %dma_wait3A_436 : memref<1x20x128xi32, #tpu.memory_space<vmem>> -> memref<20x128xi32, #tpu.memory_space<vmem>>
      %dma_wait3A_438 = arith.constant 0 : i32
      %dma_wait3A_439 = arith.constant 0 : i32
      %dma_wait3A_440 = tpu.memref_slice %arg3[%add3A, %run_scoped3A, %dma_wait3A_438, %dma_wait3A_439] : memref<32x4x20x128xi32, #tpu.memory_space<hbm>> -> memref<1x1x20x128xi32, #tpu.memory_space<hbm>>
      %dma_wait3A_441 = tpu.memref_squeeze %dma_wait3A_440 : memref<1x1x20x128xi32, #tpu.memory_space<hbm>> -> memref<20x128xi32, #tpu.memory_space<hbm>>
      tpu.wait_dma2 semaphore(%run_scoped3A_409 : memref<!tpu.dma_semaphore, #tpu.memory_space<semaphore_mem>>) src(%dma_wait3A_441 : memref<20x128xi32, #tpu.memory_space<hbm>>) dst(%dma_wait3A_437 : memref<20x128xi32, #tpu.memory_space<vmem>>)
      tpu.yield
    }) : () -> ()
    %run_scoped3A_20 = arith.constant 0 : i32
    %run_scoped3A_21 = arith.constant 1 : i32
    "tpu.region"() ({
      %run_scoped3A_409 = tpu.sem_alloc : memref<!tpu.dma_semaphore, #tpu.memory_space<semaphore_mem>>
      %dma_start3A_410 = arith.constant 0 : i32
      %dma_start3A_411 = arith.constant 0 : i32
      %dma_start3A_412 = tpu.memref_slice %arg6[%run_scoped3A_21, %dma_start3A_410, %dma_start3A_411] : memref<2x20x128xi32, #tpu.memory_space<vmem>> -> memref<1x20x128xi32, #tpu.memory_space<vmem>>
      %dma_start3A_413 = tpu.memref_squeeze %dma_start3A_412 : memref<1x20x128xi32, #tpu.memory_space<vmem>> -> memref<20x128xi32, #tpu.memory_space<vmem>>
      %dma_start3A_414 = arith.constant 0 : i32
      %dma_start3A_415 = arith.constant 0 : i32
      %dma_start3A_416 = tpu.memref_slice %arg4[%add3A, %run_scoped3A_20, %dma_start3A_414, %dma_start3A_415] : memref<32x4x20x128xi32, #tpu.memory_space<hbm>> -> memref<1x1x20x128xi32, #tpu.memory_space<hbm>>
      %dma_start3A_417 = tpu.memref_squeeze %dma_start3A_416 : memref<1x1x20x128xi32, #tpu.memory_space<hbm>> -> memref<20x128xi32, #tpu.memory_space<hbm>>
      %dma_start3A_418 = arith.constant 0 : i32
      %dma_start3A_419 = arith.constant 0 : i32
      %dma_start3A_420 = tpu.memref_slice %arg6[%run_scoped3A_21, %dma_start3A_418, %dma_start3A_419] : memref<2x20x128xi32, #tpu.memory_space<vmem>> -> memref<1x20x128xi32, #tpu.memory_space<vmem>>
      %dma_start3A_421 = tpu.memref_squeeze %dma_start3A_420 : memref<1x20x128xi32, #tpu.memory_space<vmem>> -> memref<20x128xi32, #tpu.memory_space<vmem>>
      %dma_start3A_422 = arith.constant 0 : i32
      %dma_start3A_423 = arith.constant 0 : i32
      %dma_start3A_424 = tpu.memref_slice %arg4[%add3A, %run_scoped3A_20, %dma_start3A_422, %dma_start3A_423] : memref<32x4x20x128xi32, #tpu.memory_space<hbm>> -> memref<1x1x20x128xi32, #tpu.memory_space<hbm>>
      %dma_start3A_425 = tpu.memref_squeeze %dma_start3A_424 : memref<1x1x20x128xi32, #tpu.memory_space<hbm>> -> memref<20x128xi32, #tpu.memory_space<hbm>>
      tpu.enqueue_dma source(%dma_start3A_425 : memref<20x128xi32, #tpu.memory_space<hbm>>) target(%dma_start3A_421 : memref<20x128xi32, #tpu.memory_space<vmem>>) target_semaphore(%run_scoped3A_409 : memref<!tpu.dma_semaphore, #tpu.memory_space<semaphore_mem>>)
      %dma_wait3A_426 = arith.constant 0 : i32
      %dma_wait3A_427 = arith.constant 0 : i32
      %dma_wait3A_428 = tpu.memref_slice %arg6[%run_scoped3A_21, %dma_wait3A_426, %dma_wait3A_427] : memref<2x20x128xi32, #tpu.memory_space<vmem>> -> memref<1x20x128xi32, #tpu.memory_space<vmem>>
      %dma_wait3A_429 = tpu.memref_squeeze %dma_wait3A_428 : memref<1x20x128xi32, #tpu.memory_space<vmem>> -> memref<20x128xi32, #tpu.memory_space<vmem>>
      %dma_wait3A_430 = arith.constant 0 : i32
      %dma_wait3A_431 = arith.constant 0 : i32
      %dma_wait3A_432 = tpu.memref_slice %arg4[%add3A, %run_scoped3A_20, %dma_wait3A_430, %dma_wait3A_431] : memref<32x4x20x128xi32, #tpu.memory_space<hbm>> -> memref<1x1x20x128xi32, #tpu.memory_space<hbm>>
      %dma_wait3A_433 = tpu.memref_squeeze %dma_wait3A_432 : memref<1x1x20x128xi32, #tpu.memory_space<hbm>> -> memref<20x128xi32, #tpu.memory_space<hbm>>
      %dma_wait3A_434 = arith.constant 0 : i32
      %dma_wait3A_435 = arith.constant 0 : i32
      %dma_wait3A_436 = tpu.memref_slice %arg6[%run_scoped3A_21, %dma_wait3A_434, %dma_wait3A_435] : memref<2x20x128xi32, #tpu.memory_space<vmem>> -> memref<1x20x128xi32, #tpu.memory_space<vmem>>
      %dma_wait3A_437 = tpu.memref_squeeze %dma_wait3A_436 : memref<1x20x128xi32, #tpu.memory_space<vmem>> -> memref<20x128xi32, #tpu.memory_space<vmem>>
      %dma_wait3A_438 = arith.constant 0 : i32
      %dma_wait3A_439 = arith.constant 0 : i32
      %dma_wait3A_440 = tpu.memref_slice %arg4[%add3A, %run_scoped3A_20, %dma_wait3A_438, %dma_wait3A_439] : memref<32x4x20x128xi32, #tpu.memory_space<hbm>> -> memref<1x1x20x128xi32, #tpu.memory_space<hbm>>
      %dma_wait3A_441 = tpu.memref_squeeze %dma_wait3A_440 : memref<1x1x20x128xi32, #tpu.memory_space<hbm>> -> memref<20x128xi32, #tpu.memory_space<hbm>>
      tpu.wait_dma2 semaphore(%run_scoped3A_409 : memref<!tpu.dma_semaphore, #tpu.memory_space<semaphore_mem>>) src(%dma_wait3A_441 : memref<20x128xi32, #tpu.memory_space<hbm>>) dst(%dma_wait3A_437 : memref<20x128xi32, #tpu.memory_space<vmem>>)
      tpu.yield
    }) : () -> ()
    %barrier3A = arith.constant 0 : index
    tpu.barrier barrier_id(%barrier3A)
    %dma_start3A = arith.constant 1 : i32
    %dma_start3A_22 = arith.constant 0 : i32
    %dma_start3A_23 = arith.constant 0 : i32
    %dma_start3A_24 = arith.constant 0 : i32
    %dma_start3A_25 = tpu.memref_slice %arg7[%dma_start3A_22, %dma_start3A_23, %dma_start3A_24] : memref<2x20x128xi32, #tpu.memory_space<vmem>> -> memref<1x20x128xi32, #tpu.memory_space<vmem>>
    %dma_start3A_26 = tpu.memref_squeeze %dma_start3A_25 : memref<1x20x128xi32, #tpu.memory_space<vmem>> -> memref<20x128xi32, #tpu.memory_space<vmem>>
    %dma_start3A_27 = arith.constant 0 : i32
    %dma_start3A_28 = arith.constant 0 : i32
    %dma_start3A_29 = tpu.memref_slice %arg3[%add3A, %dma_start3A, %dma_start3A_27, %dma_start3A_28] : memref<32x4x20x128xi32, #tpu.memory_space<hbm>> -> memref<1x1x20x128xi32, #tpu.memory_space<hbm>>
    %dma_start3A_30 = tpu.memref_squeeze %dma_start3A_29 : memref<1x1x20x128xi32, #tpu.memory_space<hbm>> -> memref<20x128xi32, #tpu.memory_space<hbm>>
    %dma_start3A_31 = arith.constant 0 : i32
    %dma_start3A_32 = arith.constant 0 : i32
    %dma_start3A_33 = tpu.memref_slice %arg7[%dma_start3A_22, %dma_start3A_31, %dma_start3A_32] : memref<2x20x128xi32, #tpu.memory_space<vmem>> -> memref<1x20x128xi32, #tpu.memory_space<vmem>>
    %dma_start3A_34 = tpu.memref_squeeze %dma_start3A_33 : memref<1x20x128xi32, #tpu.memory_space<vmem>> -> memref<20x128xi32, #tpu.memory_space<vmem>>
    %dma_start3A_35 = arith.constant 0 : i32
    %dma_start3A_36 = arith.constant 0 : i32
    %dma_start3A_37 = tpu.memref_slice %arg3[%add3A, %dma_start3A, %dma_start3A_35, %dma_start3A_36] : memref<32x4x20x128xi32, #tpu.memory_space<hbm>> -> memref<1x1x20x128xi32, #tpu.memory_space<hbm>>
    %dma_start3A_38 = tpu.memref_squeeze %dma_start3A_37 : memref<1x1x20x128xi32, #tpu.memory_space<hbm>> -> memref<20x128xi32, #tpu.memory_space<hbm>>
    tpu.enqueue_dma source(%dma_start3A_38 : memref<20x128xi32, #tpu.memory_space<hbm>>) target(%dma_start3A_34 : memref<20x128xi32, #tpu.memory_space<vmem>>) target_semaphore(%arg11 : memref<!tpu.dma_semaphore, #tpu.memory_space<semaphore_mem>>)
    %dma_start3A_39 = arith.constant 1 : i32
    %dma_start3A_40 = arith.constant 1 : i32
    %dma_start3A_41 = arith.constant 0 : i32
    %dma_start3A_42 = arith.constant 0 : i32
    %dma_start3A_43 = tpu.memref_slice %arg7[%dma_start3A_40, %dma_start3A_41, %dma_start3A_42] : memref<2x20x128xi32, #tpu.memory_space<vmem>> -> memref<1x20x128xi32, #tpu.memory_space<vmem>>
    %dma_start3A_44 = tpu.memref_squeeze %dma_start3A_43 : memref<1x20x128xi32, #tpu.memory_space<vmem>> -> memref<20x128xi32, #tpu.memory_space<vmem>>
    %dma_start3A_45 = arith.constant 0 : i32
    %dma_start3A_46 = arith.constant 0 : i32
    %dma_start3A_47 = tpu.memref_slice %arg4[%add3A, %dma_start3A_39, %dma_start3A_45, %dma_start3A_46] : memref<32x4x20x128xi32, #tpu.memory_space<hbm>> -> memref<1x1x20x128xi32, #tpu.memory_space<hbm>>
    %dma_start3A_48 = tpu.memref_squeeze %dma_start3A_47 : memref<1x1x20x128xi32, #tpu.memory_space<hbm>> -> memref<20x128xi32, #tpu.memory_space<hbm>>
    %dma_start3A_49 = arith.constant 0 : i32
    %dma_start3A_50 = arith.constant 0 : i32
    %dma_start3A_51 = tpu.memref_slice %arg7[%dma_start3A_40, %dma_start3A_49, %dma_start3A_50] : memref<2x20x128xi32, #tpu.memory_space<vmem>> -> memref<1x20x128xi32, #tpu.memory_space<vmem>>
    %dma_start3A_52 = tpu.memref_squeeze %dma_start3A_51 : memref<1x20x128xi32, #tpu.memory_space<vmem>> -> memref<20x128xi32, #tpu.memory_space<vmem>>
    %dma_start3A_53 = arith.constant 0 : i32
    %dma_start3A_54 = arith.constant 0 : i32
    %dma_start3A_55 = tpu.memref_slice %arg4[%add3A, %dma_start3A_39, %dma_start3A_53, %dma_start3A_54] : memref<32x4x20x128xi32, #tpu.memory_space<hbm>> -> memref<1x1x20x128xi32, #tpu.memory_space<hbm>>
    %dma_start3A_56 = tpu.memref_squeeze %dma_start3A_55 : memref<1x1x20x128xi32, #tpu.memory_space<hbm>> -> memref<20x128xi32, #tpu.memory_space<hbm>>
    tpu.enqueue_dma source(%dma_start3A_56 : memref<20x128xi32, #tpu.memory_space<hbm>>) target(%dma_start3A_52 : memref<20x128xi32, #tpu.memory_space<vmem>>) target_semaphore(%arg11 : memref<!tpu.dma_semaphore, #tpu.memory_space<semaphore_mem>>)
    %dma_start3A_57 = arith.constant 0 : i32
    %dma_start3A_58 = arith.constant 0 : i32
    %dma_start3A_59 = arith.constant 0 : i32
    %dma_start3A_60 = tpu.memref_slice %arg6[%dma_start3A_57, %dma_start3A_58, %dma_start3A_59] : memref<2x20x128xi32, #tpu.memory_space<vmem>> -> memref<1x1x128xi32, #tpu.memory_space<vmem>>
    %dma_start3A_61 = tpu.memref_squeeze %dma_start3A_60 : memref<1x1x128xi32, #tpu.memory_space<vmem>> -> memref<128xi32, #tpu.memory_space<vmem>>
    %dma_start3A_62 = arith.constant 0 : i32
    %dma_start3A_63 = arith.constant 0 : i32
    %dma_start3A_64 = tpu.memref_slice %arg2[%dma_start3A_62, %dma_start3A_63] : memref<10000x128xf32, #tpu.memory_space<hbm>> -> memref<10000x128xf32, #tpu.memory_space<hbm>>
    tpu.enqueue_indirect_dma source(%dma_start3A_64 : memref<10000x128xf32, #tpu.memory_space<hbm>>) target(%arg8 : memref<128x128xf32, #tpu.memory_space<vmem>>) offsets(%dma_start3A_61 : memref<128xi32, #tpu.memory_space<vmem>>) semaphore(%arg12 : memref<!tpu.dma_semaphore, #tpu.memory_space<semaphore_mem>>)
    %scan3A_65 = arith.constant 0 : i32
    %scan3A_66 = arith.constant 0 : i32
    %scan3A_67 = arith.constant 9 : i32
    %scan3A_68 = arith.addi %scan3A_66, %scan3A_67 : i32
    %scan3A_69 = arith.constant 1 : i32
    scf.for %scan3A_409 = %scan3A_66 to %scan3A_68 step %scan3A_69  : i32 {
      %mul3A_410 = arith.constant 2 : i32
      %mul3A_411 = arith.muli %mul3A_410, %scan3A_409 : i32
      %add3A_412 = arith.constant 1 : i32
      %add3A_413 = arith.addi %mul3A_411, %add3A_412 : i32
      %dma_start3A_414 = arith.constant 0 : i32
      %dma_start3A_415 = arith.constant 0 : i32
      %dma_start3A_416 = tpu.memref_slice %arg6[%dma_start3A_414, %add3A_413, %dma_start3A_415] : memref<2x20x128xi32, #tpu.memory_space<vmem>> -> memref<1x1x128xi32, #tpu.memory_space<vmem>>
      %dma_start3A_417 = tpu.memref_squeeze %dma_start3A_416 : memref<1x1x128xi32, #tpu.memory_space<vmem>> -> memref<128xi32, #tpu.memory_space<vmem>>
      %dma_start3A_418 = arith.constant 0 : i32
      %dma_start3A_419 = arith.constant 0 : i32
      %dma_start3A_420 = tpu.memref_slice %arg2[%dma_start3A_418, %dma_start3A_419] : memref<10000x128xf32, #tpu.memory_space<hbm>> -> memref<10000x128xf32, #tpu.memory_space<hbm>>
      tpu.enqueue_indirect_dma source(%dma_start3A_420 : memref<10000x128xf32, #tpu.memory_space<hbm>>) target(%arg9 : memref<128x128xf32, #tpu.memory_space<vmem>>) offsets(%dma_start3A_417 : memref<128xi32, #tpu.memory_space<vmem>>) semaphore(%arg13 : memref<!tpu.dma_semaphore, #tpu.memory_space<semaphore_mem>>)
      %mul3A_421 = arith.constant 2 : i32
      %mul3A_422 = arith.muli %mul3A_421, %scan3A_409 : i32
      %dma_wait3A_423 = arith.constant 0 : i32
      %dma_wait3A_424 = arith.constant 0 : i32
      %dma_wait3A_425 = tpu.memref_slice %arg6[%dma_wait3A_423, %mul3A_422, %dma_wait3A_424] : memref<2x20x128xi32, #tpu.memory_space<vmem>> -> memref<1x1x128xi32, #tpu.memory_space<vmem>>
      %dma_wait3A_426 = tpu.memref_squeeze %dma_wait3A_425 : memref<1x1x128xi32, #tpu.memory_space<vmem>> -> memref<128xi32, #tpu.memory_space<vmem>>
      %dma_wait3A_427 = arith.constant 0 : i32
      %dma_wait3A_428 = arith.constant 0 : i32
      %dma_wait3A_429 = tpu.memref_slice %arg2[%dma_wait3A_427, %dma_wait3A_428] : memref<10000x128xf32, #tpu.memory_space<hbm>> -> memref<10000x128xf32, #tpu.memory_space<hbm>>
      tpu.wait_indirect_dma semaphore(%arg12 : memref<!tpu.dma_semaphore, #tpu.memory_space<semaphore_mem>>) src(%dma_wait3A_429 : memref<10000x128xf32, #tpu.memory_space<hbm>>) dst(%arg8 : memref<128x128xf32, #tpu.memory_space<vmem>>)
      %mul3A_430 = arith.constant 2 : i32
      %mul3A_431 = arith.muli %mul3A_430, %scan3A_409 : i32
      %run_scoped3A_432 = arith.constant 1 : i32
      "tpu.region"() ({
        %run_scoped3A_460 = tpu.sem_alloc : memref<!tpu.dma_semaphore, #tpu.memory_space<semaphore_mem>>
        %dma_start3A_461 = arith.constant 0 : i32
        %dma_start3A_462 = tpu.memref_slice %arg6[%run_scoped3A_432, %mul3A_431, %dma_start3A_461] : memref<2x20x128xi32, #tpu.memory_space<vmem>> -> memref<1x1x128xi32, #tpu.memory_space<vmem>>
        %dma_start3A_463 = tpu.memref_squeeze %dma_start3A_462 : memref<1x1x128xi32, #tpu.memory_space<vmem>> -> memref<128xi32, #tpu.memory_space<vmem>>
        %dma_start3A_464 = arith.constant 0 : i32
        %dma_start3A_465 = arith.constant 0 : i32
        %dma_start3A_466 = tpu.memref_slice %arg10[%dma_start3A_464, %dma_start3A_465] : memref<10112x128xf32, #tpu.memory_space<vmem_shared>> -> memref<10112x128xf32, #tpu.memory_space<vmem_shared>>
        tpu.enqueue_indirect_dma source(%arg8 : memref<128x128xf32, #tpu.memory_space<vmem>>) target(%dma_start3A_466 : memref<10112x128xf32, #tpu.memory_space<vmem_shared>>) offsets(%dma_start3A_463 : memref<128xi32, #tpu.memory_space<vmem>>) semaphore(%run_scoped3A_460 : memref<!tpu.dma_semaphore, #tpu.memory_space<semaphore_mem>>) {add = true}
        %dma_wait3A_467 = arith.constant 0 : i32
        %dma_wait3A_468 = tpu.memref_slice %arg6[%run_scoped3A_432, %mul3A_431, %dma_wait3A_467] : memref<2x20x128xi32, #tpu.memory_space<vmem>> -> memref<1x1x128xi32, #tpu.memory_space<vmem>>
        %dma_wait3A_469 = tpu.memref_squeeze %dma_wait3A_468 : memref<1x1x128xi32, #tpu.memory_space<vmem>> -> memref<128xi32, #tpu.memory_space<vmem>>
        %dma_wait3A_470 = arith.constant 0 : i32
        %dma_wait3A_471 = arith.constant 0 : i32
        %dma_wait3A_472 = tpu.memref_slice %arg10[%dma_wait3A_470, %dma_wait3A_471] : memref<10112x128xf32, #tpu.memory_space<vmem_shared>> -> memref<10112x128xf32, #tpu.memory_space<vmem_shared>>
        tpu.wait_indirect_dma semaphore(%run_scoped3A_460 : memref<!tpu.dma_semaphore, #tpu.memory_space<semaphore_mem>>) src(%arg8 : memref<128x128xf32, #tpu.memory_space<vmem>>) dst(%dma_wait3A_472 : memref<10112x128xf32, #tpu.memory_space<vmem_shared>>)
        tpu.yield
      }) : () -> ()
      %mul3A_433 = arith.constant 2 : i32
      %mul3A_434 = arith.muli %mul3A_433, %scan3A_409 : i32
      %add3A_435 = arith.constant 2 : i32
      %add3A_436 = arith.addi %mul3A_434, %add3A_435 : i32
      %dma_start3A_437 = arith.constant 0 : i32
      %dma_start3A_438 = arith.constant 0 : i32
      %dma_start3A_439 = tpu.memref_slice %arg6[%dma_start3A_437, %add3A_436, %dma_start3A_438] : memref<2x20x128xi32, #tpu.memory_space<vmem>> -> memref<1x1x128xi32, #tpu.memory_space<vmem>>
      %dma_start3A_440 = tpu.memref_squeeze %dma_start3A_439 : memref<1x1x128xi32, #tpu.memory_space<vmem>> -> memref<128xi32, #tpu.memory_space<vmem>>
      %dma_start3A_441 = arith.constant 0 : i32
      %dma_start3A_442 = arith.constant 0 : i32
      %dma_start3A_443 = tpu.memref_slice %arg2[%dma_start3A_441, %dma_start3A_442] : memref<10000x128xf32, #tpu.memory_space<hbm>> -> memref<10000x128xf32, #tpu.memory_space<hbm>>
      tpu.enqueue_indirect_dma source(%dma_start3A_443 : memref<10000x128xf32, #tpu.memory_space<hbm>>) target(%arg8 : memref<128x128xf32, #tpu.memory_space<vmem>>) offsets(%dma_start3A_440 : memref<128xi32, #tpu.memory_space<vmem>>) semaphore(%arg12 : memref<!tpu.dma_semaphore, #tpu.memory_space<semaphore_mem>>)
      %mul3A_444 = arith.constant 2 : i32
      %mul3A_445 = arith.muli %mul3A_444, %scan3A_409 : i32
      %add3A_446 = arith.constant 1 : i32
      %add3A_447 = arith.addi %mul3A_445, %add3A_446 : i32
      %dma_wait3A_448 = arith.constant 0 : i32
      %dma_wait3A_449 = arith.constant 0 : i32
      %dma_wait3A_450 = tpu.memref_slice %arg6[%dma_wait3A_448, %add3A_447, %dma_wait3A_449] : memref<2x20x128xi32, #tpu.memory_space<vmem>> -> memref<1x1x128xi32, #tpu.memory_space<vmem>>
      %dma_wait3A_451 = tpu.memref_squeeze %dma_wait3A_450 : memref<1x1x128xi32, #tpu.memory_space<vmem>> -> memref<128xi32, #tpu.memory_space<vmem>>
      %dma_wait3A_452 = arith.constant 0 : i32
      %dma_wait3A_453 = arith.constant 0 : i32
      %dma_wait3A_454 = tpu.memref_slice %arg2[%dma_wait3A_452, %dma_wait3A_453] : memref<10000x128xf32, #tpu.memory_space<hbm>> -> memref<10000x128xf32, #tpu.memory_space<hbm>>
      tpu.wait_indirect_dma semaphore(%arg13 : memref<!tpu.dma_semaphore, #tpu.memory_space<semaphore_mem>>) src(%dma_wait3A_454 : memref<10000x128xf32, #tpu.memory_space<hbm>>) dst(%arg9 : memref<128x128xf32, #tpu.memory_space<vmem>>)
      %mul3A_455 = arith.constant 2 : i32
      %mul3A_456 = arith.muli %mul3A_455, %scan3A_409 : i32
      %add3A_457 = arith.constant 1 : i32
      %add3A_458 = arith.addi %mul3A_456, %add3A_457 : i32
      %run_scoped3A_459 = arith.constant 1 : i32
      "tpu.region"() ({
        %run_scoped3A_460 = tpu.sem_alloc : memref<!tpu.dma_semaphore, #tpu.memory_space<semaphore_mem>>
        %dma_start3A_461 = arith.constant 0 : i32
        %dma_start3A_462 = tpu.memref_slice %arg6[%run_scoped3A_459, %add3A_458, %dma_start3A_461] : memref<2x20x128xi32, #tpu.memory_space<vmem>> -> memref<1x1x128xi32, #tpu.memory_space<vmem>>
        %dma_start3A_463 = tpu.memref_squeeze %dma_start3A_462 : memref<1x1x128xi32, #tpu.memory_space<vmem>> -> memref<128xi32, #tpu.memory_space<vmem>>
        %dma_start3A_464 = arith.constant 0 : i32
        %dma_start3A_465 = arith.constant 0 : i32
        %dma_start3A_466 = tpu.memref_slice %arg10[%dma_start3A_464, %dma_start3A_465] : memref<10112x128xf32, #tpu.memory_space<vmem_shared>> -> memref<10112x128xf32, #tpu.memory_space<vmem_shared>>
        tpu.enqueue_indirect_dma source(%arg9 : memref<128x128xf32, #tpu.memory_space<vmem>>) target(%dma_start3A_466 : memref<10112x128xf32, #tpu.memory_space<vmem_shared>>) offsets(%dma_start3A_463 : memref<128xi32, #tpu.memory_space<vmem>>) semaphore(%run_scoped3A_460 : memref<!tpu.dma_semaphore, #tpu.memory_space<semaphore_mem>>) {add = true}
        %dma_wait3A_467 = arith.constant 0 : i32
        %dma_wait3A_468 = tpu.memref_slice %arg6[%run_scoped3A_459, %add3A_458, %dma_wait3A_467] : memref<2x20x128xi32, #tpu.memory_space<vmem>> -> memref<1x1x128xi32, #tpu.memory_space<vmem>>
        %dma_wait3A_469 = tpu.memref_squeeze %dma_wait3A_468 : memref<1x1x128xi32, #tpu.memory_space<vmem>> -> memref<128xi32, #tpu.memory_space<vmem>>
        %dma_wait3A_470 = arith.constant 0 : i32
        %dma_wait3A_471 = arith.constant 0 : i32
        %dma_wait3A_472 = tpu.memref_slice %arg10[%dma_wait3A_470, %dma_wait3A_471] : memref<10112x128xf32, #tpu.memory_space<vmem_shared>> -> memref<10112x128xf32, #tpu.memory_space<vmem_shared>>
        tpu.wait_indirect_dma semaphore(%run_scoped3A_460 : memref<!tpu.dma_semaphore, #tpu.memory_space<semaphore_mem>>) src(%arg9 : memref<128x128xf32, #tpu.memory_space<vmem>>) dst(%dma_wait3A_472 : memref<10112x128xf32, #tpu.memory_space<vmem_shared>>)
        tpu.yield
      }) : () -> ()
    }
    %scan3A_70 = arith.constant 9 : i32
    %dma_start3A_71 = arith.constant 0 : i32
    %dma_start3A_72 = arith.constant 19 : i32
    %dma_start3A_73 = arith.constant 0 : i32
    %dma_start3A_74 = tpu.memref_slice %arg6[%dma_start3A_71, %dma_start3A_72, %dma_start3A_73] : memref<2x20x128xi32, #tpu.memory_space<vmem>> -> memref<1x1x128xi32, #tpu.memory_space<vmem>>
    %dma_start3A_75 = tpu.memref_squeeze %dma_start3A_74 : memref<1x1x128xi32, #tpu.memory_space<vmem>> -> memref<128xi32, #tpu.memory_space<vmem>>
    %dma_start3A_76 = arith.constant 0 : i32
    %dma_start3A_77 = arith.constant 0 : i32
    %dma_start3A_78 = tpu.memref_slice %arg2[%dma_start3A_76, %dma_start3A_77] : memref<10000x128xf32, #tpu.memory_space<hbm>> -> memref<10000x128xf32, #tpu.memory_space<hbm>>
    tpu.enqueue_indirect_dma source(%dma_start3A_78 : memref<10000x128xf32, #tpu.memory_space<hbm>>) target(%arg9 : memref<128x128xf32, #tpu.memory_space<vmem>>) offsets(%dma_start3A_75 : memref<128xi32, #tpu.memory_space<vmem>>) semaphore(%arg13 : memref<!tpu.dma_semaphore, #tpu.memory_space<semaphore_mem>>)
    %dma_wait3A = arith.constant 0 : i32
    %dma_wait3A_79 = arith.constant 18 : i32
    %dma_wait3A_80 = arith.constant 0 : i32
    %dma_wait3A_81 = tpu.memref_slice %arg6[%dma_wait3A, %dma_wait3A_79, %dma_wait3A_80] : memref<2x20x128xi32, #tpu.memory_space<vmem>> -> memref<1x1x128xi32, #tpu.memory_space<vmem>>
    %dma_wait3A_82 = tpu.memref_squeeze %dma_wait3A_81 : memref<1x1x128xi32, #tpu.memory_space<vmem>> -> memref<128xi32, #tpu.memory_space<vmem>>
    %dma_wait3A_83 = arith.constant 0 : i32
    %dma_wait3A_84 = arith.constant 0 : i32
    %dma_wait3A_85 = tpu.memref_slice %arg2[%dma_wait3A_83, %dma_wait3A_84] : memref<10000x128xf32, #tpu.memory_space<hbm>> -> memref<10000x128xf32, #tpu.memory_space<hbm>>
    tpu.wait_indirect_dma semaphore(%arg12 : memref<!tpu.dma_semaphore, #tpu.memory_space<semaphore_mem>>) src(%dma_wait3A_85 : memref<10000x128xf32, #tpu.memory_space<hbm>>) dst(%arg8 : memref<128x128xf32, #tpu.memory_space<vmem>>)
    %run_scoped3A_86 = arith.constant 1 : i32
    %run_scoped3A_87 = arith.constant 18 : i32
    "tpu.region"() ({
      %run_scoped3A_409 = tpu.sem_alloc : memref<!tpu.dma_semaphore, #tpu.memory_space<semaphore_mem>>
      %dma_start3A_410 = arith.constant 0 : i32
      %dma_start3A_411 = tpu.memref_slice %arg6[%run_scoped3A_86, %run_scoped3A_87, %dma_start3A_410] : memref<2x20x128xi32, #tpu.memory_space<vmem>> -> memref<1x1x128xi32, #tpu.memory_space<vmem>>
      %dma_start3A_412 = tpu.memref_squeeze %dma_start3A_411 : memref<1x1x128xi32, #tpu.memory_space<vmem>> -> memref<128xi32, #tpu.memory_space<vmem>>
      %dma_start3A_413 = arith.constant 0 : i32
      %dma_start3A_414 = arith.constant 0 : i32
      %dma_start3A_415 = tpu.memref_slice %arg10[%dma_start3A_413, %dma_start3A_414] : memref<10112x128xf32, #tpu.memory_space<vmem_shared>> -> memref<10112x128xf32, #tpu.memory_space<vmem_shared>>
      tpu.enqueue_indirect_dma source(%arg8 : memref<128x128xf32, #tpu.memory_space<vmem>>) target(%dma_start3A_415 : memref<10112x128xf32, #tpu.memory_space<vmem_shared>>) offsets(%dma_start3A_412 : memref<128xi32, #tpu.memory_space<vmem>>) semaphore(%run_scoped3A_409 : memref<!tpu.dma_semaphore, #tpu.memory_space<semaphore_mem>>) {add = true}
      %dma_wait3A_416 = arith.constant 0 : i32
      %dma_wait3A_417 = tpu.memref_slice %arg6[%run_scoped3A_86, %run_scoped3A_87, %dma_wait3A_416] : memref<2x20x128xi32, #tpu.memory_space<vmem>> -> memref<1x1x128xi32, #tpu.memory_space<vmem>>
      %dma_wait3A_418 = tpu.memref_squeeze %dma_wait3A_417 : memref<1x1x128xi32, #tpu.memory_space<vmem>> -> memref<128xi32, #tpu.memory_space<vmem>>
      %dma_wait3A_419 = arith.constant 0 : i32
      %dma_wait3A_420 = arith.constant 0 : i32
      %dma_wait3A_421 = tpu.memref_slice %arg10[%dma_wait3A_419, %dma_wait3A_420] : memref<10112x128xf32, #tpu.memory_space<vmem_shared>> -> memref<10112x128xf32, #tpu.memory_space<vmem_shared>>
      tpu.wait_indirect_dma semaphore(%run_scoped3A_409 : memref<!tpu.dma_semaphore, #tpu.memory_space<semaphore_mem>>) src(%arg8 : memref<128x128xf32, #tpu.memory_space<vmem>>) dst(%dma_wait3A_421 : memref<10112x128xf32, #tpu.memory_space<vmem_shared>>)
      tpu.yield
    }) : () -> ()
    %dma_wait3A_88 = arith.constant 0 : i32
    %dma_wait3A_89 = arith.constant 19 : i32
    %dma_wait3A_90 = arith.constant 0 : i32
    %dma_wait3A_91 = tpu.memref_slice %arg6[%dma_wait3A_88, %dma_wait3A_89, %dma_wait3A_90] : memref<2x20x128xi32, #tpu.memory_space<vmem>> -> memref<1x1x128xi32, #tpu.memory_space<vmem>>
    %dma_wait3A_92 = tpu.memref_squeeze %dma_wait3A_91 : memref<1x1x128xi32, #tpu.memory_space<vmem>> -> memref<128xi32, #tpu.memory_space<vmem>>
    %dma_wait3A_93 = arith.constant 0 : i32
    %dma_wait3A_94 = arith.constant 0 : i32
    %dma_wait3A_95 = tpu.memref_slice %arg2[%dma_wait3A_93, %dma_wait3A_94] : memref<10000x128xf32, #tpu.memory_space<hbm>> -> memref<10000x128xf32, #tpu.memory_space<hbm>>
    tpu.wait_indirect_dma semaphore(%arg13 : memref<!tpu.dma_semaphore, #tpu.memory_space<semaphore_mem>>) src(%dma_wait3A_95 : memref<10000x128xf32, #tpu.memory_space<hbm>>) dst(%arg9 : memref<128x128xf32, #tpu.memory_space<vmem>>)
    %run_scoped3A_96 = arith.constant 1 : i32
    %run_scoped3A_97 = arith.constant 19 : i32
    "tpu.region"() ({
      %run_scoped3A_409 = tpu.sem_alloc : memref<!tpu.dma_semaphore, #tpu.memory_space<semaphore_mem>>
      %dma_start3A_410 = arith.constant 0 : i32
      %dma_start3A_411 = tpu.memref_slice %arg6[%run_scoped3A_96, %run_scoped3A_97, %dma_start3A_410] : memref<2x20x128xi32, #tpu.memory_space<vmem>> -> memref<1x1x128xi32, #tpu.memory_space<vmem>>
      %dma_start3A_412 = tpu.memref_squeeze %dma_start3A_411 : memref<1x1x128xi32, #tpu.memory_space<vmem>> -> memref<128xi32, #tpu.memory_space<vmem>>
      %dma_start3A_413 = arith.constant 0 : i32
      %dma_start3A_414 = arith.constant 0 : i32
      %dma_start3A_415 = tpu.memref_slice %arg10[%dma_start3A_413, %dma_start3A_414] : memref<10112x128xf32, #tpu.memory_space<vmem_shared>> -> memref<10112x128xf32, #tpu.memory_space<vmem_shared>>
      tpu.enqueue_indirect_dma source(%arg9 : memref<128x128xf32, #tpu.memory_space<vmem>>) target(%dma_start3A_415 : memref<10112x128xf32, #tpu.memory_space<vmem_shared>>) offsets(%dma_start3A_412 : memref<128xi32, #tpu.memory_space<vmem>>) semaphore(%run_scoped3A_409 : memref<!tpu.dma_semaphore, #tpu.memory_space<semaphore_mem>>) {add = true}
      %dma_wait3A_416 = arith.constant 0 : i32
      %dma_wait3A_417 = tpu.memref_slice %arg6[%run_scoped3A_96, %run_scoped3A_97, %dma_wait3A_416] : memref<2x20x128xi32, #tpu.memory_space<vmem>> -> memref<1x1x128xi32, #tpu.memory_space<vmem>>
      %dma_wait3A_418 = tpu.memref_squeeze %dma_wait3A_417 : memref<1x1x128xi32, #tpu.memory_space<vmem>> -> memref<128xi32, #tpu.memory_space<vmem>>
      %dma_wait3A_419 = arith.constant 0 : i32
      %dma_wait3A_420 = arith.constant 0 : i32
      %dma_wait3A_421 = tpu.memref_slice %arg10[%dma_wait3A_419, %dma_wait3A_420] : memref<10112x128xf32, #tpu.memory_space<vmem_shared>> -> memref<10112x128xf32, #tpu.memory_space<vmem_shared>>
      tpu.wait_indirect_dma semaphore(%run_scoped3A_409 : memref<!tpu.dma_semaphore, #tpu.memory_space<semaphore_mem>>) src(%arg9 : memref<128x128xf32, #tpu.memory_space<vmem>>) dst(%dma_wait3A_421 : memref<10112x128xf32, #tpu.memory_space<vmem_shared>>)
      tpu.yield
    }) : () -> ()
    %dma_wait3A_98 = arith.constant 1 : i32
    %dma_wait3A_99 = arith.constant 0 : i32
    %dma_wait3A_100 = arith.constant 0 : i32
    %dma_wait3A_101 = arith.constant 0 : i32
    %dma_wait3A_102 = tpu.memref_slice %arg7[%dma_wait3A_99, %dma_wait3A_100, %dma_wait3A_101] : memref<2x20x128xi32, #tpu.memory_space<vmem>> -> memref<1x20x128xi32, #tpu.memory_space<vmem>>
    %dma_wait3A_103 = tpu.memref_squeeze %dma_wait3A_102 : memref<1x20x128xi32, #tpu.memory_space<vmem>> -> memref<20x128xi32, #tpu.memory_space<vmem>>
    %dma_wait3A_104 = arith.constant 0 : i32
    %dma_wait3A_105 = arith.constant 0 : i32
    %dma_wait3A_106 = tpu.memref_slice %arg3[%add3A, %dma_wait3A_98, %dma_wait3A_104, %dma_wait3A_105] : memref<32x4x20x128xi32, #tpu.memory_space<hbm>> -> memref<1x1x20x128xi32, #tpu.memory_space<hbm>>
    %dma_wait3A_107 = tpu.memref_squeeze %dma_wait3A_106 : memref<1x1x20x128xi32, #tpu.memory_space<hbm>> -> memref<20x128xi32, #tpu.memory_space<hbm>>
    %dma_wait3A_108 = arith.constant 0 : i32
    %dma_wait3A_109 = arith.constant 0 : i32
    %dma_wait3A_110 = tpu.memref_slice %arg7[%dma_wait3A_99, %dma_wait3A_108, %dma_wait3A_109] : memref<2x20x128xi32, #tpu.memory_space<vmem>> -> memref<1x20x128xi32, #tpu.memory_space<vmem>>
    %dma_wait3A_111 = tpu.memref_squeeze %dma_wait3A_110 : memref<1x20x128xi32, #tpu.memory_space<vmem>> -> memref<20x128xi32, #tpu.memory_space<vmem>>
    %dma_wait3A_112 = arith.constant 0 : i32
    %dma_wait3A_113 = arith.constant 0 : i32
    %dma_wait3A_114 = tpu.memref_slice %arg3[%add3A, %dma_wait3A_98, %dma_wait3A_112, %dma_wait3A_113] : memref<32x4x20x128xi32, #tpu.memory_space<hbm>> -> memref<1x1x20x128xi32, #tpu.memory_space<hbm>>
    %dma_wait3A_115 = tpu.memref_squeeze %dma_wait3A_114 : memref<1x1x20x128xi32, #tpu.memory_space<hbm>> -> memref<20x128xi32, #tpu.memory_space<hbm>>
    tpu.wait_dma2 semaphore(%arg11 : memref<!tpu.dma_semaphore, #tpu.memory_space<semaphore_mem>>) src(%dma_wait3A_115 : memref<20x128xi32, #tpu.memory_space<hbm>>) dst(%dma_wait3A_111 : memref<20x128xi32, #tpu.memory_space<vmem>>)
    %dma_wait3A_116 = arith.constant 1 : i32
    %dma_wait3A_117 = arith.constant 1 : i32
    %dma_wait3A_118 = arith.constant 0 : i32
    %dma_wait3A_119 = arith.constant 0 : i32
    %dma_wait3A_120 = tpu.memref_slice %arg7[%dma_wait3A_117, %dma_wait3A_118, %dma_wait3A_119] : memref<2x20x128xi32, #tpu.memory_space<vmem>> -> memref<1x20x128xi32, #tpu.memory_space<vmem>>
    %dma_wait3A_121 = tpu.memref_squeeze %dma_wait3A_120 : memref<1x20x128xi32, #tpu.memory_space<vmem>> -> memref<20x128xi32, #tpu.memory_space<vmem>>
    %dma_wait3A_122 = arith.constant 0 : i32
    %dma_wait3A_123 = arith.constant 0 : i32
    %dma_wait3A_124 = tpu.memref_slice %arg4[%add3A, %dma_wait3A_116, %dma_wait3A_122, %dma_wait3A_123] : memref<32x4x20x128xi32, #tpu.memory_space<hbm>> -> memref<1x1x20x128xi32, #tpu.memory_space<hbm>>
    %dma_wait3A_125 = tpu.memref_squeeze %dma_wait3A_124 : memref<1x1x20x128xi32, #tpu.memory_space<hbm>> -> memref<20x128xi32, #tpu.memory_space<hbm>>
    %dma_wait3A_126 = arith.constant 0 : i32
    %dma_wait3A_127 = arith.constant 0 : i32
    %dma_wait3A_128 = tpu.memref_slice %arg7[%dma_wait3A_117, %dma_wait3A_126, %dma_wait3A_127] : memref<2x20x128xi32, #tpu.memory_space<vmem>> -> memref<1x20x128xi32, #tpu.memory_space<vmem>>
    %dma_wait3A_129 = tpu.memref_squeeze %dma_wait3A_128 : memref<1x20x128xi32, #tpu.memory_space<vmem>> -> memref<20x128xi32, #tpu.memory_space<vmem>>
    %dma_wait3A_130 = arith.constant 0 : i32
    %dma_wait3A_131 = arith.constant 0 : i32
    %dma_wait3A_132 = tpu.memref_slice %arg4[%add3A, %dma_wait3A_116, %dma_wait3A_130, %dma_wait3A_131] : memref<32x4x20x128xi32, #tpu.memory_space<hbm>> -> memref<1x1x20x128xi32, #tpu.memory_space<hbm>>
    %dma_wait3A_133 = tpu.memref_squeeze %dma_wait3A_132 : memref<1x1x20x128xi32, #tpu.memory_space<hbm>> -> memref<20x128xi32, #tpu.memory_space<hbm>>
    tpu.wait_dma2 semaphore(%arg11 : memref<!tpu.dma_semaphore, #tpu.memory_space<semaphore_mem>>) src(%dma_wait3A_133 : memref<20x128xi32, #tpu.memory_space<hbm>>) dst(%dma_wait3A_129 : memref<20x128xi32, #tpu.memory_space<vmem>>)
    %dma_start3A_134 = arith.constant 2 : i32
    %dma_start3A_135 = arith.constant 0 : i32
    %dma_start3A_136 = arith.constant 0 : i32
    %dma_start3A_137 = arith.constant 0 : i32
    %dma_start3A_138 = tpu.memref_slice %arg6[%dma_start3A_135, %dma_start3A_136, %dma_start3A_137] : memref<2x20x128xi32, #tpu.memory_space<vmem>> -> memref<1x20x128xi32, #tpu.memory_space<vmem>>
    %dma_start3A_139 = tpu.memref_squeeze %dma_start3A_138 : memref<1x20x128xi32, #tpu.memory_space<vmem>> -> memref<20x128xi32, #tpu.memory_space<vmem>>
    %dma_start3A_140 = arith.constant 0 : i32
    %dma_start3A_141 = arith.constant 0 : i32
    %dma_start3A_142 = tpu.memref_slice %arg3[%add3A, %dma_start3A_134, %dma_start3A_140, %dma_start3A_141] : memref<32x4x20x128xi32, #tpu.memory_space<hbm>> -> memref<1x1x20x128xi32, #tpu.memory_space<hbm>>
    %dma_start3A_143 = tpu.memref_squeeze %dma_start3A_142 : memref<1x1x20x128xi32, #tpu.memory_space<hbm>> -> memref<20x128xi32, #tpu.memory_space<hbm>>
    %dma_start3A_144 = arith.constant 0 : i32
    %dma_start3A_145 = arith.constant 0 : i32
    %dma_start3A_146 = tpu.memref_slice %arg6[%dma_start3A_135, %dma_start3A_144, %dma_start3A_145] : memref<2x20x128xi32, #tpu.memory_space<vmem>> -> memref<1x20x128xi32, #tpu.memory_space<vmem>>
    %dma_start3A_147 = tpu.memref_squeeze %dma_start3A_146 : memref<1x20x128xi32, #tpu.memory_space<vmem>> -> memref<20x128xi32, #tpu.memory_space<vmem>>
    %dma_start3A_148 = arith.constant 0 : i32
    %dma_start3A_149 = arith.constant 0 : i32
    %dma_start3A_150 = tpu.memref_slice %arg3[%add3A, %dma_start3A_134, %dma_start3A_148, %dma_start3A_149] : memref<32x4x20x128xi32, #tpu.memory_space<hbm>> -> memref<1x1x20x128xi32, #tpu.memory_space<hbm>>
    %dma_start3A_151 = tpu.memref_squeeze %dma_start3A_150 : memref<1x1x20x128xi32, #tpu.memory_space<hbm>> -> memref<20x128xi32, #tpu.memory_space<hbm>>
    tpu.enqueue_dma source(%dma_start3A_151 : memref<20x128xi32, #tpu.memory_space<hbm>>) target(%dma_start3A_147 : memref<20x128xi32, #tpu.memory_space<vmem>>) target_semaphore(%arg11 : memref<!tpu.dma_semaphore, #tpu.memory_space<semaphore_mem>>)
    %dma_start3A_152 = arith.constant 2 : i32
    %dma_start3A_153 = arith.constant 1 : i32
    %dma_start3A_154 = arith.constant 0 : i32
    %dma_start3A_155 = arith.constant 0 : i32
    %dma_start3A_156 = tpu.memref_slice %arg6[%dma_start3A_153, %dma_start3A_154, %dma_start3A_155] : memref<2x20x128xi32, #tpu.memory_space<vmem>> -> memref<1x20x128xi32, #tpu.memory_space<vmem>>
    %dma_start3A_157 = tpu.memref_squeeze %dma_start3A_156 : memref<1x20x128xi32, #tpu.memory_space<vmem>> -> memref<20x128xi32, #tpu.memory_space<vmem>>
    %dma_start3A_158 = arith.constant 0 : i32
    %dma_start3A_159 = arith.constant 0 : i32
    %dma_start3A_160 = tpu.memref_slice %arg4[%add3A, %dma_start3A_152, %dma_start3A_158, %dma_start3A_159] : memref<32x4x20x128xi32, #tpu.memory_space<hbm>> -> memref<1x1x20x128xi32, #tpu.memory_space<hbm>>
    %dma_start3A_161 = tpu.memref_squeeze %dma_start3A_160 : memref<1x1x20x128xi32, #tpu.memory_space<hbm>> -> memref<20x128xi32, #tpu.memory_space<hbm>>
    %dma_start3A_162 = arith.constant 0 : i32
    %dma_start3A_163 = arith.constant 0 : i32
    %dma_start3A_164 = tpu.memref_slice %arg6[%dma_start3A_153, %dma_start3A_162, %dma_start3A_163] : memref<2x20x128xi32, #tpu.memory_space<vmem>> -> memref<1x20x128xi32, #tpu.memory_space<vmem>>
    %dma_start3A_165 = tpu.memref_squeeze %dma_start3A_164 : memref<1x20x128xi32, #tpu.memory_space<vmem>> -> memref<20x128xi32, #tpu.memory_space<vmem>>
    %dma_start3A_166 = arith.constant 0 : i32
    %dma_start3A_167 = arith.constant 0 : i32
    %dma_start3A_168 = tpu.memref_slice %arg4[%add3A, %dma_start3A_152, %dma_start3A_166, %dma_start3A_167] : memref<32x4x20x128xi32, #tpu.memory_space<hbm>> -> memref<1x1x20x128xi32, #tpu.memory_space<hbm>>
    %dma_start3A_169 = tpu.memref_squeeze %dma_start3A_168 : memref<1x1x20x128xi32, #tpu.memory_space<hbm>> -> memref<20x128xi32, #tpu.memory_space<hbm>>
    tpu.enqueue_dma source(%dma_start3A_169 : memref<20x128xi32, #tpu.memory_space<hbm>>) target(%dma_start3A_165 : memref<20x128xi32, #tpu.memory_space<vmem>>) target_semaphore(%arg11 : memref<!tpu.dma_semaphore, #tpu.memory_space<semaphore_mem>>)
    %dma_start3A_170 = arith.constant 0 : i32
    %dma_start3A_171 = arith.constant 0 : i32
    %dma_start3A_172 = arith.constant 0 : i32
    %dma_start3A_173 = tpu.memref_slice %arg7[%dma_start3A_170, %dma_start3A_171, %dma_start3A_172] : memref<2x20x128xi32, #tpu.memory_space<vmem>> -> memref<1x1x128xi32, #tpu.memory_space<vmem>>
    %dma_start3A_174 = tpu.memref_squeeze %dma_start3A_173 : memref<1x1x128xi32, #tpu.memory_space<vmem>> -> memref<128xi32, #tpu.memory_space<vmem>>
    %dma_start3A_175 = arith.constant 0 : i32
    %dma_start3A_176 = arith.constant 0 : i32
    %dma_start3A_177 = tpu.memref_slice %arg2[%dma_start3A_175, %dma_start3A_176] : memref<10000x128xf32, #tpu.memory_space<hbm>> -> memref<10000x128xf32, #tpu.memory_space<hbm>>
    tpu.enqueue_indirect_dma source(%dma_start3A_177 : memref<10000x128xf32, #tpu.memory_space<hbm>>) target(%arg8 : memref<128x128xf32, #tpu.memory_space<vmem>>) offsets(%dma_start3A_174 : memref<128xi32, #tpu.memory_space<vmem>>) semaphore(%arg12 : memref<!tpu.dma_semaphore, #tpu.memory_space<semaphore_mem>>)
    %scan3A_178 = arith.constant 0 : i32
    %scan3A_179 = arith.constant 0 : i32
    %scan3A_180 = arith.constant 9 : i32
    %scan3A_181 = arith.addi %scan3A_179, %scan3A_180 : i32
    %scan3A_182 = arith.constant 1 : i32
    scf.for %scan3A_409 = %scan3A_179 to %scan3A_181 step %scan3A_182  : i32 {
      %mul3A_410 = arith.constant 2 : i32
      %mul3A_411 = arith.muli %mul3A_410, %scan3A_409 : i32
      %add3A_412 = arith.constant 1 : i32
      %add3A_413 = arith.addi %mul3A_411, %add3A_412 : i32
      %dma_start3A_414 = arith.constant 0 : i32
      %dma_start3A_415 = arith.constant 0 : i32
      %dma_start3A_416 = tpu.memref_slice %arg7[%dma_start3A_414, %add3A_413, %dma_start3A_415] : memref<2x20x128xi32, #tpu.memory_space<vmem>> -> memref<1x1x128xi32, #tpu.memory_space<vmem>>
      %dma_start3A_417 = tpu.memref_squeeze %dma_start3A_416 : memref<1x1x128xi32, #tpu.memory_space<vmem>> -> memref<128xi32, #tpu.memory_space<vmem>>
      %dma_start3A_418 = arith.constant 0 : i32
      %dma_start3A_419 = arith.constant 0 : i32
      %dma_start3A_420 = tpu.memref_slice %arg2[%dma_start3A_418, %dma_start3A_419] : memref<10000x128xf32, #tpu.memory_space<hbm>> -> memref<10000x128xf32, #tpu.memory_space<hbm>>
      tpu.enqueue_indirect_dma source(%dma_start3A_420 : memref<10000x128xf32, #tpu.memory_space<hbm>>) target(%arg9 : memref<128x128xf32, #tpu.memory_space<vmem>>) offsets(%dma_start3A_417 : memref<128xi32, #tpu.memory_space<vmem>>) semaphore(%arg13 : memref<!tpu.dma_semaphore, #tpu.memory_space<semaphore_mem>>)
      %mul3A_421 = arith.constant 2 : i32
      %mul3A_422 = arith.muli %mul3A_421, %scan3A_409 : i32
      %dma_wait3A_423 = arith.constant 0 : i32
      %dma_wait3A_424 = arith.constant 0 : i32
      %dma_wait3A_425 = tpu.memref_slice %arg7[%dma_wait3A_423, %mul3A_422, %dma_wait3A_424] : memref<2x20x128xi32, #tpu.memory_space<vmem>> -> memref<1x1x128xi32, #tpu.memory_space<vmem>>
      %dma_wait3A_426 = tpu.memref_squeeze %dma_wait3A_425 : memref<1x1x128xi32, #tpu.memory_space<vmem>> -> memref<128xi32, #tpu.memory_space<vmem>>
      %dma_wait3A_427 = arith.constant 0 : i32
      %dma_wait3A_428 = arith.constant 0 : i32
      %dma_wait3A_429 = tpu.memref_slice %arg2[%dma_wait3A_427, %dma_wait3A_428] : memref<10000x128xf32, #tpu.memory_space<hbm>> -> memref<10000x128xf32, #tpu.memory_space<hbm>>
      tpu.wait_indirect_dma semaphore(%arg12 : memref<!tpu.dma_semaphore, #tpu.memory_space<semaphore_mem>>) src(%dma_wait3A_429 : memref<10000x128xf32, #tpu.memory_space<hbm>>) dst(%arg8 : memref<128x128xf32, #tpu.memory_space<vmem>>)
      %mul3A_430 = arith.constant 2 : i32
      %mul3A_431 = arith.muli %mul3A_430, %scan3A_409 : i32
      %run_scoped3A_432 = arith.constant 1 : i32
      "tpu.region"() ({
        %run_scoped3A_460 = tpu.sem_alloc : memref<!tpu.dma_semaphore, #tpu.memory_space<semaphore_mem>>
        %dma_start3A_461 = arith.constant 0 : i32
        %dma_start3A_462 = tpu.memref_slice %arg7[%run_scoped3A_432, %mul3A_431, %dma_start3A_461] : memref<2x20x128xi32, #tpu.memory_space<vmem>> -> memref<1x1x128xi32, #tpu.memory_space<vmem>>
        %dma_start3A_463 = tpu.memref_squeeze %dma_start3A_462 : memref<1x1x128xi32, #tpu.memory_space<vmem>> -> memref<128xi32, #tpu.memory_space<vmem>>
        %dma_start3A_464 = arith.constant 0 : i32
        %dma_start3A_465 = arith.constant 0 : i32
        %dma_start3A_466 = tpu.memref_slice %arg10[%dma_start3A_464, %dma_start3A_465] : memref<10112x128xf32, #tpu.memory_space<vmem_shared>> -> memref<10112x128xf32, #tpu.memory_space<vmem_shared>>
        tpu.enqueue_indirect_dma source(%arg8 : memref<128x128xf32, #tpu.memory_space<vmem>>) target(%dma_start3A_466 : memref<10112x128xf32, #tpu.memory_space<vmem_shared>>) offsets(%dma_start3A_463 : memref<128xi32, #tpu.memory_space<vmem>>) semaphore(%run_scoped3A_460 : memref<!tpu.dma_semaphore, #tpu.memory_space<semaphore_mem>>) {add = true}
        %dma_wait3A_467 = arith.constant 0 : i32
        %dma_wait3A_468 = tpu.memref_slice %arg7[%run_scoped3A_432, %mul3A_431, %dma_wait3A_467] : memref<2x20x128xi32, #tpu.memory_space<vmem>> -> memref<1x1x128xi32, #tpu.memory_space<vmem>>
        %dma_wait3A_469 = tpu.memref_squeeze %dma_wait3A_468 : memref<1x1x128xi32, #tpu.memory_space<vmem>> -> memref<128xi32, #tpu.memory_space<vmem>>
        %dma_wait3A_470 = arith.constant 0 : i32
        %dma_wait3A_471 = arith.constant 0 : i32
        %dma_wait3A_472 = tpu.memref_slice %arg10[%dma_wait3A_470, %dma_wait3A_471] : memref<10112x128xf32, #tpu.memory_space<vmem_shared>> -> memref<10112x128xf32, #tpu.memory_space<vmem_shared>>
        tpu.wait_indirect_dma semaphore(%run_scoped3A_460 : memref<!tpu.dma_semaphore, #tpu.memory_space<semaphore_mem>>) src(%arg8 : memref<128x128xf32, #tpu.memory_space<vmem>>) dst(%dma_wait3A_472 : memref<10112x128xf32, #tpu.memory_space<vmem_shared>>)
        tpu.yield
      }) : () -> ()
      %mul3A_433 = arith.constant 2 : i32
      %mul3A_434 = arith.muli %mul3A_433, %scan3A_409 : i32
      %add3A_435 = arith.constant 2 : i32
      %add3A_436 = arith.addi %mul3A_434, %add3A_435 : i32
      %dma_start3A_437 = arith.constant 0 : i32
      %dma_start3A_438 = arith.constant 0 : i32
      %dma_start3A_439 = tpu.memref_slice %arg7[%dma_start3A_437, %add3A_436, %dma_start3A_438] : memref<2x20x128xi32, #tpu.memory_space<vmem>> -> memref<1x1x128xi32, #tpu.memory_space<vmem>>
      %dma_start3A_440 = tpu.memref_squeeze %dma_start3A_439 : memref<1x1x128xi32, #tpu.memory_space<vmem>> -> memref<128xi32, #tpu.memory_space<vmem>>
      %dma_start3A_441 = arith.constant 0 : i32
      %dma_start3A_442 = arith.constant 0 : i32
      %dma_start3A_443 = tpu.memref_slice %arg2[%dma_start3A_441, %dma_start3A_442] : memref<10000x128xf32, #tpu.memory_space<hbm>> -> memref<10000x128xf32, #tpu.memory_space<hbm>>
      tpu.enqueue_indirect_dma source(%dma_start3A_443 : memref<10000x128xf32, #tpu.memory_space<hbm>>) target(%arg8 : memref<128x128xf32, #tpu.memory_space<vmem>>) offsets(%dma_start3A_440 : memref<128xi32, #tpu.memory_space<vmem>>) semaphore(%arg12 : memref<!tpu.dma_semaphore, #tpu.memory_space<semaphore_mem>>)
      %mul3A_444 = arith.constant 2 : i32
      %mul3A_445 = arith.muli %mul3A_444, %scan3A_409 : i32
      %add3A_446 = arith.constant 1 : i32
      %add3A_447 = arith.addi %mul3A_445, %add3A_446 : i32
      %dma_wait3A_448 = arith.constant 0 : i32
      %dma_wait3A_449 = arith.constant 0 : i32
      %dma_wait3A_450 = tpu.memref_slice %arg7[%dma_wait3A_448, %add3A_447, %dma_wait3A_449] : memref<2x20x128xi32, #tpu.memory_space<vmem>> -> memref<1x1x128xi32, #tpu.memory_space<vmem>>
      %dma_wait3A_451 = tpu.memref_squeeze %dma_wait3A_450 : memref<1x1x128xi32, #tpu.memory_space<vmem>> -> memref<128xi32, #tpu.memory_space<vmem>>
      %dma_wait3A_452 = arith.constant 0 : i32
      %dma_wait3A_453 = arith.constant 0 : i32
      %dma_wait3A_454 = tpu.memref_slice %arg2[%dma_wait3A_452, %dma_wait3A_453] : memref<10000x128xf32, #tpu.memory_space<hbm>> -> memref<10000x128xf32, #tpu.memory_space<hbm>>
      tpu.wait_indirect_dma semaphore(%arg13 : memref<!tpu.dma_semaphore, #tpu.memory_space<semaphore_mem>>) src(%dma_wait3A_454 : memref<10000x128xf32, #tpu.memory_space<hbm>>) dst(%arg9 : memref<128x128xf32, #tpu.memory_space<vmem>>)
      %mul3A_455 = arith.constant 2 : i32
      %mul3A_456 = arith.muli %mul3A_455, %scan3A_409 : i32
      %add3A_457 = arith.constant 1 : i32
      %add3A_458 = arith.addi %mul3A_456, %add3A_457 : i32
      %run_scoped3A_459 = arith.constant 1 : i32
      "tpu.region"() ({
        %run_scoped3A_460 = tpu.sem_alloc : memref<!tpu.dma_semaphore, #tpu.memory_space<semaphore_mem>>
        %dma_start3A_461 = arith.constant 0 : i32
        %dma_start3A_462 = tpu.memref_slice %arg7[%run_scoped3A_459, %add3A_458, %dma_start3A_461] : memref<2x20x128xi32, #tpu.memory_space<vmem>> -> memref<1x1x128xi32, #tpu.memory_space<vmem>>
        %dma_start3A_463 = tpu.memref_squeeze %dma_start3A_462 : memref<1x1x128xi32, #tpu.memory_space<vmem>> -> memref<128xi32, #tpu.memory_space<vmem>>
        %dma_start3A_464 = arith.constant 0 : i32
        %dma_start3A_465 = arith.constant 0 : i32
        %dma_start3A_466 = tpu.memref_slice %arg10[%dma_start3A_464, %dma_start3A_465] : memref<10112x128xf32, #tpu.memory_space<vmem_shared>> -> memref<10112x128xf32, #tpu.memory_space<vmem_shared>>
        tpu.enqueue_indirect_dma source(%arg9 : memref<128x128xf32, #tpu.memory_space<vmem>>) target(%dma_start3A_466 : memref<10112x128xf32, #tpu.memory_space<vmem_shared>>) offsets(%dma_start3A_463 : memref<128xi32, #tpu.memory_space<vmem>>) semaphore(%run_scoped3A_460 : memref<!tpu.dma_semaphore, #tpu.memory_space<semaphore_mem>>) {add = true}
        %dma_wait3A_467 = arith.constant 0 : i32
        %dma_wait3A_468 = tpu.memref_slice %arg7[%run_scoped3A_459, %add3A_458, %dma_wait3A_467] : memref<2x20x128xi32, #tpu.memory_space<vmem>> -> memref<1x1x128xi32, #tpu.memory_space<vmem>>
        %dma_wait3A_469 = tpu.memref_squeeze %dma_wait3A_468 : memref<1x1x128xi32, #tpu.memory_space<vmem>> -> memref<128xi32, #tpu.memory_space<vmem>>
        %dma_wait3A_470 = arith.constant 0 : i32
        %dma_wait3A_471 = arith.constant 0 : i32
        %dma_wait3A_472 = tpu.memref_slice %arg10[%dma_wait3A_470, %dma_wait3A_471] : memref<10112x128xf32, #tpu.memory_space<vmem_shared>> -> memref<10112x128xf32, #tpu.memory_space<vmem_shared>>
        tpu.wait_indirect_dma semaphore(%run_scoped3A_460 : memref<!tpu.dma_semaphore, #tpu.memory_space<semaphore_mem>>) src(%arg9 : memref<128x128xf32, #tpu.memory_space<vmem>>) dst(%dma_wait3A_472 : memref<10112x128xf32, #tpu.memory_space<vmem_shared>>)
        tpu.yield
      }) : () -> ()
    }
    %scan3A_183 = arith.constant 9 : i32
    %dma_start3A_184 = arith.constant 0 : i32
    %dma_start3A_185 = arith.constant 19 : i32
    %dma_start3A_186 = arith.constant 0 : i32
    %dma_start3A_187 = tpu.memref_slice %arg7[%dma_start3A_184, %dma_start3A_185, %dma_start3A_186] : memref<2x20x128xi32, #tpu.memory_space<vmem>> -> memref<1x1x128xi32, #tpu.memory_space<vmem>>
    %dma_start3A_188 = tpu.memref_squeeze %dma_start3A_187 : memref<1x1x128xi32, #tpu.memory_space<vmem>> -> memref<128xi32, #tpu.memory_space<vmem>>
    %dma_start3A_189 = arith.constant 0 : i32
    %dma_start3A_190 = arith.constant 0 : i32
    %dma_start3A_191 = tpu.memref_slice %arg2[%dma_start3A_189, %dma_start3A_190] : memref<10000x128xf32, #tpu.memory_space<hbm>> -> memref<10000x128xf32, #tpu.memory_space<hbm>>
    tpu.enqueue_indirect_dma source(%dma_start3A_191 : memref<10000x128xf32, #tpu.memory_space<hbm>>) target(%arg9 : memref<128x128xf32, #tpu.memory_space<vmem>>) offsets(%dma_start3A_188 : memref<128xi32, #tpu.memory_space<vmem>>) semaphore(%arg13 : memref<!tpu.dma_semaphore, #tpu.memory_space<semaphore_mem>>)
    %dma_wait3A_192 = arith.constant 0 : i32
    %dma_wait3A_193 = arith.constant 18 : i32
    %dma_wait3A_194 = arith.constant 0 : i32
    %dma_wait3A_195 = tpu.memref_slice %arg7[%dma_wait3A_192, %dma_wait3A_193, %dma_wait3A_194] : memref<2x20x128xi32, #tpu.memory_space<vmem>> -> memref<1x1x128xi32, #tpu.memory_space<vmem>>
    %dma_wait3A_196 = tpu.memref_squeeze %dma_wait3A_195 : memref<1x1x128xi32, #tpu.memory_space<vmem>> -> memref<128xi32, #tpu.memory_space<vmem>>
    %dma_wait3A_197 = arith.constant 0 : i32
    %dma_wait3A_198 = arith.constant 0 : i32
    %dma_wait3A_199 = tpu.memref_slice %arg2[%dma_wait3A_197, %dma_wait3A_198] : memref<10000x128xf32, #tpu.memory_space<hbm>> -> memref<10000x128xf32, #tpu.memory_space<hbm>>
    tpu.wait_indirect_dma semaphore(%arg12 : memref<!tpu.dma_semaphore, #tpu.memory_space<semaphore_mem>>) src(%dma_wait3A_199 : memref<10000x128xf32, #tpu.memory_space<hbm>>) dst(%arg8 : memref<128x128xf32, #tpu.memory_space<vmem>>)
    %run_scoped3A_200 = arith.constant 1 : i32
    %run_scoped3A_201 = arith.constant 18 : i32
    "tpu.region"() ({
      %run_scoped3A_409 = tpu.sem_alloc : memref<!tpu.dma_semaphore, #tpu.memory_space<semaphore_mem>>
      %dma_start3A_410 = arith.constant 0 : i32
      %dma_start3A_411 = tpu.memref_slice %arg7[%run_scoped3A_200, %run_scoped3A_201, %dma_start3A_410] : memref<2x20x128xi32, #tpu.memory_space<vmem>> -> memref<1x1x128xi32, #tpu.memory_space<vmem>>
      %dma_start3A_412 = tpu.memref_squeeze %dma_start3A_411 : memref<1x1x128xi32, #tpu.memory_space<vmem>> -> memref<128xi32, #tpu.memory_space<vmem>>
      %dma_start3A_413 = arith.constant 0 : i32
      %dma_start3A_414 = arith.constant 0 : i32
      %dma_start3A_415 = tpu.memref_slice %arg10[%dma_start3A_413, %dma_start3A_414] : memref<10112x128xf32, #tpu.memory_space<vmem_shared>> -> memref<10112x128xf32, #tpu.memory_space<vmem_shared>>
      tpu.enqueue_indirect_dma source(%arg8 : memref<128x128xf32, #tpu.memory_space<vmem>>) target(%dma_start3A_415 : memref<10112x128xf32, #tpu.memory_space<vmem_shared>>) offsets(%dma_start3A_412 : memref<128xi32, #tpu.memory_space<vmem>>) semaphore(%run_scoped3A_409 : memref<!tpu.dma_semaphore, #tpu.memory_space<semaphore_mem>>) {add = true}
      %dma_wait3A_416 = arith.constant 0 : i32
      %dma_wait3A_417 = tpu.memref_slice %arg7[%run_scoped3A_200, %run_scoped3A_201, %dma_wait3A_416] : memref<2x20x128xi32, #tpu.memory_space<vmem>> -> memref<1x1x128xi32, #tpu.memory_space<vmem>>
      %dma_wait3A_418 = tpu.memref_squeeze %dma_wait3A_417 : memref<1x1x128xi32, #tpu.memory_space<vmem>> -> memref<128xi32, #tpu.memory_space<vmem>>
      %dma_wait3A_419 = arith.constant 0 : i32
      %dma_wait3A_420 = arith.constant 0 : i32
      %dma_wait3A_421 = tpu.memref_slice %arg10[%dma_wait3A_419, %dma_wait3A_420] : memref<10112x128xf32, #tpu.memory_space<vmem_shared>> -> memref<10112x128xf32, #tpu.memory_space<vmem_shared>>
      tpu.wait_indirect_dma semaphore(%run_scoped3A_409 : memref<!tpu.dma_semaphore, #tpu.memory_space<semaphore_mem>>) src(%arg8 : memref<128x128xf32, #tpu.memory_space<vmem>>) dst(%dma_wait3A_421 : memref<10112x128xf32, #tpu.memory_space<vmem_shared>>)
      tpu.yield
    }) : () -> ()
    %dma_wait3A_202 = arith.constant 0 : i32
    %dma_wait3A_203 = arith.constant 19 : i32
    %dma_wait3A_204 = arith.constant 0 : i32
    %dma_wait3A_205 = tpu.memref_slice %arg7[%dma_wait3A_202, %dma_wait3A_203, %dma_wait3A_204] : memref<2x20x128xi32, #tpu.memory_space<vmem>> -> memref<1x1x128xi32, #tpu.memory_space<vmem>>
    %dma_wait3A_206 = tpu.memref_squeeze %dma_wait3A_205 : memref<1x1x128xi32, #tpu.memory_space<vmem>> -> memref<128xi32, #tpu.memory_space<vmem>>
    %dma_wait3A_207 = arith.constant 0 : i32
    %dma_wait3A_208 = arith.constant 0 : i32
    %dma_wait3A_209 = tpu.memref_slice %arg2[%dma_wait3A_207, %dma_wait3A_208] : memref<10000x128xf32, #tpu.memory_space<hbm>> -> memref<10000x128xf32, #tpu.memory_space<hbm>>
    tpu.wait_indirect_dma semaphore(%arg13 : memref<!tpu.dma_semaphore, #tpu.memory_space<semaphore_mem>>) src(%dma_wait3A_209 : memref<10000x128xf32, #tpu.memory_space<hbm>>) dst(%arg9 : memref<128x128xf32, #tpu.memory_space<vmem>>)
    %run_scoped3A_210 = arith.constant 1 : i32
    %run_scoped3A_211 = arith.constant 19 : i32
    "tpu.region"() ({
      %run_scoped3A_409 = tpu.sem_alloc : memref<!tpu.dma_semaphore, #tpu.memory_space<semaphore_mem>>
      %dma_start3A_410 = arith.constant 0 : i32
      %dma_start3A_411 = tpu.memref_slice %arg7[%run_scoped3A_210, %run_scoped3A_211, %dma_start3A_410] : memref<2x20x128xi32, #tpu.memory_space<vmem>> -> memref<1x1x128xi32, #tpu.memory_space<vmem>>
      %dma_start3A_412 = tpu.memref_squeeze %dma_start3A_411 : memref<1x1x128xi32, #tpu.memory_space<vmem>> -> memref<128xi32, #tpu.memory_space<vmem>>
      %dma_start3A_413 = arith.constant 0 : i32
      %dma_start3A_414 = arith.constant 0 : i32
      %dma_start3A_415 = tpu.memref_slice %arg10[%dma_start3A_413, %dma_start3A_414] : memref<10112x128xf32, #tpu.memory_space<vmem_shared>> -> memref<10112x128xf32, #tpu.memory_space<vmem_shared>>
      tpu.enqueue_indirect_dma source(%arg9 : memref<128x128xf32, #tpu.memory_space<vmem>>) target(%dma_start3A_415 : memref<10112x128xf32, #tpu.memory_space<vmem_shared>>) offsets(%dma_start3A_412 : memref<128xi32, #tpu.memory_space<vmem>>) semaphore(%run_scoped3A_409 : memref<!tpu.dma_semaphore, #tpu.memory_space<semaphore_mem>>) {add = true}
      %dma_wait3A_416 = arith.constant 0 : i32
      %dma_wait3A_417 = tpu.memref_slice %arg7[%run_scoped3A_210, %run_scoped3A_211, %dma_wait3A_416] : memref<2x20x128xi32, #tpu.memory_space<vmem>> -> memref<1x1x128xi32, #tpu.memory_space<vmem>>
      %dma_wait3A_418 = tpu.memref_squeeze %dma_wait3A_417 : memref<1x1x128xi32, #tpu.memory_space<vmem>> -> memref<128xi32, #tpu.memory_space<vmem>>
      %dma_wait3A_419 = arith.constant 0 : i32
      %dma_wait3A_420 = arith.constant 0 : i32
      %dma_wait3A_421 = tpu.memref_slice %arg10[%dma_wait3A_419, %dma_wait3A_420] : memref<10112x128xf32, #tpu.memory_space<vmem_shared>> -> memref<10112x128xf32, #tpu.memory_space<vmem_shared>>
      tpu.wait_indirect_dma semaphore(%run_scoped3A_409 : memref<!tpu.dma_semaphore, #tpu.memory_space<semaphore_mem>>) src(%arg9 : memref<128x128xf32, #tpu.memory_space<vmem>>) dst(%dma_wait3A_421 : memref<10112x128xf32, #tpu.memory_space<vmem_shared>>)
      tpu.yield
    }) : () -> ()
    %dma_wait3A_212 = arith.constant 2 : i32
    %dma_wait3A_213 = arith.constant 0 : i32
    %dma_wait3A_214 = arith.constant 0 : i32
    %dma_wait3A_215 = arith.constant 0 : i32
    %dma_wait3A_216 = tpu.memref_slice %arg6[%dma_wait3A_213, %dma_wait3A_214, %dma_wait3A_215] : memref<2x20x128xi32, #tpu.memory_space<vmem>> -> memref<1x20x128xi32, #tpu.memory_space<vmem>>
    %dma_wait3A_217 = tpu.memref_squeeze %dma_wait3A_216 : memref<1x20x128xi32, #tpu.memory_space<vmem>> -> memref<20x128xi32, #tpu.memory_space<vmem>>
    %dma_wait3A_218 = arith.constant 0 : i32
    %dma_wait3A_219 = arith.constant 0 : i32
    %dma_wait3A_220 = tpu.memref_slice %arg3[%add3A, %dma_wait3A_212, %dma_wait3A_218, %dma_wait3A_219] : memref<32x4x20x128xi32, #tpu.memory_space<hbm>> -> memref<1x1x20x128xi32, #tpu.memory_space<hbm>>
    %dma_wait3A_221 = tpu.memref_squeeze %dma_wait3A_220 : memref<1x1x20x128xi32, #tpu.memory_space<hbm>> -> memref<20x128xi32, #tpu.memory_space<hbm>>
    %dma_wait3A_222 = arith.constant 0 : i32
    %dma_wait3A_223 = arith.constant 0 : i32
    %dma_wait3A_224 = tpu.memref_slice %arg6[%dma_wait3A_213, %dma_wait3A_222, %dma_wait3A_223] : memref<2x20x128xi32, #tpu.memory_space<vmem>> -> memref<1x20x128xi32, #tpu.memory_space<vmem>>
    %dma_wait3A_225 = tpu.memref_squeeze %dma_wait3A_224 : memref<1x20x128xi32, #tpu.memory_space<vmem>> -> memref<20x128xi32, #tpu.memory_space<vmem>>
    %dma_wait3A_226 = arith.constant 0 : i32
    %dma_wait3A_227 = arith.constant 0 : i32
    %dma_wait3A_228 = tpu.memref_slice %arg3[%add3A, %dma_wait3A_212, %dma_wait3A_226, %dma_wait3A_227] : memref<32x4x20x128xi32, #tpu.memory_space<hbm>> -> memref<1x1x20x128xi32, #tpu.memory_space<hbm>>
    %dma_wait3A_229 = tpu.memref_squeeze %dma_wait3A_228 : memref<1x1x20x128xi32, #tpu.memory_space<hbm>> -> memref<20x128xi32, #tpu.memory_space<hbm>>
    tpu.wait_dma2 semaphore(%arg11 : memref<!tpu.dma_semaphore, #tpu.memory_space<semaphore_mem>>) src(%dma_wait3A_229 : memref<20x128xi32, #tpu.memory_space<hbm>>) dst(%dma_wait3A_225 : memref<20x128xi32, #tpu.memory_space<vmem>>)
    %dma_wait3A_230 = arith.constant 2 : i32
    %dma_wait3A_231 = arith.constant 1 : i32
    %dma_wait3A_232 = arith.constant 0 : i32
    %dma_wait3A_233 = arith.constant 0 : i32
    %dma_wait3A_234 = tpu.memref_slice %arg6[%dma_wait3A_231, %dma_wait3A_232, %dma_wait3A_233] : memref<2x20x128xi32, #tpu.memory_space<vmem>> -> memref<1x20x128xi32, #tpu.memory_space<vmem>>
    %dma_wait3A_235 = tpu.memref_squeeze %dma_wait3A_234 : memref<1x20x128xi32, #tpu.memory_space<vmem>> -> memref<20x128xi32, #tpu.memory_space<vmem>>
    %dma_wait3A_236 = arith.constant 0 : i32
    %dma_wait3A_237 = arith.constant 0 : i32
    %dma_wait3A_238 = tpu.memref_slice %arg4[%add3A, %dma_wait3A_230, %dma_wait3A_236, %dma_wait3A_237] : memref<32x4x20x128xi32, #tpu.memory_space<hbm>> -> memref<1x1x20x128xi32, #tpu.memory_space<hbm>>
    %dma_wait3A_239 = tpu.memref_squeeze %dma_wait3A_238 : memref<1x1x20x128xi32, #tpu.memory_space<hbm>> -> memref<20x128xi32, #tpu.memory_space<hbm>>
    %dma_wait3A_240 = arith.constant 0 : i32
    %dma_wait3A_241 = arith.constant 0 : i32
    %dma_wait3A_242 = tpu.memref_slice %arg6[%dma_wait3A_231, %dma_wait3A_240, %dma_wait3A_241] : memref<2x20x128xi32, #tpu.memory_space<vmem>> -> memref<1x20x128xi32, #tpu.memory_space<vmem>>
    %dma_wait3A_243 = tpu.memref_squeeze %dma_wait3A_242 : memref<1x20x128xi32, #tpu.memory_space<vmem>> -> memref<20x128xi32, #tpu.memory_space<vmem>>
    %dma_wait3A_244 = arith.constant 0 : i32
    %dma_wait3A_245 = arith.constant 0 : i32
    %dma_wait3A_246 = tpu.memref_slice %arg4[%add3A, %dma_wait3A_230, %dma_wait3A_244, %dma_wait3A_245] : memref<32x4x20x128xi32, #tpu.memory_space<hbm>> -> memref<1x1x20x128xi32, #tpu.memory_space<hbm>>
    %dma_wait3A_247 = tpu.memref_squeeze %dma_wait3A_246 : memref<1x1x20x128xi32, #tpu.memory_space<hbm>> -> memref<20x128xi32, #tpu.memory_space<hbm>>
    tpu.wait_dma2 semaphore(%arg11 : memref<!tpu.dma_semaphore, #tpu.memory_space<semaphore_mem>>) src(%dma_wait3A_247 : memref<20x128xi32, #tpu.memory_space<hbm>>) dst(%dma_wait3A_243 : memref<20x128xi32, #tpu.memory_space<vmem>>)
    %dma_start3A_248 = arith.constant 3 : i32
    %dma_start3A_249 = arith.constant 0 : i32
    %dma_start3A_250 = arith.constant 0 : i32
    %dma_start3A_251 = arith.constant 0 : i32
    %dma_start3A_252 = tpu.memref_slice %arg7[%dma_start3A_249, %dma_start3A_250, %dma_start3A_251] : memref<2x20x128xi32, #tpu.memory_space<vmem>> -> memref<1x20x128xi32, #tpu.memory_space<vmem>>
    %dma_start3A_253 = tpu.memref_squeeze %dma_start3A_252 : memref<1x20x128xi32, #tpu.memory_space<vmem>> -> memref<20x128xi32, #tpu.memory_space<vmem>>
    %dma_start3A_254 = arith.constant 0 : i32
    %dma_start3A_255 = arith.constant 0 : i32
    %dma_start3A_256 = tpu.memref_slice %arg3[%add3A, %dma_start3A_248, %dma_start3A_254, %dma_start3A_255] : memref<32x4x20x128xi32, #tpu.memory_space<hbm>> -> memref<1x1x20x128xi32, #tpu.memory_space<hbm>>
    %dma_start3A_257 = tpu.memref_squeeze %dma_start3A_256 : memref<1x1x20x128xi32, #tpu.memory_space<hbm>> -> memref<20x128xi32, #tpu.memory_space<hbm>>
    %dma_start3A_258 = arith.constant 0 : i32
    %dma_start3A_259 = arith.constant 0 : i32
    %dma_start3A_260 = tpu.memref_slice %arg7[%dma_start3A_249, %dma_start3A_258, %dma_start3A_259] : memref<2x20x128xi32, #tpu.memory_space<vmem>> -> memref<1x20x128xi32, #tpu.memory_space<vmem>>
    %dma_start3A_261 = tpu.memref_squeeze %dma_start3A_260 : memref<1x20x128xi32, #tpu.memory_space<vmem>> -> memref<20x128xi32, #tpu.memory_space<vmem>>
    %dma_start3A_262 = arith.constant 0 : i32
    %dma_start3A_263 = arith.constant 0 : i32
    %dma_start3A_264 = tpu.memref_slice %arg3[%add3A, %dma_start3A_248, %dma_start3A_262, %dma_start3A_263] : memref<32x4x20x128xi32, #tpu.memory_space<hbm>> -> memref<1x1x20x128xi32, #tpu.memory_space<hbm>>
    %dma_start3A_265 = tpu.memref_squeeze %dma_start3A_264 : memref<1x1x20x128xi32, #tpu.memory_space<hbm>> -> memref<20x128xi32, #tpu.memory_space<hbm>>
    tpu.enqueue_dma source(%dma_start3A_265 : memref<20x128xi32, #tpu.memory_space<hbm>>) target(%dma_start3A_261 : memref<20x128xi32, #tpu.memory_space<vmem>>) target_semaphore(%arg11 : memref<!tpu.dma_semaphore, #tpu.memory_space<semaphore_mem>>)
    %dma_start3A_266 = arith.constant 3 : i32
    %dma_start3A_267 = arith.constant 1 : i32
    %dma_start3A_268 = arith.constant 0 : i32
    %dma_start3A_269 = arith.constant 0 : i32
    %dma_start3A_270 = tpu.memref_slice %arg7[%dma_start3A_267, %dma_start3A_268, %dma_start3A_269] : memref<2x20x128xi32, #tpu.memory_space<vmem>> -> memref<1x20x128xi32, #tpu.memory_space<vmem>>
    %dma_start3A_271 = tpu.memref_squeeze %dma_start3A_270 : memref<1x20x128xi32, #tpu.memory_space<vmem>> -> memref<20x128xi32, #tpu.memory_space<vmem>>
    %dma_start3A_272 = arith.constant 0 : i32
    %dma_start3A_273 = arith.constant 0 : i32
    %dma_start3A_274 = tpu.memref_slice %arg4[%add3A, %dma_start3A_266, %dma_start3A_272, %dma_start3A_273] : memref<32x4x20x128xi32, #tpu.memory_space<hbm>> -> memref<1x1x20x128xi32, #tpu.memory_space<hbm>>
    %dma_start3A_275 = tpu.memref_squeeze %dma_start3A_274 : memref<1x1x20x128xi32, #tpu.memory_space<hbm>> -> memref<20x128xi32, #tpu.memory_space<hbm>>
    %dma_start3A_276 = arith.constant 0 : i32
    %dma_start3A_277 = arith.constant 0 : i32
    %dma_start3A_278 = tpu.memref_slice %arg7[%dma_start3A_267, %dma_start3A_276, %dma_start3A_277] : memref<2x20x128xi32, #tpu.memory_space<vmem>> -> memref<1x20x128xi32, #tpu.memory_space<vmem>>
    %dma_start3A_279 = tpu.memref_squeeze %dma_start3A_278 : memref<1x20x128xi32, #tpu.memory_space<vmem>> -> memref<20x128xi32, #tpu.memory_space<vmem>>
    %dma_start3A_280 = arith.constant 0 : i32
    %dma_start3A_281 = arith.constant 0 : i32
    %dma_start3A_282 = tpu.memref_slice %arg4[%add3A, %dma_start3A_266, %dma_start3A_280, %dma_start3A_281] : memref<32x4x20x128xi32, #tpu.memory_space<hbm>> -> memref<1x1x20x128xi32, #tpu.memory_space<hbm>>
    %dma_start3A_283 = tpu.memref_squeeze %dma_start3A_282 : memref<1x1x20x128xi32, #tpu.memory_space<hbm>> -> memref<20x128xi32, #tpu.memory_space<hbm>>
    tpu.enqueue_dma source(%dma_start3A_283 : memref<20x128xi32, #tpu.memory_space<hbm>>) target(%dma_start3A_279 : memref<20x128xi32, #tpu.memory_space<vmem>>) target_semaphore(%arg11 : memref<!tpu.dma_semaphore, #tpu.memory_space<semaphore_mem>>)
    %dma_start3A_284 = arith.constant 0 : i32
    %dma_start3A_285 = arith.constant 0 : i32
    %dma_start3A_286 = arith.constant 0 : i32
    %dma_start3A_287 = tpu.memref_slice %arg6[%dma_start3A_284, %dma_start3A_285, %dma_start3A_286] : memref<2x20x128xi32, #tpu.memory_space<vmem>> -> memref<1x1x128xi32, #tpu.memory_space<vmem>>
    %dma_start3A_288 = tpu.memref_squeeze %dma_start3A_287 : memref<1x1x128xi32, #tpu.memory_space<vmem>> -> memref<128xi32, #tpu.memory_space<vmem>>
    %dma_start3A_289 = arith.constant 0 : i32
    %dma_start3A_290 = arith.constant 0 : i32
    %dma_start3A_291 = tpu.memref_slice %arg2[%dma_start3A_289, %dma_start3A_290] : memref<10000x128xf32, #tpu.memory_space<hbm>> -> memref<10000x128xf32, #tpu.memory_space<hbm>>
    tpu.enqueue_indirect_dma source(%dma_start3A_291 : memref<10000x128xf32, #tpu.memory_space<hbm>>) target(%arg8 : memref<128x128xf32, #tpu.memory_space<vmem>>) offsets(%dma_start3A_288 : memref<128xi32, #tpu.memory_space<vmem>>) semaphore(%arg12 : memref<!tpu.dma_semaphore, #tpu.memory_space<semaphore_mem>>)
    %scan3A_292 = arith.constant 0 : i32
    %scan3A_293 = arith.constant 0 : i32
    %scan3A_294 = arith.constant 9 : i32
    %scan3A_295 = arith.addi %scan3A_293, %scan3A_294 : i32
    %scan3A_296 = arith.constant 1 : i32
    scf.for %scan3A_409 = %scan3A_293 to %scan3A_295 step %scan3A_296  : i32 {
      %mul3A_410 = arith.constant 2 : i32
      %mul3A_411 = arith.muli %mul3A_410, %scan3A_409 : i32
      %add3A_412 = arith.constant 1 : i32
      %add3A_413 = arith.addi %mul3A_411, %add3A_412 : i32
      %dma_start3A_414 = arith.constant 0 : i32
      %dma_start3A_415 = arith.constant 0 : i32
      %dma_start3A_416 = tpu.memref_slice %arg6[%dma_start3A_414, %add3A_413, %dma_start3A_415] : memref<2x20x128xi32, #tpu.memory_space<vmem>> -> memref<1x1x128xi32, #tpu.memory_space<vmem>>
      %dma_start3A_417 = tpu.memref_squeeze %dma_start3A_416 : memref<1x1x128xi32, #tpu.memory_space<vmem>> -> memref<128xi32, #tpu.memory_space<vmem>>
      %dma_start3A_418 = arith.constant 0 : i32
      %dma_start3A_419 = arith.constant 0 : i32
      %dma_start3A_420 = tpu.memref_slice %arg2[%dma_start3A_418, %dma_start3A_419] : memref<10000x128xf32, #tpu.memory_space<hbm>> -> memref<10000x128xf32, #tpu.memory_space<hbm>>
      tpu.enqueue_indirect_dma source(%dma_start3A_420 : memref<10000x128xf32, #tpu.memory_space<hbm>>) target(%arg9 : memref<128x128xf32, #tpu.memory_space<vmem>>) offsets(%dma_start3A_417 : memref<128xi32, #tpu.memory_space<vmem>>) semaphore(%arg13 : memref<!tpu.dma_semaphore, #tpu.memory_space<semaphore_mem>>)
      %mul3A_421 = arith.constant 2 : i32
      %mul3A_422 = arith.muli %mul3A_421, %scan3A_409 : i32
      %dma_wait3A_423 = arith.constant 0 : i32
      %dma_wait3A_424 = arith.constant 0 : i32
      %dma_wait3A_425 = tpu.memref_slice %arg6[%dma_wait3A_423, %mul3A_422, %dma_wait3A_424] : memref<2x20x128xi32, #tpu.memory_space<vmem>> -> memref<1x1x128xi32, #tpu.memory_space<vmem>>
      %dma_wait3A_426 = tpu.memref_squeeze %dma_wait3A_425 : memref<1x1x128xi32, #tpu.memory_space<vmem>> -> memref<128xi32, #tpu.memory_space<vmem>>
      %dma_wait3A_427 = arith.constant 0 : i32
      %dma_wait3A_428 = arith.constant 0 : i32
      %dma_wait3A_429 = tpu.memref_slice %arg2[%dma_wait3A_427, %dma_wait3A_428] : memref<10000x128xf32, #tpu.memory_space<hbm>> -> memref<10000x128xf32, #tpu.memory_space<hbm>>
      tpu.wait_indirect_dma semaphore(%arg12 : memref<!tpu.dma_semaphore, #tpu.memory_space<semaphore_mem>>) src(%dma_wait3A_429 : memref<10000x128xf32, #tpu.memory_space<hbm>>) dst(%arg8 : memref<128x128xf32, #tpu.memory_space<vmem>>)
      %mul3A_430 = arith.constant 2 : i32
      %mul3A_431 = arith.muli %mul3A_430, %scan3A_409 : i32
      %run_scoped3A_432 = arith.constant 1 : i32
      "tpu.region"() ({
        %run_scoped3A_460 = tpu.sem_alloc : memref<!tpu.dma_semaphore, #tpu.memory_space<semaphore_mem>>
        %dma_start3A_461 = arith.constant 0 : i32
        %dma_start3A_462 = tpu.memref_slice %arg6[%run_scoped3A_432, %mul3A_431, %dma_start3A_461] : memref<2x20x128xi32, #tpu.memory_space<vmem>> -> memref<1x1x128xi32, #tpu.memory_space<vmem>>
        %dma_start3A_463 = tpu.memref_squeeze %dma_start3A_462 : memref<1x1x128xi32, #tpu.memory_space<vmem>> -> memref<128xi32, #tpu.memory_space<vmem>>
        %dma_start3A_464 = arith.constant 0 : i32
        %dma_start3A_465 = arith.constant 0 : i32
        %dma_start3A_466 = tpu.memref_slice %arg10[%dma_start3A_464, %dma_start3A_465] : memref<10112x128xf32, #tpu.memory_space<vmem_shared>> -> memref<10112x128xf32, #tpu.memory_space<vmem_shared>>
        tpu.enqueue_indirect_dma source(%arg8 : memref<128x128xf32, #tpu.memory_space<vmem>>) target(%dma_start3A_466 : memref<10112x128xf32, #tpu.memory_space<vmem_shared>>) offsets(%dma_start3A_463 : memref<128xi32, #tpu.memory_space<vmem>>) semaphore(%run_scoped3A_460 : memref<!tpu.dma_semaphore, #tpu.memory_space<semaphore_mem>>) {add = true}
        %dma_wait3A_467 = arith.constant 0 : i32
        %dma_wait3A_468 = tpu.memref_slice %arg6[%run_scoped3A_432, %mul3A_431, %dma_wait3A_467] : memref<2x20x128xi32, #tpu.memory_space<vmem>> -> memref<1x1x128xi32, #tpu.memory_space<vmem>>
        %dma_wait3A_469 = tpu.memref_squeeze %dma_wait3A_468 : memref<1x1x128xi32, #tpu.memory_space<vmem>> -> memref<128xi32, #tpu.memory_space<vmem>>
        %dma_wait3A_470 = arith.constant 0 : i32
        %dma_wait3A_471 = arith.constant 0 : i32
        %dma_wait3A_472 = tpu.memref_slice %arg10[%dma_wait3A_470, %dma_wait3A_471] : memref<10112x128xf32, #tpu.memory_space<vmem_shared>> -> memref<10112x128xf32, #tpu.memory_space<vmem_shared>>
        tpu.wait_indirect_dma semaphore(%run_scoped3A_460 : memref<!tpu.dma_semaphore, #tpu.memory_space<semaphore_mem>>) src(%arg8 : memref<128x128xf32, #tpu.memory_space<vmem>>) dst(%dma_wait3A_472 : memref<10112x128xf32, #tpu.memory_space<vmem_shared>>)
        tpu.yield
      }) : () -> ()
      %mul3A_433 = arith.constant 2 : i32
      %mul3A_434 = arith.muli %mul3A_433, %scan3A_409 : i32
      %add3A_435 = arith.constant 2 : i32
      %add3A_436 = arith.addi %mul3A_434, %add3A_435 : i32
      %dma_start3A_437 = arith.constant 0 : i32
      %dma_start3A_438 = arith.constant 0 : i32
      %dma_start3A_439 = tpu.memref_slice %arg6[%dma_start3A_437, %add3A_436, %dma_start3A_438] : memref<2x20x128xi32, #tpu.memory_space<vmem>> -> memref<1x1x128xi32, #tpu.memory_space<vmem>>
      %dma_start3A_440 = tpu.memref_squeeze %dma_start3A_439 : memref<1x1x128xi32, #tpu.memory_space<vmem>> -> memref<128xi32, #tpu.memory_space<vmem>>
      %dma_start3A_441 = arith.constant 0 : i32
      %dma_start3A_442 = arith.constant 0 : i32
      %dma_start3A_443 = tpu.memref_slice %arg2[%dma_start3A_441, %dma_start3A_442] : memref<10000x128xf32, #tpu.memory_space<hbm>> -> memref<10000x128xf32, #tpu.memory_space<hbm>>
      tpu.enqueue_indirect_dma source(%dma_start3A_443 : memref<10000x128xf32, #tpu.memory_space<hbm>>) target(%arg8 : memref<128x128xf32, #tpu.memory_space<vmem>>) offsets(%dma_start3A_440 : memref<128xi32, #tpu.memory_space<vmem>>) semaphore(%arg12 : memref<!tpu.dma_semaphore, #tpu.memory_space<semaphore_mem>>)
      %mul3A_444 = arith.constant 2 : i32
      %mul3A_445 = arith.muli %mul3A_444, %scan3A_409 : i32
      %add3A_446 = arith.constant 1 : i32
      %add3A_447 = arith.addi %mul3A_445, %add3A_446 : i32
      %dma_wait3A_448 = arith.constant 0 : i32
      %dma_wait3A_449 = arith.constant 0 : i32
      %dma_wait3A_450 = tpu.memref_slice %arg6[%dma_wait3A_448, %add3A_447, %dma_wait3A_449] : memref<2x20x128xi32, #tpu.memory_space<vmem>> -> memref<1x1x128xi32, #tpu.memory_space<vmem>>
      %dma_wait3A_451 = tpu.memref_squeeze %dma_wait3A_450 : memref<1x1x128xi32, #tpu.memory_space<vmem>> -> memref<128xi32, #tpu.memory_space<vmem>>
      %dma_wait3A_452 = arith.constant 0 : i32
      %dma_wait3A_453 = arith.constant 0 : i32
      %dma_wait3A_454 = tpu.memref_slice %arg2[%dma_wait3A_452, %dma_wait3A_453] : memref<10000x128xf32, #tpu.memory_space<hbm>> -> memref<10000x128xf32, #tpu.memory_space<hbm>>
      tpu.wait_indirect_dma semaphore(%arg13 : memref<!tpu.dma_semaphore, #tpu.memory_space<semaphore_mem>>) src(%dma_wait3A_454 : memref<10000x128xf32, #tpu.memory_space<hbm>>) dst(%arg9 : memref<128x128xf32, #tpu.memory_space<vmem>>)
      %mul3A_455 = arith.constant 2 : i32
      %mul3A_456 = arith.muli %mul3A_455, %scan3A_409 : i32
      %add3A_457 = arith.constant 1 : i32
      %add3A_458 = arith.addi %mul3A_456, %add3A_457 : i32
      %run_scoped3A_459 = arith.constant 1 : i32
      "tpu.region"() ({
        %run_scoped3A_460 = tpu.sem_alloc : memref<!tpu.dma_semaphore, #tpu.memory_space<semaphore_mem>>
        %dma_start3A_461 = arith.constant 0 : i32
        %dma_start3A_462 = tpu.memref_slice %arg6[%run_scoped3A_459, %add3A_458, %dma_start3A_461] : memref<2x20x128xi32, #tpu.memory_space<vmem>> -> memref<1x1x128xi32, #tpu.memory_space<vmem>>
        %dma_start3A_463 = tpu.memref_squeeze %dma_start3A_462 : memref<1x1x128xi32, #tpu.memory_space<vmem>> -> memref<128xi32, #tpu.memory_space<vmem>>
        %dma_start3A_464 = arith.constant 0 : i32
        %dma_start3A_465 = arith.constant 0 : i32
        %dma_start3A_466 = tpu.memref_slice %arg10[%dma_start3A_464, %dma_start3A_465] : memref<10112x128xf32, #tpu.memory_space<vmem_shared>> -> memref<10112x128xf32, #tpu.memory_space<vmem_shared>>
        tpu.enqueue_indirect_dma source(%arg9 : memref<128x128xf32, #tpu.memory_space<vmem>>) target(%dma_start3A_466 : memref<10112x128xf32, #tpu.memory_space<vmem_shared>>) offsets(%dma_start3A_463 : memref<128xi32, #tpu.memory_space<vmem>>) semaphore(%run_scoped3A_460 : memref<!tpu.dma_semaphore, #tpu.memory_space<semaphore_mem>>) {add = true}
        %dma_wait3A_467 = arith.constant 0 : i32
        %dma_wait3A_468 = tpu.memref_slice %arg6[%run_scoped3A_459, %add3A_458, %dma_wait3A_467] : memref<2x20x128xi32, #tpu.memory_space<vmem>> -> memref<1x1x128xi32, #tpu.memory_space<vmem>>
        %dma_wait3A_469 = tpu.memref_squeeze %dma_wait3A_468 : memref<1x1x128xi32, #tpu.memory_space<vmem>> -> memref<128xi32, #tpu.memory_space<vmem>>
        %dma_wait3A_470 = arith.constant 0 : i32
        %dma_wait3A_471 = arith.constant 0 : i32
        %dma_wait3A_472 = tpu.memref_slice %arg10[%dma_wait3A_470, %dma_wait3A_471] : memref<10112x128xf32, #tpu.memory_space<vmem_shared>> -> memref<10112x128xf32, #tpu.memory_space<vmem_shared>>
        tpu.wait_indirect_dma semaphore(%run_scoped3A_460 : memref<!tpu.dma_semaphore, #tpu.memory_space<semaphore_mem>>) src(%arg9 : memref<128x128xf32, #tpu.memory_space<vmem>>) dst(%dma_wait3A_472 : memref<10112x128xf32, #tpu.memory_space<vmem_shared>>)
        tpu.yield
      }) : () -> ()
    }
    %scan3A_297 = arith.constant 9 : i32
    %dma_start3A_298 = arith.constant 0 : i32
    %dma_start3A_299 = arith.constant 19 : i32
    %dma_start3A_300 = arith.constant 0 : i32
    %dma_start3A_301 = tpu.memref_slice %arg6[%dma_start3A_298, %dma_start3A_299, %dma_start3A_300] : memref<2x20x128xi32, #tpu.memory_space<vmem>> -> memref<1x1x128xi32, #tpu.memory_space<vmem>>
    %dma_start3A_302 = tpu.memref_squeeze %dma_start3A_301 : memref<1x1x128xi32, #tpu.memory_space<vmem>> -> memref<128xi32, #tpu.memory_space<vmem>>
    %dma_start3A_303 = arith.constant 0 : i32
    %dma_start3A_304 = arith.constant 0 : i32
    %dma_start3A_305 = tpu.memref_slice %arg2[%dma_start3A_303, %dma_start3A_304] : memref<10000x128xf32, #tpu.memory_space<hbm>> -> memref<10000x128xf32, #tpu.memory_space<hbm>>
    tpu.enqueue_indirect_dma source(%dma_start3A_305 : memref<10000x128xf32, #tpu.memory_space<hbm>>) target(%arg9 : memref<128x128xf32, #tpu.memory_space<vmem>>) offsets(%dma_start3A_302 : memref<128xi32, #tpu.memory_space<vmem>>) semaphore(%arg13 : memref<!tpu.dma_semaphore, #tpu.memory_space<semaphore_mem>>)
    %dma_wait3A_306 = arith.constant 0 : i32
    %dma_wait3A_307 = arith.constant 18 : i32
    %dma_wait3A_308 = arith.constant 0 : i32
    %dma_wait3A_309 = tpu.memref_slice %arg6[%dma_wait3A_306, %dma_wait3A_307, %dma_wait3A_308] : memref<2x20x128xi32, #tpu.memory_space<vmem>> -> memref<1x1x128xi32, #tpu.memory_space<vmem>>
    %dma_wait3A_310 = tpu.memref_squeeze %dma_wait3A_309 : memref<1x1x128xi32, #tpu.memory_space<vmem>> -> memref<128xi32, #tpu.memory_space<vmem>>
    %dma_wait3A_311 = arith.constant 0 : i32
    %dma_wait3A_312 = arith.constant 0 : i32
    %dma_wait3A_313 = tpu.memref_slice %arg2[%dma_wait3A_311, %dma_wait3A_312] : memref<10000x128xf32, #tpu.memory_space<hbm>> -> memref<10000x128xf32, #tpu.memory_space<hbm>>
    tpu.wait_indirect_dma semaphore(%arg12 : memref<!tpu.dma_semaphore, #tpu.memory_space<semaphore_mem>>) src(%dma_wait3A_313 : memref<10000x128xf32, #tpu.memory_space<hbm>>) dst(%arg8 : memref<128x128xf32, #tpu.memory_space<vmem>>)
    %run_scoped3A_314 = arith.constant 1 : i32
    %run_scoped3A_315 = arith.constant 18 : i32
    "tpu.region"() ({
      %run_scoped3A_409 = tpu.sem_alloc : memref<!tpu.dma_semaphore, #tpu.memory_space<semaphore_mem>>
      %dma_start3A_410 = arith.constant 0 : i32
      %dma_start3A_411 = tpu.memref_slice %arg6[%run_scoped3A_314, %run_scoped3A_315, %dma_start3A_410] : memref<2x20x128xi32, #tpu.memory_space<vmem>> -> memref<1x1x128xi32, #tpu.memory_space<vmem>>
      %dma_start3A_412 = tpu.memref_squeeze %dma_start3A_411 : memref<1x1x128xi32, #tpu.memory_space<vmem>> -> memref<128xi32, #tpu.memory_space<vmem>>
      %dma_start3A_413 = arith.constant 0 : i32
      %dma_start3A_414 = arith.constant 0 : i32
      %dma_start3A_415 = tpu.memref_slice %arg10[%dma_start3A_413, %dma_start3A_414] : memref<10112x128xf32, #tpu.memory_space<vmem_shared>> -> memref<10112x128xf32, #tpu.memory_space<vmem_shared>>
      tpu.enqueue_indirect_dma source(%arg8 : memref<128x128xf32, #tpu.memory_space<vmem>>) target(%dma_start3A_415 : memref<10112x128xf32, #tpu.memory_space<vmem_shared>>) offsets(%dma_start3A_412 : memref<128xi32, #tpu.memory_space<vmem>>) semaphore(%run_scoped3A_409 : memref<!tpu.dma_semaphore, #tpu.memory_space<semaphore_mem>>) {add = true}
      %dma_wait3A_416 = arith.constant 0 : i32
      %dma_wait3A_417 = tpu.memref_slice %arg6[%run_scoped3A_314, %run_scoped3A_315, %dma_wait3A_416] : memref<2x20x128xi32, #tpu.memory_space<vmem>> -> memref<1x1x128xi32, #tpu.memory_space<vmem>>
      %dma_wait3A_418 = tpu.memref_squeeze %dma_wait3A_417 : memref<1x1x128xi32, #tpu.memory_space<vmem>> -> memref<128xi32, #tpu.memory_space<vmem>>
      %dma_wait3A_419 = arith.constant 0 : i32
      %dma_wait3A_420 = arith.constant 0 : i32
      %dma_wait3A_421 = tpu.memref_slice %arg10[%dma_wait3A_419, %dma_wait3A_420] : memref<10112x128xf32, #tpu.memory_space<vmem_shared>> -> memref<10112x128xf32, #tpu.memory_space<vmem_shared>>
      tpu.wait_indirect_dma semaphore(%run_scoped3A_409 : memref<!tpu.dma_semaphore, #tpu.memory_space<semaphore_mem>>) src(%arg8 : memref<128x128xf32, #tpu.memory_space<vmem>>) dst(%dma_wait3A_421 : memref<10112x128xf32, #tpu.memory_space<vmem_shared>>)
      tpu.yield
    }) : () -> ()
    %dma_wait3A_316 = arith.constant 0 : i32
    %dma_wait3A_317 = arith.constant 19 : i32
    %dma_wait3A_318 = arith.constant 0 : i32
    %dma_wait3A_319 = tpu.memref_slice %arg6[%dma_wait3A_316, %dma_wait3A_317, %dma_wait3A_318] : memref<2x20x128xi32, #tpu.memory_space<vmem>> -> memref<1x1x128xi32, #tpu.memory_space<vmem>>
    %dma_wait3A_320 = tpu.memref_squeeze %dma_wait3A_319 : memref<1x1x128xi32, #tpu.memory_space<vmem>> -> memref<128xi32, #tpu.memory_space<vmem>>
    %dma_wait3A_321 = arith.constant 0 : i32
    %dma_wait3A_322 = arith.constant 0 : i32
    %dma_wait3A_323 = tpu.memref_slice %arg2[%dma_wait3A_321, %dma_wait3A_322] : memref<10000x128xf32, #tpu.memory_space<hbm>> -> memref<10000x128xf32, #tpu.memory_space<hbm>>
    tpu.wait_indirect_dma semaphore(%arg13 : memref<!tpu.dma_semaphore, #tpu.memory_space<semaphore_mem>>) src(%dma_wait3A_323 : memref<10000x128xf32, #tpu.memory_space<hbm>>) dst(%arg9 : memref<128x128xf32, #tpu.memory_space<vmem>>)
    %run_scoped3A_324 = arith.constant 1 : i32
    %run_scoped3A_325 = arith.constant 19 : i32
    "tpu.region"() ({
      %run_scoped3A_409 = tpu.sem_alloc : memref<!tpu.dma_semaphore, #tpu.memory_space<semaphore_mem>>
      %dma_start3A_410 = arith.constant 0 : i32
      %dma_start3A_411 = tpu.memref_slice %arg6[%run_scoped3A_324, %run_scoped3A_325, %dma_start3A_410] : memref<2x20x128xi32, #tpu.memory_space<vmem>> -> memref<1x1x128xi32, #tpu.memory_space<vmem>>
      %dma_start3A_412 = tpu.memref_squeeze %dma_start3A_411 : memref<1x1x128xi32, #tpu.memory_space<vmem>> -> memref<128xi32, #tpu.memory_space<vmem>>
      %dma_start3A_413 = arith.constant 0 : i32
      %dma_start3A_414 = arith.constant 0 : i32
      %dma_start3A_415 = tpu.memref_slice %arg10[%dma_start3A_413, %dma_start3A_414] : memref<10112x128xf32, #tpu.memory_space<vmem_shared>> -> memref<10112x128xf32, #tpu.memory_space<vmem_shared>>
      tpu.enqueue_indirect_dma source(%arg9 : memref<128x128xf32, #tpu.memory_space<vmem>>) target(%dma_start3A_415 : memref<10112x128xf32, #tpu.memory_space<vmem_shared>>) offsets(%dma_start3A_412 : memref<128xi32, #tpu.memory_space<vmem>>) semaphore(%run_scoped3A_409 : memref<!tpu.dma_semaphore, #tpu.memory_space<semaphore_mem>>) {add = true}
      %dma_wait3A_416 = arith.constant 0 : i32
      %dma_wait3A_417 = tpu.memref_slice %arg6[%run_scoped3A_324, %run_scoped3A_325, %dma_wait3A_416] : memref<2x20x128xi32, #tpu.memory_space<vmem>> -> memref<1x1x128xi32, #tpu.memory_space<vmem>>
      %dma_wait3A_418 = tpu.memref_squeeze %dma_wait3A_417 : memref<1x1x128xi32, #tpu.memory_space<vmem>> -> memref<128xi32, #tpu.memory_space<vmem>>
      %dma_wait3A_419 = arith.constant 0 : i32
      %dma_wait3A_420 = arith.constant 0 : i32
      %dma_wait3A_421 = tpu.memref_slice %arg10[%dma_wait3A_419, %dma_wait3A_420] : memref<10112x128xf32, #tpu.memory_space<vmem_shared>> -> memref<10112x128xf32, #tpu.memory_space<vmem_shared>>
      tpu.wait_indirect_dma semaphore(%run_scoped3A_409 : memref<!tpu.dma_semaphore, #tpu.memory_space<semaphore_mem>>) src(%arg9 : memref<128x128xf32, #tpu.memory_space<vmem>>) dst(%dma_wait3A_421 : memref<10112x128xf32, #tpu.memory_space<vmem_shared>>)
      tpu.yield
    }) : () -> ()
    %dma_wait3A_326 = arith.constant 3 : i32
    %dma_wait3A_327 = arith.constant 0 : i32
    %dma_wait3A_328 = arith.constant 0 : i32
    %dma_wait3A_329 = arith.constant 0 : i32
    %dma_wait3A_330 = tpu.memref_slice %arg7[%dma_wait3A_327, %dma_wait3A_328, %dma_wait3A_329] : memref<2x20x128xi32, #tpu.memory_space<vmem>> -> memref<1x20x128xi32, #tpu.memory_space<vmem>>
    %dma_wait3A_331 = tpu.memref_squeeze %dma_wait3A_330 : memref<1x20x128xi32, #tpu.memory_space<vmem>> -> memref<20x128xi32, #tpu.memory_space<vmem>>
    %dma_wait3A_332 = arith.constant 0 : i32
    %dma_wait3A_333 = arith.constant 0 : i32
    %dma_wait3A_334 = tpu.memref_slice %arg3[%add3A, %dma_wait3A_326, %dma_wait3A_332, %dma_wait3A_333] : memref<32x4x20x128xi32, #tpu.memory_space<hbm>> -> memref<1x1x20x128xi32, #tpu.memory_space<hbm>>
    %dma_wait3A_335 = tpu.memref_squeeze %dma_wait3A_334 : memref<1x1x20x128xi32, #tpu.memory_space<hbm>> -> memref<20x128xi32, #tpu.memory_space<hbm>>
    %dma_wait3A_336 = arith.constant 0 : i32
    %dma_wait3A_337 = arith.constant 0 : i32
    %dma_wait3A_338 = tpu.memref_slice %arg7[%dma_wait3A_327, %dma_wait3A_336, %dma_wait3A_337] : memref<2x20x128xi32, #tpu.memory_space<vmem>> -> memref<1x20x128xi32, #tpu.memory_space<vmem>>
    %dma_wait3A_339 = tpu.memref_squeeze %dma_wait3A_338 : memref<1x20x128xi32, #tpu.memory_space<vmem>> -> memref<20x128xi32, #tpu.memory_space<vmem>>
    %dma_wait3A_340 = arith.constant 0 : i32
    %dma_wait3A_341 = arith.constant 0 : i32
    %dma_wait3A_342 = tpu.memref_slice %arg3[%add3A, %dma_wait3A_326, %dma_wait3A_340, %dma_wait3A_341] : memref<32x4x20x128xi32, #tpu.memory_space<hbm>> -> memref<1x1x20x128xi32, #tpu.memory_space<hbm>>
    %dma_wait3A_343 = tpu.memref_squeeze %dma_wait3A_342 : memref<1x1x20x128xi32, #tpu.memory_space<hbm>> -> memref<20x128xi32, #tpu.memory_space<hbm>>
    tpu.wait_dma2 semaphore(%arg11 : memref<!tpu.dma_semaphore, #tpu.memory_space<semaphore_mem>>) src(%dma_wait3A_343 : memref<20x128xi32, #tpu.memory_space<hbm>>) dst(%dma_wait3A_339 : memref<20x128xi32, #tpu.memory_space<vmem>>)
    %dma_wait3A_344 = arith.constant 3 : i32
    %dma_wait3A_345 = arith.constant 1 : i32
    %dma_wait3A_346 = arith.constant 0 : i32
    %dma_wait3A_347 = arith.constant 0 : i32
    %dma_wait3A_348 = tpu.memref_slice %arg7[%dma_wait3A_345, %dma_wait3A_346, %dma_wait3A_347] : memref<2x20x128xi32, #tpu.memory_space<vmem>> -> memref<1x20x128xi32, #tpu.memory_space<vmem>>
    %dma_wait3A_349 = tpu.memref_squeeze %dma_wait3A_348 : memref<1x20x128xi32, #tpu.memory_space<vmem>> -> memref<20x128xi32, #tpu.memory_space<vmem>>
    %dma_wait3A_350 = arith.constant 0 : i32
    %dma_wait3A_351 = arith.constant 0 : i32
    %dma_wait3A_352 = tpu.memref_slice %arg4[%add3A, %dma_wait3A_344, %dma_wait3A_350, %dma_wait3A_351] : memref<32x4x20x128xi32, #tpu.memory_space<hbm>> -> memref<1x1x20x128xi32, #tpu.memory_space<hbm>>
    %dma_wait3A_353 = tpu.memref_squeeze %dma_wait3A_352 : memref<1x1x20x128xi32, #tpu.memory_space<hbm>> -> memref<20x128xi32, #tpu.memory_space<hbm>>
    %dma_wait3A_354 = arith.constant 0 : i32
    %dma_wait3A_355 = arith.constant 0 : i32
    %dma_wait3A_356 = tpu.memref_slice %arg7[%dma_wait3A_345, %dma_wait3A_354, %dma_wait3A_355] : memref<2x20x128xi32, #tpu.memory_space<vmem>> -> memref<1x20x128xi32, #tpu.memory_space<vmem>>
    %dma_wait3A_357 = tpu.memref_squeeze %dma_wait3A_356 : memref<1x20x128xi32, #tpu.memory_space<vmem>> -> memref<20x128xi32, #tpu.memory_space<vmem>>
    %dma_wait3A_358 = arith.constant 0 : i32
    %dma_wait3A_359 = arith.constant 0 : i32
    %dma_wait3A_360 = tpu.memref_slice %arg4[%add3A, %dma_wait3A_344, %dma_wait3A_358, %dma_wait3A_359] : memref<32x4x20x128xi32, #tpu.memory_space<hbm>> -> memref<1x1x20x128xi32, #tpu.memory_space<hbm>>
    %dma_wait3A_361 = tpu.memref_squeeze %dma_wait3A_360 : memref<1x1x20x128xi32, #tpu.memory_space<hbm>> -> memref<20x128xi32, #tpu.memory_space<hbm>>
    tpu.wait_dma2 semaphore(%arg11 : memref<!tpu.dma_semaphore, #tpu.memory_space<semaphore_mem>>) src(%dma_wait3A_361 : memref<20x128xi32, #tpu.memory_space<hbm>>) dst(%dma_wait3A_357 : memref<20x128xi32, #tpu.memory_space<vmem>>)
    %dma_start3A_362 = arith.constant 0 : i32
    %dma_start3A_363 = arith.constant 0 : i32
    %dma_start3A_364 = arith.constant 0 : i32
    %dma_start3A_365 = tpu.memref_slice %arg7[%dma_start3A_362, %dma_start3A_363, %dma_start3A_364] : memref<2x20x128xi32, #tpu.memory_space<vmem>> -> memref<1x1x128xi32, #tpu.memory_space<vmem>>
    %dma_start3A_366 = tpu.memref_squeeze %dma_start3A_365 : memref<1x1x128xi32, #tpu.memory_space<vmem>> -> memref<128xi32, #tpu.memory_space<vmem>>
    %dma_start3A_367 = arith.constant 0 : i32
    %dma_start3A_368 = arith.constant 0 : i32
    %dma_start3A_369 = tpu.memref_slice %arg2[%dma_start3A_367, %dma_start3A_368] : memref<10000x128xf32, #tpu.memory_space<hbm>> -> memref<10000x128xf32, #tpu.memory_space<hbm>>
    tpu.enqueue_indirect_dma source(%dma_start3A_369 : memref<10000x128xf32, #tpu.memory_space<hbm>>) target(%arg8 : memref<128x128xf32, #tpu.memory_space<vmem>>) offsets(%dma_start3A_366 : memref<128xi32, #tpu.memory_space<vmem>>) semaphore(%arg12 : memref<!tpu.dma_semaphore, #tpu.memory_space<semaphore_mem>>)
    %scan3A_370 = arith.constant 0 : i32
    %scan3A_371 = arith.constant 0 : i32
    %scan3A_372 = arith.constant 9 : i32
    %scan3A_373 = arith.addi %scan3A_371, %scan3A_372 : i32
    %scan3A_374 = arith.constant 1 : i32
    scf.for %scan3A_409 = %scan3A_371 to %scan3A_373 step %scan3A_374  : i32 {
      %mul3A_410 = arith.constant 2 : i32
      %mul3A_411 = arith.muli %mul3A_410, %scan3A_409 : i32
      %add3A_412 = arith.constant 1 : i32
      %add3A_413 = arith.addi %mul3A_411, %add3A_412 : i32
      %dma_start3A_414 = arith.constant 0 : i32
      %dma_start3A_415 = arith.constant 0 : i32
      %dma_start3A_416 = tpu.memref_slice %arg7[%dma_start3A_414, %add3A_413, %dma_start3A_415] : memref<2x20x128xi32, #tpu.memory_space<vmem>> -> memref<1x1x128xi32, #tpu.memory_space<vmem>>
      %dma_start3A_417 = tpu.memref_squeeze %dma_start3A_416 : memref<1x1x128xi32, #tpu.memory_space<vmem>> -> memref<128xi32, #tpu.memory_space<vmem>>
      %dma_start3A_418 = arith.constant 0 : i32
      %dma_start3A_419 = arith.constant 0 : i32
      %dma_start3A_420 = tpu.memref_slice %arg2[%dma_start3A_418, %dma_start3A_419] : memref<10000x128xf32, #tpu.memory_space<hbm>> -> memref<10000x128xf32, #tpu.memory_space<hbm>>
      tpu.enqueue_indirect_dma source(%dma_start3A_420 : memref<10000x128xf32, #tpu.memory_space<hbm>>) target(%arg9 : memref<128x128xf32, #tpu.memory_space<vmem>>) offsets(%dma_start3A_417 : memref<128xi32, #tpu.memory_space<vmem>>) semaphore(%arg13 : memref<!tpu.dma_semaphore, #tpu.memory_space<semaphore_mem>>)
      %mul3A_421 = arith.constant 2 : i32
      %mul3A_422 = arith.muli %mul3A_421, %scan3A_409 : i32
      %dma_wait3A_423 = arith.constant 0 : i32
      %dma_wait3A_424 = arith.constant 0 : i32
      %dma_wait3A_425 = tpu.memref_slice %arg7[%dma_wait3A_423, %mul3A_422, %dma_wait3A_424] : memref<2x20x128xi32, #tpu.memory_space<vmem>> -> memref<1x1x128xi32, #tpu.memory_space<vmem>>
      %dma_wait3A_426 = tpu.memref_squeeze %dma_wait3A_425 : memref<1x1x128xi32, #tpu.memory_space<vmem>> -> memref<128xi32, #tpu.memory_space<vmem>>
      %dma_wait3A_427 = arith.constant 0 : i32
      %dma_wait3A_428 = arith.constant 0 : i32
      %dma_wait3A_429 = tpu.memref_slice %arg2[%dma_wait3A_427, %dma_wait3A_428] : memref<10000x128xf32, #tpu.memory_space<hbm>> -> memref<10000x128xf32, #tpu.memory_space<hbm>>
      tpu.wait_indirect_dma semaphore(%arg12 : memref<!tpu.dma_semaphore, #tpu.memory_space<semaphore_mem>>) src(%dma_wait3A_429 : memref<10000x128xf32, #tpu.memory_space<hbm>>) dst(%arg8 : memref<128x128xf32, #tpu.memory_space<vmem>>)
      %mul3A_430 = arith.constant 2 : i32
      %mul3A_431 = arith.muli %mul3A_430, %scan3A_409 : i32
      %run_scoped3A_432 = arith.constant 1 : i32
      "tpu.region"() ({
        %run_scoped3A_460 = tpu.sem_alloc : memref<!tpu.dma_semaphore, #tpu.memory_space<semaphore_mem>>
        %dma_start3A_461 = arith.constant 0 : i32
        %dma_start3A_462 = tpu.memref_slice %arg7[%run_scoped3A_432, %mul3A_431, %dma_start3A_461] : memref<2x20x128xi32, #tpu.memory_space<vmem>> -> memref<1x1x128xi32, #tpu.memory_space<vmem>>
        %dma_start3A_463 = tpu.memref_squeeze %dma_start3A_462 : memref<1x1x128xi32, #tpu.memory_space<vmem>> -> memref<128xi32, #tpu.memory_space<vmem>>
        %dma_start3A_464 = arith.constant 0 : i32
        %dma_start3A_465 = arith.constant 0 : i32
        %dma_start3A_466 = tpu.memref_slice %arg10[%dma_start3A_464, %dma_start3A_465] : memref<10112x128xf32, #tpu.memory_space<vmem_shared>> -> memref<10112x128xf32, #tpu.memory_space<vmem_shared>>
        tpu.enqueue_indirect_dma source(%arg8 : memref<128x128xf32, #tpu.memory_space<vmem>>) target(%dma_start3A_466 : memref<10112x128xf32, #tpu.memory_space<vmem_shared>>) offsets(%dma_start3A_463 : memref<128xi32, #tpu.memory_space<vmem>>) semaphore(%run_scoped3A_460 : memref<!tpu.dma_semaphore, #tpu.memory_space<semaphore_mem>>) {add = true}
        %dma_wait3A_467 = arith.constant 0 : i32
        %dma_wait3A_468 = tpu.memref_slice %arg7[%run_scoped3A_432, %mul3A_431, %dma_wait3A_467] : memref<2x20x128xi32, #tpu.memory_space<vmem>> -> memref<1x1x128xi32, #tpu.memory_space<vmem>>
        %dma_wait3A_469 = tpu.memref_squeeze %dma_wait3A_468 : memref<1x1x128xi32, #tpu.memory_space<vmem>> -> memref<128xi32, #tpu.memory_space<vmem>>
        %dma_wait3A_470 = arith.constant 0 : i32
        %dma_wait3A_471 = arith.constant 0 : i32
        %dma_wait3A_472 = tpu.memref_slice %arg10[%dma_wait3A_470, %dma_wait3A_471] : memref<10112x128xf32, #tpu.memory_space<vmem_shared>> -> memref<10112x128xf32, #tpu.memory_space<vmem_shared>>
        tpu.wait_indirect_dma semaphore(%run_scoped3A_460 : memref<!tpu.dma_semaphore, #tpu.memory_space<semaphore_mem>>) src(%arg8 : memref<128x128xf32, #tpu.memory_space<vmem>>) dst(%dma_wait3A_472 : memref<10112x128xf32, #tpu.memory_space<vmem_shared>>)
        tpu.yield
      }) : () -> ()
      %mul3A_433 = arith.constant 2 : i32
      %mul3A_434 = arith.muli %mul3A_433, %scan3A_409 : i32
      %add3A_435 = arith.constant 2 : i32
      %add3A_436 = arith.addi %mul3A_434, %add3A_435 : i32
      %dma_start3A_437 = arith.constant 0 : i32
      %dma_start3A_438 = arith.constant 0 : i32
      %dma_start3A_439 = tpu.memref_slice %arg7[%dma_start3A_437, %add3A_436, %dma_start3A_438] : memref<2x20x128xi32, #tpu.memory_space<vmem>> -> memref<1x1x128xi32, #tpu.memory_space<vmem>>
      %dma_start3A_440 = tpu.memref_squeeze %dma_start3A_439 : memref<1x1x128xi32, #tpu.memory_space<vmem>> -> memref<128xi32, #tpu.memory_space<vmem>>
      %dma_start3A_441 = arith.constant 0 : i32
      %dma_start3A_442 = arith.constant 0 : i32
      %dma_start3A_443 = tpu.memref_slice %arg2[%dma_start3A_441, %dma_start3A_442] : memref<10000x128xf32, #tpu.memory_space<hbm>> -> memref<10000x128xf32, #tpu.memory_space<hbm>>
      tpu.enqueue_indirect_dma source(%dma_start3A_443 : memref<10000x128xf32, #tpu.memory_space<hbm>>) target(%arg8 : memref<128x128xf32, #tpu.memory_space<vmem>>) offsets(%dma_start3A_440 : memref<128xi32, #tpu.memory_space<vmem>>) semaphore(%arg12 : memref<!tpu.dma_semaphore, #tpu.memory_space<semaphore_mem>>)
      %mul3A_444 = arith.constant 2 : i32
      %mul3A_445 = arith.muli %mul3A_444, %scan3A_409 : i32
      %add3A_446 = arith.constant 1 : i32
      %add3A_447 = arith.addi %mul3A_445, %add3A_446 : i32
      %dma_wait3A_448 = arith.constant 0 : i32
      %dma_wait3A_449 = arith.constant 0 : i32
      %dma_wait3A_450 = tpu.memref_slice %arg7[%dma_wait3A_448, %add3A_447, %dma_wait3A_449] : memref<2x20x128xi32, #tpu.memory_space<vmem>> -> memref<1x1x128xi32, #tpu.memory_space<vmem>>
      %dma_wait3A_451 = tpu.memref_squeeze %dma_wait3A_450 : memref<1x1x128xi32, #tpu.memory_space<vmem>> -> memref<128xi32, #tpu.memory_space<vmem>>
      %dma_wait3A_452 = arith.constant 0 : i32
      %dma_wait3A_453 = arith.constant 0 : i32
      %dma_wait3A_454 = tpu.memref_slice %arg2[%dma_wait3A_452, %dma_wait3A_453] : memref<10000x128xf32, #tpu.memory_space<hbm>> -> memref<10000x128xf32, #tpu.memory_space<hbm>>
      tpu.wait_indirect_dma semaphore(%arg13 : memref<!tpu.dma_semaphore, #tpu.memory_space<semaphore_mem>>) src(%dma_wait3A_454 : memref<10000x128xf32, #tpu.memory_space<hbm>>) dst(%arg9 : memref<128x128xf32, #tpu.memory_space<vmem>>)
      %mul3A_455 = arith.constant 2 : i32
      %mul3A_456 = arith.muli %mul3A_455, %scan3A_409 : i32
      %add3A_457 = arith.constant 1 : i32
      %add3A_458 = arith.addi %mul3A_456, %add3A_457 : i32
      %run_scoped3A_459 = arith.constant 1 : i32
      "tpu.region"() ({
        %run_scoped3A_460 = tpu.sem_alloc : memref<!tpu.dma_semaphore, #tpu.memory_space<semaphore_mem>>
        %dma_start3A_461 = arith.constant 0 : i32
        %dma_start3A_462 = tpu.memref_slice %arg7[%run_scoped3A_459, %add3A_458, %dma_start3A_461] : memref<2x20x128xi32, #tpu.memory_space<vmem>> -> memref<1x1x128xi32, #tpu.memory_space<vmem>>
        %dma_start3A_463 = tpu.memref_squeeze %dma_start3A_462 : memref<1x1x128xi32, #tpu.memory_space<vmem>> -> memref<128xi32, #tpu.memory_space<vmem>>
        %dma_start3A_464 = arith.constant 0 : i32
        %dma_start3A_465 = arith.constant 0 : i32
        %dma_start3A_466 = tpu.memref_slice %arg10[%dma_start3A_464, %dma_start3A_465] : memref<10112x128xf32, #tpu.memory_space<vmem_shared>> -> memref<10112x128xf32, #tpu.memory_space<vmem_shared>>
        tpu.enqueue_indirect_dma source(%arg9 : memref<128x128xf32, #tpu.memory_space<vmem>>) target(%dma_start3A_466 : memref<10112x128xf32, #tpu.memory_space<vmem_shared>>) offsets(%dma_start3A_463 : memref<128xi32, #tpu.memory_space<vmem>>) semaphore(%run_scoped3A_460 : memref<!tpu.dma_semaphore, #tpu.memory_space<semaphore_mem>>) {add = true}
        %dma_wait3A_467 = arith.constant 0 : i32
        %dma_wait3A_468 = tpu.memref_slice %arg7[%run_scoped3A_459, %add3A_458, %dma_wait3A_467] : memref<2x20x128xi32, #tpu.memory_space<vmem>> -> memref<1x1x128xi32, #tpu.memory_space<vmem>>
        %dma_wait3A_469 = tpu.memref_squeeze %dma_wait3A_468 : memref<1x1x128xi32, #tpu.memory_space<vmem>> -> memref<128xi32, #tpu.memory_space<vmem>>
        %dma_wait3A_470 = arith.constant 0 : i32
        %dma_wait3A_471 = arith.constant 0 : i32
        %dma_wait3A_472 = tpu.memref_slice %arg10[%dma_wait3A_470, %dma_wait3A_471] : memref<10112x128xf32, #tpu.memory_space<vmem_shared>> -> memref<10112x128xf32, #tpu.memory_space<vmem_shared>>
        tpu.wait_indirect_dma semaphore(%run_scoped3A_460 : memref<!tpu.dma_semaphore, #tpu.memory_space<semaphore_mem>>) src(%arg9 : memref<128x128xf32, #tpu.memory_space<vmem>>) dst(%dma_wait3A_472 : memref<10112x128xf32, #tpu.memory_space<vmem_shared>>)
        tpu.yield
      }) : () -> ()
    }
    %scan3A_375 = arith.constant 9 : i32
    %dma_start3A_376 = arith.constant 0 : i32
    %dma_start3A_377 = arith.constant 19 : i32
    %dma_start3A_378 = arith.constant 0 : i32
    %dma_start3A_379 = tpu.memref_slice %arg7[%dma_start3A_376, %dma_start3A_377, %dma_start3A_378] : memref<2x20x128xi32, #tpu.memory_space<vmem>> -> memref<1x1x128xi32, #tpu.memory_space<vmem>>
    %dma_start3A_380 = tpu.memref_squeeze %dma_start3A_379 : memref<1x1x128xi32, #tpu.memory_space<vmem>> -> memref<128xi32, #tpu.memory_space<vmem>>
    %dma_start3A_381 = arith.constant 0 : i32
    %dma_start3A_382 = arith.constant 0 : i32
    %dma_start3A_383 = tpu.memref_slice %arg2[%dma_start3A_381, %dma_start3A_382] : memref<10000x128xf32, #tpu.memory_space<hbm>> -> memref<10000x128xf32, #tpu.memory_space<hbm>>
    tpu.enqueue_indirect_dma source(%dma_start3A_383 : memref<10000x128xf32, #tpu.memory_space<hbm>>) target(%arg9 : memref<128x128xf32, #tpu.memory_space<vmem>>) offsets(%dma_start3A_380 : memref<128xi32, #tpu.memory_space<vmem>>) semaphore(%arg13 : memref<!tpu.dma_semaphore, #tpu.memory_space<semaphore_mem>>)
    %dma_wait3A_384 = arith.constant 0 : i32
    %dma_wait3A_385 = arith.constant 18 : i32
    %dma_wait3A_386 = arith.constant 0 : i32
    %dma_wait3A_387 = tpu.memref_slice %arg7[%dma_wait3A_384, %dma_wait3A_385, %dma_wait3A_386] : memref<2x20x128xi32, #tpu.memory_space<vmem>> -> memref<1x1x128xi32, #tpu.memory_space<vmem>>
    %dma_wait3A_388 = tpu.memref_squeeze %dma_wait3A_387 : memref<1x1x128xi32, #tpu.memory_space<vmem>> -> memref<128xi32, #tpu.memory_space<vmem>>
    %dma_wait3A_389 = arith.constant 0 : i32
    %dma_wait3A_390 = arith.constant 0 : i32
    %dma_wait3A_391 = tpu.memref_slice %arg2[%dma_wait3A_389, %dma_wait3A_390] : memref<10000x128xf32, #tpu.memory_space<hbm>> -> memref<10000x128xf32, #tpu.memory_space<hbm>>
    tpu.wait_indirect_dma semaphore(%arg12 : memref<!tpu.dma_semaphore, #tpu.memory_space<semaphore_mem>>) src(%dma_wait3A_391 : memref<10000x128xf32, #tpu.memory_space<hbm>>) dst(%arg8 : memref<128x128xf32, #tpu.memory_space<vmem>>)
    %run_scoped3A_392 = arith.constant 1 : i32
    %run_scoped3A_393 = arith.constant 18 : i32
    "tpu.region"() ({
      %run_scoped3A_409 = tpu.sem_alloc : memref<!tpu.dma_semaphore, #tpu.memory_space<semaphore_mem>>
      %dma_start3A_410 = arith.constant 0 : i32
      %dma_start3A_411 = tpu.memref_slice %arg7[%run_scoped3A_392, %run_scoped3A_393, %dma_start3A_410] : memref<2x20x128xi32, #tpu.memory_space<vmem>> -> memref<1x1x128xi32, #tpu.memory_space<vmem>>
      %dma_start3A_412 = tpu.memref_squeeze %dma_start3A_411 : memref<1x1x128xi32, #tpu.memory_space<vmem>> -> memref<128xi32, #tpu.memory_space<vmem>>
      %dma_start3A_413 = arith.constant 0 : i32
      %dma_start3A_414 = arith.constant 0 : i32
      %dma_start3A_415 = tpu.memref_slice %arg10[%dma_start3A_413, %dma_start3A_414] : memref<10112x128xf32, #tpu.memory_space<vmem_shared>> -> memref<10112x128xf32, #tpu.memory_space<vmem_shared>>
      tpu.enqueue_indirect_dma source(%arg8 : memref<128x128xf32, #tpu.memory_space<vmem>>) target(%dma_start3A_415 : memref<10112x128xf32, #tpu.memory_space<vmem_shared>>) offsets(%dma_start3A_412 : memref<128xi32, #tpu.memory_space<vmem>>) semaphore(%run_scoped3A_409 : memref<!tpu.dma_semaphore, #tpu.memory_space<semaphore_mem>>) {add = true}
      %dma_wait3A_416 = arith.constant 0 : i32
      %dma_wait3A_417 = tpu.memref_slice %arg7[%run_scoped3A_392, %run_scoped3A_393, %dma_wait3A_416] : memref<2x20x128xi32, #tpu.memory_space<vmem>> -> memref<1x1x128xi32, #tpu.memory_space<vmem>>
      %dma_wait3A_418 = tpu.memref_squeeze %dma_wait3A_417 : memref<1x1x128xi32, #tpu.memory_space<vmem>> -> memref<128xi32, #tpu.memory_space<vmem>>
      %dma_wait3A_419 = arith.constant 0 : i32
      %dma_wait3A_420 = arith.constant 0 : i32
      %dma_wait3A_421 = tpu.memref_slice %arg10[%dma_wait3A_419, %dma_wait3A_420] : memref<10112x128xf32, #tpu.memory_space<vmem_shared>> -> memref<10112x128xf32, #tpu.memory_space<vmem_shared>>
      tpu.wait_indirect_dma semaphore(%run_scoped3A_409 : memref<!tpu.dma_semaphore, #tpu.memory_space<semaphore_mem>>) src(%arg8 : memref<128x128xf32, #tpu.memory_space<vmem>>) dst(%dma_wait3A_421 : memref<10112x128xf32, #tpu.memory_space<vmem_shared>>)
      tpu.yield
    }) : () -> ()
    %dma_wait3A_394 = arith.constant 0 : i32
    %dma_wait3A_395 = arith.constant 19 : i32
    %dma_wait3A_396 = arith.constant 0 : i32
    %dma_wait3A_397 = tpu.memref_slice %arg7[%dma_wait3A_394, %dma_wait3A_395, %dma_wait3A_396] : memref<2x20x128xi32, #tpu.memory_space<vmem>> -> memref<1x1x128xi32, #tpu.memory_space<vmem>>
    %dma_wait3A_398 = tpu.memref_squeeze %dma_wait3A_397 : memref<1x1x128xi32, #tpu.memory_space<vmem>> -> memref<128xi32, #tpu.memory_space<vmem>>
    %dma_wait3A_399 = arith.constant 0 : i32
    %dma_wait3A_400 = arith.constant 0 : i32
    %dma_wait3A_401 = tpu.memref_slice %arg2[%dma_wait3A_399, %dma_wait3A_400] : memref<10000x128xf32, #tpu.memory_space<hbm>> -> memref<10000x128xf32, #tpu.memory_space<hbm>>
    tpu.wait_indirect_dma semaphore(%arg13 : memref<!tpu.dma_semaphore, #tpu.memory_space<semaphore_mem>>) src(%dma_wait3A_401 : memref<10000x128xf32, #tpu.memory_space<hbm>>) dst(%arg9 : memref<128x128xf32, #tpu.memory_space<vmem>>)
    %run_scoped3A_402 = arith.constant 1 : i32
    %run_scoped3A_403 = arith.constant 19 : i32
    "tpu.region"() ({
      %run_scoped3A_409 = tpu.sem_alloc : memref<!tpu.dma_semaphore, #tpu.memory_space<semaphore_mem>>
      %dma_start3A_410 = arith.constant 0 : i32
      %dma_start3A_411 = tpu.memref_slice %arg7[%run_scoped3A_402, %run_scoped3A_403, %dma_start3A_410] : memref<2x20x128xi32, #tpu.memory_space<vmem>> -> memref<1x1x128xi32, #tpu.memory_space<vmem>>
      %dma_start3A_412 = tpu.memref_squeeze %dma_start3A_411 : memref<1x1x128xi32, #tpu.memory_space<vmem>> -> memref<128xi32, #tpu.memory_space<vmem>>
      %dma_start3A_413 = arith.constant 0 : i32
      %dma_start3A_414 = arith.constant 0 : i32
      %dma_start3A_415 = tpu.memref_slice %arg10[%dma_start3A_413, %dma_start3A_414] : memref<10112x128xf32, #tpu.memory_space<vmem_shared>> -> memref<10112x128xf32, #tpu.memory_space<vmem_shared>>
      tpu.enqueue_indirect_dma source(%arg9 : memref<128x128xf32, #tpu.memory_space<vmem>>) target(%dma_start3A_415 : memref<10112x128xf32, #tpu.memory_space<vmem_shared>>) offsets(%dma_start3A_412 : memref<128xi32, #tpu.memory_space<vmem>>) semaphore(%run_scoped3A_409 : memref<!tpu.dma_semaphore, #tpu.memory_space<semaphore_mem>>) {add = true}
      %dma_wait3A_416 = arith.constant 0 : i32
      %dma_wait3A_417 = tpu.memref_slice %arg7[%run_scoped3A_402, %run_scoped3A_403, %dma_wait3A_416] : memref<2x20x128xi32, #tpu.memory_space<vmem>> -> memref<1x1x128xi32, #tpu.memory_space<vmem>>
      %dma_wait3A_418 = tpu.memref_squeeze %dma_wait3A_417 : memref<1x1x128xi32, #tpu.memory_space<vmem>> -> memref<128xi32, #tpu.memory_space<vmem>>
      %dma_wait3A_419 = arith.constant 0 : i32
      %dma_wait3A_420 = arith.constant 0 : i32
      %dma_wait3A_421 = tpu.memref_slice %arg10[%dma_wait3A_419, %dma_wait3A_420] : memref<10112x128xf32, #tpu.memory_space<vmem_shared>> -> memref<10112x128xf32, #tpu.memory_space<vmem_shared>>
      tpu.wait_indirect_dma semaphore(%run_scoped3A_409 : memref<!tpu.dma_semaphore, #tpu.memory_space<semaphore_mem>>) src(%arg9 : memref<128x128xf32, #tpu.memory_space<vmem>>) dst(%dma_wait3A_421 : memref<10112x128xf32, #tpu.memory_space<vmem_shared>>)
      tpu.yield
    }) : () -> ()
    %barrier3A_404 = arith.constant 0 : index
    tpu.barrier barrier_id(%barrier3A_404)
    %mul3A_405 = arith.constant 632 : i32
    %mul3A_406 = arith.muli %arg1, %mul3A_405 : i32
    %mul3A_407 = arith.constant 632 : i32
    %mul3A_408 = arith.muli %arg1, %mul3A_407 : i32
    "tpu.region"() ({
      %run_scoped3A_409 = tpu.sem_alloc : memref<!tpu.dma_semaphore, #tpu.memory_space<semaphore_mem>>
      %dma_start3A_410 = arith.constant 0 : i32
      %dma_start3A_411 = tpu.memref_slice %arg5[%arg0, %mul3A_408, %dma_start3A_410] : memref<2x10112x128xf32, #tpu.memory_space<hbm>> -> memref<1x632x128xf32, #tpu.memory_space<hbm>>
      %dma_start3A_412 = tpu.memref_squeeze %dma_start3A_411 : memref<1x632x128xf32, #tpu.memory_space<hbm>> -> memref<632x128xf32, #tpu.memory_space<hbm>>
      %dma_start3A_413 = arith.constant 0 : i32
      %dma_start3A_414 = tpu.memref_slice %arg10[%mul3A_406, %dma_start3A_413] : memref<10112x128xf32, #tpu.memory_space<vmem_shared>> -> memref<632x128xf32, #tpu.memory_space<vmem_shared>>
      tpu.enqueue_dma source(%dma_start3A_414 : memref<632x128xf32, #tpu.memory_space<vmem_shared>>) target(%dma_start3A_412 : memref<632x128xf32, #tpu.memory_space<hbm>>) target_semaphore(%run_scoped3A_409 : memref<!tpu.dma_semaphore, #tpu.memory_space<semaphore_mem>>)
      %dma_wait3A_415 = arith.constant 0 : i32
      %dma_wait3A_416 = tpu.memref_slice %arg5[%arg0, %mul3A_408, %dma_wait3A_415] : memref<2x10112x128xf32, #tpu.memory_space<hbm>> -> memref<1x632x128xf32, #tpu.memory_space<hbm>>
      %dma_wait3A_417 = tpu.memref_squeeze %dma_wait3A_416 : memref<1x632x128xf32, #tpu.memory_space<hbm>> -> memref<632x128xf32, #tpu.memory_space<hbm>>
      %dma_wait3A_418 = arith.constant 0 : i32
      %dma_wait3A_419 = tpu.memref_slice %arg10[%mul3A_406, %dma_wait3A_418] : memref<10112x128xf32, #tpu.memory_space<vmem_shared>> -> memref<632x128xf32, #tpu.memory_space<vmem_shared>>
      tpu.wait_dma2 semaphore(%run_scoped3A_409 : memref<!tpu.dma_semaphore, #tpu.memory_space<semaphore_mem>>) src(%dma_wait3A_419 : memref<632x128xf32, #tpu.memory_space<vmem_shared>>) dst(%dma_wait3A_417 : memref<632x128xf32, #tpu.memory_space<hbm>>)
      tpu.yield
    }) : () -> ()
    return
  }
}

module attributes {stable_mosaic.version = 14 : i64} {
  func.func @_kin_body(%arg0: i32, %arg1: memref<1000x128xf32, #tpu.memory_space<vmem>>, %arg2: memref<128x128xf32, #tpu.memory_space<vmem>>, %arg3: memref<1x128xf32, #tpu.memory_space<vmem>>, %arg4: memref<1x128xf32, #tpu.memory_space<vmem>>, %arg5: memref<1000x128xf32, #tpu.memory_space<vmem>>, %arg6: memref<1000x128xf32, #tpu.memory_space<vmem>>, %arg7: memref<1x128xf32, #tpu.memory_space<vmem>>) attributes {dimension_semantics = [#tpu.dimension_semantics<arbitrary>], iteration_bounds = array<i64: 10>, scalar_prefetch = 0 : i64, scratch_operands = 0 : i64, tpu.core_type = #tpu.core_type<tc>, window_params = [{transform_indices = @transform_0, window_bounds = array<i64: 1000, 128>}, {pipeline_mode = #tpu.pipeline_mode<synchronous>, transform_indices = @transform_1, window_bounds = array<i64: 128, 128>}, {pipeline_mode = #tpu.pipeline_mode<synchronous>, transform_indices = @transform_2, window_bounds = array<i64: 1, 128>}, {pipeline_mode = #tpu.pipeline_mode<synchronous>, transform_indices = @transform_3, window_bounds = array<i64: 1, 128>}, {transform_indices = @transform_4, window_bounds = array<i64: 1000, 128>}, {transform_indices = @transform_5, window_bounds = array<i64: 1000, 128>}, {pipeline_mode = #tpu.pipeline_mode<synchronous>, transform_indices = @transform_6, window_bounds = array<i64: 1, 128>}]} {
    %get3A = arith.constant 0 : index
    %get3A_0 = arith.constant 0 : index
    %get3A_1 = vector.load %arg1[%get3A, %get3A_0] : memref<1000x128xf32, #tpu.memory_space<vmem>>, vector<1000x128xf32>
    %get3A_2 = arith.constant 0 : index
    %get3A_3 = arith.constant 0 : index
    %get3A_4 = vector.load %arg2[%get3A_2, %get3A_3] : memref<128x128xf32, #tpu.memory_space<vmem>>, vector<128x128xf32>
    %dot_general3A = arith.constant dense<0.000000e+00> : vector<1000x128xf32>
    %dot_general3A_5 = tpu.matmul %get3A_1, %get3A_4, %dot_general3A {dimension_numbers = #tpu.dot_dimension_numbers<[1], [0], [0], [1], [0, 0, 1, 1], [], []>, transpose_lhs_hint = false} : vector<1000x128xf32>, vector<128x128xf32>, vector<1000x128xf32> -> vector<1000x128xf32>
    %get3A_6 = arith.constant 0 : index
    %get3A_7 = arith.constant 0 : index
    %get3A_8 = vector.load %arg3[%get3A_6, %get3A_7] : memref<1x128xf32, #tpu.memory_space<vmem>>, vector<1x128xf32>
    %add3A = vector.broadcast %get3A_8 : vector<1x128xf32> to vector<1000x128xf32>
    %add3A_9 = arith.addf %dot_general3A_5, %add3A : vector<1000x128xf32>
    %get3A_10 = arith.constant 0 : index
    %get3A_11 = arith.constant 0 : index
    %get3A_12 = vector.load %arg4[%get3A_10, %get3A_11] : memref<1x128xf32, #tpu.memory_space<vmem>>, vector<1x128xf32>
    %add3A_13 = vector.broadcast %get3A_12 : vector<1x128xf32> to vector<1000x128xf32>
    %add3A_14 = arith.addf %add3A_9, %add3A_13 : vector<1000x128xf32>
    %swap3A = arith.constant 0 : index
    %swap3A_15 = arith.constant 0 : index
    %swap3A_16 = vector.load %arg5[%swap3A, %swap3A_15] : memref<1000x128xf32, #tpu.memory_space<vmem>>, vector<1000x128xf32>
    tpu.vector_store %arg5[%swap3A, %swap3A_15], %add3A_14 {strides = array<i32>} : memref<1000x128xf32, #tpu.memory_space<vmem>>, vector<1000x128xf32>,
    %max3A = arith.constant 0.000000e+00 : f32
    %max3A_17 = vector.broadcast %max3A : f32 to vector<1000x128xf32>
    %max3A_18 = arith.maximumf %add3A_14, %max3A_17 : vector<1000x128xf32>
    %swap3A_19 = arith.constant 0 : index
    %swap3A_20 = arith.constant 0 : index
    %swap3A_21 = vector.load %arg6[%swap3A_19, %swap3A_20] : memref<1000x128xf32, #tpu.memory_space<vmem>>, vector<1000x128xf32>
    tpu.vector_store %arg6[%swap3A_19, %swap3A_20], %max3A_18 {strides = array<i32>} : memref<1000x128xf32, #tpu.memory_space<vmem>>, vector<1000x128xf32>,
    %reduce_sum3A = arith.constant dense<0.000000e+00> : vector<128xf32>
    %reduce_sum3A_22 = vector.multi_reduction <add>, %add3A_14, %reduce_sum3A [0] : vector<1000x128xf32> to vector<128xf32>
    %broadcast_in_dim3A = vector.shape_cast %reduce_sum3A_22 : vector<128xf32> to vector<1x128xf32>
    %eq3A = arith.constant 0 : i32
    %eq3A_23 = arith.cmpi eq, %arg0, %eq3A : i32
    %convert_element_type3A = arith.extui %eq3A_23 : i1 to i32
    %cond3A = arith.constant 0 : i32
    %cond3A_24 = arith.cmpi ne, %convert_element_type3A, %cond3A : i32
    scf.if %cond3A_24 {
      %swap3A_29 = arith.constant 0 : index
      %swap3A_30 = arith.constant 0 : index
      %swap3A_31 = vector.load %arg7[%swap3A_29, %swap3A_30] : memref<1x128xf32, #tpu.memory_space<vmem>>, vector<1x128xf32>
      tpu.vector_store %arg7[%swap3A_29, %swap3A_30], %broadcast_in_dim3A {strides = array<i32>} : memref<1x128xf32, #tpu.memory_space<vmem>>, vector<1x128xf32>,
    } else {
    }
    %ne3A = arith.constant 0 : i32
    %ne3A_25 = arith.cmpi ne, %arg0, %ne3A : i32
    %convert_element_type3A_26 = arith.extui %ne3A_25 : i1 to i32
    %cond3A_27 = arith.constant 0 : i32
    %cond3A_28 = arith.cmpi ne, %convert_element_type3A_26, %cond3A_27 : i32
    scf.if %cond3A_28 {
      %get3A_29 = arith.constant 0 : index
      %get3A_30 = arith.constant 0 : index
      %get3A_31 = vector.load %arg7[%get3A_29, %get3A_30] : memref<1x128xf32, #tpu.memory_space<vmem>>, vector<1x128xf32>
      %add3A_32 = arith.addf %get3A_31, %broadcast_in_dim3A : vector<1x128xf32>
      %swap3A_33 = arith.constant 0 : index
      %swap3A_34 = arith.constant 0 : index
      %swap3A_35 = vector.load %arg7[%swap3A_33, %swap3A_34] : memref<1x128xf32, #tpu.memory_space<vmem>>, vector<1x128xf32>
      tpu.vector_store %arg7[%swap3A_33, %swap3A_34], %add3A_32 {strides = array<i32>} : memref<1x128xf32, #tpu.memory_space<vmem>>, vector<1x128xf32>,
    } else {
    }
    return
  }
  func.func @transform_0(%arg0: i32) -> (i32, i32) {
    %c0_i32 = arith.constant 0 : i32
    %c0_i32_0 = arith.constant 0 : i32
    return %arg0, %c0_i32 : i32, i32
  }
  func.func @transform_1(%arg0: i32) -> (i32, i32) {
    %c0_i32 = arith.constant 0 : i32
    %c0_i32_0 = arith.constant 0 : i32
    %c0_i32_1 = arith.constant 0 : i32
    return %c0_i32, %c0_i32_0 : i32, i32
  }
  func.func @transform_2(%arg0: i32) -> (i32, i32) {
    %c0_i32 = arith.constant 0 : i32
    %c0_i32_0 = arith.constant 0 : i32
    %c0_i32_1 = arith.constant 0 : i32
    return %c0_i32, %c0_i32_0 : i32, i32
  }
  func.func @transform_3(%arg0: i32) -> (i32, i32) {
    %c0_i32 = arith.constant 0 : i32
    %c0_i32_0 = arith.constant 0 : i32
    %c0_i32_1 = arith.constant 0 : i32
    return %c0_i32, %c0_i32_0 : i32, i32
  }
  func.func @transform_4(%arg0: i32) -> (i32, i32) {
    %c0_i32 = arith.constant 0 : i32
    %c0_i32_0 = arith.constant 0 : i32
    return %arg0, %c0_i32 : i32, i32
  }
  func.func @transform_5(%arg0: i32) -> (i32, i32) {
    %c0_i32 = arith.constant 0 : i32
    %c0_i32_0 = arith.constant 0 : i32
    return %arg0, %c0_i32 : i32, i32
  }
  func.func @transform_6(%arg0: i32) -> (i32, i32) {
    %c0_i32 = arith.constant 0 : i32
    %c0_i32_0 = arith.constant 0 : i32
    %c0_i32_1 = arith.constant 0 : i32
    return %c0_i32, %c0_i32_0 : i32, i32
  }
}

module attributes {stable_mosaic.version = 14 : i64} {
  func.func @_vnm_body(%arg0: memref<1x128xf32, #tpu.memory_space<vmem>>, %arg1: memref<1x128xf32, #tpu.memory_space<vmem>>, %arg2: memref<128x128xf32, #tpu.memory_space<vmem>>, %arg3: memref<1x128xf32, #tpu.memory_space<vmem>>, %arg4: memref<1x128xf32, #tpu.memory_space<vmem>>, %arg5: memref<1x128xf32, #tpu.memory_space<vmem>>, %arg6: memref<128x128xf32, #tpu.memory_space<vmem>>, %arg7: memref<1x128xf32, #tpu.memory_space<vmem>>, %arg8: memref<1x128xf32, #tpu.memory_space<vmem>>, %arg9: memref<1x128xf32, #tpu.memory_space<vmem>>, %arg10: memref<1x128xf32, #tpu.memory_space<vmem>>) attributes {dimension_semantics = [], scalar_prefetch = 0 : i64, scratch_operands = 0 : i64, tpu.core_type = #tpu.core_type<tc>} {
    %get3A = arith.constant 0 : index
    %get3A_0 = arith.constant 0 : index
    %get3A_1 = vector.load %arg0[%get3A, %get3A_0] : memref<1x128xf32, #tpu.memory_space<vmem>>, vector<1x128xf32>
    %get3A_2 = arith.constant 0 : index
    %get3A_3 = arith.constant 0 : index
    %get3A_4 = vector.load %arg1[%get3A_2, %get3A_3] : memref<1x128xf32, #tpu.memory_space<vmem>>, vector<1x128xf32>
    %add3A = arith.addf %get3A_1, %get3A_4 : vector<1x128xf32>
    %get3A_5 = arith.constant 0 : index
    %get3A_6 = arith.constant 0 : index
    %get3A_7 = vector.load %arg2[%get3A_5, %get3A_6] : memref<128x128xf32, #tpu.memory_space<vmem>>, vector<128x128xf32>
    %dot_general3A = arith.constant dense<0.000000e+00> : vector<1x128xf32>
    %dot_general3A_8 = tpu.matmul %add3A, %get3A_7, %dot_general3A {dimension_numbers = #tpu.dot_dimension_numbers<[1], [0], [0], [1], [0, 0, 1, 1], [], []>, transpose_lhs_hint = false} : vector<1x128xf32>, vector<128x128xf32>, vector<1x128xf32> -> vector<1x128xf32>
    %get3A_9 = arith.constant 0 : index
    %get3A_10 = arith.constant 0 : index
    %get3A_11 = vector.load %arg3[%get3A_9, %get3A_10] : memref<1x128xf32, #tpu.memory_space<vmem>>, vector<1x128xf32>
    %add3A_12 = arith.addf %dot_general3A_8, %get3A_11 : vector<1x128xf32>
    %mul3A = arith.constant 0.999994993 : f32
    %mul3A_13 = vector.broadcast %mul3A : f32 to vector<1x128xf32>
    %mul3A_14 = arith.mulf %add3A_12, %mul3A_13 : vector<1x128xf32>
    %get3A_15 = arith.constant 0 : index
    %get3A_16 = arith.constant 0 : index
    %get3A_17 = vector.load %arg4[%get3A_15, %get3A_16] : memref<1x128xf32, #tpu.memory_space<vmem>>, vector<1x128xf32>
    %mul3A_18 = arith.mulf %mul3A_14, %get3A_17 : vector<1x128xf32>
    %get3A_19 = arith.constant 0 : index
    %get3A_20 = arith.constant 0 : index
    %get3A_21 = vector.load %arg5[%get3A_19, %get3A_20] : memref<1x128xf32, #tpu.memory_space<vmem>>, vector<1x128xf32>
    %add3A_22 = arith.addf %mul3A_18, %get3A_21 : vector<1x128xf32>
    %max3A = arith.constant 0.000000e+00 : f32
    %max3A_23 = vector.broadcast %max3A : f32 to vector<1x128xf32>
    %max3A_24 = arith.maximumf %add3A_22, %max3A_23 : vector<1x128xf32>
    %get3A_25 = arith.constant 0 : index
    %get3A_26 = arith.constant 0 : index
    %get3A_27 = vector.load %arg6[%get3A_25, %get3A_26] : memref<128x128xf32, #tpu.memory_space<vmem>>, vector<128x128xf32>
    %dot_general3A_28 = arith.constant dense<0.000000e+00> : vector<1x128xf32>
    %dot_general3A_29 = tpu.matmul %max3A_24, %get3A_27, %dot_general3A_28 {dimension_numbers = #tpu.dot_dimension_numbers<[1], [0], [0], [1], [0, 0, 1, 1], [], []>, transpose_lhs_hint = false} : vector<1x128xf32>, vector<128x128xf32>, vector<1x128xf32> -> vector<1x128xf32>
    %get3A_30 = arith.constant 0 : index
    %get3A_31 = arith.constant 0 : index
    %get3A_32 = vector.load %arg7[%get3A_30, %get3A_31] : memref<1x128xf32, #tpu.memory_space<vmem>>, vector<1x128xf32>
    %add3A_33 = arith.addf %dot_general3A_29, %get3A_32 : vector<1x128xf32>
    %mul3A_34 = arith.constant 0.999994993 : f32
    %mul3A_35 = vector.broadcast %mul3A_34 : f32 to vector<1x128xf32>
    %mul3A_36 = arith.mulf %add3A_33, %mul3A_35 : vector<1x128xf32>
    %get3A_37 = arith.constant 0 : index
    %get3A_38 = arith.constant 0 : index
    %get3A_39 = vector.load %arg8[%get3A_37, %get3A_38] : memref<1x128xf32, #tpu.memory_space<vmem>>, vector<1x128xf32>
    %mul3A_40 = arith.mulf %mul3A_36, %get3A_39 : vector<1x128xf32>
    %get3A_41 = arith.constant 0 : index
    %get3A_42 = arith.constant 0 : index
    %get3A_43 = vector.load %arg9[%get3A_41, %get3A_42] : memref<1x128xf32, #tpu.memory_space<vmem>>, vector<1x128xf32>
    %add3A_44 = arith.addf %mul3A_40, %get3A_43 : vector<1x128xf32>
    %max3A_45 = arith.constant 0.000000e+00 : f32
    %max3A_46 = vector.broadcast %max3A_45 : f32 to vector<1x128xf32>
    %max3A_47 = arith.maximumf %add3A_44, %max3A_46 : vector<1x128xf32>
    %swap3A = arith.constant 0 : index
    %swap3A_48 = arith.constant 0 : index
    %swap3A_49 = vector.load %arg10[%swap3A, %swap3A_48] : memref<1x128xf32, #tpu.memory_space<vmem>>, vector<1x128xf32>
    tpu.vector_store %arg10[%swap3A, %swap3A_48], %max3A_47 {strides = array<i32>} : memref<1x128xf32, #tpu.memory_space<vmem>>, vector<1x128xf32>,
    return
  }
}

module attributes {stable_mosaic.version = 14 : i64} {
  func.func @_kfin_body(%arg0: i32, %arg1: memref<1xf32, #tpu.memory_space<smem>>, %arg2: memref<1000x128xf32, #tpu.memory_space<vmem>>, %arg3: memref<1x1000x128xf32, #tpu.memory_space<vmem>>, %arg4: memref<1x1000x128xf32, #tpu.memory_space<vmem>>, %arg5: memref<128x128xf32, #tpu.memory_space<vmem>>, %arg6: memref<1x128xf32, #tpu.memory_space<vmem>>, %arg7: memref<1x128xf32, #tpu.memory_space<vmem>>, %arg8: memref<1x128xf32, #tpu.memory_space<vmem>>, %arg9: memref<128x128xf32, #tpu.memory_space<vmem>>, %arg10: memref<1x128xf32, #tpu.memory_space<vmem>>, %arg11: memref<1x128xf32, #tpu.memory_space<vmem>>, %arg12: memref<1x128xf32, #tpu.memory_space<vmem>>, %arg13: memref<1x128xf32, #tpu.memory_space<vmem>>, %arg14: memref<1000x128xf32, #tpu.memory_space<vmem>>, %arg15: memref<1000x128xf32, #tpu.memory_space<vmem>>) attributes {dimension_semantics = [#tpu.dimension_semantics<arbitrary>], iteration_bounds = array<i64: 10>, scalar_prefetch = 0 : i64, scratch_operands = 0 : i64, tpu.core_type = #tpu.core_type<tc>, window_params = [{transform_indices = @transform_0, window_bounds = array<i64: 1>}, {transform_indices = @transform_1, window_bounds = array<i64: 1000, 128>}, {transform_indices = @transform_2, window_bounds = array<i64: 1, 1000, 128>}, {transform_indices = @transform_3, window_bounds = array<i64: 1, 1000, 128>}, {pipeline_mode = #tpu.pipeline_mode<synchronous>, transform_indices = @transform_4, window_bounds = array<i64: 128, 128>}, {pipeline_mode = #tpu.pipeline_mode<synchronous>, transform_indices = @transform_5, window_bounds = array<i64: 1, 128>}, {pipeline_mode = #tpu.pipeline_mode<synchronous>, transform_indices = @transform_6, window_bounds = array<i64: 1, 128>}, {pipeline_mode = #tpu.pipeline_mode<synchronous>, transform_indices = @transform_7, window_bounds = array<i64: 1, 128>}, {pipeline_mode = #tpu.pipeline_mode<synchronous>, transform_indices = @transform_8, window_bounds = array<i64: 128, 128>}, {pipeline_mode = #tpu.pipeline_mode<synchronous>, transform_indices = @transform_9, window_bounds = array<i64: 1, 128>}, {pipeline_mode = #tpu.pipeline_mode<synchronous>, transform_indices = @transform_10, window_bounds = array<i64: 1, 128>}, {pipeline_mode = #tpu.pipeline_mode<synchronous>, transform_indices = @transform_11, window_bounds = array<i64: 1, 128>}, {pipeline_mode = #tpu.pipeline_mode<synchronous>, transform_indices = @transform_12, window_bounds = array<i64: 1, 128>}, {transform_indices = @transform_13, window_bounds = array<i64: 1000, 128>}, {transform_indices = @transform_14, window_bounds = array<i64: 1000, 128>}]} {
    %get3A = arith.constant 0 : index
    %get3A_0 = arith.constant 0 : index
    %get3A_1 = vector.load %arg2[%get3A, %get3A_0] : memref<1000x128xf32, #tpu.memory_space<vmem>>, vector<1000x128xf32>
    %get3A_2 = arith.constant 0 : index
    %get3A_3 = memref.load %arg1[%get3A_2] : memref<1xf32, #tpu.memory_space<smem>>
    %add3A = arith.constant 1.000000e+00 : f32
    %add3A_4 = arith.addf %add3A, %get3A_3 : f32
    %mul3A = vector.broadcast %add3A_4 : f32 to vector<1000x128xf32>
    %mul3A_5 = arith.mulf %mul3A, %get3A_1 : vector<1000x128xf32>
    %get3A_6 = arith.constant 0 : index
    %get3A_7 = arith.constant 0 : index
    %get3A_8 = arith.constant 0 : index
    %get3A_9 = vector.load %arg3[%get3A_6, %get3A_7, %get3A_8] : memref<1x1000x128xf32, #tpu.memory_space<vmem>>, vector<1x1000x128xf32>
    %get3A_10 = vector.shape_cast %get3A_9 : vector<1x1000x128xf32> to vector<1000x128xf32>
    %get3A_11 = arith.constant 0 : index
    %get3A_12 = arith.constant 0 : index
    %get3A_13 = arith.constant 0 : index
    %get3A_14 = vector.load %arg4[%get3A_11, %get3A_12, %get3A_13] : memref<1x1000x128xf32, #tpu.memory_space<vmem>>, vector<1x1000x128xf32>
    %get3A_15 = vector.shape_cast %get3A_14 : vector<1x1000x128xf32> to vector<1000x128xf32>
    %add3A_16 = arith.addf %get3A_10, %get3A_15 : vector<1000x128xf32>
    %add3A_17 = arith.addf %mul3A_5, %add3A_16 : vector<1000x128xf32>
    %get3A_18 = arith.constant 0 : index
    %get3A_19 = arith.constant 0 : index
    %get3A_20 = vector.load %arg5[%get3A_18, %get3A_19] : memref<128x128xf32, #tpu.memory_space<vmem>>, vector<128x128xf32>
    %dot_general3A = arith.constant dense<0.000000e+00> : vector<1000x128xf32>
    %dot_general3A_21 = tpu.matmul %add3A_17, %get3A_20, %dot_general3A {dimension_numbers = #tpu.dot_dimension_numbers<[1], [0], [0], [1], [0, 0, 1, 1], [], []>, transpose_lhs_hint = false} : vector<1000x128xf32>, vector<128x128xf32>, vector<1000x128xf32> -> vector<1000x128xf32>
    %get3A_22 = arith.constant 0 : index
    %get3A_23 = arith.constant 0 : index
    %get3A_24 = vector.load %arg6[%get3A_22, %get3A_23] : memref<1x128xf32, #tpu.memory_space<vmem>>, vector<1x128xf32>
    %add3A_25 = vector.broadcast %get3A_24 : vector<1x128xf32> to vector<1000x128xf32>
    %add3A_26 = arith.addf %dot_general3A_21, %add3A_25 : vector<1000x128xf32>
    %mul3A_27 = arith.constant 0.999994993 : f32
    %mul3A_28 = vector.broadcast %mul3A_27 : f32 to vector<1000x128xf32>
    %mul3A_29 = arith.mulf %add3A_26, %mul3A_28 : vector<1000x128xf32>
    %get3A_30 = arith.constant 0 : index
    %get3A_31 = arith.constant 0 : index
    %get3A_32 = vector.load %arg7[%get3A_30, %get3A_31] : memref<1x128xf32, #tpu.memory_space<vmem>>, vector<1x128xf32>
    %mul3A_33 = vector.broadcast %get3A_32 : vector<1x128xf32> to vector<1000x128xf32>
    %mul3A_34 = arith.mulf %mul3A_29, %mul3A_33 : vector<1000x128xf32>
    %get3A_35 = arith.constant 0 : index
    %get3A_36 = arith.constant 0 : index
    %get3A_37 = vector.load %arg8[%get3A_35, %get3A_36] : memref<1x128xf32, #tpu.memory_space<vmem>>, vector<1x128xf32>
    %add3A_38 = vector.broadcast %get3A_37 : vector<1x128xf32> to vector<1000x128xf32>
    %add3A_39 = arith.addf %mul3A_34, %add3A_38 : vector<1000x128xf32>
    %max3A = arith.constant 0.000000e+00 : f32
    %max3A_40 = vector.broadcast %max3A : f32 to vector<1000x128xf32>
    %max3A_41 = arith.maximumf %add3A_39, %max3A_40 : vector<1000x128xf32>
    %get3A_42 = arith.constant 0 : index
    %get3A_43 = arith.constant 0 : index
    %get3A_44 = vector.load %arg9[%get3A_42, %get3A_43] : memref<128x128xf32, #tpu.memory_space<vmem>>, vector<128x128xf32>
    %dot_general3A_45 = arith.constant dense<0.000000e+00> : vector<1000x128xf32>
    %dot_general3A_46 = tpu.matmul %max3A_41, %get3A_44, %dot_general3A_45 {dimension_numbers = #tpu.dot_dimension_numbers<[1], [0], [0], [1], [0, 0, 1, 1], [], []>, transpose_lhs_hint = false} : vector<1000x128xf32>, vector<128x128xf32>, vector<1000x128xf32> -> vector<1000x128xf32>
    %get3A_47 = arith.constant 0 : index
    %get3A_48 = arith.constant 0 : index
    %get3A_49 = vector.load %arg10[%get3A_47, %get3A_48] : memref<1x128xf32, #tpu.memory_space<vmem>>, vector<1x128xf32>
    %add3A_50 = vector.broadcast %get3A_49 : vector<1x128xf32> to vector<1000x128xf32>
    %add3A_51 = arith.addf %dot_general3A_46, %add3A_50 : vector<1000x128xf32>
    %mul3A_52 = arith.constant 0.999994993 : f32
    %mul3A_53 = vector.broadcast %mul3A_52 : f32 to vector<1000x128xf32>
    %mul3A_54 = arith.mulf %add3A_51, %mul3A_53 : vector<1000x128xf32>
    %get3A_55 = arith.constant 0 : index
    %get3A_56 = arith.constant 0 : index
    %get3A_57 = vector.load %arg11[%get3A_55, %get3A_56] : memref<1x128xf32, #tpu.memory_space<vmem>>, vector<1x128xf32>
    %mul3A_58 = vector.broadcast %get3A_57 : vector<1x128xf32> to vector<1000x128xf32>
    %mul3A_59 = arith.mulf %mul3A_54, %mul3A_58 : vector<1000x128xf32>
    %get3A_60 = arith.constant 0 : index
    %get3A_61 = arith.constant 0 : index
    %get3A_62 = vector.load %arg12[%get3A_60, %get3A_61] : memref<1x128xf32, #tpu.memory_space<vmem>>, vector<1x128xf32>
    %add3A_63 = vector.broadcast %get3A_62 : vector<1x128xf32> to vector<1000x128xf32>
    %add3A_64 = arith.addf %mul3A_59, %add3A_63 : vector<1000x128xf32>
    %max3A_65 = arith.constant 0.000000e+00 : f32
    %max3A_66 = vector.broadcast %max3A_65 : f32 to vector<1000x128xf32>
    %max3A_67 = arith.maximumf %add3A_64, %max3A_66 : vector<1000x128xf32>
    %get3A_68 = arith.constant 0 : index
    %get3A_69 = arith.constant 0 : index
    %get3A_70 = vector.load %arg14[%get3A_68, %get3A_69] : memref<1000x128xf32, #tpu.memory_space<vmem>>, vector<1000x128xf32>
    %get3A_71 = arith.constant 0 : index
    %get3A_72 = arith.constant 0 : index
    %get3A_73 = vector.load %arg13[%get3A_71, %get3A_72] : memref<1x128xf32, #tpu.memory_space<vmem>>, vector<1x128xf32>
    %add3A_74 = vector.broadcast %get3A_73 : vector<1x128xf32> to vector<1000x128xf32>
    %add3A_75 = arith.addf %max3A_67, %add3A_74 : vector<1000x128xf32>
    %add3A_76 = arith.addf %get3A_70, %add3A_75 : vector<1000x128xf32>
    %swap3A = arith.constant 0 : index
    %swap3A_77 = arith.constant 0 : index
    %swap3A_78 = vector.load %arg15[%swap3A, %swap3A_77] : memref<1000x128xf32, #tpu.memory_space<vmem>>, vector<1000x128xf32>
    tpu.vector_store %arg15[%swap3A, %swap3A_77], %add3A_76 {strides = array<i32>} : memref<1000x128xf32, #tpu.memory_space<vmem>>, vector<1000x128xf32>,
    return
  }
  func.func @transform_0(%arg0: i32) -> i32 {
    %c0_i32 = arith.constant 0 : i32
    %c0_i32_0 = arith.constant 0 : i32
    return %c0_i32 : i32
  }
  func.func @transform_1(%arg0: i32) -> (i32, i32) {
    %c0_i32 = arith.constant 0 : i32
    %c0_i32_0 = arith.constant 0 : i32
    return %arg0, %c0_i32 : i32, i32
  }
  func.func @transform_2(%arg0: i32) -> (i32, i32, i32) {
    %c0_i32 = arith.constant 0 : i32
    %c0_i32_0 = arith.constant 0 : i32
    %c0_i32_1 = arith.constant 0 : i32
    return %c0_i32, %arg0, %c0_i32_0 : i32, i32, i32
  }
  func.func @transform_3(%arg0: i32) -> (i32, i32, i32) {
    %c1_i32 = arith.constant 1 : i32
    %c0_i32 = arith.constant 0 : i32
    %c0_i32_0 = arith.constant 0 : i32
    return %c1_i32, %arg0, %c0_i32 : i32, i32, i32
  }
  func.func @transform_4(%arg0: i32) -> (i32, i32) {
    %c0_i32 = arith.constant 0 : i32
    %c0_i32_0 = arith.constant 0 : i32
    %c0_i32_1 = arith.constant 0 : i32
    return %c0_i32, %c0_i32_0 : i32, i32
  }
  func.func @transform_5(%arg0: i32) -> (i32, i32) {
    %c0_i32 = arith.constant 0 : i32
    %c0_i32_0 = arith.constant 0 : i32
    %c0_i32_1 = arith.constant 0 : i32
    return %c0_i32, %c0_i32_0 : i32, i32
  }
  func.func @transform_6(%arg0: i32) -> (i32, i32) {
    %c0_i32 = arith.constant 0 : i32
    %c0_i32_0 = arith.constant 0 : i32
    %c0_i32_1 = arith.constant 0 : i32
    return %c0_i32, %c0_i32_0 : i32, i32
  }
  func.func @transform_7(%arg0: i32) -> (i32, i32) {
    %c0_i32 = arith.constant 0 : i32
    %c0_i32_0 = arith.constant 0 : i32
    %c0_i32_1 = arith.constant 0 : i32
    return %c0_i32, %c0_i32_0 : i32, i32
  }
  func.func @transform_8(%arg0: i32) -> (i32, i32) {
    %c0_i32 = arith.constant 0 : i32
    %c0_i32_0 = arith.constant 0 : i32
    %c0_i32_1 = arith.constant 0 : i32
    return %c0_i32, %c0_i32_0 : i32, i32
  }
  func.func @transform_9(%arg0: i32) -> (i32, i32) {
    %c0_i32 = arith.constant 0 : i32
    %c0_i32_0 = arith.constant 0 : i32
    %c0_i32_1 = arith.constant 0 : i32
    return %c0_i32, %c0_i32_0 : i32, i32
  }
  func.func @transform_10(%arg0: i32) -> (i32, i32) {
    %c0_i32 = arith.constant 0 : i32
    %c0_i32_0 = arith.constant 0 : i32
    %c0_i32_1 = arith.constant 0 : i32
    return %c0_i32, %c0_i32_0 : i32, i32
  }
  func.func @transform_11(%arg0: i32) -> (i32, i32) {
    %c0_i32 = arith.constant 0 : i32
    %c0_i32_0 = arith.constant 0 : i32
    %c0_i32_1 = arith.constant 0 : i32
    return %c0_i32, %c0_i32_0 : i32, i32
  }
  func.func @transform_12(%arg0: i32) -> (i32, i32) {
    %c0_i32 = arith.constant 0 : i32
    %c0_i32_0 = arith.constant 0 : i32
    %c0_i32_1 = arith.constant 0 : i32
    return %c0_i32, %c0_i32_0 : i32, i32
  }
  func.func @transform_13(%arg0: i32) -> (i32, i32) {
    %c0_i32 = arith.constant 0 : i32
    %c0_i32_0 = arith.constant 0 : i32
    return %arg0, %c0_i32 : i32, i32
  }
  func.func @transform_14(%arg0: i32) -> (i32, i32) {
    %c0_i32 = arith.constant 0 : i32
    %c0_i32_0 = arith.constant 0 : i32
    return %arg0, %c0_i32 : i32, i32
  }
}

module attributes {stable_mosaic.version = 14 : i64} {
  func.func @_kmid_body(%arg0: i32, %arg1: memref<1xf32, #tpu.memory_space<smem>>, %arg2: memref<1000x128xf32, #tpu.memory_space<vmem>>, %arg3: memref<1x1000x128xf32, #tpu.memory_space<vmem>>, %arg4: memref<1x1000x128xf32, #tpu.memory_space<vmem>>, %arg5: memref<128x128xf32, #tpu.memory_space<vmem>>, %arg6: memref<1x128xf32, #tpu.memory_space<vmem>>, %arg7: memref<1x128xf32, #tpu.memory_space<vmem>>, %arg8: memref<1x128xf32, #tpu.memory_space<vmem>>, %arg9: memref<128x128xf32, #tpu.memory_space<vmem>>, %arg10: memref<1x128xf32, #tpu.memory_space<vmem>>, %arg11: memref<1x128xf32, #tpu.memory_space<vmem>>, %arg12: memref<1x128xf32, #tpu.memory_space<vmem>>, %arg13: memref<1x128xf32, #tpu.memory_space<vmem>>, %arg14: memref<1000x128xf32, #tpu.memory_space<vmem>>, %arg15: memref<1000x128xf32, #tpu.memory_space<vmem>>, %arg16: memref<1000x128xf32, #tpu.memory_space<vmem>>, %arg17: memref<1x128xf32, #tpu.memory_space<vmem>>) attributes {dimension_semantics = [#tpu.dimension_semantics<arbitrary>], iteration_bounds = array<i64: 10>, scalar_prefetch = 0 : i64, scratch_operands = 0 : i64, tpu.core_type = #tpu.core_type<tc>, window_params = [{transform_indices = @transform_0, window_bounds = array<i64: 1>}, {transform_indices = @transform_1, window_bounds = array<i64: 1000, 128>}, {transform_indices = @transform_2, window_bounds = array<i64: 1, 1000, 128>}, {transform_indices = @transform_3, window_bounds = array<i64: 1, 1000, 128>}, {pipeline_mode = #tpu.pipeline_mode<synchronous>, transform_indices = @transform_4, window_bounds = array<i64: 128, 128>}, {pipeline_mode = #tpu.pipeline_mode<synchronous>, transform_indices = @transform_5, window_bounds = array<i64: 1, 128>}, {pipeline_mode = #tpu.pipeline_mode<synchronous>, transform_indices = @transform_6, window_bounds = array<i64: 1, 128>}, {pipeline_mode = #tpu.pipeline_mode<synchronous>, transform_indices = @transform_7, window_bounds = array<i64: 1, 128>}, {pipeline_mode = #tpu.pipeline_mode<synchronous>, transform_indices = @transform_8, window_bounds = array<i64: 128, 128>}, {pipeline_mode = #tpu.pipeline_mode<synchronous>, transform_indices = @transform_9, window_bounds = array<i64: 1, 128>}, {pipeline_mode = #tpu.pipeline_mode<synchronous>, transform_indices = @transform_10, window_bounds = array<i64: 1, 128>}, {pipeline_mode = #tpu.pipeline_mode<synchronous>, transform_indices = @transform_11, window_bounds = array<i64: 1, 128>}, {pipeline_mode = #tpu.pipeline_mode<synchronous>, transform_indices = @transform_12, window_bounds = array<i64: 1, 128>}, {transform_indices = @transform_13, window_bounds = array<i64: 1000, 128>}, {transform_indices = @transform_14, window_bounds = array<i64: 1000, 128>}, {transform_indices = @transform_15, window_bounds = array<i64: 1000, 128>}, {pipeline_mode = #tpu.pipeline_mode<synchronous>, transform_indices = @transform_16, window_bounds = array<i64: 1, 128>}]} {
    %get3A = arith.constant 0 : index
    %get3A_0 = arith.constant 0 : index
    %get3A_1 = vector.load %arg2[%get3A, %get3A_0] : memref<1000x128xf32, #tpu.memory_space<vmem>>, vector<1000x128xf32>
    %get3A_2 = arith.constant 0 : index
    %get3A_3 = memref.load %arg1[%get3A_2] : memref<1xf32, #tpu.memory_space<smem>>
    %add3A = arith.constant 1.000000e+00 : f32
    %add3A_4 = arith.addf %add3A, %get3A_3 : f32
    %mul3A = vector.broadcast %add3A_4 : f32 to vector<1000x128xf32>
    %mul3A_5 = arith.mulf %mul3A, %get3A_1 : vector<1000x128xf32>
    %get3A_6 = arith.constant 0 : index
    %get3A_7 = arith.constant 0 : index
    %get3A_8 = arith.constant 0 : index
    %get3A_9 = vector.load %arg3[%get3A_6, %get3A_7, %get3A_8] : memref<1x1000x128xf32, #tpu.memory_space<vmem>>, vector<1x1000x128xf32>
    %get3A_10 = vector.shape_cast %get3A_9 : vector<1x1000x128xf32> to vector<1000x128xf32>
    %get3A_11 = arith.constant 0 : index
    %get3A_12 = arith.constant 0 : index
    %get3A_13 = arith.constant 0 : index
    %get3A_14 = vector.load %arg4[%get3A_11, %get3A_12, %get3A_13] : memref<1x1000x128xf32, #tpu.memory_space<vmem>>, vector<1x1000x128xf32>
    %get3A_15 = vector.shape_cast %get3A_14 : vector<1x1000x128xf32> to vector<1000x128xf32>
    %add3A_16 = arith.addf %get3A_10, %get3A_15 : vector<1000x128xf32>
    %add3A_17 = arith.addf %mul3A_5, %add3A_16 : vector<1000x128xf32>
    %get3A_18 = arith.constant 0 : index
    %get3A_19 = arith.constant 0 : index
    %get3A_20 = vector.load %arg5[%get3A_18, %get3A_19] : memref<128x128xf32, #tpu.memory_space<vmem>>, vector<128x128xf32>
    %dot_general3A = arith.constant dense<0.000000e+00> : vector<1000x128xf32>
    %dot_general3A_21 = tpu.matmul %add3A_17, %get3A_20, %dot_general3A {dimension_numbers = #tpu.dot_dimension_numbers<[1], [0], [0], [1], [0, 0, 1, 1], [], []>, transpose_lhs_hint = false} : vector<1000x128xf32>, vector<128x128xf32>, vector<1000x128xf32> -> vector<1000x128xf32>
    %get3A_22 = arith.constant 0 : index
    %get3A_23 = arith.constant 0 : index
    %get3A_24 = vector.load %arg6[%get3A_22, %get3A_23] : memref<1x128xf32, #tpu.memory_space<vmem>>, vector<1x128xf32>
    %add3A_25 = vector.broadcast %get3A_24 : vector<1x128xf32> to vector<1000x128xf32>
    %add3A_26 = arith.addf %dot_general3A_21, %add3A_25 : vector<1000x128xf32>
    %mul3A_27 = arith.constant 0.999994993 : f32
    %mul3A_28 = vector.broadcast %mul3A_27 : f32 to vector<1000x128xf32>
    %mul3A_29 = arith.mulf %add3A_26, %mul3A_28 : vector<1000x128xf32>
    %get3A_30 = arith.constant 0 : index
    %get3A_31 = arith.constant 0 : index
    %get3A_32 = vector.load %arg7[%get3A_30, %get3A_31] : memref<1x128xf32, #tpu.memory_space<vmem>>, vector<1x128xf32>
    %mul3A_33 = vector.broadcast %get3A_32 : vector<1x128xf32> to vector<1000x128xf32>
    %mul3A_34 = arith.mulf %mul3A_29, %mul3A_33 : vector<1000x128xf32>
    %get3A_35 = arith.constant 0 : index
    %get3A_36 = arith.constant 0 : index
    %get3A_37 = vector.load %arg8[%get3A_35, %get3A_36] : memref<1x128xf32, #tpu.memory_space<vmem>>, vector<1x128xf32>
    %add3A_38 = vector.broadcast %get3A_37 : vector<1x128xf32> to vector<1000x128xf32>
    %add3A_39 = arith.addf %mul3A_34, %add3A_38 : vector<1000x128xf32>
    %max3A = arith.constant 0.000000e+00 : f32
    %max3A_40 = vector.broadcast %max3A : f32 to vector<1000x128xf32>
    %max3A_41 = arith.maximumf %add3A_39, %max3A_40 : vector<1000x128xf32>
    %get3A_42 = arith.constant 0 : index
    %get3A_43 = arith.constant 0 : index
    %get3A_44 = vector.load %arg9[%get3A_42, %get3A_43] : memref<128x128xf32, #tpu.memory_space<vmem>>, vector<128x128xf32>
    %dot_general3A_45 = arith.constant dense<0.000000e+00> : vector<1000x128xf32>
    %dot_general3A_46 = tpu.matmul %max3A_41, %get3A_44, %dot_general3A_45 {dimension_numbers = #tpu.dot_dimension_numbers<[1], [0], [0], [1], [0, 0, 1, 1], [], []>, transpose_lhs_hint = false} : vector<1000x128xf32>, vector<128x128xf32>, vector<1000x128xf32> -> vector<1000x128xf32>
    %get3A_47 = arith.constant 0 : index
    %get3A_48 = arith.constant 0 : index
    %get3A_49 = vector.load %arg10[%get3A_47, %get3A_48] : memref<1x128xf32, #tpu.memory_space<vmem>>, vector<1x128xf32>
    %add3A_50 = vector.broadcast %get3A_49 : vector<1x128xf32> to vector<1000x128xf32>
    %add3A_51 = arith.addf %dot_general3A_46, %add3A_50 : vector<1000x128xf32>
    %mul3A_52 = arith.constant 0.999994993 : f32
    %mul3A_53 = vector.broadcast %mul3A_52 : f32 to vector<1000x128xf32>
    %mul3A_54 = arith.mulf %add3A_51, %mul3A_53 : vector<1000x128xf32>
    %get3A_55 = arith.constant 0 : index
    %get3A_56 = arith.constant 0 : index
    %get3A_57 = vector.load %arg11[%get3A_55, %get3A_56] : memref<1x128xf32, #tpu.memory_space<vmem>>, vector<1x128xf32>
    %mul3A_58 = vector.broadcast %get3A_57 : vector<1x128xf32> to vector<1000x128xf32>
    %mul3A_59 = arith.mulf %mul3A_54, %mul3A_58 : vector<1000x128xf32>
    %get3A_60 = arith.constant 0 : index
    %get3A_61 = arith.constant 0 : index
    %get3A_62 = vector.load %arg12[%get3A_60, %get3A_61] : memref<1x128xf32, #tpu.memory_space<vmem>>, vector<1x128xf32>
    %add3A_63 = vector.broadcast %get3A_62 : vector<1x128xf32> to vector<1000x128xf32>
    %add3A_64 = arith.addf %mul3A_59, %add3A_63 : vector<1000x128xf32>
    %max3A_65 = arith.constant 0.000000e+00 : f32
    %max3A_66 = vector.broadcast %max3A_65 : f32 to vector<1000x128xf32>
    %max3A_67 = arith.maximumf %add3A_64, %max3A_66 : vector<1000x128xf32>
    %get3A_68 = arith.constant 0 : index
    %get3A_69 = arith.constant 0 : index
    %get3A_70 = vector.load %arg13[%get3A_68, %get3A_69] : memref<1x128xf32, #tpu.memory_space<vmem>>, vector<1x128xf32>
    %add3A_71 = vector.broadcast %get3A_70 : vector<1x128xf32> to vector<1000x128xf32>
    %add3A_72 = arith.addf %max3A_67, %add3A_71 : vector<1000x128xf32>
    %swap3A = arith.constant 0 : index
    %swap3A_73 = arith.constant 0 : index
    %swap3A_74 = vector.load %arg14[%swap3A, %swap3A_73] : memref<1000x128xf32, #tpu.memory_space<vmem>>, vector<1000x128xf32>
    tpu.vector_store %arg14[%swap3A, %swap3A_73], %add3A_72 {strides = array<i32>} : memref<1000x128xf32, #tpu.memory_space<vmem>>, vector<1000x128xf32>,
    %max3A_75 = arith.constant 0.000000e+00 : f32
    %max3A_76 = vector.broadcast %max3A_75 : f32 to vector<1000x128xf32>
    %max3A_77 = arith.maximumf %add3A_72, %max3A_76 : vector<1000x128xf32>
    %swap3A_78 = arith.constant 0 : index
    %swap3A_79 = arith.constant 0 : index
    %swap3A_80 = vector.load %arg15[%swap3A_78, %swap3A_79] : memref<1000x128xf32, #tpu.memory_space<vmem>>, vector<1000x128xf32>
    tpu.vector_store %arg15[%swap3A_78, %swap3A_79], %max3A_77 {strides = array<i32>} : memref<1000x128xf32, #tpu.memory_space<vmem>>, vector<1000x128xf32>,
    %add3A_81 = arith.addf %get3A_1, %add3A_72 : vector<1000x128xf32>
    %swap3A_82 = arith.constant 0 : index
    %swap3A_83 = arith.constant 0 : index
    %swap3A_84 = vector.load %arg16[%swap3A_82, %swap3A_83] : memref<1000x128xf32, #tpu.memory_space<vmem>>, vector<1000x128xf32>
    tpu.vector_store %arg16[%swap3A_82, %swap3A_83], %add3A_81 {strides = array<i32>} : memref<1000x128xf32, #tpu.memory_space<vmem>>, vector<1000x128xf32>,
    %reduce_sum3A = arith.constant dense<0.000000e+00> : vector<128xf32>
    %reduce_sum3A_85 = vector.multi_reduction <add>, %add3A_72, %reduce_sum3A [0] : vector<1000x128xf32> to vector<128xf32>
    %broadcast_in_dim3A = vector.shape_cast %reduce_sum3A_85 : vector<128xf32> to vector<1x128xf32>
    %eq3A = arith.constant 0 : i32
    %eq3A_86 = arith.cmpi eq, %arg0, %eq3A : i32
    %convert_element_type3A = arith.extui %eq3A_86 : i1 to i32
    %cond3A = arith.constant 0 : i32
    %cond3A_87 = arith.cmpi ne, %convert_element_type3A, %cond3A : i32
    scf.if %cond3A_87 {
      %swap3A_92 = arith.constant 0 : index
      %swap3A_93 = arith.constant 0 : index
      %swap3A_94 = vector.load %arg17[%swap3A_92, %swap3A_93] : memref<1x128xf32, #tpu.memory_space<vmem>>, vector<1x128xf32>
      tpu.vector_store %arg17[%swap3A_92, %swap3A_93], %broadcast_in_dim3A {strides = array<i32>} : memref<1x128xf32, #tpu.memory_space<vmem>>, vector<1x128xf32>,
    } else {
    }
    %ne3A = arith.constant 0 : i32
    %ne3A_88 = arith.cmpi ne, %arg0, %ne3A : i32
    %convert_element_type3A_89 = arith.extui %ne3A_88 : i1 to i32
    %cond3A_90 = arith.constant 0 : i32
    %cond3A_91 = arith.cmpi ne, %convert_element_type3A_89, %cond3A_90 : i32
    scf.if %cond3A_91 {
      %get3A_92 = arith.constant 0 : index
      %get3A_93 = arith.constant 0 : index
      %get3A_94 = vector.load %arg17[%get3A_92, %get3A_93] : memref<1x128xf32, #tpu.memory_space<vmem>>, vector<1x128xf32>
      %add3A_95 = arith.addf %get3A_94, %broadcast_in_dim3A : vector<1x128xf32>
      %swap3A_96 = arith.constant 0 : index
      %swap3A_97 = arith.constant 0 : index
      %swap3A_98 = vector.load %arg17[%swap3A_96, %swap3A_97] : memref<1x128xf32, #tpu.memory_space<vmem>>, vector<1x128xf32>
      tpu.vector_store %arg17[%swap3A_96, %swap3A_97], %add3A_95 {strides = array<i32>} : memref<1x128xf32, #tpu.memory_space<vmem>>, vector<1x128xf32>,
    } else {
    }
    return
  }
  func.func @transform_0(%arg0: i32) -> i32 {
    %c0_i32 = arith.constant 0 : i32
    %c0_i32_0 = arith.constant 0 : i32
    return %c0_i32 : i32
  }
  func.func @transform_1(%arg0: i32) -> (i32, i32) {
    %c0_i32 = arith.constant 0 : i32
    %c0_i32_0 = arith.constant 0 : i32
    return %arg0, %c0_i32 : i32, i32
  }
  func.func @transform_2(%arg0: i32) -> (i32, i32, i32) {
    %c0_i32 = arith.constant 0 : i32
    %c0_i32_0 = arith.constant 0 : i32
    %c0_i32_1 = arith.constant 0 : i32
    return %c0_i32, %arg0, %c0_i32_0 : i32, i32, i32
  }
  func.func @transform_3(%arg0: i32) -> (i32, i32, i32) {
    %c1_i32 = arith.constant 1 : i32
    %c0_i32 = arith.constant 0 : i32
    %c0_i32_0 = arith.constant 0 : i32
    return %c1_i32, %arg0, %c0_i32 : i32, i32, i32
  }
  func.func @transform_4(%arg0: i32) -> (i32, i32) {
    %c0_i32 = arith.constant 0 : i32
    %c0_i32_0 = arith.constant 0 : i32
    %c0_i32_1 = arith.constant 0 : i32
    return %c0_i32, %c0_i32_0 : i32, i32
  }
  func.func @transform_5(%arg0: i32) -> (i32, i32) {
    %c0_i32 = arith.constant 0 : i32
    %c0_i32_0 = arith.constant 0 : i32
    %c0_i32_1 = arith.constant 0 : i32
    return %c0_i32, %c0_i32_0 : i32, i32
  }
  func.func @transform_6(%arg0: i32) -> (i32, i32) {
    %c0_i32 = arith.constant 0 : i32
    %c0_i32_0 = arith.constant 0 : i32
    %c0_i32_1 = arith.constant 0 : i32
    return %c0_i32, %c0_i32_0 : i32, i32
  }
  func.func @transform_7(%arg0: i32) -> (i32, i32) {
    %c0_i32 = arith.constant 0 : i32
    %c0_i32_0 = arith.constant 0 : i32
    %c0_i32_1 = arith.constant 0 : i32
    return %c0_i32, %c0_i32_0 : i32, i32
  }
  func.func @transform_8(%arg0: i32) -> (i32, i32) {
    %c0_i32 = arith.constant 0 : i32
    %c0_i32_0 = arith.constant 0 : i32
    %c0_i32_1 = arith.constant 0 : i32
    return %c0_i32, %c0_i32_0 : i32, i32
  }
  func.func @transform_9(%arg0: i32) -> (i32, i32) {
    %c0_i32 = arith.constant 0 : i32
    %c0_i32_0 = arith.constant 0 : i32
    %c0_i32_1 = arith.constant 0 : i32
    return %c0_i32, %c0_i32_0 : i32, i32
  }
  func.func @transform_10(%arg0: i32) -> (i32, i32) {
    %c0_i32 = arith.constant 0 : i32
    %c0_i32_0 = arith.constant 0 : i32
    %c0_i32_1 = arith.constant 0 : i32
    return %c0_i32, %c0_i32_0 : i32, i32
  }
  func.func @transform_11(%arg0: i32) -> (i32, i32) {
    %c0_i32 = arith.constant 0 : i32
    %c0_i32_0 = arith.constant 0 : i32
    %c0_i32_1 = arith.constant 0 : i32
    return %c0_i32, %c0_i32_0 : i32, i32
  }
  func.func @transform_12(%arg0: i32) -> (i32, i32) {
    %c0_i32 = arith.constant 0 : i32
    %c0_i32_0 = arith.constant 0 : i32
    %c0_i32_1 = arith.constant 0 : i32
    return %c0_i32, %c0_i32_0 : i32, i32
  }
  func.func @transform_13(%arg0: i32) -> (i32, i32) {
    %c0_i32 = arith.constant 0 : i32
    %c0_i32_0 = arith.constant 0 : i32
    return %arg0, %c0_i32 : i32, i32
  }
  func.func @transform_14(%arg0: i32) -> (i32, i32) {
    %c0_i32 = arith.constant 0 : i32
    %c0_i32_0 = arith.constant 0 : i32
    return %arg0, %c0_i32 : i32, i32
  }
  func.func @transform_15(%arg0: i32) -> (i32, i32) {
    %c0_i32 = arith.constant 0 : i32
    %c0_i32_0 = arith.constant 0 : i32
    return %arg0, %c0_i32 : i32, i32
  }
  func.func @transform_16(%arg0: i32) -> (i32, i32) {
    %c0_i32 = arith.constant 0 : i32
    %c0_i32_0 = arith.constant 0 : i32
    %c0_i32_1 = arith.constant 0 : i32
    return %c0_i32, %c0_i32_0 : i32, i32
  }
}

</mosaic_0001>

<sc_bundles>
// kernel: kernel.12.cloned.1.call-start
scs
__scs_entry_jumppad:
0x0: {  	(pc) =	sbr.rel $0x88, $3  }
0x1: {  	(tag) =	ssettag $0x0;
	lr =	simm.s32 $0x1  }
0x2: {  	[smem:$0x3F8B] =	sst lr;
	_ =	strace $0xD0000000  }
0x3: {  	_ = 	snop  }
0x4: {  	_ = 	snop  }
0x5: {  	_ = 	snop  }
0x6: {  	_ = 	snop  }
0x7: {  	_ = 	snop  }
__scs_overlays_trampoline_lowered:
0x8: {  	[smem:$0x3F9A] =	sst s0  }
0x9: {  	[smem:$0x3F9B] =	sst s1  }
0xa: {  	[smem:$0x3F9C] =	sst s2  }
0xb: {  	[smem:$0x3F9D] =	sst s3  }
0xc: {  	[smem:$0x3F9E] =	sst s4  }
0xd: {  	[smem:$0x3F9F] =	sst s5  }
0xe: {  	[smem:$0x3FA0] =	sst s6  }
0xf: {  	[smem:$0x3FA1] =	sst s7  }
0x10: {  	[smem:$0x3FA2] =	sst s8  }
0x11: {  	[smem:$0x3FA3] =	sst s9;
	s0 =	simm.s32 @!p0 $0x0  }
0x12: {  	s1 =	sld [smem:$0x3F89];
	s0 =	simm.s32 @p0 $0x1  }
0x13: {  	[smem:$0x3FA4] =	sst s0;
	s0 =	simm.s32 @!p1 $0x0  }
0x14: {  	s2 =	sld [smem:$0x3F88];
	s0 =	simm.s32 @p1 $0x1  }
0x15: {  	[smem:$0x3FA5] =	sst s0;
	s0 =	simm.s32 @!p2 $0x0  }
0x16: {  	s3 =	sld [smem:$0x3FDB];
	s0 =	simm.s32 @p2 $0x1  }
0x17: {  	s4 =	simm.s32 $0x1BF5;
	[smem:$0x3FA7] =	sst s0  }
0x18: {  	s0 =	sld [smem:$0x3F8A];
	_ =	swait.ge [sflag:s4], $0x0  }
0x19: {  	s7 =	sld [smem:$0x3F8B]  }
0x1a: {  	s8 =	sadd.s32 $0xFFFFE003, lr  }
0x1b: {  	s9 =	sadd.s32 $0xFFFFFEF7, lr;
	s5 =	simm.s32 $0xFFFFFFFF;
	p2 =	slt.u32 s8, $0xFFFFF086  }
0x1c: {  	p1 =	slt.u32 s9, $0xF7A;
	s5 =	simm.s32 @!p2 $0x0  }
0x1d: {  	s5 =	simm.s32 @p1 $0x1;
	p0 =	seq.s32 s7, s2  }
0x1e: {  	s7 =	smul.u32 @!p0 $0xF7A, s2;
	p2 =	seq.s32 @!p0 s5, $0x0  }
0x1f: {  	s9 =	smul.u32 $0xF7A, s1;
	s8 =	simm.s32 @!p0 $0x1BF5;
	p2 =	por !p2, p0  }
0x20: {  	[sflag:s8] =	ssyncset.s32 @!p0 $0xFFFFF086;
	s6 =	sadd.s32 @!p0 s3, s7;
	s7 =	simm.s32 @!p0 $0x108  }
0x21: {  	s3 =	sadd.s32 s3, s9;
	s6 =	sadd.s32 @!p0 $0x88, s6;
	s7 =	simm.s32 @p2 $0x1082  }
0x22: {  	[simem:s7], [sflag:s8] =	dma.local @!p0 [hbm:s6], $0xF7A  }
0x23: {  	s9 =	sor.u32 $0xD0000000, s2;
	s6 =	simm.s32 $0x108;
	_ =	swait.ge @!p0 [sflag:s8], $0x0  }
0x24: {  	s3 =	sadd.s32 $0x88, s3;
	s6 =	simm.s32 @!p1 $0x1082;
	[sflag:s4] =	ssyncset.s32 $0xFFFFF086  }
0x25: {  	[simem:s6], [sflag:s4] =	dma.local [hbm:s3], $0xF7A  }
0x26: {  	[smem:$0x3F8B] =	sst s1;
	(tag) =	ssettag s2;
	_ =	strace s9  }
0x27: {  	s1 =	sld [smem:$0x3F9B]  }
0x28: {  	s2 =	sld [smem:$0x3F9C]  }
0x29: {  	s4 =	sld [smem:$0x3F9E]  }
0x2a: {  	p0 =	seq.s32 s5, $0x0;
	s5 =	sld [smem:$0x3F9F]  }
0x2b: {  	s6 =	sld [smem:$0x3FA0]  }
0x2c: {  	s7 =	sld [smem:$0x3FA1]  }
0x2d: {  	s3 =	simm.s32 $0x108;
	s8 =	sld [smem:$0x3FA2]  }
0x2e: {  	s3 =	simm.s32 @!p0 $0x1082;
	s9 =	sld [smem:$0x3FA3]  }
0x2f: {  	lr =	sadd.s32 s0, s3;
	s0 =	sld [smem:$0x3F9A]  }
0x30: {  	s3 =	sld [smem:$0x3F9D]  }
0x31: {  	[smem:$0x3FA6] =	sst s10  }
0x32: {  	s10 =	sld [smem:$0x3FA4];
	_ =	sdelay $0x3  }
0x33: {  	p0 =	seq.s32 s10, $0x1;
	s10 =	sld [smem:$0x3FA6];
	_ =	sdelay $0x3  }
0x34: {  	[smem:$0x3FA6] =	sst s10  }
0x35: {  	s10 =	sld [smem:$0x3FA5];
	_ =	sdelay $0x3  }
0x36: {  	p1 =	seq.s32 s10, $0x1;
	s10 =	sld [smem:$0x3FA6];
	_ =	sdelay $0x3  }
0x37: {  	[smem:$0x3FA6] =	sst s10  }
0x38: {  	s10 =	sld [smem:$0x3FA7]  }
0x39: {  	_ = 	snop;
	(pc) =	sbr.ind lr, $3  }
0x3a: {  	_ = 	snop  }
0x3b: {  	_ = 	snop  }
0x3c: {  	p2 =	seq.s32 s10, $0x1;
	s10 =	sld [smem:$0x3FA6]  }
0x3d: {  	_ =	shalt  }
0x3e: {  	_ =	shalt  }
0x3f: {  	_ =	shalt  }
0x40: {  	_ =	shalt  }
0x41: {  	_ =	shalt  }
0x42: {  	_ =	shalt  }
0x43: {  	_ =	shalt  }
0x44: {  	_ =	shalt  }
0x45: {  	_ =	shalt  }
0x46: {  	_ =	shalt  }
0x47: {  	_ =	shalt  }
0x48: {  	_ =	shalt  }
0x49: {  	_ =	shalt  }
0x4a: {  	_ =	shalt  }
0x4b: {  	_ =	shalt  }
0x4c: {  	_ =	shalt  }
0x4d: {  	_ =	shalt  }
0x4e: {  	_ =	shalt  }
0x4f: {  	_ =	shalt  }
0x50: {  	_ =	shalt  }
0x51: {  	_ =	shalt  }
0x52: {  	_ =	shalt  }
0x53: {  	_ =	shalt  }
0x54: {  	_ =	shalt  }
0x55: {  	_ =	shalt  }
0x56: {  	_ =	shalt  }
0x57: {  	_ =	shalt  }
0x58: {  	_ =	shalt  }
0x59: {  	_ =	shalt  }
0x5a: {  	_ =	shalt  }
0x5b: {  	_ =	shalt  }
0x5c: {  	_ =	shalt  }
0x5d: {  	_ =	shalt  }
0x5e: {  	_ =	shalt  }
0x5f: {  	_ =	shalt  }
0x60: {  	_ =	shalt  }
0x61: {  	_ =	shalt  }
0x62: {  	_ =	shalt  }
0x63: {  	_ =	shalt  }
0x64: {  	_ =	shalt  }
0x65: {  	_ =	shalt  }
0x66: {  	_ =	shalt  }
0x67: {  	_ =	shalt  }
0x68: {  	_ =	shalt  }
0x69: {  	_ =	shalt  }
0x6a: {  	_ =	shalt  }
0x6b: {  	_ =	shalt  }
0x6c: {  	_ =	shalt  }
0x6d: {  	_ =	shalt  }
0x6e: {  	_ =	shalt  }
0x6f: {  	_ =	shalt  }
0x70: {  	_ =	shalt  }
0x71: {  	_ =	shalt  }
0x72: {  	_ =	shalt  }
0x73: {  	_ =	shalt  }
0x74: {  	_ =	shalt  }
0x75: {  	_ =	shalt  }
0x76: {  	_ =	shalt  }
0x77: {  	_ =	shalt  }
0x78: {  	_ =	shalt  }
0x79: {  	_ =	shalt  }
0x7a: {  	_ =	shalt  }
0x7b: {  	_ =	shalt  }
0x7c: {  	_ =	shalt  }
0x7d: {  	_ =	shalt  }
0x7e: {  	_ =	shalt  }
0x7f: {  	_ =	shalt  }
0x80: {  	_ =	shalt  }
0x81: {  	_ =	shalt  }
0x82: {  	_ =	shalt  }
0x83: {  	_ =	shalt  }
0x84: {  	_ =	shalt  }
0x85: {  	_ =	shalt  }
0x86: {  	_ =	shalt  }
0x87: {  	_ =	shalt  }
.Lfunc_end0:
.L_simem_size_0:
called_computation.1_lowered:
.L_overlay_start_0:
0x88: {  	s2 =	sld [smem:$0x3FD9]  }
0x89: {  	s3 =	sld [smem:$0x3FFE];
	_ =	sdelay $0x1  }
0x8a: {  	s1 =	srdreg.scid  }
0x8b: {  	s0 =	sand.u32 $0x1, s1  }
0x8c: {  	s17 =	sshll.u32 s0, $0xA;
	s2 =	sadd.s32 s3, s2  }
0x8d: {  	s2 =	sadd.s32 s2, s17  }
0x8e: {  	[smem:$0x3FB2] =	sst s2  }
0x8f: {  	_ = 	snop  }
0x90: {  	s2 =	sld [smem:$0x3FD0];
	(tm) =	ssettm $0x1  }
0x91: {  	s18 =	sld [smem:$0x3FFB];
	_ =	sdelay $0x3  }
0x92: {  	_ =	strace s18  }
0x93: {  	s3 =	sld [smem:$0x3FFC];
	_ =	sdelay $0x3  }
0x94: {  	_ =	strace s3  }
0x95: {  	s3 =	sld [smem:$0x3FFD];
	_ =	sdelay $0x3  }
0x96: {  	_ =	strace s3  }
0x97: {  	_ =	strace $0x8FFFFFFF  }
0x98: {  	s19 =	sld [smem:$0x3FDB];
	_ =	sdelay $0x1  }
0x99: {  	s4 =	simm.s32 $_scs_section_size  }
0x9a: {  	s5 =	simm.s32 $_size__tile_overlayer_lowered;
	s6 =	simm.s32 $_tile_overlayer_lowered  }
0x9b: {  	s22 =	simm.s32 $0x1BFF;
	s21 =	sshll.u32 s6, $0x1;
	s3 =	sadd.s32 s4, s19  }
0x9c: {  	s7 =	simm.s32 $0x0;
	s20 =	sshll.u32 s5, $0x1;
	s5 =	sadd.s32 s21, s3  }
0x9d: {  	[timem:s7], [sflag:s22] =	dma.local [hbm:s5], s20  }
0x9e: {  	_ =	swait.ge [sflag:s22], s20  }
0x9f: {  	s4 =	ssub.s32 $0x0, s20;
	[sflag:s22] =	ssyncset.done $0x0  }
0xa0: {  	[sflag:s22] =	ssyncadd.s32 s4;
	_ =	sdelay $0x1  }
0xa1: {  	s23 =	simm.s32 $0x1B8B  }
0xa2: {  	_ =	swait.ge [sflag:s23], $0x1  }
0xa3: {  	[sflag:s23] =	ssyncset.done $0x0  }
0xa4: {  	s25 =	simm.s32 $0x1B8E;
	s24 =	sld [smem:$0x3FFE];
	[sflag:s23] =	ssyncadd.s32 $0xFFFFFFFF  }
0xa5: {  	s26 =	simm.s32 $execute0_lowered;
	[smem:$0x3FD2] =	sst s25  }
0xa6: {  	s5 =	sshll.u32 s26, $0x1;
	_ =	strace $0x80000049;
	[dreg:$0x1] =	wrdreg $0xFFFFFFFF  }
0xa7: {  	s28 =	simm.s32 $_size_execute0_lowered;
	s3 =	sadd.s32 s3, s5;
	[dreg:$0x0] =	wrdreg $0x0  }
0xa8: {  	s5 =	sshll.u32 s28, $0x1;
	[dreg:$0x2] =	wrdreg s3  }
0xa9: {  	[dreg:$0x3] =	wrdreg s5  }
0xaa: {  	[dreg:$0x4] =	wrdreg $0xC0  }
0xab: {  	_ =	task [dreg:s7], $0x5FFFF  }
0xac: {  	[dreg:$0x1] =	wrdreg $0xFFFFFFFF  }
0xad: {  	[dreg:$0x0] =	wrdreg $0x60  }
0xae: {  	[dreg:$0x2] =	wrdreg s2  }
0xaf: {  	[dreg:$0x3] =	wrdreg s24  }
0xb0: {  	[dreg:$0x4] =	wrdreg $0xB0000  }
0xb1: {  	[dreg:$0x5] =	wrdreg $0x9  }
0xb2: {  	_ =	task.clear_ibuf [dreg:s7], $0x6FFFF;
	_ =	strace $0x90000049  }
0xb3: {  	s29 =	simm.s32 $0x9;
	_ =	strace $0x8000004B  }
0xb4: {  	_ =	swait.ge [sflag:s29], $0x1  }
0xb5: {  	[sflag:s29] =	ssyncadd.s32 $0xFFFFFFFF  }
0xb6: {  	_ =	strace $0x9000004B  }
0xb7: {  	_ =	sfence  }
0xb8: {  	s30 =	sld [smem:$0x0];
	_ =	sdelay $0x2  }
0xb9: {  	s31 =	sshll.u32 s1, $0xD;
	s1 =	sshrl.u32 s1, $0x2  }
0xba: {  	s3 =	sand.u32 $0x4000, s31;
	s1 =	sadd.s32 s1, s30  }
0xbb: {  	s0 =	sor.u32 s3, s0;
	s1 =	sshll.u32 s1, $0x11  }
0xbc: {  	s0 =	sor.u32 s1, s0  }
0xbd: {  	s0 =	sadd.s32 $0x8F2B, s0  }
0xbe: {  	[sflag:s0] =	ssyncadd.remote.s32 $0x1  }
0xbf: {  	_ =	sfence.sel $0xFFFF  }
0xc0: {  	[dreg:$0x0] =	wrdreg $0xFFFFFFFF;
	(pc) =	sbr.abs _section_cstart, $3  }
0xc1: {  	[dreg:$0x1] =	wrdreg $0xFFFFFFFF  }
0xc2: {  	_ =	task.clear_ibuf [dreg:s7], $0x2FFFF;
	_ =	strace $0x9FFFFFFF  }
0xc3: {  	(tm) =	ssettm $0x7FFFFFFF  }
tec
execute0_lowered:
.L_overlay_start_1:
0x0: {  	(tag) =	ssettag $0x1  }
0x1: {  	s0 =	rddreg [dreg:$0x0]  }
0x2: {  	s1 =	rddreg [dreg:$0x1];
	s2 =	srdreg.scid  }
0x3: {  	s3 =	rddreg [dreg:$0x2];
	s9 =	stileid.u32  }
0x4: {  	s4 =	simm.s32 $0x0;
	s28 =	simm.s32 $0x2;
	s30 =	simm.s32 $0x3  }
0x5: {  	s29 =	simm.s32 $0x1C00;
	s31 =	simm.s32 $0x2780;
	s6 =	smul.u32 $0x13C00, s9  }
0x6: {  	s2 =	sand.u32 $0x1, s2;
	[smem:$0x7FF] =	sst s4;
	s7 =	smul.u32 $0x4F000, s9  }
0x7: {  	s12 =	sadd.s32 $0x4E00, s1;
	s8 =	sadd.s32 $0x10E00, s1;
	s5 =	smul.u32 $0x13C000, s2  }
0x8: {  	_ =	strace $0x8000004A;
	s13 =	sshll.u32 s2, $0x4;
	s2 =	ssub.s32 $0x2, s2  }
0x9: {  	s9 =	sor.u32 s9, s13;
	s14 =	sshrl.u32 s7, $0x2;
	s15 =	sshrl.u32 s2, $0x1  }
0xa: {  	s13 =	simm.s32 $0x1A00;
	s5 =	sadd.s32 s6, s5;
	s9 =	smul.u32 $0x3000, s9  }
0xb: {  	s2 =	ssub.s32 s2, s15;
	s15 =	simm.s32 $0x1A80;
	s5 =	sshrl.u32 s5, $0x3  }
0xc: {  	s26 =	smax.u32 s2, $0x1;
	s1 =	sadd.s32 s5, s1;
	s5 =	sadd.s32 s14, s3  }
0xd: {  	s20 =	sshrl.u32 s9, $0x3;
	[dreg:$0x11] =	wrdreg s26;
	s26 =	simm.s32 $0x7000  }
0xe: {  	s14 =	simm.s32 $0x2580;
	s16 =	sadd.s32 $0x4000, s5;
	[dreg:$0x12] =	wrdreg s5  }
0xf: {  	s17 =	sadd.s32 $0x8000, s5;
	s18 =	sadd.s32 $0xC000, s5;
	[dreg:$0x4] =	wrdreg s16  }
0x10: {  	s19 =	sadd.s32 $0x10000, s5;
	s9 =	sadd.s32 s12, s20;
	[dreg:$0x5] =	wrdreg s17  }
0x11: {  	s21 =	sadd.s32 s8, s20;
	s22 =	sor.u32 $0x180, s20;
	[dreg:$0x6] =	wrdreg s18  }
0x12: {  	s23 =	sadd.s32 $0x300, s20;
	s7 =	sadd.s32 $0x480, s20;
	[dreg:$0x7] =	wrdreg s19  }
0x13: {  	s1 =	sadd.s32 $0x1CE00, s1;
	s20 =	simm.s32 $0x3000;
	[dreg:$0x8] =	wrdreg s9  }
0x14: {  	[dreg:$0x9] =	wrdreg s21;
	s10 =	sadd.s32 s12, s22;
	s9 =	sadd.s32 s8, s22  }
0x15: {  	s24 =	sadd.s32 s12, s23;
	s6 =	sadd.s32 s12, s7;
	s25 =	sadd.s32 s8, s7  }
0x16: {  	[dreg:$0x10] =	wrdreg s1;
	s21 =	simm.s32 $0x4;
	s1 =	simm.s32 $0x1  }
0x17: {  	s7 =	simm.s32 $0x1900;
	s12 =	simm.s32 $0x2500;
	[dreg:$0xa] =	wrdreg s10  }
0x18: {  	s16 =	simm.s32 $0x2600;
	s17 =	simm.s32 $0x1B00;
	[dreg:$0xb] =	wrdreg s9  }
0x19: {  	s18 =	simm.s32 $0x2680;
	s19 =	simm.s32 $0x1B80;
	[dreg:$0xc] =	wrdreg s24  }
0x1a: {  	s22 =	simm.s32 $0x2700;
	s9 =	sadd.s32 s8, s23;
	[dreg:$0xe] =	wrdreg s6  }
0x1b: {  	[dreg:$0xf] =	wrdreg s25;
	s25 =	simm.s32 $0x80;
	s8 =	simm.s32 $0x0  }
0x1c: {  	v0 =	vimm.f32 $0.0e+00;
	s23 =	simm.s32 $0xC00;
	s24 =	simm.s32 $0x1800;
	[dreg:$0xd] =	wrdreg s9  }
.LBB2_1:
0x1d: {  	s9 =	simm.s32 $0x0;
	s10 =	simm.s32 $0x200  }
.LBB2_2:
0x1e: {  	p0 =	sne.s32 s10, $0xFE00;
	[tilespmem:s9+$0x3070] =	vst v0  }
0x1f: {  	[tilespmem:s9+$0x3000] =	vst v0  }
0x20: {  	[tilespmem:s9+$0x3010] =	vst v0  }
.Ltmp0:
0x21: {  	[tilespmem:s9+$0x3020] =	vst v0;
	(pc) =	sbr.rel @p0 .LBB2_2-.Ltmp0, $4  }
0x22: {  	[tilespmem:s9+$0x3030] =	vst v0  }
0x23: {  	[tilespmem:s9+$0x3040] =	vst v0  }
0x24: {  	[tilespmem:s9+$0x3050] =	vst v0  }
0x25: {  	[tilespmem:s9+$0x3060] =	vst v0;
	s9 =	sshra.s32 s10, $0x2;
	s10 =	sadd.s32 $0x200, s10  }
0x26: {  	[tilespmem:s9+$0x3070] =	vst v0  }
0x27: {  	[tilespmem:s9+$0x3000] =	vst v0  }
0x28: {  	[tilespmem:s9+$0x3010] =	vst v0  }
0x29: {  	[tilespmem:s9+$0x3020] =	vst v0  }
0x2a: {  	[tilespmem:s9+$0x3030] =	vst v0  }
0x2b: {  	[tilespmem:s9+$0x3040] =	vst v0  }
0x2c: {  	[tilespmem:s9+$0x3050] =	vst v0  }
0x2d: {  	[tilespmem:s9+$0x3060] =	vst v0;
	s2 =	rddreg [dreg:$0x12]  }
0x2e: {  	[spmem:s2] =	stream.linear.scatter [tilespmem:s20], [sflag:$0x4], $0x4000, $0x38;
	[tilespmem:$0x1EC00] =	vst v63  }
0x2f: {  	_ =	swait.ge [sflag:s21], $0x4000  }
0x30: {  	[sflag:s21] =	ssyncset.done $0x0  }
0x31: {  	s10 =	rddreg [dreg:$0x4];
	[sflag:s21] =	ssyncadd.s32 $0xFFFFC000  }
0x32: {  	[spmem:s10] =	stream.linear.scatter [tilespmem:s20], [sflag:$0x4], $0x4000, $0x38;
	[tilespmem:$0x1EC00] =	vst v63  }
0x33: {  	_ =	swait.ge [sflag:s21], $0x4000  }
0x34: {  	[sflag:s21] =	ssyncset.done $0x0  }
0x35: {  	s11 =	rddreg [dreg:$0x5];
	[sflag:s21] =	ssyncadd.s32 $0xFFFFC000  }
0x36: {  	[spmem:s11] =	stream.linear.scatter [tilespmem:s20], [sflag:$0x4], $0x4000, $0x38;
	[tilespmem:$0x1EC00] =	vst v63  }
0x37: {  	_ =	swait.ge [sflag:s21], $0x4000  }
0x38: {  	[sflag:s21] =	ssyncset.done $0x0  }
0x39: {  	s5 =	rddreg [dreg:$0x6];
	[sflag:s21] =	ssyncadd.s32 $0xFFFFC000  }
0x3a: {  	[spmem:s5] =	stream.linear.scatter [tilespmem:s20], [sflag:$0x4], $0x4000, $0x38;
	[tilespmem:$0x1EC00] =	vst v63  }
0x3b: {  	_ =	swait.ge [sflag:s21], $0x4000  }
0x3c: {  	[sflag:s21] =	ssyncset.done $0x0  }
0x3d: {  	s6 =	rddreg [dreg:$0x7];
	[sflag:s21] =	ssyncadd.s32 $0xFFFFC000  }
0x3e: {  	[spmem:s6] =	stream.linear.scatter [tilespmem:s20], [sflag:$0x4], $0x3C00, $0x38;
	[tilespmem:$0x1EC00] =	vst v63  }
0x3f: {  	_ =	swait.ge [sflag:s21], $0x3C00  }
0x40: {  	[sflag:s21] =	ssyncset.done $0x0  }
0x41: {  	s10 =	rddreg [dreg:$0x8];
	[sflag:s21] =	ssyncadd.s32 $0xFFFFC400  }
0x42: {  	[tilespmem:s4], [sflag:$0x4] =	stream.linear.gather [hbm4b:s10+s4], $0xA00, $0x38;
	[tilespmem:$0x1EC00] =	vst v63  }
0x43: {  	_ =	swait.ge [sflag:s21], $0xA00  }
0x44: {  	[sflag:s21] =	ssyncset.done $0x0  }
0x45: {  	s11 =	rddreg [dreg:$0x9];
	[sflag:s21] =	ssyncadd.s32 $0xFFFFF600  }
0x46: {  	[tilespmem:s23], [sflag:$0x4] =	stream.linear.gather [hbm4b:s11+s4], $0xA00, $0x38;
	[tilespmem:$0x1EC00] =	vst v63  }
0x47: {  	_ =	swait.ge [sflag:s21], $0xA00  }
0x48: {  	[sflag:s21] =	ssyncset.done $0x0  }
0x49: {  	[sflag:s21] =	ssyncadd.s32 $0xFFFFF600  }
0x4a: {  	[bflag:$0x0] =	sbarrier.arrive $0xFFFF  }
0x4b: {  	s5 =	rddreg [dreg:$0xa]  }
0x4c: {  	[tilespmem:s24], [sflag:$0x1] =	stream.linear.gather [hbm4b:s5+s4], $0xA00, $0x38;
	[tilespmem:$0x1EC00] =	vst v63  }
0x4d: {  	s6 =	rddreg [dreg:$0xb];
	s5 =	simm.s32 $0x2400  }
0x4e: {  	[tilespmem:s5], [sflag:$0x1] =	stream.linear.gather [hbm4b:s6+s4], $0xA00, $0x38;
	[tilespmem:$0x1EC00] =	vst v63  }
0x4f: {  	_ = 	snop  }
0x50: {  	[tilespmem:s20], [sflag:$0x2] =	stream.indirect.gather [hbm4b:s0+s25], $0x80, s4, s25, $0xb8;
	[tilespmem:$0x1EC00] =	vst v63  }
0x51: {  	_ = 	snop  }
0x52: {  	[tilespmem:s26], [sflag:$0x3] =	stream.indirect.gather [hbm4b:s0+s25], $0x80, s25, s25, $0xb8;
	[tilespmem:$0x1EC00] =	vst v63  }
0x53: {  	_ =	swait.ge [sflag:s28], $0x4000  }
0x54: {  	[sflag:s28] =	ssyncset.done $0x0  }
0x55: {  	[sflag:s28] =	ssyncadd.s32 $0xFFFFC000  }
0x56: {  	[spmem:s3] =	stream.indirect.scatter.add.f32 [tilespmem:s20], [sflag:$0x4], $0x80, s23, s25, $0xb8;
	[tilespmem:$0x1EC00] =	vst v63  }
0x57: {  	_ =	swait.ge [sflag:s21], $0x4000  }
0x58: {  	[sflag:s21] =	ssyncset.done $0x0  }
0x59: {  	s6 =	simm.s32 $0x100;
	[sflag:s21] =	ssyncadd.s32 $0xFFFFC000  }
0x5a: {  	[tilespmem:s20], [sflag:$0x2] =	stream.indirect.gather [hbm4b:s0+s25], $0x80, s6, s25, $0xb8;
	[tilespmem:$0x1EC00] =	vst v63  }
0x5b: {  	_ =	swait.ge [sflag:s30], $0x4000  }
0x5c: {  	[sflag:s30] =	ssyncset.done $0x0  }
0x5d: {  	s10 =	simm.s32 $0xC80;
	[sflag:s30] =	ssyncadd.s32 $0xFFFFC000  }
0x5e: {  	[spmem:s3] =	stream.indirect.scatter.add.f32 [tilespmem:s26], [sflag:$0x4], $0x80, s10, s25, $0xb8;
	[tilespmem:$0x1EC00] =	vst v63  }
0x5f: {  	_ =	swait.ge [sflag:s21], $0x4000  }
0x60: {  	[sflag:s21] =	ssyncset.done $0x0  }
0x61: {  	s11 =	simm.s32 $0x180;
	[sflag:s21] =	ssyncadd.s32 $0xFFFFC000  }
0x62: {  	[tilespmem:s26], [sflag:$0x3] =	stream.indirect.gather [hbm4b:s0+s25], $0x80, s11, s25, $0xb8;
	[tilespmem:$0x1EC00] =	vst v63  }
0x63: {  	_ =	swait.ge [sflag:s28], $0x4000  }
0x64: {  	[sflag:s28] =	ssyncset.done $0x0  }
0x65: {  	s9 =	simm.s32 $0xD00;
	[sflag:s28] =	ssyncadd.s32 $0xFFFFC000  }
0x66: {  	[spmem:s3] =	stream.indirect.scatter.add.f32 [tilespmem:s20], [sflag:$0x4], $0x80, s9, s25, $0xb8;
	[tilespmem:$0x1EC00] =	vst v63  }
0x67: {  	_ =	swait.ge [sflag:s21], $0x4000  }
0x68: {  	[sflag:s21] =	ssyncset.done $0x0  }
0x69: {  	s10 =	simm.s32 $0x200;
	[sflag:s21] =	ssyncadd.s32 $0xFFFFC000  }
0x6a: {  	[tilespmem:s20], [sflag:$0x2] =	stream.indirect.gather [hbm4b:s0+s25], $0x80, s10, s25, $0xb8;
	[tilespmem:$0x1EC00] =	vst v63  }
0x6b: {  	_ =	swait.ge [sflag:s30], $0x4000  }
0x6c: {  	[sflag:s30] =	ssyncset.done $0x0  }
0x6d: {  	s11 =	simm.s32 $0xD80;
	[sflag:s30] =	ssyncadd.s32 $0xFFFFC000  }
0x6e: {  	[spmem:s3] =	stream.indirect.scatter.add.f32 [tilespmem:s26], [sflag:$0x4], $0x80, s11, s25, $0xb8;
	[tilespmem:$0x1EC00] =	vst v63  }
0x6f: {  	_ =	swait.ge [sflag:s21], $0x4000  }
0x70: {  	[sflag:s21] =	ssyncset.done $0x0  }
0x71: {  	s9 =	simm.s32 $0x280;
	[sflag:s21] =	ssyncadd.s32 $0xFFFFC000  }
0x72: {  	[tilespmem:s26], [sflag:$0x3] =	stream.indirect.gather [hbm4b:s0+s25], $0x80, s9, s25, $0xb8;
	[tilespmem:$0x1EC00] =	vst v63  }
0x73: {  	_ =	swait.ge [sflag:s28], $0x4000  }
0x74: {  	[sflag:s28] =	ssyncset.done $0x0  }
0x75: {  	s10 =	simm.s32 $0xE00;
	[sflag:s28] =	ssyncadd.s32 $0xFFFFC000  }
0x76: {  	[spmem:s3] =	stream.indirect.scatter.add.f32 [tilespmem:s20], [sflag:$0x4], $0x80, s10, s25, $0xb8;
	[tilespmem:$0x1EC00] =	vst v63  }
0x77: {  	_ =	swait.ge [sflag:s21], $0x4000  }
0x78: {  	[sflag:s21] =	ssyncset.done $0x0  }
0x79: {  	s11 =	simm.s32 $0x300;
	[sflag:s21] =	ssyncadd.s32 $0xFFFFC000  }
0x7a: {  	[tilespmem:s20], [sflag:$0x2] =	stream.indirect.gather [hbm4b:s0+s25], $0x80, s11, s25, $0xb8;
	[tilespmem:$0x1EC00] =	vst v63  }
0x7b: {  	_ =	swait.ge [sflag:s30], $0x4000  }
0x7c: {  	[sflag:s30] =	ssyncset.done $0x0  }
0x7d: {  	s9 =	simm.s32 $0xE80;
	[sflag:s30] =	ssyncadd.s32 $0xFFFFC000  }
0x7e: {  	[spmem:s3] =	stream.indirect.scatter.add.f32 [tilespmem:s26], [sflag:$0x4], $0x80, s9, s25, $0xb8;
	[tilespmem:$0x1EC00] =	vst v63  }
0x7f: {  	_ =	swait.ge [sflag:s21], $0x4000  }
0x80: {  	[sflag:s21] =	ssyncset.done $0x0  }
0x81: {  	s10 =	simm.s32 $0x380;
	[sflag:s21] =	ssyncadd.s32 $0xFFFFC000  }
0x82: {  	[tilespmem:s26], [sflag:$0x3] =	stream.indirect.gather [hbm4b:s0+s25], $0x80, s10, s25, $0xb8;
	[tilespmem:$0x1EC00] =	vst v63  }
0x83: {  	_ =	swait.ge [sflag:s28], $0x4000  }
0x84: {  	[sflag:s28] =	ssyncset.done $0x0  }
0x85: {  	s11 =	simm.s32 $0xF00;
	[sflag:s28] =	ssyncadd.s32 $0xFFFFC000  }
0x86: {  	[spmem:s3] =	stream.indirect.scatter.add.f32 [tilespmem:s20], [sflag:$0x4], $0x80, s11, s25, $0xb8;
	[tilespmem:$0x1EC00] =	vst v63  }
0x87: {  	_ =	swait.ge [sflag:s21], $0x4000  }
0x88: {  	[sflag:s21] =	ssyncset.done $0x0  }
0x89: {  	s9 =	simm.s32 $0x400;
	[sflag:s21] =	ssyncadd.s32 $0xFFFFC000  }
0x8a: {  	[tilespmem:s20], [sflag:$0x2] =	stream.indirect.gather [hbm4b:s0+s25], $0x80, s9, s25, $0xb8;
	[tilespmem:$0x1EC00] =	vst v63  }
0x8b: {  	_ =	swait.ge [sflag:s30], $0x4000  }
0x8c: {  	[sflag:s30] =	ssyncset.done $0x0  }
0x8d: {  	s10 =	simm.s32 $0xF80;
	[sflag:s30] =	ssyncadd.s32 $0xFFFFC000  }
0x8e: {  	[spmem:s3] =	stream.indirect.scatter.add.f32 [tilespmem:s26], [sflag:$0x4], $0x80, s10, s25, $0xb8;
	[tilespmem:$0x1EC00] =	vst v63  }
0x8f: {  	_ =	swait.ge [sflag:s21], $0x4000  }
0x90: {  	[sflag:s21] =	ssyncset.done $0x0  }
0x91: {  	s11 =	simm.s32 $0x480;
	[sflag:s21] =	ssyncadd.s32 $0xFFFFC000  }
0x92: {  	[tilespmem:s26], [sflag:$0x3] =	stream.indirect.gather [hbm4b:s0+s25], $0x80, s11, s25, $0xb8;
	[tilespmem:$0x1EC00] =	vst v63  }
0x93: {  	_ =	swait.ge [sflag:s28], $0x4000  }
0x94: {  	[sflag:s28] =	ssyncset.done $0x0  }
0x95: {  	s9 =	simm.s32 $0x1000;
	[sflag:s28] =	ssyncadd.s32 $0xFFFFC000  }
0x96: {  	[spmem:s3] =	stream.indirect.scatter.add.f32 [tilespmem:s20], [sflag:$0x4], $0x80, s9, s25, $0xb8;
	[tilespmem:$0x1EC00] =	vst v63  }
0x97: {  	_ =	swait.ge [sflag:s21], $0x4000  }
0x98: {  	[sflag:s21] =	ssyncset.done $0x0  }
0x99: {  	s10 =	simm.s32 $0x500;
	[sflag:s21] =	ssyncadd.s32 $0xFFFFC000  }
0x9a: {  	[tilespmem:s20], [sflag:$0x2] =	stream.indirect.gather [hbm4b:s0+s25], $0x80, s10, s25, $0xb8;
	[tilespmem:$0x1EC00] =	vst v63  }
0x9b: {  	_ =	swait.ge [sflag:s30], $0x4000  }
0x9c: {  	[sflag:s30] =	ssyncset.done $0x0  }
0x9d: {  	s11 =	simm.s32 $0x1080;
	[sflag:s30] =	ssyncadd.s32 $0xFFFFC000  }
0x9e: {  	[spmem:s3] =	stream.indirect.scatter.add.f32 [tilespmem:s26], [sflag:$0x4], $0x80, s11, s25, $0xb8;
	[tilespmem:$0x1EC00] =	vst v63  }
0x9f: {  	_ =	swait.ge [sflag:s21], $0x4000  }
0xa0: {  	[sflag:s21] =	ssyncset.done $0x0  }
0xa1: {  	s9 =	simm.s32 $0x580;
	[sflag:s21] =	ssyncadd.s32 $0xFFFFC000  }
0xa2: {  	[tilespmem:s26], [sflag:$0x3] =	stream.indirect.gather [hbm4b:s0+s25], $0x80, s9, s25, $0xb8;
	[tilespmem:$0x1EC00] =	vst v63  }
0xa3: {  	_ =	swait.ge [sflag:s28], $0x4000  }
0xa4: {  	[sflag:s28] =	ssyncset.done $0x0  }
0xa5: {  	s10 =	simm.s32 $0x1100;
	[sflag:s28] =	ssyncadd.s32 $0xFFFFC000  }
0xa6: {  	[spmem:s3] =	stream.indirect.scatter.add.f32 [tilespmem:s20], [sflag:$0x4], $0x80, s10, s25, $0xb8;
	[tilespmem:$0x1EC00] =	vst v63  }
0xa7: {  	_ =	swait.ge [sflag:s21], $0x4000  }
0xa8: {  	[sflag:s21] =	ssyncset.done $0x0  }
0xa9: {  	s11 =	simm.s32 $0x600;
	[sflag:s21] =	ssyncadd.s32 $0xFFFFC000  }
0xaa: {  	[tilespmem:s20], [sflag:$0x2] =	stream.indirect.gather [hbm4b:s0+s25], $0x80, s11, s25, $0xb8;
	[tilespmem:$0x1EC00] =	vst v63  }
0xab: {  	_ =	swait.ge [sflag:s30], $0x4000  }
0xac: {  	[sflag:s30] =	ssyncset.done $0x0  }
0xad: {  	s9 =	simm.s32 $0x1180;
	[sflag:s30] =	ssyncadd.s32 $0xFFFFC000  }
0xae: {  	[spmem:s3] =	stream.indirect.scatter.add.f32 [tilespmem:s26], [sflag:$0x4], $0x80, s9, s25, $0xb8;
	[tilespmem:$0x1EC00] =	vst v63  }
0xaf: {  	_ =	swait.ge [sflag:s21], $0x4000  }
0xb0: {  	[sflag:s21] =	ssyncset.done $0x0  }
0xb1: {  	s10 =	simm.s32 $0x680;
	[sflag:s21] =	ssyncadd.s32 $0xFFFFC000  }
0xb2: {  	[tilespmem:s26], [sflag:$0x3] =	stream.indirect.gather [hbm4b:s0+s25], $0x80, s10, s25, $0xb8;
	[tilespmem:$0x1EC00] =	vst v63  }
0xb3: {  	_ =	swait.ge [sflag:s28], $0x4000  }
0xb4: {  	[sflag:s28] =	ssyncset.done $0x0  }
0xb5: {  	s11 =	simm.s32 $0x1200;
	[sflag:s28] =	ssyncadd.s32 $0xFFFFC000  }
0xb6: {  	[spmem:s3] =	stream.indirect.scatter.add.f32 [tilespmem:s20], [sflag:$0x4], $0x80, s11, s25, $0xb8;
	[tilespmem:$0x1EC00] =	vst v63  }
0xb7: {  	_ =	swait.ge [sflag:s21], $0x4000  }
0xb8: {  	[sflag:s21] =	ssyncset.done $0x0  }
0xb9: {  	s9 =	simm.s32 $0x700;
	[sflag:s21] =	ssyncadd.s32 $0xFFFFC000  }
0xba: {  	[tilespmem:s20], [sflag:$0x2] =	stream.indirect.gather [hbm4b:s0+s25], $0x80, s9, s25, $0xb8;
	[tilespmem:$0x1EC00] =	vst v63  }
0xbb: {  	_ =	swait.ge [sflag:s30], $0x4000  }
0xbc: {  	[sflag:s30] =	ssyncset.done $0x0  }
0xbd: {  	s10 =	simm.s32 $0x1280;
	[sflag:s30] =	ssyncadd.s32 $0xFFFFC000  }
0xbe: {  	[spmem:s3] =	stream.indirect.scatter.add.f32 [tilespmem:s26], [sflag:$0x4], $0x80, s10, s25, $0xb8;
	[tilespmem:$0x1EC00] =	vst v63  }
0xbf: {  	_ =	swait.ge [sflag:s21], $0x4000  }
0xc0: {  	[sflag:s21] =	ssyncset.done $0x0  }
0xc1: {  	s11 =	simm.s32 $0x780;
	[sflag:s21] =	ssyncadd.s32 $0xFFFFC000  }
0xc2: {  	[tilespmem:s26], [sflag:$0x3] =	stream.indirect.gather [hbm4b:s0+s25], $0x80, s11, s25, $0xb8;
	[tilespmem:$0x1EC00] =	vst v63  }
0xc3: {  	_ =	swait.ge [sflag:s28], $0x4000  }
0xc4: {  	[sflag:s28] =	ssyncset.done $0x0  }
0xc5: {  	s9 =	simm.s32 $0x1300;
	[sflag:s28] =	ssyncadd.s32 $0xFFFFC000  }
0xc6: {  	[spmem:s3] =	stream.indirect.scatter.add.f32 [tilespmem:s20], [sflag:$0x4], $0x80, s9, s25, $0xb8;
	[tilespmem:$0x1EC00] =	vst v63  }
0xc7: {  	_ =	swait.ge [sflag:s21], $0x4000  }
0xc8: {  	[sflag:s21] =	ssyncset.done $0x0  }
0xc9: {  	s10 =	simm.s32 $0x800;
	[sflag:s21] =	ssyncadd.s32 $0xFFFFC000  }
0xca: {  	[tilespmem:s20], [sflag:$0x2] =	stream.indirect.gather [hbm4b:s0+s25], $0x80, s10, s25, $0xb8;
	[tilespmem:$0x1EC00] =	vst v63  }
0xcb: {  	_ =	swait.ge [sflag:s30], $0x4000  }
0xcc: {  	[sflag:s30] =	ssyncset.done $0x0  }
0xcd: {  	s11 =	simm.s32 $0x1380;
	[sflag:s30] =	ssyncadd.s32 $0xFFFFC000  }
0xce: {  	[spmem:s3] =	stream.indirect.scatter.add.f32 [tilespmem:s26], [sflag:$0x4], $0x80, s11, s25, $0xb8;
	[tilespmem:$0x1EC00] =	vst v63  }
0xcf: {  	_ =	swait.ge [sflag:s21], $0x4000  }
0xd0: {  	[sflag:s21] =	ssyncset.done $0x0  }
0xd1: {  	s9 =	simm.s32 $0x880;
	[sflag:s21] =	ssyncadd.s32 $0xFFFFC000  }
0xd2: {  	[tilespmem:s26], [sflag:$0x3] =	stream.indirect.gather [hbm4b:s0+s25], $0x80, s9, s25, $0xb8;
	[tilespmem:$0x1EC00] =	vst v63  }
0xd3: {  	_ =	swait.ge [sflag:s28], $0x4000  }
0xd4: {  	[sflag:s28] =	ssyncset.done $0x0  }
0xd5: {  	s10 =	simm.s32 $0x1400;
	[sflag:s28] =	ssyncadd.s32 $0xFFFFC000  }
0xd6: {  	[spmem:s3] =	stream.indirect.scatter.add.f32 [tilespmem:s20], [sflag:$0x4], $0x80, s10, s25, $0xb8;
	[tilespmem:$0x1EC00] =	vst v63  }
0xd7: {  	_ =	swait.ge [sflag:s21], $0x4000  }
0xd8: {  	[sflag:s21] =	ssyncset.done $0x0  }
0xd9: {  	s11 =	simm.s32 $0x900;
	[sflag:s21] =	ssyncadd.s32 $0xFFFFC000  }
0xda: {  	[tilespmem:s20], [sflag:$0x2] =	stream.indirect.gather [hbm4b:s0+s25], $0x80, s11, s25, $0xb8;
	[tilespmem:$0x1EC00] =	vst v63  }
0xdb: {  	_ =	swait.ge [sflag:s30], $0x4000  }
0xdc: {  	[sflag:s30] =	ssyncset.done $0x0  }
0xdd: {  	s9 =	simm.s32 $0x1480;
	[sflag:s30] =	ssyncadd.s32 $0xFFFFC000  }
0xde: {  	[spmem:s3] =	stream.indirect.scatter.add.f32 [tilespmem:s26], [sflag:$0x4], $0x80, s9, s25, $0xb8;
	[tilespmem:$0x1EC00] =	vst v63  }
0xdf: {  	_ =	swait.ge [sflag:s21], $0x4000  }
0xe0: {  	[sflag:s21] =	ssyncset.done $0x0  }
0xe1: {  	s10 =	simm.s32 $0x980;
	[sflag:s21] =	ssyncadd.s32 $0xFFFFC000  }
0xe2: {  	[tilespmem:s26], [sflag:$0x3] =	stream.indirect.gather [hbm4b:s0+s25], $0x80, s10, s25, $0xb8;
	[tilespmem:$0x1EC00] =	vst v63  }
0xe3: {  	_ =	swait.ge [sflag:s28], $0x4000  }
0xe4: {  	[sflag:s28] =	ssyncset.done $0x0  }
0xe5: {  	s11 =	simm.s32 $0x1500;
	[sflag:s28] =	ssyncadd.s32 $0xFFFFC000  }
0xe6: {  	[spmem:s3] =	stream.indirect.scatter.add.f32 [tilespmem:s20], [sflag:$0x4], $0x80, s11, s25, $0xb8;
	[tilespmem:$0x1EC00] =	vst v63  }
0xe7: {  	_ =	swait.ge [sflag:s21], $0x4000  }
0xe8: {  	[sflag:s21] =	ssyncset.done $0x0  }
0xe9: {  	[sflag:s21] =	ssyncadd.s32 $0xFFFFC000  }
0xea: {  	_ =	swait.ge [sflag:s30], $0x4000  }
0xeb: {  	[sflag:s30] =	ssyncset.done $0x0  }
0xec: {  	s9 =	simm.s32 $0x1580;
	[sflag:s30] =	ssyncadd.s32 $0xFFFFC000  }
0xed: {  	[spmem:s3] =	stream.indirect.scatter.add.f32 [tilespmem:s26], [sflag:$0x4], $0x80, s9, s25, $0xb8;
	[tilespmem:$0x1EC00] =	vst v63  }
0xee: {  	_ =	swait.ge [sflag:s21], $0x4000  }
0xef: {  	[sflag:s21] =	ssyncset.done $0x0  }
0xf0: {  	[sflag:s21] =	ssyncadd.s32 $0xFFFFC000  }
0xf1: {  	_ =	swait.ge [sflag:s1], $0xA00  }
0xf2: {  	[sflag:s1] =	ssyncset.done $0x0  }
0xf3: {  	[sflag:s1] =	ssyncadd.s32 $0xFFFFF600  }
0xf4: {  	_ =	swait.ge [sflag:s1], $0xA00  }
0xf5: {  	[sflag:s1] =	ssyncset.done $0x0  }
0xf6: {  	s10 =	rddreg [dreg:$0xc];
	[sflag:s1] =	ssyncadd.s32 $0xFFFFF600  }
0xf7: {  	[tilespmem:s4], [sflag:$0x1] =	stream.linear.gather [hbm4b:s10+s4], $0xA00, $0x38;
	[tilespmem:$0x1EC00] =	vst v63  }
0xf8: {  	s11 =	rddreg [dreg:$0xd]  }
0xf9: {  	[tilespmem:s23], [sflag:$0x1] =	stream.linear.gather [hbm4b:s11+s4], $0xA00, $0x38;
	[tilespmem:$0x1EC00] =	vst v63  }
0xfa: {  	_ = 	snop  }
0xfb: {  	[tilespmem:s20], [sflag:$0x2] =	stream.indirect.gather [hbm4b:s0+s25], $0x80, s24, s25, $0xb8;
	[tilespmem:$0x1EC00] =	vst v63  }
0xfc: {  	s6 =	simm.s32 $0x1880  }
0xfd: {  	[tilespmem:s26], [sflag:$0x3] =	stream.indirect.gather [hbm4b:s0+s25], $0x80, s6, s25, $0xb8;
	[tilespmem:$0x1EC00] =	vst v63  }
0xfe: {  	_ =	swait.ge [sflag:s28], $0x4000  }
0xff: {  	[sflag:s28] =	ssyncset.done $0x0  }
0x100: {  	[sflag:s28] =	ssyncadd.s32 $0xFFFFC000  }
0x101: {  	[spmem:s3] =	stream.indirect.scatter.add.f32 [tilespmem:s20], [sflag:$0x4], $0x80, s5, s25, $0xb8;
	[tilespmem:$0x1EC00] =	vst v63  }
0x102: {  	_ =	swait.ge [sflag:s21], $0x4000  }
0x103: {  	[sflag:s21] =	ssyncset.done $0x0  }
0x104: {  	[sflag:s21] =	ssyncadd.s32 $0xFFFFC000  }
0x105: {  	[tilespmem:s20], [sflag:$0x2] =	stream.indirect.gather [hbm4b:s0+s25], $0x80, s7, s25, $0xb8;
	[tilespmem:$0x1EC00] =	vst v63  }
0x106: {  	_ =	swait.ge [sflag:s30], $0x4000  }
0x107: {  	[sflag:s30] =	ssyncset.done $0x0  }
0x108: {  	s10 =	simm.s32 $0x2480;
	[sflag:s30] =	ssyncadd.s32 $0xFFFFC000  }
0x109: {  	[spmem:s3] =	stream.indirect.scatter.add.f32 [tilespmem:s26], [sflag:$0x4], $0x80, s10, s25, $0xb8;
	[tilespmem:$0x1EC00] =	vst v63  }
0x10a: {  	_ =	swait.ge [sflag:s21], $0x4000  }
0x10b: {  	[sflag:s21] =	ssyncset.done $0x0  }
0x10c: {  	s11 =	simm.s32 $0x1980;
	[sflag:s21] =	ssyncadd.s32 $0xFFFFC000  }
0x10d: {  	[tilespmem:s26], [sflag:$0x3] =	stream.indirect.gather [hbm4b:s0+s25], $0x80, s11, s25, $0xb8;
	[tilespmem:$0x1EC00] =	vst v63  }
0x10e: {  	_ =	swait.ge [sflag:s28], $0x4000  }
0x10f: {  	[sflag:s28] =	ssyncset.done $0x0  }
0x110: {  	[sflag:s28] =	ssyncadd.s32 $0xFFFFC000  }
0x111: {  	[spmem:s3] =	stream.indirect.scatter.add.f32 [tilespmem:s20], [sflag:$0x4], $0x80, s12, s25, $0xb8;
	[tilespmem:$0x1EC00] =	vst v63  }
0x112: {  	_ =	swait.ge [sflag:s21], $0x4000  }
0x113: {  	[sflag:s21] =	ssyncset.done $0x0  }
0x114: {  	[sflag:s21] =	ssyncadd.s32 $0xFFFFC000  }
0x115: {  	[tilespmem:s20], [sflag:$0x2] =	stream.indirect.gather [hbm4b:s0+s25], $0x80, s13, s25, $0xb8;
	[tilespmem:$0x1EC00] =	vst v63  }
0x116: {  	_ =	swait.ge [sflag:s30], $0x4000  }
0x117: {  	[sflag:s30] =	ssyncset.done $0x0  }
0x118: {  	[sflag:s30] =	ssyncadd.s32 $0xFFFFC000  }
0x119: {  	[spmem:s3] =	stream.indirect.scatter.add.f32 [tilespmem:s26], [sflag:$0x4], $0x80, s14, s25, $0xb8;
	[tilespmem:$0x1EC00] =	vst v63  }
0x11a: {  	_ =	swait.ge [sflag:s21], $0x4000  }
0x11b: {  	[sflag:s21] =	ssyncset.done $0x0  }
0x11c: {  	[sflag:s21] =	ssyncadd.s32 $0xFFFFC000  }
0x11d: {  	[tilespmem:s26], [sflag:$0x3] =	stream.indirect.gather [hbm4b:s0+s25], $0x80, s15, s25, $0xb8;
	[tilespmem:$0x1EC00] =	vst v63  }
0x11e: {  	_ =	swait.ge [sflag:s28], $0x4000  }
0x11f: {  	[sflag:s28] =	ssyncset.done $0x0  }
0x120: {  	[sflag:s28] =	ssyncadd.s32 $0xFFFFC000  }
0x121: {  	[spmem:s3] =	stream.indirect.scatter.add.f32 [tilespmem:s20], [sflag:$0x4], $0x80, s16, s25, $0xb8;
	[tilespmem:$0x1EC00] =	vst v63  }
0x122: {  	_ =	swait.ge [sflag:s21], $0x4000  }
0x123: {  	[sflag:s21] =	ssyncset.done $0x0  }
0x124: {  	[sflag:s21] =	ssyncadd.s32 $0xFFFFC000  }
0x125: {  	[tilespmem:s20], [sflag:$0x2] =	stream.indirect.gather [hbm4b:s0+s25], $0x80, s17, s25, $0xb8;
	[tilespmem:$0x1EC00] =	vst v63  }
0x126: {  	_ =	swait.ge [sflag:s30], $0x4000  }
0x127: {  	[sflag:s30] =	ssyncset.done $0x0  }
0x128: {  	[sflag:s30] =	ssyncadd.s32 $0xFFFFC000  }
0x129: {  	[spmem:s3] =	stream.indirect.scatter.add.f32 [tilespmem:s26], [sflag:$0x4], $0x80, s18, s25, $0xb8;
	[tilespmem:$0x1EC00] =	vst v63  }
0x12a: {  	_ =	swait.ge [sflag:s21], $0x4000  }
0x12b: {  	[sflag:s21] =	ssyncset.done $0x0  }
0x12c: {  	[sflag:s21] =	ssyncadd.s32 $0xFFFFC000  }
0x12d: {  	[tilespmem:s26], [sflag:$0x3] =	stream.indirect.gather [hbm4b:s0+s25], $0x80, s19, s25, $0xb8;
	[tilespmem:$0x1EC00] =	vst v63  }
0x12e: {  	_ =	swait.ge [sflag:s28], $0x4000  }
0x12f: {  	[sflag:s28] =	ssyncset.done $0x0  }
0x130: {  	[sflag:s28] =	ssyncadd.s32 $0xFFFFC000  }
0x131: {  	[spmem:s3] =	stream.indirect.scatter.add.f32 [tilespmem:s20], [sflag:$0x4], $0x80, s22, s25, $0xb8;
	[tilespmem:$0x1EC00] =	vst v63  }
0x132: {  	_ =	swait.ge [sflag:s21], $0x4000  }
0x133: {  	[sflag:s21] =	ssyncset.done $0x0  }
0x134: {  	[sflag:s21] =	ssyncadd.s32 $0xFFFFC000  }
0x135: {  	[tilespmem:s20], [sflag:$0x2] =	stream.indirect.gather [hbm4b:s0+s25], $0x80, s29, s25, $0xb8;
	[tilespmem:$0x1EC00] =	vst v63  }
0x136: {  	_ =	swait.ge [sflag:s30], $0x4000  }
0x137: {  	[sflag:s30] =	ssyncset.done $0x0  }
0x138: {  	[sflag:s30] =	ssyncadd.s32 $0xFFFFC000  }
0x139: {  	[spmem:s3] =	stream.indirect.scatter.add.f32 [tilespmem:s26], [sflag:$0x4], $0x80, s31, s25, $0xb8;
	[tilespmem:$0x1EC00] =	vst v63  }
0x13a: {  	_ =	swait.ge [sflag:s21], $0x4000  }
0x13b: {  	[sflag:s21] =	ssyncset.done $0x0  }
0x13c: {  	s9 =	simm.s32 $0x1C80;
	[sflag:s21] =	ssyncadd.s32 $0xFFFFC000  }
0x13d: {  	[tilespmem:s26], [sflag:$0x3] =	stream.indirect.gather [hbm4b:s0+s25], $0x80, s9, s25, $0xb8;
	[tilespmem:$0x1EC00] =	vst v63  }
0x13e: {  	_ =	swait.ge [sflag:s28], $0x4000  }
0x13f: {  	[sflag:s28] =	ssyncset.done $0x0  }
0x140: {  	s9 =	simm.s32 $0x2800;
	[sflag:s28] =	ssyncadd.s32 $0xFFFFC000  }
0x141: {  	[spmem:s3] =	stream.indirect.scatter.add.f32 [tilespmem:s20], [sflag:$0x4], $0x80, s9, s25, $0xb8;
	[tilespmem:$0x1EC00] =	vst v63  }
0x142: {  	_ =	swait.ge [sflag:s21], $0x4000  }
0x143: {  	[sflag:s21] =	ssyncset.done $0x0  }
0x144: {  	s9 =	simm.s32 $0x1D00;
	[sflag:s21] =	ssyncadd.s32 $0xFFFFC000  }
0x145: {  	[tilespmem:s20], [sflag:$0x2] =	stream.indirect.gather [hbm4b:s0+s25], $0x80, s9, s25, $0xb8;
	[tilespmem:$0x1EC00] =	vst v63  }
0x146: {  	_ =	swait.ge [sflag:s30], $0x4000  }
0x147: {  	[sflag:s30] =	ssyncset.done $0x0  }
0x148: {  	s9 =	simm.s32 $0x2880;
	[sflag:s30] =	ssyncadd.s32 $0xFFFFC000  }
0x149: {  	[spmem:s3] =	stream.indirect.scatter.add.f32 [tilespmem:s26], [sflag:$0x4], $0x80, s9, s25, $0xb8;
	[tilespmem:$0x1EC00] =	vst v63  }
0x14a: {  	_ =	swait.ge [sflag:s21], $0x4000  }
0x14b: {  	[sflag:s21] =	ssyncset.done $0x0  }
0x14c: {  	s9 =	simm.s32 $0x1D80;
	[sflag:s21] =	ssyncadd.s32 $0xFFFFC000  }
0x14d: {  	[tilespmem:s26], [sflag:$0x3] =	stream.indirect.gather [hbm4b:s0+s25], $0x80, s9, s25, $0xb8;
	[tilespmem:$0x1EC00] =	vst v63  }
0x14e: {  	_ =	swait.ge [sflag:s28], $0x4000  }
0x14f: {  	[sflag:s28] =	ssyncset.done $0x0  }
0x150: {  	s9 =	simm.s32 $0x2900;
	[sflag:s28] =	ssyncadd.s32 $0xFFFFC000  }
0x151: {  	[spmem:s3] =	stream.indirect.scatter.add.f32 [tilespmem:s20], [sflag:$0x4], $0x80, s9, s25, $0xb8;
	[tilespmem:$0x1EC00] =	vst v63  }
0x152: {  	_ =	swait.ge [sflag:s21], $0x4000  }
0x153: {  	[sflag:s21] =	ssyncset.done $0x0  }
0x154: {  	s9 =	simm.s32 $0x1E00;
	[sflag:s21] =	ssyncadd.s32 $0xFFFFC000  }
0x155: {  	[tilespmem:s20], [sflag:$0x2] =	stream.indirect.gather [hbm4b:s0+s25], $0x80, s9, s25, $0xb8;
	[tilespmem:$0x1EC00] =	vst v63  }
0x156: {  	_ =	swait.ge [sflag:s30], $0x4000  }
0x157: {  	[sflag:s30] =	ssyncset.done $0x0  }
0x158: {  	s9 =	simm.s32 $0x2980;
	[sflag:s30] =	ssyncadd.s32 $0xFFFFC000  }
0x159: {  	[spmem:s3] =	stream.indirect.scatter.add.f32 [tilespmem:s26], [sflag:$0x4], $0x80, s9, s25, $0xb8;
	[tilespmem:$0x1EC00] =	vst v63  }
0x15a: {  	_ =	swait.ge [sflag:s21], $0x4000  }
0x15b: {  	[sflag:s21] =	ssyncset.done $0x0  }
0x15c: {  	s9 =	simm.s32 $0x1E80;
	[sflag:s21] =	ssyncadd.s32 $0xFFFFC000  }
0x15d: {  	[tilespmem:s26], [sflag:$0x3] =	stream.indirect.gather [hbm4b:s0+s25], $0x80, s9, s25, $0xb8;
	[tilespmem:$0x1EC00] =	vst v63  }
0x15e: {  	_ =	swait.ge [sflag:s28], $0x4000  }
0x15f: {  	[sflag:s28] =	ssyncset.done $0x0  }
0x160: {  	s9 =	simm.s32 $0x2A00;
	[sflag:s28] =	ssyncadd.s32 $0xFFFFC000  }
0x161: {  	[spmem:s3] =	stream.indirect.scatter.add.f32 [tilespmem:s20], [sflag:$0x4], $0x80, s9, s25, $0xb8;
	[tilespmem:$0x1EC00] =	vst v63  }
0x162: {  	_ =	swait.ge [sflag:s21], $0x4000  }
0x163: {  	[sflag:s21] =	ssyncset.done $0x0  }
0x164: {  	s9 =	simm.s32 $0x1F00;
	[sflag:s21] =	ssyncadd.s32 $0xFFFFC000  }
0x165: {  	[tilespmem:s20], [sflag:$0x2] =	stream.indirect.gather [hbm4b:s0+s25], $0x80, s9, s25, $0xb8;
	[tilespmem:$0x1EC00] =	vst v63  }
0x166: {  	_ =	swait.ge [sflag:s30], $0x4000  }
0x167: {  	[sflag:s30] =	ssyncset.done $0x0  }
0x168: {  	s9 =	simm.s32 $0x2A80;
	[sflag:s30] =	ssyncadd.s32 $0xFFFFC000  }
0x169: {  	[spmem:s3] =	stream.indirect.scatter.add.f32 [tilespmem:s26], [sflag:$0x4], $0x80, s9, s25, $0xb8;
	[tilespmem:$0x1EC00] =	vst v63  }
0x16a: {  	_ =	swait.ge [sflag:s21], $0x4000  }
0x16b: {  	[sflag:s21] =	ssyncset.done $0x0  }
0x16c: {  	s9 =	simm.s32 $0x1F80;
	[sflag:s21] =	ssyncadd.s32 $0xFFFFC000  }
0x16d: {  	[tilespmem:s26], [sflag:$0x3] =	stream.indirect.gather [hbm4b:s0+s25], $0x80, s9, s25, $0xb8;
	[tilespmem:$0x1EC00] =	vst v63  }
0x16e: {  	_ =	swait.ge [sflag:s28], $0x4000  }
0x16f: {  	[sflag:s28] =	ssyncset.done $0x0  }
0x170: {  	s9 =	simm.s32 $0x2B00;
	[sflag:s28] =	ssyncadd.s32 $0xFFFFC000  }
0x171: {  	[spmem:s3] =	stream.indirect.scatter.add.f32 [tilespmem:s20], [sflag:$0x4], $0x80, s9, s25, $0xb8;
	[tilespmem:$0x1EC00] =	vst v63  }
0x172: {  	_ =	swait.ge [sflag:s21], $0x4000  }
0x173: {  	[sflag:s21] =	ssyncset.done $0x0  }
0x174: {  	s9 =	simm.s32 $0x2000;
	[sflag:s21] =	ssyncadd.s32 $0xFFFFC000  }
0x175: {  	[tilespmem:s20], [sflag:$0x2] =	stream.indirect.gather [hbm4b:s0+s25], $0x80, s9, s25, $0xb8;
	[tilespmem:$0x1EC00] =	vst v63  }
0x176: {  	_ =	swait.ge [sflag:s30], $0x4000  }
0x177: {  	[sflag:s30] =	ssyncset.done $0x0  }
0x178: {  	s9 =	simm.s32 $0x2B80;
	[sflag:s30] =	ssyncadd.s32 $0xFFFFC000  }
0x179: {  	[spmem:s3] =	stream.indirect.scatter.add.f32 [tilespmem:s26], [sflag:$0x4], $0x80, s9, s25, $0xb8;
	[tilespmem:$0x1EC00] =	vst v63  }
0x17a: {  	_ =	swait.ge [sflag:s21], $0x4000  }
0x17b: {  	[sflag:s21] =	ssyncset.done $0x0  }
0x17c: {  	s9 =	simm.s32 $0x2080;
	[sflag:s21] =	ssyncadd.s32 $0xFFFFC000  }
0x17d: {  	[tilespmem:s26], [sflag:$0x3] =	stream.indirect.gather [hbm4b:s0+s25], $0x80, s9, s25, $0xb8;
	[tilespmem:$0x1EC00] =	vst v63  }
0x17e: {  	_ =	swait.ge [sflag:s28], $0x4000  }
0x17f: {  	[sflag:s28] =	ssyncset.done $0x0  }
0x180: {  	s9 =	simm.s32 $0x2C00;
	[sflag:s28] =	ssyncadd.s32 $0xFFFFC000  }
0x181: {  	[spmem:s3] =	stream.indirect.scatter.add.f32 [tilespmem:s20], [sflag:$0x4], $0x80, s9, s25, $0xb8;
	[tilespmem:$0x1EC00] =	vst v63  }
0x182: {  	_ =	swait.ge [sflag:s21], $0x4000  }
0x183: {  	[sflag:s21] =	ssyncset.done $0x0  }
0x184: {  	s9 =	simm.s32 $0x2100;
	[sflag:s21] =	ssyncadd.s32 $0xFFFFC000  }
0x185: {  	[tilespmem:s20], [sflag:$0x2] =	stream.indirect.gather [hbm4b:s0+s25], $0x80, s9, s25, $0xb8;
	[tilespmem:$0x1EC00] =	vst v63  }
0x186: {  	_ =	swait.ge [sflag:s30], $0x4000  }
0x187: {  	[sflag:s30] =	ssyncset.done $0x0  }
0x188: {  	s9 =	simm.s32 $0x2C80;
	[sflag:s30] =	ssyncadd.s32 $0xFFFFC000  }
0x189: {  	[spmem:s3] =	stream.indirect.scatter.add.f32 [tilespmem:s26], [sflag:$0x4], $0x80, s9, s25, $0xb8;
	[tilespmem:$0x1EC00] =	vst v63  }
0x18a: {  	_ =	swait.ge [sflag:s21], $0x4000  }
0x18b: {  	[sflag:s21] =	ssyncset.done $0x0  }
0x18c: {  	s9 =	simm.s32 $0x2180;
	[sflag:s21] =	ssyncadd.s32 $0xFFFFC000  }
0x18d: {  	[tilespmem:s26], [sflag:$0x3] =	stream.indirect.gather [hbm4b:s0+s25], $0x80, s9, s25, $0xb8;
	[tilespmem:$0x1EC00] =	vst v63  }
0x18e: {  	_ =	swait.ge [sflag:s28], $0x4000  }
0x18f: {  	[sflag:s28] =	ssyncset.done $0x0  }
0x190: {  	s9 =	simm.s32 $0x2D00;
	[sflag:s28] =	ssyncadd.s32 $0xFFFFC000  }
0x191: {  	[spmem:s3] =	stream.indirect.scatter.add.f32 [tilespmem:s20], [sflag:$0x4], $0x80, s9, s25, $0xb8;
	[tilespmem:$0x1EC00] =	vst v63  }
0x192: {  	_ =	swait.ge [sflag:s21], $0x4000  }
0x193: {  	[sflag:s21] =	ssyncset.done $0x0  }
0x194: {  	[sflag:s21] =	ssyncadd.s32 $0xFFFFC000  }
0x195: {  	_ =	swait.ge [sflag:s30], $0x4000  }
0x196: {  	[sflag:s30] =	ssyncset.done $0x0  }
0x197: {  	s9 =	simm.s32 $0x2D80;
	[sflag:s30] =	ssyncadd.s32 $0xFFFFC000  }
0x198: {  	[spmem:s3] =	stream.indirect.scatter.add.f32 [tilespmem:s26], [sflag:$0x4], $0x80, s9, s25, $0xb8;
	[tilespmem:$0x1EC00] =	vst v63  }
0x199: {  	_ =	swait.ge [sflag:s21], $0x4000  }
0x19a: {  	[sflag:s21] =	ssyncset.done $0x0  }
0x19b: {  	[sflag:s21] =	ssyncadd.s32 $0xFFFFC000  }
0x19c: {  	_ =	swait.ge [sflag:s1], $0xA00  }
0x19d: {  	[sflag:s1] =	ssyncset.done $0x0  }
0x19e: {  	[sflag:s1] =	ssyncadd.s32 $0xFFFFF600  }
0x19f: {  	_ =	swait.ge [sflag:s1], $0xA00  }
0x1a0: {  	[sflag:s1] =	ssyncset.done $0x0  }
0x1a1: {  	s9 =	rddreg [dreg:$0xe];
	[sflag:s1] =	ssyncadd.s32 $0xFFFFF600  }
0x1a2: {  	[tilespmem:s24], [sflag:$0x1] =	stream.linear.gather [hbm4b:s9+s4], $0xA00, $0x38;
	[tilespmem:$0x1EC00] =	vst v63  }
0x1a3: {  	s9 =	rddreg [dreg:$0xf]  }
0x1a4: {  	[tilespmem:s5], [sflag:$0x1] =	stream.linear.gather [hbm4b:s9+s4], $0xA00, $0x38;
	[tilespmem:$0x1EC00] =	vst v63  }
0x1a5: {  	_ = 	snop  }
0x1a6: {  	[tilespmem:s20], [sflag:$0x2] =	stream.indirect.gather [hbm4b:s0+s25], $0x80, s4, s25, $0xb8;
	[tilespmem:$0x1EC00] =	vst v63  }
0x1a7: {  	_ = 	snop  }
0x1a8: {  	[tilespmem:s26], [sflag:$0x3] =	stream.indirect.gather [hbm4b:s0+s25], $0x80, s25, s25, $0xb8;
	[tilespmem:$0x1EC00] =	vst v63  }
0x1a9: {  	_ =	swait.ge [sflag:s28], $0x4000  }
0x1aa: {  	[sflag:s28] =	ssyncset.done $0x0  }
0x1ab: {  	[sflag:s28] =	ssyncadd.s32 $0xFFFFC000  }
0x1ac: {  	[spmem:s3] =	stream.indirect.scatter.add.f32 [tilespmem:s20], [sflag:$0x4], $0x80, s23, s25, $0xb8;
	[tilespmem:$0x1EC00] =	vst v63  }
0x1ad: {  	_ =	swait.ge [sflag:s21], $0x4000  }
0x1ae: {  	[sflag:s21] =	ssyncset.done $0x0  }
0x1af: {  	s9 =	simm.s32 $0x100;
	[sflag:s21] =	ssyncadd.s32 $0xFFFFC000  }
0x1b0: {  	[tilespmem:s20], [sflag:$0x2] =	stream.indirect.gather [hbm4b:s0+s25], $0x80, s9, s25, $0xb8;
	[tilespmem:$0x1EC00] =	vst v63  }
0x1b1: {  	_ =	swait.ge [sflag:s30], $0x4000  }
0x1b2: {  	[sflag:s30] =	ssyncset.done $0x0  }
0x1b3: {  	s9 =	simm.s32 $0xC80;
	[sflag:s30] =	ssyncadd.s32 $0xFFFFC000  }
0x1b4: {  	[spmem:s3] =	stream.indirect.scatter.add.f32 [tilespmem:s26], [sflag:$0x4], $0x80, s9, s25, $0xb8;
	[tilespmem:$0x1EC00] =	vst v63  }
0x1b5: {  	_ =	swait.ge [sflag:s21], $0x4000  }
0x1b6: {  	[sflag:s21] =	ssyncset.done $0x0  }
0x1b7: {  	s9 =	simm.s32 $0x180;
	[sflag:s21] =	ssyncadd.s32 $0xFFFFC000  }
0x1b8: {  	[tilespmem:s26], [sflag:$0x3] =	stream.indirect.gather [hbm4b:s0+s25], $0x80, s9, s25, $0xb8;
	[tilespmem:$0x1EC00] =	vst v63  }
0x1b9: {  	_ =	swait.ge [sflag:s28], $0x4000  }
0x1ba: {  	[sflag:s28] =	ssyncset.done $0x0  }
0x1bb: {  	s9 =	simm.s32 $0xD00;
	[sflag:s28] =	ssyncadd.s32 $0xFFFFC000  }
0x1bc: {  	[spmem:s3] =	stream.indirect.scatter.add.f32 [tilespmem:s20], [sflag:$0x4], $0x80, s9, s25, $0xb8;
	[tilespmem:$0x1EC00] =	vst v63  }
0x1bd: {  	_ =	swait.ge [sflag:s21], $0x4000  }
0x1be: {  	[sflag:s21] =	ssyncset.done $0x0  }
0x1bf: {  	s9 =	simm.s32 $0x200;
	[sflag:s21] =	ssyncadd.s32 $0xFFFFC000  }
0x1c0: {  	[tilespmem:s20], [sflag:$0x2] =	stream.indirect.gather [hbm4b:s0+s25], $0x80, s9, s25, $0xb8;
	[tilespmem:$0x1EC00] =	vst v63  }
0x1c1: {  	_ =	swait.ge [sflag:s30], $0x4000  }
0x1c2: {  	[sflag:s30] =	ssyncset.done $0x0  }
0x1c3: {  	s9 =	simm.s32 $0xD80;
	[sflag:s30] =	ssyncadd.s32 $0xFFFFC000  }
0x1c4: {  	[spmem:s3] =	stream.indirect.scatter.add.f32 [tilespmem:s26], [sflag:$0x4], $0x80, s9, s25, $0xb8;
	[tilespmem:$0x1EC00] =	vst v63  }
0x1c5: {  	_ =	swait.ge [sflag:s21], $0x4000  }
0x1c6: {  	[sflag:s21] =	ssyncset.done $0x0  }
0x1c7: {  	s9 =	simm.s32 $0x280;
	[sflag:s21] =	ssyncadd.s32 $0xFFFFC000  }
0x1c8: {  	[tilespmem:s26], [sflag:$0x3] =	stream.indirect.gather [hbm4b:s0+s25], $0x80, s9, s25, $0xb8;
	[tilespmem:$0x1EC00] =	vst v63  }
0x1c9: {  	_ =	swait.ge [sflag:s28], $0x4000  }
0x1ca: {  	[sflag:s28] =	ssyncset.done $0x0  }
0x1cb: {  	s9 =	simm.s32 $0xE00;
	[sflag:s28] =	ssyncadd.s32 $0xFFFFC000  }
0x1cc: {  	[spmem:s3] =	stream.indirect.scatter.add.f32 [tilespmem:s20], [sflag:$0x4], $0x80, s9, s25, $0xb8;
	[tilespmem:$0x1EC00] =	vst v63  }
0x1cd: {  	_ =	swait.ge [sflag:s21], $0x4000  }
0x1ce: {  	[sflag:s21] =	ssyncset.done $0x0  }
0x1cf: {  	s9 =	simm.s32 $0x300;
	[sflag:s21] =	ssyncadd.s32 $0xFFFFC000  }
0x1d0: {  	[tilespmem:s20], [sflag:$0x2] =	stream.indirect.gather [hbm4b:s0+s25], $0x80, s9, s25, $0xb8;
	[tilespmem:$0x1EC00] =	vst v63  }
0x1d1: {  	_ =	swait.ge [sflag:s30], $0x4000  }
0x1d2: {  	[sflag:s30] =	ssyncset.done $0x0  }
0x1d3: {  	s9 =	simm.s32 $0xE80;
	[sflag:s30] =	ssyncadd.s32 $0xFFFFC000  }
0x1d4: {  	[spmem:s3] =	stream.indirect.scatter.add.f32 [tilespmem:s26], [sflag:$0x4], $0x80, s9, s25, $0xb8;
	[tilespmem:$0x1EC00] =	vst v63  }
0x1d5: {  	_ =	swait.ge [sflag:s21], $0x4000  }
0x1d6: {  	[sflag:s21] =	ssyncset.done $0x0  }
0x1d7: {  	s9 =	simm.s32 $0x380;
	[sflag:s21] =	ssyncadd.s32 $0xFFFFC000  }
0x1d8: {  	[tilespmem:s26], [sflag:$0x3] =	stream.indirect.gather [hbm4b:s0+s25], $0x80, s9, s25, $0xb8;
	[tilespmem:$0x1EC00] =	vst v63  }
0x1d9: {  	_ =	swait.ge [sflag:s28], $0x4000  }
0x1da: {  	[sflag:s28] =	ssyncset.done $0x0  }
0x1db: {  	s9 =	simm.s32 $0xF00;
	[sflag:s28] =	ssyncadd.s32 $0xFFFFC000  }
0x1dc: {  	[spmem:s3] =	stream.indirect.scatter.add.f32 [tilespmem:s20], [sflag:$0x4], $0x80, s9, s25, $0xb8;
	[tilespmem:$0x1EC00] =	vst v63  }
0x1dd: {  	_ =	swait.ge [sflag:s21], $0x4000  }
0x1de: {  	[sflag:s21] =	ssyncset.done $0x0  }
0x1df: {  	s9 =	simm.s32 $0x400;
	[sflag:s21] =	ssyncadd.s32 $0xFFFFC000  }
0x1e0: {  	[tilespmem:s20], [sflag:$0x2] =	stream.indirect.gather [hbm4b:s0+s25], $0x80, s9, s25, $0xb8;
	[tilespmem:$0x1EC00] =	vst v63  }
0x1e1: {  	_ =	swait.ge [sflag:s30], $0x4000  }
0x1e2: {  	[sflag:s30] =	ssyncset.done $0x0  }
0x1e3: {  	s9 =	simm.s32 $0xF80;
	[sflag:s30] =	ssyncadd.s32 $0xFFFFC000  }
0x1e4: {  	[spmem:s3] =	stream.indirect.scatter.add.f32 [tilespmem:s26], [sflag:$0x4], $0x80, s9, s25, $0xb8;
	[tilespmem:$0x1EC00] =	vst v63  }
0x1e5: {  	_ =	swait.ge [sflag:s21], $0x4000  }
0x1e6: {  	[sflag:s21] =	ssyncset.done $0x0  }
0x1e7: {  	s9 =	simm.s32 $0x480;
	[sflag:s21] =	ssyncadd.s32 $0xFFFFC000  }
0x1e8: {  	[tilespmem:s26], [sflag:$0x3] =	stream.indirect.gather [hbm4b:s0+s25], $0x80, s9, s25, $0xb8;
	[tilespmem:$0x1EC00] =	vst v63  }
0x1e9: {  	_ =	swait.ge [sflag:s28], $0x4000  }
0x1ea: {  	[sflag:s28] =	ssyncset.done $0x0  }
0x1eb: {  	s9 =	simm.s32 $0x1000;
	[sflag:s28] =	ssyncadd.s32 $0xFFFFC000  }
0x1ec: {  	[spmem:s3] =	stream.indirect.scatter.add.f32 [tilespmem:s20], [sflag:$0x4], $0x80, s9, s25, $0xb8;
	[tilespmem:$0x1EC00] =	vst v63  }
0x1ed: {  	_ =	swait.ge [sflag:s21], $0x4000  }
0x1ee: {  	[sflag:s21] =	ssyncset.done $0x0  }
0x1ef: {  	s9 =	simm.s32 $0x500;
	[sflag:s21] =	ssyncadd.s32 $0xFFFFC000  }
0x1f0: {  	[tilespmem:s20], [sflag:$0x2] =	stream.indirect.gather [hbm4b:s0+s25], $0x80, s9, s25, $0xb8;
	[tilespmem:$0x1EC00] =	vst v63  }
0x1f1: {  	_ =	swait.ge [sflag:s30], $0x4000  }
0x1f2: {  	[sflag:s30] =	ssyncset.done $0x0  }
0x1f3: {  	s9 =	simm.s32 $0x1080;
	[sflag:s30] =	ssyncadd.s32 $0xFFFFC000  }
0x1f4: {  	[spmem:s3] =	stream.indirect.scatter.add.f32 [tilespmem:s26], [sflag:$0x4], $0x80, s9, s25, $0xb8;
	[tilespmem:$0x1EC00] =	vst v63  }
0x1f5: {  	_ =	swait.ge [sflag:s21], $0x4000  }
0x1f6: {  	[sflag:s21] =	ssyncset.done $0x0  }
0x1f7: {  	s9 =	simm.s32 $0x580;
	[sflag:s21] =	ssyncadd.s32 $0xFFFFC000  }
0x1f8: {  	[tilespmem:s26], [sflag:$0x3] =	stream.indirect.gather [hbm4b:s0+s25], $0x80, s9, s25, $0xb8;
	[tilespmem:$0x1EC00] =	vst v63  }
0x1f9: {  	_ =	swait.ge [sflag:s28], $0x4000  }
0x1fa: {  	[sflag:s28] =	ssyncset.done $0x0  }
0x1fb: {  	s9 =	simm.s32 $0x1100;
	[sflag:s28] =	ssyncadd.s32 $0xFFFFC000  }
0x1fc: {  	[spmem:s3] =	stream.indirect.scatter.add.f32 [tilespmem:s20], [sflag:$0x4], $0x80, s9, s25, $0xb8;
	[tilespmem:$0x1EC00] =	vst v63  }
0x1fd: {  	_ =	swait.ge [sflag:s21], $0x4000  }
0x1fe: {  	[sflag:s21] =	ssyncset.done $0x0  }
0x1ff: {  	s9 =	simm.s32 $0x600;
	[sflag:s21] =	ssyncadd.s32 $0xFFFFC000  }
0x200: {  	[tilespmem:s20], [sflag:$0x2] =	stream.indirect.gather [hbm4b:s0+s25], $0x80, s9, s25, $0xb8;
	[tilespmem:$0x1EC00] =	vst v63  }
0x201: {  	_ =	swait.ge [sflag:s30], $0x4000  }
0x202: {  	[sflag:s30] =	ssyncset.done $0x0  }
0x203: {  	s9 =	simm.s32 $0x1180;
	[sflag:s30] =	ssyncadd.s32 $0xFFFFC000  }
0x204: {  	[spmem:s3] =	stream.indirect.scatter.add.f32 [tilespmem:s26], [sflag:$0x4], $0x80, s9, s25, $0xb8;
	[tilespmem:$0x1EC00] =	vst v63  }
0x205: {  	_ =	swait.ge [sflag:s21], $0x4000  }
0x206: {  	[sflag:s21] =	ssyncset.done $0x0  }
0x207: {  	s9 =	simm.s32 $0x680;
	[sflag:s21] =	ssyncadd.s32 $0xFFFFC000  }
0x208: {  	[tilespmem:s26], [sflag:$0x3] =	stream.indirect.gather [hbm4b:s0+s25], $0x80, s9, s25, $0xb8;
	[tilespmem:$0x1EC00] =	vst v63  }
0x209: {  	_ =	swait.ge [sflag:s28], $0x4000  }
0x20a: {  	[sflag:s28] =	ssyncset.done $0x0  }
0x20b: {  	s9 =	simm.s32 $0x1200;
	[sflag:s28] =	ssyncadd.s32 $0xFFFFC000  }
0x20c: {  	[spmem:s3] =	stream.indirect.scatter.add.f32 [tilespmem:s20], [sflag:$0x4], $0x80, s9, s25, $0xb8;
	[tilespmem:$0x1EC00] =	vst v63  }
0x20d: {  	_ =	swait.ge [sflag:s21], $0x4000  }
0x20e: {  	[sflag:s21] =	ssyncset.done $0x0  }
0x20f: {  	s9 =	simm.s32 $0x700;
	[sflag:s21] =	ssyncadd.s32 $0xFFFFC000  }
0x210: {  	[tilespmem:s20], [sflag:$0x2] =	stream.indirect.gather [hbm4b:s0+s25], $0x80, s9, s25, $0xb8;
	[tilespmem:$0x1EC00] =	vst v63  }
0x211: {  	_ =	swait.ge [sflag:s30], $0x4000  }
0x212: {  	[sflag:s30] =	ssyncset.done $0x0  }
0x213: {  	s9 =	simm.s32 $0x1280;
	[sflag:s30] =	ssyncadd.s32 $0xFFFFC000  }
0x214: {  	[spmem:s3] =	stream.indirect.scatter.add.f32 [tilespmem:s26], [sflag:$0x4], $0x80, s9, s25, $0xb8;
	[tilespmem:$0x1EC00] =	vst v63  }
0x215: {  	_ =	swait.ge [sflag:s21], $0x4000  }
0x216: {  	[sflag:s21] =	ssyncset.done $0x0  }
0x217: {  	s9 =	simm.s32 $0x780;
	[sflag:s21] =	ssyncadd.s32 $0xFFFFC000  }
0x218: {  	[tilespmem:s26], [sflag:$0x3] =	stream.indirect.gather [hbm4b:s0+s25], $0x80, s9, s25, $0xb8;
	[tilespmem:$0x1EC00] =	vst v63  }
0x219: {  	_ =	swait.ge [sflag:s28], $0x4000  }
0x21a: {  	[sflag:s28] =	ssyncset.done $0x0  }
0x21b: {  	s9 =	simm.s32 $0x1300;
	[sflag:s28] =	ssyncadd.s32 $0xFFFFC000  }
0x21c: {  	[spmem:s3] =	stream.indirect.scatter.add.f32 [tilespmem:s20], [sflag:$0x4], $0x80, s9, s25, $0xb8;
	[tilespmem:$0x1EC00] =	vst v63  }
0x21d: {  	_ =	swait.ge [sflag:s21], $0x4000  }
0x21e: {  	[sflag:s21] =	ssyncset.done $0x0  }
0x21f: {  	s9 =	simm.s32 $0x800;
	[sflag:s21] =	ssyncadd.s32 $0xFFFFC000  }
0x220: {  	[tilespmem:s20], [sflag:$0x2] =	stream.indirect.gather [hbm4b:s0+s25], $0x80, s9, s25, $0xb8;
	[tilespmem:$0x1EC00] =	vst v63  }
0x221: {  	_ =	swait.ge [sflag:s30], $0x4000  }
0x222: {  	[sflag:s30] =	ssyncset.done $0x0  }
0x223: {  	s9 =	simm.s32 $0x1380;
	[sflag:s30] =	ssyncadd.s32 $0xFFFFC000  }
0x224: {  	[spmem:s3] =	stream.indirect.scatter.add.f32 [tilespmem:s26], [sflag:$0x4], $0x80, s9, s25, $0xb8;
	[tilespmem:$0x1EC00] =	vst v63  }
0x225: {  	_ =	swait.ge [sflag:s21], $0x4000  }
0x226: {  	[sflag:s21] =	ssyncset.done $0x0  }
0x227: {  	s9 =	simm.s32 $0x880;
	[sflag:s21] =	ssyncadd.s32 $0xFFFFC000  }
0x228: {  	[tilespmem:s26], [sflag:$0x3] =	stream.indirect.gather [hbm4b:s0+s25], $0x80, s9, s25, $0xb8;
	[tilespmem:$0x1EC00] =	vst v63  }
0x229: {  	_ =	swait.ge [sflag:s28], $0x4000  }
0x22a: {  	[sflag:s28] =	ssyncset.done $0x0  }
0x22b: {  	s9 =	simm.s32 $0x1400;
	[sflag:s28] =	ssyncadd.s32 $0xFFFFC000  }
0x22c: {  	[spmem:s3] =	stream.indirect.scatter.add.f32 [tilespmem:s20], [sflag:$0x4], $0x80, s9, s25, $0xb8;
	[tilespmem:$0x1EC00] =	vst v63  }
0x22d: {  	_ =	swait.ge [sflag:s21], $0x4000  }
0x22e: {  	[sflag:s21] =	ssyncset.done $0x0  }
0x22f: {  	s9 =	simm.s32 $0x900;
	[sflag:s21] =	ssyncadd.s32 $0xFFFFC000  }
0x230: {  	[tilespmem:s20], [sflag:$0x2] =	stream.indirect.gather [hbm4b:s0+s25], $0x80, s9, s25, $0xb8;
	[tilespmem:$0x1EC00] =	vst v63  }
0x231: {  	_ =	swait.ge [sflag:s30], $0x4000  }
0x232: {  	[sflag:s30] =	ssyncset.done $0x0  }
0x233: {  	s9 =	simm.s32 $0x1480;
	[sflag:s30] =	ssyncadd.s32 $0xFFFFC000  }
0x234: {  	[spmem:s3] =	stream.indirect.scatter.add.f32 [tilespmem:s26], [sflag:$0x4], $0x80, s9, s25, $0xb8;
	[tilespmem:$0x1EC00] =	vst v63  }
0x235: {  	_ =	swait.ge [sflag:s21], $0x4000  }
0x236: {  	[sflag:s21] =	ssyncset.done $0x0  }
0x237: {  	s9 =	simm.s32 $0x980;
	[sflag:s21] =	ssyncadd.s32 $0xFFFFC000  }
0x238: {  	[tilespmem:s26], [sflag:$0x3] =	stream.indirect.gather [hbm4b:s0+s25], $0x80, s9, s25, $0xb8;
	[tilespmem:$0x1EC00] =	vst v63  }
0x239: {  	_ =	swait.ge [sflag:s28], $0x4000  }
0x23a: {  	[sflag:s28] =	ssyncset.done $0x0  }
0x23b: {  	s9 =	simm.s32 $0x1500;
	[sflag:s28] =	ssyncadd.s32 $0xFFFFC000  }
0x23c: {  	[spmem:s3] =	stream.indirect.scatter.add.f32 [tilespmem:s20], [sflag:$0x4], $0x80, s9, s25, $0xb8;
	[tilespmem:$0x1EC00] =	vst v63  }
0x23d: {  	_ =	swait.ge [sflag:s21], $0x4000  }
0x23e: {  	[sflag:s21] =	ssyncset.done $0x0  }
0x23f: {  	[sflag:s21] =	ssyncadd.s32 $0xFFFFC000  }
0x240: {  	_ =	swait.ge [sflag:s30], $0x4000  }
0x241: {  	[sflag:s30] =	ssyncset.done $0x0  }
0x242: {  	s9 =	simm.s32 $0x1580;
	[sflag:s30] =	ssyncadd.s32 $0xFFFFC000  }
0x243: {  	[spmem:s3] =	stream.indirect.scatter.add.f32 [tilespmem:s26], [sflag:$0x4], $0x80, s9, s25, $0xb8;
	[tilespmem:$0x1EC00] =	vst v63  }
0x244: {  	_ =	swait.ge [sflag:s21], $0x4000  }
0x245: {  	[sflag:s21] =	ssyncset.done $0x0  }
0x246: {  	[sflag:s21] =	ssyncadd.s32 $0xFFFFC000  }
0x247: {  	_ =	swait.ge [sflag:s1], $0xA00  }
0x248: {  	[sflag:s1] =	ssyncset.done $0x0  }
0x249: {  	[sflag:s1] =	ssyncadd.s32 $0xFFFFF600  }
0x24a: {  	_ =	swait.ge [sflag:s1], $0xA00  }
0x24b: {  	[sflag:s1] =	ssyncset.done $0x0  }
0x24c: {  	[sflag:s1] =	ssyncadd.s32 $0xFFFFF600  }
0x24d: {  	[tilespmem:s20], [sflag:$0x2] =	stream.indirect.gather [hbm4b:s0+s25], $0x80, s24, s25, $0xb8;
	[tilespmem:$0x1EC00] =	vst v63  }
0x24e: {  	_ = 	snop  }
0x24f: {  	[tilespmem:s26], [sflag:$0x3] =	stream.indirect.gather [hbm4b:s0+s25], $0x80, s6, s25, $0xb8;
	[tilespmem:$0x1EC00] =	vst v63  }
0x250: {  	_ =	swait.ge [sflag:s28], $0x4000  }
0x251: {  	[sflag:s28] =	ssyncset.done $0x0  }
0x252: {  	[sflag:s28] =	ssyncadd.s32 $0xFFFFC000  }
0x253: {  	[spmem:s3] =	stream.indirect.scatter.add.f32 [tilespmem:s20], [sflag:$0x4], $0x80, s5, s25, $0xb8;
	[tilespmem:$0x1EC00] =	vst v63  }
0x254: {  	_ =	swait.ge [sflag:s21], $0x4000  }
0x255: {  	[sflag:s21] =	ssyncset.done $0x0  }
0x256: {  	[sflag:s21] =	ssyncadd.s32 $0xFFFFC000  }
0x257: {  	[tilespmem:s20], [sflag:$0x2] =	stream.indirect.gather [hbm4b:s0+s25], $0x80, s7, s25, $0xb8;
	[tilespmem:$0x1EC00] =	vst v63  }
0x258: {  	_ =	swait.ge [sflag:s30], $0x4000  }
0x259: {  	[sflag:s30] =	ssyncset.done $0x0  }
0x25a: {  	[sflag:s30] =	ssyncadd.s32 $0xFFFFC000  }
0x25b: {  	[spmem:s3] =	stream.indirect.scatter.add.f32 [tilespmem:s26], [sflag:$0x4], $0x80, s10, s25, $0xb8;
	[tilespmem:$0x1EC00] =	vst v63  }
0x25c: {  	_ =	swait.ge [sflag:s21], $0x4000  }
0x25d: {  	[sflag:s21] =	ssyncset.done $0x0  }
0x25e: {  	[sflag:s21] =	ssyncadd.s32 $0xFFFFC000  }
0x25f: {  	[tilespmem:s26], [sflag:$0x3] =	stream.indirect.gather [hbm4b:s0+s25], $0x80, s11, s25, $0xb8;
	[tilespmem:$0x1EC00] =	vst v63  }
0x260: {  	_ =	swait.ge [sflag:s28], $0x4000  }
0x261: {  	[sflag:s28] =	ssyncset.done $0x0  }
0x262: {  	[sflag:s28] =	ssyncadd.s32 $0xFFFFC000  }
0x263: {  	[spmem:s3] =	stream.indirect.scatter.add.f32 [tilespmem:s20], [sflag:$0x4], $0x80, s12, s25, $0xb8;
	[tilespmem:$0x1EC00] =	vst v63  }
0x264: {  	_ =	swait.ge [sflag:s21], $0x4000  }
0x265: {  	[sflag:s21] =	ssyncset.done $0x0  }
0x266: {  	[sflag:s21] =	ssyncadd.s32 $0xFFFFC000  }
0x267: {  	[tilespmem:s20], [sflag:$0x2] =	stream.indirect.gather [hbm4b:s0+s25], $0x80, s13, s25, $0xb8;
	[tilespmem:$0x1EC00] =	vst v63  }
0x268: {  	_ =	swait.ge [sflag:s30], $0x4000  }
0x269: {  	[sflag:s30] =	ssyncset.done $0x0  }
0x26a: {  	[sflag:s30] =	ssyncadd.s32 $0xFFFFC000  }
0x26b: {  	[spmem:s3] =	stream.indirect.scatter.add.f32 [tilespmem:s26], [sflag:$0x4], $0x80, s14, s25, $0xb8;
	[tilespmem:$0x1EC00] =	vst v63  }
0x26c: {  	_ =	swait.ge [sflag:s21], $0x4000  }
0x26d: {  	[sflag:s21] =	ssyncset.done $0x0  }
0x26e: {  	[sflag:s21] =	ssyncadd.s32 $0xFFFFC000  }
0x26f: {  	[tilespmem:s26], [sflag:$0x3] =	stream.indirect.gather [hbm4b:s0+s25], $0x80, s15, s25, $0xb8;
	[tilespmem:$0x1EC00] =	vst v63  }
0x270: {  	_ =	swait.ge [sflag:s28], $0x4000  }
0x271: {  	[sflag:s28] =	ssyncset.done $0x0  }
0x272: {  	[sflag:s28] =	ssyncadd.s32 $0xFFFFC000  }
0x273: {  	[spmem:s3] =	stream.indirect.scatter.add.f32 [tilespmem:s20], [sflag:$0x4], $0x80, s16, s25, $0xb8;
	[tilespmem:$0x1EC00] =	vst v63  }
0x274: {  	_ =	swait.ge [sflag:s21], $0x4000  }
0x275: {  	[sflag:s21] =	ssyncset.done $0x0  }
0x276: {  	[sflag:s21] =	ssyncadd.s32 $0xFFFFC000  }
0x277: {  	[tilespmem:s20], [sflag:$0x2] =	stream.indirect.gather [hbm4b:s0+s25], $0x80, s17, s25, $0xb8;
	[tilespmem:$0x1EC00] =	vst v63  }
0x278: {  	_ =	swait.ge [sflag:s30], $0x4000  }
0x279: {  	[sflag:s30] =	ssyncset.done $0x0  }
0x27a: {  	[sflag:s30] =	ssyncadd.s32 $0xFFFFC000  }
0x27b: {  	[spmem:s3] =	stream.indirect.scatter.add.f32 [tilespmem:s26], [sflag:$0x4], $0x80, s18, s25, $0xb8;
	[tilespmem:$0x1EC00] =	vst v63  }
0x27c: {  	_ =	swait.ge [sflag:s21], $0x4000  }
0x27d: {  	[sflag:s21] =	ssyncset.done $0x0  }
0x27e: {  	[sflag:s21] =	ssyncadd.s32 $0xFFFFC000  }
0x27f: {  	[tilespmem:s26], [sflag:$0x3] =	stream.indirect.gather [hbm4b:s0+s25], $0x80, s19, s25, $0xb8;
	[tilespmem:$0x1EC00] =	vst v63  }
0x280: {  	_ =	swait.ge [sflag:s28], $0x4000  }
0x281: {  	[sflag:s28] =	ssyncset.done $0x0  }
0x282: {  	[sflag:s28] =	ssyncadd.s32 $0xFFFFC000  }
0x283: {  	[spmem:s3] =	stream.indirect.scatter.add.f32 [tilespmem:s20], [sflag:$0x4], $0x80, s22, s25, $0xb8;
	[tilespmem:$0x1EC00] =	vst v63  }
0x284: {  	_ =	swait.ge [sflag:s21], $0x4000  }
0x285: {  	[sflag:s21] =	ssyncset.done $0x0  }
0x286: {  	[sflag:s21] =	ssyncadd.s32 $0xFFFFC000  }
0x287: {  	[tilespmem:s20], [sflag:$0x2] =	stream.indirect.gather [hbm4b:s0+s25], $0x80, s29, s25, $0xb8;
	[tilespmem:$0x1EC00] =	vst v63  }
0x288: {  	_ =	swait.ge [sflag:s30], $0x4000  }
0x289: {  	[sflag:s30] =	ssyncset.done $0x0  }
0x28a: {  	[sflag:s30] =	ssyncadd.s32 $0xFFFFC000  }
0x28b: {  	[spmem:s3] =	stream.indirect.scatter.add.f32 [tilespmem:s26], [sflag:$0x4], $0x80, s31, s25, $0xb8;
	[tilespmem:$0x1EC00] =	vst v63  }
0x28c: {  	_ =	swait.ge [sflag:s21], $0x4000  }
0x28d: {  	[sflag:s21] =	ssyncset.done $0x0  }
0x28e: {  	s6 =	simm.s32 $0x1C80;
	[sflag:s21] =	ssyncadd.s32 $0xFFFFC000  }
0x28f: {  	[tilespmem:s26], [sflag:$0x3] =	stream.indirect.gather [hbm4b:s0+s25], $0x80, s6, s25, $0xb8;
	[tilespmem:$0x1EC00] =	vst v63  }
0x290: {  	_ =	swait.ge [sflag:s28], $0x4000  }
0x291: {  	[sflag:s28] =	ssyncset.done $0x0  }
0x292: {  	s9 =	simm.s32 $0x2800;
	[sflag:s28] =	ssyncadd.s32 $0xFFFFC000  }
0x293: {  	[spmem:s3] =	stream.indirect.scatter.add.f32 [tilespmem:s20], [sflag:$0x4], $0x80, s9, s25, $0xb8;
	[tilespmem:$0x1EC00] =	vst v63  }
0x294: {  	_ =	swait.ge [sflag:s21], $0x4000  }
0x295: {  	[sflag:s21] =	ssyncset.done $0x0  }
0x296: {  	s10 =	simm.s32 $0x1D00;
	[sflag:s21] =	ssyncadd.s32 $0xFFFFC000  }
0x297: {  	[tilespmem:s20], [sflag:$0x2] =	stream.indirect.gather [hbm4b:s0+s25], $0x80, s10, s25, $0xb8;
	[tilespmem:$0x1EC00] =	vst v63  }
0x298: {  	_ =	swait.ge [sflag:s30], $0x4000  }
0x299: {  	[sflag:s30] =	ssyncset.done $0x0  }
0x29a: {  	s11 =	simm.s32 $0x2880;
	[sflag:s30] =	ssyncadd.s32 $0xFFFFC000  }
0x29b: {  	[spmem:s3] =	stream.indirect.scatter.add.f32 [tilespmem:s26], [sflag:$0x4], $0x80, s11, s25, $0xb8;
	[tilespmem:$0x1EC00] =	vst v63  }
0x29c: {  	_ =	swait.ge [sflag:s21], $0x4000  }
0x29d: {  	[sflag:s21] =	ssyncset.done $0x0  }
0x29e: {  	s6 =	simm.s32 $0x1D80;
	[sflag:s21] =	ssyncadd.s32 $0xFFFFC000  }
0x29f: {  	[tilespmem:s26], [sflag:$0x3] =	stream.indirect.gather [hbm4b:s0+s25], $0x80, s6, s25, $0xb8;
	[tilespmem:$0x1EC00] =	vst v63  }
0x2a0: {  	_ =	swait.ge [sflag:s28], $0x4000  }
0x2a1: {  	[sflag:s28] =	ssyncset.done $0x0  }
0x2a2: {  	s9 =	simm.s32 $0x2900;
	[sflag:s28] =	ssyncadd.s32 $0xFFFFC000  }
0x2a3: {  	[spmem:s3] =	stream.indirect.scatter.add.f32 [tilespmem:s20], [sflag:$0x4], $0x80, s9, s25, $0xb8;
	[tilespmem:$0x1EC00] =	vst v63  }
0x2a4: {  	_ =	swait.ge [sflag:s21], $0x4000  }
0x2a5: {  	[sflag:s21] =	ssyncset.done $0x0  }
0x2a6: {  	s10 =	simm.s32 $0x1E00;
	[sflag:s21] =	ssyncadd.s32 $0xFFFFC000  }
0x2a7: {  	[tilespmem:s20], [sflag:$0x2] =	stream.indirect.gather [hbm4b:s0+s25], $0x80, s10, s25, $0xb8;
	[tilespmem:$0x1EC00] =	vst v63  }
0x2a8: {  	_ =	swait.ge [sflag:s30], $0x4000  }
0x2a9: {  	[sflag:s30] =	ssyncset.done $0x0  }
0x2aa: {  	s11 =	simm.s32 $0x2980;
	[sflag:s30] =	ssyncadd.s32 $0xFFFFC000  }
0x2ab: {  	[spmem:s3] =	stream.indirect.scatter.add.f32 [tilespmem:s26], [sflag:$0x4], $0x80, s11, s25, $0xb8;
	[tilespmem:$0x1EC00] =	vst v63  }
0x2ac: {  	_ =	swait.ge [sflag:s21], $0x4000  }
0x2ad: {  	[sflag:s21] =	ssyncset.done $0x0  }
0x2ae: {  	s6 =	simm.s32 $0x1E80;
	[sflag:s21] =	ssyncadd.s32 $0xFFFFC000  }
0x2af: {  	[tilespmem:s26], [sflag:$0x3] =	stream.indirect.gather [hbm4b:s0+s25], $0x80, s6, s25, $0xb8;
	[tilespmem:$0x1EC00] =	vst v63  }
0x2b0: {  	_ =	swait.ge [sflag:s28], $0x4000  }
0x2b1: {  	[sflag:s28] =	ssyncset.done $0x0  }
0x2b2: {  	s9 =	simm.s32 $0x2A00;
	[sflag:s28] =	ssyncadd.s32 $0xFFFFC000  }
0x2b3: {  	[spmem:s3] =	stream.indirect.scatter.add.f32 [tilespmem:s20], [sflag:$0x4], $0x80, s9, s25, $0xb8;
	[tilespmem:$0x1EC00] =	vst v63  }
0x2b4: {  	_ =	swait.ge [sflag:s21], $0x4000  }
0x2b5: {  	[sflag:s21] =	ssyncset.done $0x0  }
0x2b6: {  	s10 =	simm.s32 $0x1F00;
	[sflag:s21] =	ssyncadd.s32 $0xFFFFC000  }
0x2b7: {  	[tilespmem:s20], [sflag:$0x2] =	stream.indirect.gather [hbm4b:s0+s25], $0x80, s10, s25, $0xb8;
	[tilespmem:$0x1EC00] =	vst v63  }
0x2b8: {  	_ =	swait.ge [sflag:s30], $0x4000  }
0x2b9: {  	[sflag:s30] =	ssyncset.done $0x0  }
0x2ba: {  	s11 =	simm.s32 $0x2A80;
	[sflag:s30] =	ssyncadd.s32 $0xFFFFC000  }
0x2bb: {  	[spmem:s3] =	stream.indirect.scatter.add.f32 [tilespmem:s26], [sflag:$0x4], $0x80, s11, s25, $0xb8;
	[tilespmem:$0x1EC00] =	vst v63  }
0x2bc: {  	_ =	swait.ge [sflag:s21], $0x4000  }
0x2bd: {  	[sflag:s21] =	ssyncset.done $0x0  }
0x2be: {  	s6 =	simm.s32 $0x1F80;
	[sflag:s21] =	ssyncadd.s32 $0xFFFFC000  }
0x2bf: {  	[tilespmem:s26], [sflag:$0x3] =	stream.indirect.gather [hbm4b:s0+s25], $0x80, s6, s25, $0xb8;
	[tilespmem:$0x1EC00] =	vst v63  }
0x2c0: {  	_ =	swait.ge [sflag:s28], $0x4000  }
0x2c1: {  	[sflag:s28] =	ssyncset.done $0x0  }
0x2c2: {  	s9 =	simm.s32 $0x2B00;
	[sflag:s28] =	ssyncadd.s32 $0xFFFFC000  }
0x2c3: {  	[spmem:s3] =	stream.indirect.scatter.add.f32 [tilespmem:s20], [sflag:$0x4], $0x80, s9, s25, $0xb8;
	[tilespmem:$0x1EC00] =	vst v63  }
0x2c4: {  	_ =	swait.ge [sflag:s21], $0x4000  }
0x2c5: {  	[sflag:s21] =	ssyncset.done $0x0  }
0x2c6: {  	s10 =	simm.s32 $0x2000;
	[sflag:s21] =	ssyncadd.s32 $0xFFFFC000  }
0x2c7: {  	[tilespmem:s20], [sflag:$0x2] =	stream.indirect.gather [hbm4b:s0+s25], $0x80, s10, s25, $0xb8;
	[tilespmem:$0x1EC00] =	vst v63  }
0x2c8: {  	_ =	swait.ge [sflag:s30], $0x4000  }
0x2c9: {  	[sflag:s30] =	ssyncset.done $0x0  }
0x2ca: {  	s11 =	simm.s32 $0x2B80;
	[sflag:s30] =	ssyncadd.s32 $0xFFFFC000  }
0x2cb: {  	[spmem:s3] =	stream.indirect.scatter.add.f32 [tilespmem:s26], [sflag:$0x4], $0x80, s11, s25, $0xb8;
	[tilespmem:$0x1EC00] =	vst v63  }
0x2cc: {  	_ =	swait.ge [sflag:s21], $0x4000  }
0x2cd: {  	[sflag:s21] =	ssyncset.done $0x0  }
0x2ce: {  	s6 =	simm.s32 $0x2080;
	[sflag:s21] =	ssyncadd.s32 $0xFFFFC000  }
0x2cf: {  	[tilespmem:s26], [sflag:$0x3] =	stream.indirect.gather [hbm4b:s0+s25], $0x80, s6, s25, $0xb8;
	[tilespmem:$0x1EC00] =	vst v63  }
0x2d0: {  	_ =	swait.ge [sflag:s28], $0x4000  }
0x2d1: {  	[sflag:s28] =	ssyncset.done $0x0  }
0x2d2: {  	s9 =	simm.s32 $0x2C00;
	[sflag:s28] =	ssyncadd.s32 $0xFFFFC000  }
0x2d3: {  	[spmem:s3] =	stream.indirect.scatter.add.f32 [tilespmem:s20], [sflag:$0x4], $0x80, s9, s25, $0xb8;
	[tilespmem:$0x1EC00] =	vst v63  }
0x2d4: {  	_ =	swait.ge [sflag:s21], $0x4000  }
0x2d5: {  	[sflag:s21] =	ssyncset.done $0x0  }
0x2d6: {  	s10 =	simm.s32 $0x2100;
	[sflag:s21] =	ssyncadd.s32 $0xFFFFC000  }
0x2d7: {  	[tilespmem:s20], [sflag:$0x2] =	stream.indirect.gather [hbm4b:s0+s25], $0x80, s10, s25, $0xb8;
	[tilespmem:$0x1EC00] =	vst v63  }
0x2d8: {  	_ =	swait.ge [sflag:s30], $0x4000  }
0x2d9: {  	[sflag:s30] =	ssyncset.done $0x0  }
0x2da: {  	s11 =	simm.s32 $0x2C80;
	[sflag:s30] =	ssyncadd.s32 $0xFFFFC000  }
0x2db: {  	[spmem:s3] =	stream.indirect.scatter.add.f32 [tilespmem:s26], [sflag:$0x4], $0x80, s11, s25, $0xb8;
	[tilespmem:$0x1EC00] =	vst v63  }
0x2dc: {  	_ =	swait.ge [sflag:s21], $0x4000  }
0x2dd: {  	[sflag:s21] =	ssyncset.done $0x0  }
0x2de: {  	s6 =	simm.s32 $0x2180;
	[sflag:s21] =	ssyncadd.s32 $0xFFFFC000  }
0x2df: {  	[tilespmem:s26], [sflag:$0x3] =	stream.indirect.gather [hbm4b:s0+s25], $0x80, s6, s25, $0xb8;
	[tilespmem:$0x1EC00] =	vst v63  }
0x2e0: {  	_ =	swait.ge [sflag:s28], $0x4000  }
0x2e1: {  	[sflag:s28] =	ssyncset.done $0x0  }
0x2e2: {  	s9 =	simm.s32 $0x2D00;
	[sflag:s28] =	ssyncadd.s32 $0xFFFFC000  }
0x2e3: {  	[spmem:s3] =	stream.indirect.scatter.add.f32 [tilespmem:s20], [sflag:$0x4], $0x80, s9, s25, $0xb8;
	[tilespmem:$0x1EC00] =	vst v63  }
0x2e4: {  	_ =	swait.ge [sflag:s21], $0x4000  }
0x2e5: {  	[sflag:s21] =	ssyncset.done $0x0  }
0x2e6: {  	[sflag:s21] =	ssyncadd.s32 $0xFFFFC000  }
0x2e7: {  	_ =	swait.ge [sflag:s30], $0x4000  }
0x2e8: {  	[sflag:s30] =	ssyncset.done $0x0  }
0x2e9: {  	s10 =	simm.s32 $0x2D80;
	[sflag:s30] =	ssyncadd.s32 $0xFFFFC000  }
0x2ea: {  	[spmem:s3] =	stream.indirect.scatter.add.f32 [tilespmem:s26], [sflag:$0x4], $0x80, s10, s25, $0xb8;
	[tilespmem:$0x1EC00] =	vst v63  }
0x2eb: {  	_ =	swait.ge [sflag:s21], $0x4000  }
0x2ec: {  	[sflag:s21] =	ssyncset.done $0x0  }
0x2ed: {  	s11 =	stileid.u32;
	[sflag:s21] =	ssyncadd.s32 $0xFFFFC000  }
0x2ee: {  	s9 =	sshll.u32 s11, $0x6;
	[bflag:$0x0] =	sbarrier.arrive $0xFFFF  }
0x2ef: {  	s5 =	sshrl.u32 s2, $0x3;
	s9 =	sor.u32 $0x1C04, s9;
	s6 =	rddreg [dreg:$0x10]  }
0x2f0: {  	[hbm:s6], [sflag:s9] =	dma.local [spmem:s5], $0x2780  }
0x2f1: {  	_ =	swait.ge [sflag:s21], $0x2780  }
0x2f2: {  	s8 =	sadd.s32 $0x1, s8;
	s11 =	rddreg [dreg:$0x11]  }
0x2f3: {  	p0 =	sne.s32 s8, s11  }
.Ltmp1:
0x2f4: {  	_ = 	snop;
	(pc) =	sbr.rel @p0 .LBB2_1-.Ltmp1, $3  }
0x2f5: {  	_ =	sdelay $0x1  }
0x2f6: {  	[sflag:s21] =	ssyncset.done $0x0  }
0x2f7: {  	[sflag:s21] =	ssyncadd.s32 $0xFFFFD880  }
0x2f8: {  	_ =	sfence.sel $0x180000  }
0x2f9: {  	[bflag:$0x0] =	sbarrier.arrive $0xFFFF  }
0x2fa: {  	_ =	strace $0x9000004A  }
0x2fb: {  	s0 =	stileid.u32;
	[bflag:$0x2] =	sbarrier.arrive $0xFFFF  }
0x2fc: {  	p0 =	sne.s32 s0, $0x0;
	s0 =	rddreg [dreg:$0x3]  }
0x2fd: {  	s0 =	sadd.s32 @!p0 $0x100000, s0  }
0x2fe: {  	[sflag:s0] =	ssyncadd.tile.s32 @!p0 $0x1;
	_ =	shalt  }
.Lfunc_end2:
_tile_overlayer_lowered:
.L_overlay_start_2:
0x2ff: {  	(tag) =	ssettag $0x2  }
0x300: {  	s0 =	rddreg [dreg:$0x0];
	s2 =	stileid.u32  }
0x301: {  	s1 =	rddreg [dreg:$0x1];
	p0 =	sne.s32 s2, $0x0  }
0x302: {  	s3 =	rddreg [dreg:$0x2];
	[bflag:$0x3] =	sbarrier.arrive $0xFFFF;
	s2 =	simm.s32 @!p0 $0x1C04  }
0x303: {  	[timem:s3], [sflag:s2] =	dma.local @!p0 [hbm:s0], s1  }
0x304: {  	s0 =	simm.s32 @!p0 $0x4  }
0x305: {  	_ =	swait.ge @!p0 [sflag:s0], s1  }
0x306: {  	s1 =	ssub.s32 @!p0 $0x0, s1;
	[sflag:s0] =	ssyncset.done @!p0 $0x0  }
0x307: {  	[sflag:s0] =	ssyncadd.s32 @!p0 s1  }
0x308: {  	[bflag:$0x3] =	sbarrier.arrive $0xFFFF  }
0x309: {  	_ =	shalt  }

// kernel: kernel.9.cloned.1.call-start
scs
__scs_entry_jumppad:
0x0: {  	(pc) =	sbr.rel $0x88, $3  }
0x1: {  	(tag) =	ssettag $0x0;
	lr =	simm.s32 $0x1  }
0x2: {  	[smem:$0x3F8B] =	sst lr;
	_ =	strace $0xD0000000  }
0x3: {  	_ = 	snop  }
0x4: {  	_ = 	snop  }
0x5: {  	_ = 	snop  }
0x6: {  	_ = 	snop  }
0x7: {  	_ = 	snop  }
__scs_overlays_trampoline_lowered:
0x8: {  	[smem:$0x3F9A] =	sst s0  }
0x9: {  	[smem:$0x3F9B] =	sst s1  }
0xa: {  	[smem:$0x3F9C] =	sst s2  }
0xb: {  	[smem:$0x3F9D] =	sst s3  }
0xc: {  	[smem:$0x3F9E] =	sst s4  }
0xd: {  	[smem:$0x3F9F] =	sst s5  }
0xe: {  	[smem:$0x3FA0] =	sst s6  }
0xf: {  	[smem:$0x3FA1] =	sst s7  }
0x10: {  	[smem:$0x3FA2] =	sst s8  }
0x11: {  	[smem:$0x3FA3] =	sst s9;
	s0 =	simm.s32 @!p0 $0x0  }
0x12: {  	s1 =	sld [smem:$0x3F89];
	s0 =	simm.s32 @p0 $0x1  }
0x13: {  	[smem:$0x3FA4] =	sst s0;
	s0 =	simm.s32 @!p1 $0x0  }
0x14: {  	s2 =	sld [smem:$0x3F88];
	s0 =	simm.s32 @p1 $0x1  }
0x15: {  	[smem:$0x3FA5] =	sst s0;
	s0 =	simm.s32 @!p2 $0x0  }
0x16: {  	s3 =	sld [smem:$0x3FDB];
	s0 =	simm.s32 @p2 $0x1  }
0x17: {  	s4 =	simm.s32 $0x1BF5;
	[smem:$0x3FA7] =	sst s0  }
0x18: {  	s0 =	sld [smem:$0x3F8A];
	_ =	swait.ge [sflag:s4], $0x0  }
0x19: {  	s7 =	sld [smem:$0x3F8B]  }
0x1a: {  	s8 =	sadd.s32 $0xFFFFE003, lr  }
0x1b: {  	s9 =	sadd.s32 $0xFFFFFEF7, lr;
	s5 =	simm.s32 $0xFFFFFFFF;
	p2 =	slt.u32 s8, $0xFFFFF086  }
0x1c: {  	p1 =	slt.u32 s9, $0xF7A;
	s5 =	simm.s32 @!p2 $0x0  }
0x1d: {  	s5 =	simm.s32 @p1 $0x1;
	p0 =	seq.s32 s7, s2  }
0x1e: {  	s7 =	smul.u32 @!p0 $0xF7A, s2;
	p2 =	seq.s32 @!p0 s5, $0x0  }
0x1f: {  	s9 =	smul.u32 $0xF7A, s1;
	s8 =	simm.s32 @!p0 $0x1BF5;
	p2 =	por !p2, p0  }
0x20: {  	[sflag:s8] =	ssyncset.s32 @!p0 $0xFFFFF086;
	s6 =	sadd.s32 @!p0 s3, s7;
	s7 =	simm.s32 @!p0 $0x108  }
0x21: {  	s3 =	sadd.s32 s3, s9;
	s6 =	sadd.s32 @!p0 $0x88, s6;
	s7 =	simm.s32 @p2 $0x1082  }
0x22: {  	[simem:s7], [sflag:s8] =	dma.local @!p0 [hbm:s6], $0xF7A  }
0x23: {  	s9 =	sor.u32 $0xD0000000, s2;
	s6 =	simm.s32 $0x108;
	_ =	swait.ge @!p0 [sflag:s8], $0x0  }
0x24: {  	s3 =	sadd.s32 $0x88, s3;
	s6 =	simm.s32 @!p1 $0x1082;
	[sflag:s4] =	ssyncset.s32 $0xFFFFF086  }
0x25: {  	[simem:s6], [sflag:s4] =	dma.local [hbm:s3], $0xF7A  }
0x26: {  	[smem:$0x3F8B] =	sst s1;
	(tag) =	ssettag s2;
	_ =	strace s9  }
0x27: {  	s1 =	sld [smem:$0x3F9B]  }
0x28: {  	s2 =	sld [smem:$0x3F9C]  }
0x29: {  	s4 =	sld [smem:$0x3F9E]  }
0x2a: {  	p0 =	seq.s32 s5, $0x0;
	s5 =	sld [smem:$0x3F9F]  }
0x2b: {  	s6 =	sld [smem:$0x3FA0]  }
0x2c: {  	s7 =	sld [smem:$0x3FA1]  }
0x2d: {  	s3 =	simm.s32 $0x108;
	s8 =	sld [smem:$0x3FA2]  }
0x2e: {  	s3 =	simm.s32 @!p0 $0x1082;
	s9 =	sld [smem:$0x3FA3]  }
0x2f: {  	lr =	sadd.s32 s0, s3;
	s0 =	sld [smem:$0x3F9A]  }
0x30: {  	s3 =	sld [smem:$0x3F9D]  }
0x31: {  	[smem:$0x3FA6] =	sst s10  }
0x32: {  	s10 =	sld [smem:$0x3FA4];
	_ =	sdelay $0x3  }
0x33: {  	p0 =	seq.s32 s10, $0x1;
	s10 =	sld [smem:$0x3FA6];
	_ =	sdelay $0x3  }
0x34: {  	[smem:$0x3FA6] =	sst s10  }
0x35: {  	s10 =	sld [smem:$0x3FA5];
	_ =	sdelay $0x3  }
0x36: {  	p1 =	seq.s32 s10, $0x1;
	s10 =	sld [smem:$0x3FA6];
	_ =	sdelay $0x3  }
0x37: {  	[smem:$0x3FA6] =	sst s10  }
0x38: {  	s10 =	sld [smem:$0x3FA7]  }
0x39: {  	_ = 	snop;
	(pc) =	sbr.ind lr, $3  }
0x3a: {  	_ = 	snop  }
0x3b: {  	_ = 	snop  }
0x3c: {  	p2 =	seq.s32 s10, $0x1;
	s10 =	sld [smem:$0x3FA6]  }
0x3d: {  	_ =	shalt  }
0x3e: {  	_ =	shalt  }
0x3f: {  	_ =	shalt  }
0x40: {  	_ =	shalt  }
0x41: {  	_ =	shalt  }
0x42: {  	_ =	shalt  }
0x43: {  	_ =	shalt  }
0x44: {  	_ =	shalt  }
0x45: {  	_ =	shalt  }
0x46: {  	_ =	shalt  }
0x47: {  	_ =	shalt  }
0x48: {  	_ =	shalt  }
0x49: {  	_ =	shalt  }
0x4a: {  	_ =	shalt  }
0x4b: {  	_ =	shalt  }
0x4c: {  	_ =	shalt  }
0x4d: {  	_ =	shalt  }
0x4e: {  	_ =	shalt  }
0x4f: {  	_ =	shalt  }
0x50: {  	_ =	shalt  }
0x51: {  	_ =	shalt  }
0x52: {  	_ =	shalt  }
0x53: {  	_ =	shalt  }
0x54: {  	_ =	shalt  }
0x55: {  	_ =	shalt  }
0x56: {  	_ =	shalt  }
0x57: {  	_ =	shalt  }
0x58: {  	_ =	shalt  }
0x59: {  	_ =	shalt  }
0x5a: {  	_ =	shalt  }
0x5b: {  	_ =	shalt  }
0x5c: {  	_ =	shalt  }
0x5d: {  	_ =	shalt  }
0x5e: {  	_ =	shalt  }
0x5f: {  	_ =	shalt  }
0x60: {  	_ =	shalt  }
0x61: {  	_ =	shalt  }
0x62: {  	_ =	shalt  }
0x63: {  	_ =	shalt  }
0x64: {  	_ =	shalt  }
0x65: {  	_ =	shalt  }
0x66: {  	_ =	shalt  }
0x67: {  	_ =	shalt  }
0x68: {  	_ =	shalt  }
0x69: {  	_ =	shalt  }
0x6a: {  	_ =	shalt  }
0x6b: {  	_ =	shalt  }
0x6c: {  	_ =	shalt  }
0x6d: {  	_ =	shalt  }
0x6e: {  	_ =	shalt  }
0x6f: {  	_ =	shalt  }
0x70: {  	_ =	shalt  }
0x71: {  	_ =	shalt  }
0x72: {  	_ =	shalt  }
0x73: {  	_ =	shalt  }
0x74: {  	_ =	shalt  }
0x75: {  	_ =	shalt  }
0x76: {  	_ =	shalt  }
0x77: {  	_ =	shalt  }
0x78: {  	_ =	shalt  }
0x79: {  	_ =	shalt  }
0x7a: {  	_ =	shalt  }
0x7b: {  	_ =	shalt  }
0x7c: {  	_ =	shalt  }
0x7d: {  	_ =	shalt  }
0x7e: {  	_ =	shalt  }
0x7f: {  	_ =	shalt  }
0x80: {  	_ =	shalt  }
0x81: {  	_ =	shalt  }
0x82: {  	_ =	shalt  }
0x83: {  	_ =	shalt  }
0x84: {  	_ =	shalt  }
0x85: {  	_ =	shalt  }
0x86: {  	_ =	shalt  }
0x87: {  	_ =	shalt  }
.Lfunc_end0:
.L_simem_size_0:
called_computation_lowered:
.L_overlay_start_0:
0x88: {  	s2 =	sld [smem:$0x3FD9]  }
0x89: {  	s3 =	sld [smem:$0x3FFE];
	_ =	sdelay $0x1  }
0x8a: {  	s1 =	srdreg.scid  }
0x8b: {  	s0 =	sand.u32 $0x1, s1  }
0x8c: {  	s17 =	sshll.u32 s0, $0xA;
	s2 =	sadd.s32 s3, s2  }
0x8d: {  	s2 =	sadd.s32 s2, s17  }
0x8e: {  	[smem:$0x3FB2] =	sst s2  }
0x8f: {  	_ = 	snop  }
0x90: {  	s2 =	sld [smem:$0x3FD0];
	(tm) =	ssettm $0x1  }
0x91: {  	s18 =	sld [smem:$0x3FFB];
	_ =	sdelay $0x3  }
0x92: {  	_ =	strace s18  }
0x93: {  	s3 =	sld [smem:$0x3FFC];
	_ =	sdelay $0x3  }
0x94: {  	_ =	strace s3  }
0x95: {  	s3 =	sld [smem:$0x3FFD];
	_ =	sdelay $0x3  }
0x96: {  	_ =	strace s3  }
0x97: {  	_ =	strace $0x8FFFFFFF  }
0x98: {  	s19 =	sld [smem:$0x3FDB];
	_ =	sdelay $0x1  }
0x99: {  	s4 =	simm.s32 $_scs_section_size  }
0x9a: {  	s5 =	simm.s32 $_size__tile_overlayer_lowered;
	s6 =	simm.s32 $_tile_overlayer_lowered  }
0x9b: {  	s22 =	simm.s32 $0x1BFF;
	s21 =	sshll.u32 s6, $0x1;
	s3 =	sadd.s32 s4, s19  }
0x9c: {  	s7 =	simm.s32 $0x0;
	s20 =	sshll.u32 s5, $0x1;
	s5 =	sadd.s32 s21, s3  }
0x9d: {  	[timem:s7], [sflag:s22] =	dma.local [hbm:s5], s20  }
0x9e: {  	_ =	swait.ge [sflag:s22], s20  }
0x9f: {  	s4 =	ssub.s32 $0x0, s20;
	[sflag:s22] =	ssyncset.done $0x0  }
0xa0: {  	[sflag:s22] =	ssyncadd.s32 s4;
	_ =	sdelay $0x1  }
0xa1: {  	s23 =	simm.s32 $0x1B8B  }
0xa2: {  	_ =	swait.ge [sflag:s23], $0x1  }
0xa3: {  	[sflag:s23] =	ssyncset.done $0x0  }
0xa4: {  	s25 =	simm.s32 $0x1B8E;
	s24 =	sld [smem:$0x3FFE];
	[sflag:s23] =	ssyncadd.s32 $0xFFFFFFFF  }
0xa5: {  	s26 =	simm.s32 $execute0_lowered;
	[smem:$0x3FD2] =	sst s25  }
0xa6: {  	s5 =	sshll.u32 s26, $0x1;
	_ =	strace $0x80000046;
	[dreg:$0x1] =	wrdreg $0xFFFFFFFF  }
0xa7: {  	s28 =	simm.s32 $_size_execute0_lowered;
	s3 =	sadd.s32 s3, s5;
	[dreg:$0x0] =	wrdreg $0x0  }
0xa8: {  	s5 =	sshll.u32 s28, $0x1;
	[dreg:$0x2] =	wrdreg s3  }
0xa9: {  	[dreg:$0x3] =	wrdreg s5  }
0xaa: {  	[dreg:$0x4] =	wrdreg $0xC0  }
0xab: {  	_ =	task [dreg:s7], $0x5FFFF  }
0xac: {  	[dreg:$0x1] =	wrdreg $0xFFFFFFFF  }
0xad: {  	[dreg:$0x0] =	wrdreg $0x60  }
0xae: {  	[dreg:$0x2] =	wrdreg s2  }
0xaf: {  	[dreg:$0x3] =	wrdreg s24  }
0xb0: {  	[dreg:$0x4] =	wrdreg $0xB0000  }
0xb1: {  	[dreg:$0x5] =	wrdreg $0x9  }
0xb2: {  	_ =	task.clear_ibuf [dreg:s7], $0x6FFFF;
	_ =	strace $0x90000046  }
0xb3: {  	s29 =	simm.s32 $0x9;
	_ =	strace $0x80000048  }
0xb4: {  	_ =	swait.ge [sflag:s29], $0x1  }
0xb5: {  	[sflag:s29] =	ssyncadd.s32 $0xFFFFFFFF  }
0xb6: {  	_ =	strace $0x90000048  }
0xb7: {  	_ =	sfence  }
0xb8: {  	s30 =	sld [smem:$0x0];
	_ =	sdelay $0x2  }
0xb9: {  	s31 =	sshll.u32 s1, $0xD;
	s1 =	sshrl.u32 s1, $0x2  }
0xba: {  	s3 =	sand.u32 $0x4000, s31;
	s1 =	sadd.s32 s1, s30  }
0xbb: {  	s0 =	sor.u32 s3, s0;
	s1 =	sshll.u32 s1, $0x11  }
0xbc: {  	s0 =	sor.u32 s1, s0  }
0xbd: {  	s0 =	sadd.s32 $0x8F2B, s0  }
0xbe: {  	[sflag:s0] =	ssyncadd.remote.s32 $0x1  }
0xbf: {  	_ =	sfence.sel $0xFFFF  }
0xc0: {  	[dreg:$0x0] =	wrdreg $0xFFFFFFFF;
	(pc) =	sbr.abs _section_cstart, $3  }
0xc1: {  	[dreg:$0x1] =	wrdreg $0xFFFFFFFF  }
0xc2: {  	_ =	task.clear_ibuf [dreg:s7], $0x2FFFF;
	_ =	strace $0x9FFFFFFF  }
0xc3: {  	(tm) =	ssettm $0x7FFFFFFF  }
tec
execute0_lowered:
.L_overlay_start_1:
0x0: {  	(tag) =	ssettag $0x1  }
0x1: {  	s0 =	rddreg [dreg:$0x0]  }
0x2: {  	s1 =	rddreg [dreg:$0x1];
	s2 =	srdreg.scid  }
0x3: {  	s3 =	rddreg [dreg:$0x2];
	s9 =	stileid.u32  }
0x4: {  	s4 =	simm.s32 $0x0;
	s28 =	simm.s32 $0x2;
	s30 =	simm.s32 $0x3  }
0x5: {  	s29 =	simm.s32 $0x1C00;
	s31 =	simm.s32 $0x2780;
	s6 =	smul.u32 $0x13C00, s9  }
0x6: {  	s2 =	sand.u32 $0x1, s2;
	[smem:$0x7FF] =	sst s4;
	s7 =	smul.u32 $0x4F000, s9  }
0x7: {  	s12 =	sadd.s32 $0x4E00, s1;
	s8 =	sadd.s32 $0x10E00, s1;
	s5 =	smul.u32 $0x13C000, s2  }
0x8: {  	_ =	strace $0x80000047;
	s13 =	sshll.u32 s2, $0x4;
	s2 =	ssub.s32 $0x2, s2  }
0x9: {  	s9 =	sor.u32 s9, s13;
	s14 =	sshrl.u32 s7, $0x2;
	s15 =	sshrl.u32 s2, $0x1  }
0xa: {  	s13 =	simm.s32 $0x1A00;
	s5 =	sadd.s32 s6, s5;
	s9 =	smul.u32 $0x3000, s9  }
0xb: {  	s2 =	ssub.s32 s2, s15;
	s15 =	simm.s32 $0x1A80;
	s5 =	sshrl.u32 s5, $0x3  }
0xc: {  	s26 =	smax.u32 s2, $0x1;
	s1 =	sadd.s32 s5, s1;
	s5 =	sadd.s32 s14, s3  }
0xd: {  	s20 =	sshrl.u32 s9, $0x3;
	[dreg:$0x11] =	wrdreg s26;
	s26 =	simm.s32 $0x7000  }
0xe: {  	s14 =	simm.s32 $0x2580;
	s16 =	sadd.s32 $0x4000, s5;
	[dreg:$0x12] =	wrdreg s5  }
0xf: {  	s17 =	sadd.s32 $0x8000, s5;
	s18 =	sadd.s32 $0xC000, s5;
	[dreg:$0x4] =	wrdreg s16  }
0x10: {  	s19 =	sadd.s32 $0x10000, s5;
	s9 =	sadd.s32 s12, s20;
	[dreg:$0x5] =	wrdreg s17  }
0x11: {  	s21 =	sadd.s32 s8, s20;
	s22 =	sor.u32 $0x180, s20;
	[dreg:$0x6] =	wrdreg s18  }
0x12: {  	s23 =	sadd.s32 $0x300, s20;
	s7 =	sadd.s32 $0x480, s20;
	[dreg:$0x7] =	wrdreg s19  }
0x13: {  	s1 =	sadd.s32 $0x1CE00, s1;
	s20 =	simm.s32 $0x3000;
	[dreg:$0x8] =	wrdreg s9  }
0x14: {  	[dreg:$0x9] =	wrdreg s21;
	s10 =	sadd.s32 s12, s22;
	s9 =	sadd.s32 s8, s22  }
0x15: {  	s24 =	sadd.s32 s12, s23;
	s6 =	sadd.s32 s12, s7;
	s25 =	sadd.s32 s8, s7  }
0x16: {  	[dreg:$0x10] =	wrdreg s1;
	s21 =	simm.s32 $0x4;
	s1 =	simm.s32 $0x1  }
0x17: {  	s7 =	simm.s32 $0x1900;
	s12 =	simm.s32 $0x2500;
	[dreg:$0xa] =	wrdreg s10  }
0x18: {  	s16 =	simm.s32 $0x2600;
	s17 =	simm.s32 $0x1B00;
	[dreg:$0xb] =	wrdreg s9  }
0x19: {  	s18 =	simm.s32 $0x2680;
	s19 =	simm.s32 $0x1B80;
	[dreg:$0xc] =	wrdreg s24  }
0x1a: {  	s22 =	simm.s32 $0x2700;
	s9 =	sadd.s32 s8, s23;
	[dreg:$0xe] =	wrdreg s6  }
0x1b: {  	[dreg:$0xf] =	wrdreg s25;
	s25 =	simm.s32 $0x80;
	s8 =	simm.s32 $0x0  }
0x1c: {  	v0 =	vimm.f32 $0.0e+00;
	s23 =	simm.s32 $0xC00;
	s24 =	simm.s32 $0x1800;
	[dreg:$0xd] =	wrdreg s9  }
.LBB2_1:
0x1d: {  	s9 =	simm.s32 $0x0;
	s10 =	simm.s32 $0x200  }
.LBB2_2:
0x1e: {  	p0 =	sne.s32 s10, $0xFE00;
	[tilespmem:s9+$0x3070] =	vst v0  }
0x1f: {  	[tilespmem:s9+$0x3000] =	vst v0  }
0x20: {  	[tilespmem:s9+$0x3010] =	vst v0  }
.Ltmp0:
0x21: {  	[tilespmem:s9+$0x3020] =	vst v0;
	(pc) =	sbr.rel @p0 .LBB2_2-.Ltmp0, $4  }
0x22: {  	[tilespmem:s9+$0x3030] =	vst v0  }
0x23: {  	[tilespmem:s9+$0x3040] =	vst v0  }
0x24: {  	[tilespmem:s9+$0x3050] =	vst v0  }
0x25: {  	[tilespmem:s9+$0x3060] =	vst v0;
	s9 =	sshra.s32 s10, $0x2;
	s10 =	sadd.s32 $0x200, s10  }
0x26: {  	[tilespmem:s9+$0x3070] =	vst v0  }
0x27: {  	[tilespmem:s9+$0x3000] =	vst v0  }
0x28: {  	[tilespmem:s9+$0x3010] =	vst v0  }
0x29: {  	[tilespmem:s9+$0x3020] =	vst v0  }
0x2a: {  	[tilespmem:s9+$0x3030] =	vst v0  }
0x2b: {  	[tilespmem:s9+$0x3040] =	vst v0  }
0x2c: {  	[tilespmem:s9+$0x3050] =	vst v0  }
0x2d: {  	[tilespmem:s9+$0x3060] =	vst v0;
	s2 =	rddreg [dreg:$0x12]  }
0x2e: {  	[spmem:s2] =	stream.linear.scatter [tilespmem:s20], [sflag:$0x4], $0x4000, $0x38;
	[tilespmem:$0x1EC00] =	vst v63  }
0x2f: {  	_ =	swait.ge [sflag:s21], $0x4000  }
0x30: {  	[sflag:s21] =	ssyncset.done $0x0  }
0x31: {  	s10 =	rddreg [dreg:$0x4];
	[sflag:s21] =	ssyncadd.s32 $0xFFFFC000  }
0x32: {  	[spmem:s10] =	stream.linear.scatter [tilespmem:s20], [sflag:$0x4], $0x4000, $0x38;
	[tilespmem:$0x1EC00] =	vst v63  }
0x33: {  	_ =	swait.ge [sflag:s21], $0x4000  }
0x34: {  	[sflag:s21] =	ssyncset.done $0x0  }
0x35: {  	s11 =	rddreg [dreg:$0x5];
	[sflag:s21] =	ssyncadd.s32 $0xFFFFC000  }
0x36: {  	[spmem:s11] =	stream.linear.scatter [tilespmem:s20], [sflag:$0x4], $0x4000, $0x38;
	[tilespmem:$0x1EC00] =	vst v63  }
0x37: {  	_ =	swait.ge [sflag:s21], $0x4000  }
0x38: {  	[sflag:s21] =	ssyncset.done $0x0  }
0x39: {  	s5 =	rddreg [dreg:$0x6];
	[sflag:s21] =	ssyncadd.s32 $0xFFFFC000  }
0x3a: {  	[spmem:s5] =	stream.linear.scatter [tilespmem:s20], [sflag:$0x4], $0x4000, $0x38;
	[tilespmem:$0x1EC00] =	vst v63  }
0x3b: {  	_ =	swait.ge [sflag:s21], $0x4000  }
0x3c: {  	[sflag:s21] =	ssyncset.done $0x0  }
0x3d: {  	s6 =	rddreg [dreg:$0x7];
	[sflag:s21] =	ssyncadd.s32 $0xFFFFC000  }
0x3e: {  	[spmem:s6] =	stream.linear.scatter [tilespmem:s20], [sflag:$0x4], $0x3C00, $0x38;
	[tilespmem:$0x1EC00] =	vst v63  }
0x3f: {  	_ =	swait.ge [sflag:s21], $0x3C00  }
0x40: {  	[sflag:s21] =	ssyncset.done $0x0  }
0x41: {  	s10 =	rddreg [dreg:$0x8];
	[sflag:s21] =	ssyncadd.s32 $0xFFFFC400  }
0x42: {  	[tilespmem:s4], [sflag:$0x4] =	stream.linear.gather [hbm4b:s10+s4], $0xA00, $0x38;
	[tilespmem:$0x1EC00] =	vst v63  }
0x43: {  	_ =	swait.ge [sflag:s21], $0xA00  }
0x44: {  	[sflag:s21] =	ssyncset.done $0x0  }
0x45: {  	s11 =	rddreg [dreg:$0x9];
	[sflag:s21] =	ssyncadd.s32 $0xFFFFF600  }
0x46: {  	[tilespmem:s23], [sflag:$0x4] =	stream.linear.gather [hbm4b:s11+s4], $0xA00, $0x38;
	[tilespmem:$0x1EC00] =	vst v63  }
0x47: {  	_ =	swait.ge [sflag:s21], $0xA00  }
0x48: {  	[sflag:s21] =	ssyncset.done $0x0  }
0x49: {  	[sflag:s21] =	ssyncadd.s32 $0xFFFFF600  }
0x4a: {  	[bflag:$0x0] =	sbarrier.arrive $0xFFFF  }
0x4b: {  	s5 =	rddreg [dreg:$0xa]  }
0x4c: {  	[tilespmem:s24], [sflag:$0x1] =	stream.linear.gather [hbm4b:s5+s4], $0xA00, $0x38;
	[tilespmem:$0x1EC00] =	vst v63  }
0x4d: {  	s6 =	rddreg [dreg:$0xb];
	s5 =	simm.s32 $0x2400  }
0x4e: {  	[tilespmem:s5], [sflag:$0x1] =	stream.linear.gather [hbm4b:s6+s4], $0xA00, $0x38;
	[tilespmem:$0x1EC00] =	vst v63  }
0x4f: {  	_ = 	snop  }
0x50: {  	[tilespmem:s20], [sflag:$0x2] =	stream.indirect.gather [hbm4b:s0+s25], $0x80, s4, s25, $0xb8;
	[tilespmem:$0x1EC00] =	vst v63  }
0x51: {  	_ = 	snop  }
0x52: {  	[tilespmem:s26], [sflag:$0x3] =	stream.indirect.gather [hbm4b:s0+s25], $0x80, s25, s25, $0xb8;
	[tilespmem:$0x1EC00] =	vst v63  }
0x53: {  	_ =	swait.ge [sflag:s28], $0x4000  }
0x54: {  	[sflag:s28] =	ssyncset.done $0x0  }
0x55: {  	[sflag:s28] =	ssyncadd.s32 $0xFFFFC000  }
0x56: {  	[spmem:s3] =	stream.indirect.scatter.add.f32 [tilespmem:s20], [sflag:$0x4], $0x80, s23, s25, $0xb8;
	[tilespmem:$0x1EC00] =	vst v63  }
0x57: {  	_ =	swait.ge [sflag:s21], $0x4000  }
0x58: {  	[sflag:s21] =	ssyncset.done $0x0  }
0x59: {  	s6 =	simm.s32 $0x100;
	[sflag:s21] =	ssyncadd.s32 $0xFFFFC000  }
0x5a: {  	[tilespmem:s20], [sflag:$0x2] =	stream.indirect.gather [hbm4b:s0+s25], $0x80, s6, s25, $0xb8;
	[tilespmem:$0x1EC00] =	vst v63  }
0x5b: {  	_ =	swait.ge [sflag:s30], $0x4000  }
0x5c: {  	[sflag:s30] =	ssyncset.done $0x0  }
0x5d: {  	s10 =	simm.s32 $0xC80;
	[sflag:s30] =	ssyncadd.s32 $0xFFFFC000  }
0x5e: {  	[spmem:s3] =	stream.indirect.scatter.add.f32 [tilespmem:s26], [sflag:$0x4], $0x80, s10, s25, $0xb8;
	[tilespmem:$0x1EC00] =	vst v63  }
0x5f: {  	_ =	swait.ge [sflag:s21], $0x4000  }
0x60: {  	[sflag:s21] =	ssyncset.done $0x0  }
0x61: {  	s11 =	simm.s32 $0x180;
	[sflag:s21] =	ssyncadd.s32 $0xFFFFC000  }
0x62: {  	[tilespmem:s26], [sflag:$0x3] =	stream.indirect.gather [hbm4b:s0+s25], $0x80, s11, s25, $0xb8;
	[tilespmem:$0x1EC00] =	vst v63  }
0x63: {  	_ =	swait.ge [sflag:s28], $0x4000  }
0x64: {  	[sflag:s28] =	ssyncset.done $0x0  }
0x65: {  	s9 =	simm.s32 $0xD00;
	[sflag:s28] =	ssyncadd.s32 $0xFFFFC000  }
0x66: {  	[spmem:s3] =	stream.indirect.scatter.add.f32 [tilespmem:s20], [sflag:$0x4], $0x80, s9, s25, $0xb8;
	[tilespmem:$0x1EC00] =	vst v63  }
0x67: {  	_ =	swait.ge [sflag:s21], $0x4000  }
0x68: {  	[sflag:s21] =	ssyncset.done $0x0  }
0x69: {  	s10 =	simm.s32 $0x200;
	[sflag:s21] =	ssyncadd.s32 $0xFFFFC000  }
0x6a: {  	[tilespmem:s20], [sflag:$0x2] =	stream.indirect.gather [hbm4b:s0+s25], $0x80, s10, s25, $0xb8;
	[tilespmem:$0x1EC00] =	vst v63  }
0x6b: {  	_ =	swait.ge [sflag:s30], $0x4000  }
0x6c: {  	[sflag:s30] =	ssyncset.done $0x0  }
0x6d: {  	s11 =	simm.s32 $0xD80;
	[sflag:s30] =	ssyncadd.s32 $0xFFFFC000  }
0x6e: {  	[spmem:s3] =	stream.indirect.scatter.add.f32 [tilespmem:s26], [sflag:$0x4], $0x80, s11, s25, $0xb8;
	[tilespmem:$0x1EC00] =	vst v63  }
0x6f: {  	_ =	swait.ge [sflag:s21], $0x4000  }
0x70: {  	[sflag:s21] =	ssyncset.done $0x0  }
0x71: {  	s9 =	simm.s32 $0x280;
	[sflag:s21] =	ssyncadd.s32 $0xFFFFC000  }
0x72: {  	[tilespmem:s26], [sflag:$0x3] =	stream.indirect.gather [hbm4b:s0+s25], $0x80, s9, s25, $0xb8;
	[tilespmem:$0x1EC00] =	vst v63  }
0x73: {  	_ =	swait.ge [sflag:s28], $0x4000  }
0x74: {  	[sflag:s28] =	ssyncset.done $0x0  }
0x75: {  	s10 =	simm.s32 $0xE00;
	[sflag:s28] =	ssyncadd.s32 $0xFFFFC000  }
0x76: {  	[spmem:s3] =	stream.indirect.scatter.add.f32 [tilespmem:s20], [sflag:$0x4], $0x80, s10, s25, $0xb8;
	[tilespmem:$0x1EC00] =	vst v63  }
0x77: {  	_ =	swait.ge [sflag:s21], $0x4000  }
0x78: {  	[sflag:s21] =	ssyncset.done $0x0  }
0x79: {  	s11 =	simm.s32 $0x300;
	[sflag:s21] =	ssyncadd.s32 $0xFFFFC000  }
0x7a: {  	[tilespmem:s20], [sflag:$0x2] =	stream.indirect.gather [hbm4b:s0+s25], $0x80, s11, s25, $0xb8;
	[tilespmem:$0x1EC00] =	vst v63  }
0x7b: {  	_ =	swait.ge [sflag:s30], $0x4000  }
0x7c: {  	[sflag:s30] =	ssyncset.done $0x0  }
0x7d: {  	s9 =	simm.s32 $0xE80;
	[sflag:s30] =	ssyncadd.s32 $0xFFFFC000  }
0x7e: {  	[spmem:s3] =	stream.indirect.scatter.add.f32 [tilespmem:s26], [sflag:$0x4], $0x80, s9, s25, $0xb8;
	[tilespmem:$0x1EC00] =	vst v63  }
0x7f: {  	_ =	swait.ge [sflag:s21], $0x4000  }
0x80: {  	[sflag:s21] =	ssyncset.done $0x0  }
0x81: {  	s10 =	simm.s32 $0x380;
	[sflag:s21] =	ssyncadd.s32 $0xFFFFC000  }
0x82: {  	[tilespmem:s26], [sflag:$0x3] =	stream.indirect.gather [hbm4b:s0+s25], $0x80, s10, s25, $0xb8;
	[tilespmem:$0x1EC00] =	vst v63  }
0x83: {  	_ =	swait.ge [sflag:s28], $0x4000  }
0x84: {  	[sflag:s28] =	ssyncset.done $0x0  }
0x85: {  	s11 =	simm.s32 $0xF00;
	[sflag:s28] =	ssyncadd.s32 $0xFFFFC000  }
0x86: {  	[spmem:s3] =	stream.indirect.scatter.add.f32 [tilespmem:s20], [sflag:$0x4], $0x80, s11, s25, $0xb8;
	[tilespmem:$0x1EC00] =	vst v63  }
0x87: {  	_ =	swait.ge [sflag:s21], $0x4000  }
0x88: {  	[sflag:s21] =	ssyncset.done $0x0  }
0x89: {  	s9 =	simm.s32 $0x400;
	[sflag:s21] =	ssyncadd.s32 $0xFFFFC000  }
0x8a: {  	[tilespmem:s20], [sflag:$0x2] =	stream.indirect.gather [hbm4b:s0+s25], $0x80, s9, s25, $0xb8;
	[tilespmem:$0x1EC00] =	vst v63  }
0x8b: {  	_ =	swait.ge [sflag:s30], $0x4000  }
0x8c: {  	[sflag:s30] =	ssyncset.done $0x0  }
0x8d: {  	s10 =	simm.s32 $0xF80;
	[sflag:s30] =	ssyncadd.s32 $0xFFFFC000  }
0x8e: {  	[spmem:s3] =	stream.indirect.scatter.add.f32 [tilespmem:s26], [sflag:$0x4], $0x80, s10, s25, $0xb8;
	[tilespmem:$0x1EC00] =	vst v63  }
0x8f: {  	_ =	swait.ge [sflag:s21], $0x4000  }
0x90: {  	[sflag:s21] =	ssyncset.done $0x0  }
0x91: {  	s11 =	simm.s32 $0x480;
	[sflag:s21] =	ssyncadd.s32 $0xFFFFC000  }
0x92: {  	[tilespmem:s26], [sflag:$0x3] =	stream.indirect.gather [hbm4b:s0+s25], $0x80, s11, s25, $0xb8;
	[tilespmem:$0x1EC00] =	vst v63  }
0x93: {  	_ =	swait.ge [sflag:s28], $0x4000  }
0x94: {  	[sflag:s28] =	ssyncset.done $0x0  }
0x95: {  	s9 =	simm.s32 $0x1000;
	[sflag:s28] =	ssyncadd.s32 $0xFFFFC000  }
0x96: {  	[spmem:s3] =	stream.indirect.scatter.add.f32 [tilespmem:s20], [sflag:$0x4], $0x80, s9, s25, $0xb8;
	[tilespmem:$0x1EC00] =	vst v63  }
0x97: {  	_ =	swait.ge [sflag:s21], $0x4000  }
0x98: {  	[sflag:s21] =	ssyncset.done $0x0  }
0x99: {  	s10 =	simm.s32 $0x500;
	[sflag:s21] =	ssyncadd.s32 $0xFFFFC000  }
0x9a: {  	[tilespmem:s20], [sflag:$0x2] =	stream.indirect.gather [hbm4b:s0+s25], $0x80, s10, s25, $0xb8;
	[tilespmem:$0x1EC00] =	vst v63  }
0x9b: {  	_ =	swait.ge [sflag:s30], $0x4000  }
0x9c: {  	[sflag:s30] =	ssyncset.done $0x0  }
0x9d: {  	s11 =	simm.s32 $0x1080;
	[sflag:s30] =	ssyncadd.s32 $0xFFFFC000  }
0x9e: {  	[spmem:s3] =	stream.indirect.scatter.add.f32 [tilespmem:s26], [sflag:$0x4], $0x80, s11, s25, $0xb8;
	[tilespmem:$0x1EC00] =	vst v63  }
0x9f: {  	_ =	swait.ge [sflag:s21], $0x4000  }
0xa0: {  	[sflag:s21] =	ssyncset.done $0x0  }
0xa1: {  	s9 =	simm.s32 $0x580;
	[sflag:s21] =	ssyncadd.s32 $0xFFFFC000  }
0xa2: {  	[tilespmem:s26], [sflag:$0x3] =	stream.indirect.gather [hbm4b:s0+s25], $0x80, s9, s25, $0xb8;
	[tilespmem:$0x1EC00] =	vst v63  }
0xa3: {  	_ =	swait.ge [sflag:s28], $0x4000  }
0xa4: {  	[sflag:s28] =	ssyncset.done $0x0  }
0xa5: {  	s10 =	simm.s32 $0x1100;
	[sflag:s28] =	ssyncadd.s32 $0xFFFFC000  }
0xa6: {  	[spmem:s3] =	stream.indirect.scatter.add.f32 [tilespmem:s20], [sflag:$0x4], $0x80, s10, s25, $0xb8;
	[tilespmem:$0x1EC00] =	vst v63  }
0xa7: {  	_ =	swait.ge [sflag:s21], $0x4000  }
0xa8: {  	[sflag:s21] =	ssyncset.done $0x0  }
0xa9: {  	s11 =	simm.s32 $0x600;
	[sflag:s21] =	ssyncadd.s32 $0xFFFFC000  }
0xaa: {  	[tilespmem:s20], [sflag:$0x2] =	stream.indirect.gather [hbm4b:s0+s25], $0x80, s11, s25, $0xb8;
	[tilespmem:$0x1EC00] =	vst v63  }
0xab: {  	_ =	swait.ge [sflag:s30], $0x4000  }
0xac: {  	[sflag:s30] =	ssyncset.done $0x0  }
0xad: {  	s9 =	simm.s32 $0x1180;
	[sflag:s30] =	ssyncadd.s32 $0xFFFFC000  }
0xae: {  	[spmem:s3] =	stream.indirect.scatter.add.f32 [tilespmem:s26], [sflag:$0x4], $0x80, s9, s25, $0xb8;
	[tilespmem:$0x1EC00] =	vst v63  }
0xaf: {  	_ =	swait.ge [sflag:s21], $0x4000  }
0xb0: {  	[sflag:s21] =	ssyncset.done $0x0  }
0xb1: {  	s10 =	simm.s32 $0x680;
	[sflag:s21] =	ssyncadd.s32 $0xFFFFC000  }
0xb2: {  	[tilespmem:s26], [sflag:$0x3] =	stream.indirect.gather [hbm4b:s0+s25], $0x80, s10, s25, $0xb8;
	[tilespmem:$0x1EC00] =	vst v63  }
0xb3: {  	_ =	swait.ge [sflag:s28], $0x4000  }
0xb4: {  	[sflag:s28] =	ssyncset.done $0x0  }
0xb5: {  	s11 =	simm.s32 $0x1200;
	[sflag:s28] =	ssyncadd.s32 $0xFFFFC000  }
0xb6: {  	[spmem:s3] =	stream.indirect.scatter.add.f32 [tilespmem:s20], [sflag:$0x4], $0x80, s11, s25, $0xb8;
	[tilespmem:$0x1EC00] =	vst v63  }
0xb7: {  	_ =	swait.ge [sflag:s21], $0x4000  }
0xb8: {  	[sflag:s21] =	ssyncset.done $0x0  }
0xb9: {  	s9 =	simm.s32 $0x700;
	[sflag:s21] =	ssyncadd.s32 $0xFFFFC000  }
0xba: {  	[tilespmem:s20], [sflag:$0x2] =	stream.indirect.gather [hbm4b:s0+s25], $0x80, s9, s25, $0xb8;
	[tilespmem:$0x1EC00] =	vst v63  }
0xbb: {  	_ =	swait.ge [sflag:s30], $0x4000  }
0xbc: {  	[sflag:s30] =	ssyncset.done $0x0  }
0xbd: {  	s10 =	simm.s32 $0x1280;
	[sflag:s30] =	ssyncadd.s32 $0xFFFFC000  }
0xbe: {  	[spmem:s3] =	stream.indirect.scatter.add.f32 [tilespmem:s26], [sflag:$0x4], $0x80, s10, s25, $0xb8;
	[tilespmem:$0x1EC00] =	vst v63  }
0xbf: {  	_ =	swait.ge [sflag:s21], $0x4000  }
0xc0: {  	[sflag:s21] =	ssyncset.done $0x0  }
0xc1: {  	s11 =	simm.s32 $0x780;
	[sflag:s21] =	ssyncadd.s32 $0xFFFFC000  }
0xc2: {  	[tilespmem:s26], [sflag:$0x3] =	stream.indirect.gather [hbm4b:s0+s25], $0x80, s11, s25, $0xb8;
	[tilespmem:$0x1EC00] =	vst v63  }
0xc3: {  	_ =	swait.ge [sflag:s28], $0x4000  }
0xc4: {  	[sflag:s28] =	ssyncset.done $0x0  }
0xc5: {  	s9 =	simm.s32 $0x1300;
	[sflag:s28] =	ssyncadd.s32 $0xFFFFC000  }
0xc6: {  	[spmem:s3] =	stream.indirect.scatter.add.f32 [tilespmem:s20], [sflag:$0x4], $0x80, s9, s25, $0xb8;
	[tilespmem:$0x1EC00] =	vst v63  }
0xc7: {  	_ =	swait.ge [sflag:s21], $0x4000  }
0xc8: {  	[sflag:s21] =	ssyncset.done $0x0  }
0xc9: {  	s10 =	simm.s32 $0x800;
	[sflag:s21] =	ssyncadd.s32 $0xFFFFC000  }
0xca: {  	[tilespmem:s20], [sflag:$0x2] =	stream.indirect.gather [hbm4b:s0+s25], $0x80, s10, s25, $0xb8;
	[tilespmem:$0x1EC00] =	vst v63  }
0xcb: {  	_ =	swait.ge [sflag:s30], $0x4000  }
0xcc: {  	[sflag:s30] =	ssyncset.done $0x0  }
0xcd: {  	s11 =	simm.s32 $0x1380;
	[sflag:s30] =	ssyncadd.s32 $0xFFFFC000  }
0xce: {  	[spmem:s3] =	stream.indirect.scatter.add.f32 [tilespmem:s26], [sflag:$0x4], $0x80, s11, s25, $0xb8;
	[tilespmem:$0x1EC00] =	vst v63  }
0xcf: {  	_ =	swait.ge [sflag:s21], $0x4000  }
0xd0: {  	[sflag:s21] =	ssyncset.done $0x0  }
0xd1: {  	s9 =	simm.s32 $0x880;
	[sflag:s21] =	ssyncadd.s32 $0xFFFFC000  }
0xd2: {  	[tilespmem:s26], [sflag:$0x3] =	stream.indirect.gather [hbm4b:s0+s25], $0x80, s9, s25, $0xb8;
	[tilespmem:$0x1EC00] =	vst v63  }
0xd3: {  	_ =	swait.ge [sflag:s28], $0x4000  }
0xd4: {  	[sflag:s28] =	ssyncset.done $0x0  }
0xd5: {  	s10 =	simm.s32 $0x1400;
	[sflag:s28] =	ssyncadd.s32 $0xFFFFC000  }
0xd6: {  	[spmem:s3] =	stream.indirect.scatter.add.f32 [tilespmem:s20], [sflag:$0x4], $0x80, s10, s25, $0xb8;
	[tilespmem:$0x1EC00] =	vst v63  }
0xd7: {  	_ =	swait.ge [sflag:s21], $0x4000  }
0xd8: {  	[sflag:s21] =	ssyncset.done $0x0  }
0xd9: {  	s11 =	simm.s32 $0x900;
	[sflag:s21] =	ssyncadd.s32 $0xFFFFC000  }
0xda: {  	[tilespmem:s20], [sflag:$0x2] =	stream.indirect.gather [hbm4b:s0+s25], $0x80, s11, s25, $0xb8;
	[tilespmem:$0x1EC00] =	vst v63  }
0xdb: {  	_ =	swait.ge [sflag:s30], $0x4000  }
0xdc: {  	[sflag:s30] =	ssyncset.done $0x0  }
0xdd: {  	s9 =	simm.s32 $0x1480;
	[sflag:s30] =	ssyncadd.s32 $0xFFFFC000  }
0xde: {  	[spmem:s3] =	stream.indirect.scatter.add.f32 [tilespmem:s26], [sflag:$0x4], $0x80, s9, s25, $0xb8;
	[tilespmem:$0x1EC00] =	vst v63  }
0xdf: {  	_ =	swait.ge [sflag:s21], $0x4000  }
0xe0: {  	[sflag:s21] =	ssyncset.done $0x0  }
0xe1: {  	s10 =	simm.s32 $0x980;
	[sflag:s21] =	ssyncadd.s32 $0xFFFFC000  }
0xe2: {  	[tilespmem:s26], [sflag:$0x3] =	stream.indirect.gather [hbm4b:s0+s25], $0x80, s10, s25, $0xb8;
	[tilespmem:$0x1EC00] =	vst v63  }
0xe3: {  	_ =	swait.ge [sflag:s28], $0x4000  }
0xe4: {  	[sflag:s28] =	ssyncset.done $0x0  }
0xe5: {  	s11 =	simm.s32 $0x1500;
	[sflag:s28] =	ssyncadd.s32 $0xFFFFC000  }
0xe6: {  	[spmem:s3] =	stream.indirect.scatter.add.f32 [tilespmem:s20], [sflag:$0x4], $0x80, s11, s25, $0xb8;
	[tilespmem:$0x1EC00] =	vst v63  }
0xe7: {  	_ =	swait.ge [sflag:s21], $0x4000  }
0xe8: {  	[sflag:s21] =	ssyncset.done $0x0  }
0xe9: {  	[sflag:s21] =	ssyncadd.s32 $0xFFFFC000  }
0xea: {  	_ =	swait.ge [sflag:s30], $0x4000  }
0xeb: {  	[sflag:s30] =	ssyncset.done $0x0  }
0xec: {  	s9 =	simm.s32 $0x1580;
	[sflag:s30] =	ssyncadd.s32 $0xFFFFC000  }
0xed: {  	[spmem:s3] =	stream.indirect.scatter.add.f32 [tilespmem:s26], [sflag:$0x4], $0x80, s9, s25, $0xb8;
	[tilespmem:$0x1EC00] =	vst v63  }
0xee: {  	_ =	swait.ge [sflag:s21], $0x4000  }
0xef: {  	[sflag:s21] =	ssyncset.done $0x0  }
0xf0: {  	[sflag:s21] =	ssyncadd.s32 $0xFFFFC000  }
0xf1: {  	_ =	swait.ge [sflag:s1], $0xA00  }
0xf2: {  	[sflag:s1] =	ssyncset.done $0x0  }
0xf3: {  	[sflag:s1] =	ssyncadd.s32 $0xFFFFF600  }
0xf4: {  	_ =	swait.ge [sflag:s1], $0xA00  }
0xf5: {  	[sflag:s1] =	ssyncset.done $0x0  }
0xf6: {  	s10 =	rddreg [dreg:$0xc];
	[sflag:s1] =	ssyncadd.s32 $0xFFFFF600  }
0xf7: {  	[tilespmem:s4], [sflag:$0x1] =	stream.linear.gather [hbm4b:s10+s4], $0xA00, $0x38;
	[tilespmem:$0x1EC00] =	vst v63  }
0xf8: {  	s11 =	rddreg [dreg:$0xd]  }
0xf9: {  	[tilespmem:s23], [sflag:$0x1] =	stream.linear.gather [hbm4b:s11+s4], $0xA00, $0x38;
	[tilespmem:$0x1EC00] =	vst v63  }
0xfa: {  	_ = 	snop  }
0xfb: {  	[tilespmem:s20], [sflag:$0x2] =	stream.indirect.gather [hbm4b:s0+s25], $0x80, s24, s25, $0xb8;
	[tilespmem:$0x1EC00] =	vst v63  }
0xfc: {  	s6 =	simm.s32 $0x1880  }
0xfd: {  	[tilespmem:s26], [sflag:$0x3] =	stream.indirect.gather [hbm4b:s0+s25], $0x80, s6, s25, $0xb8;
	[tilespmem:$0x1EC00] =	vst v63  }
0xfe: {  	_ =	swait.ge [sflag:s28], $0x4000  }
0xff: {  	[sflag:s28] =	ssyncset.done $0x0  }
0x100: {  	[sflag:s28] =	ssyncadd.s32 $0xFFFFC000  }
0x101: {  	[spmem:s3] =	stream.indirect.scatter.add.f32 [tilespmem:s20], [sflag:$0x4], $0x80, s5, s25, $0xb8;
	[tilespmem:$0x1EC00] =	vst v63  }
0x102: {  	_ =	swait.ge [sflag:s21], $0x4000  }
0x103: {  	[sflag:s21] =	ssyncset.done $0x0  }
0x104: {  	[sflag:s21] =	ssyncadd.s32 $0xFFFFC000  }
0x105: {  	[tilespmem:s20], [sflag:$0x2] =	stream.indirect.gather [hbm4b:s0+s25], $0x80, s7, s25, $0xb8;
	[tilespmem:$0x1EC00] =	vst v63  }
0x106: {  	_ =	swait.ge [sflag:s30], $0x4000  }
0x107: {  	[sflag:s30] =	ssyncset.done $0x0  }
0x108: {  	s10 =	simm.s32 $0x2480;
	[sflag:s30] =	ssyncadd.s32 $0xFFFFC000  }
0x109: {  	[spmem:s3] =	stream.indirect.scatter.add.f32 [tilespmem:s26], [sflag:$0x4], $0x80, s10, s25, $0xb8;
	[tilespmem:$0x1EC00] =	vst v63  }
0x10a: {  	_ =	swait.ge [sflag:s21], $0x4000  }
0x10b: {  	[sflag:s21] =	ssyncset.done $0x0  }
0x10c: {  	s11 =	simm.s32 $0x1980;
	[sflag:s21] =	ssyncadd.s32 $0xFFFFC000  }
0x10d: {  	[tilespmem:s26], [sflag:$0x3] =	stream.indirect.gather [hbm4b:s0+s25], $0x80, s11, s25, $0xb8;
	[tilespmem:$0x1EC00] =	vst v63  }
0x10e: {  	_ =	swait.ge [sflag:s28], $0x4000  }
0x10f: {  	[sflag:s28] =	ssyncset.done $0x0  }
0x110: {  	[sflag:s28] =	ssyncadd.s32 $0xFFFFC000  }
0x111: {  	[spmem:s3] =	stream.indirect.scatter.add.f32 [tilespmem:s20], [sflag:$0x4], $0x80, s12, s25, $0xb8;
	[tilespmem:$0x1EC00] =	vst v63  }
0x112: {  	_ =	swait.ge [sflag:s21], $0x4000  }
0x113: {  	[sflag:s21] =	ssyncset.done $0x0  }
0x114: {  	[sflag:s21] =	ssyncadd.s32 $0xFFFFC000  }
0x115: {  	[tilespmem:s20], [sflag:$0x2] =	stream.indirect.gather [hbm4b:s0+s25], $0x80, s13, s25, $0xb8;
	[tilespmem:$0x1EC00] =	vst v63  }
0x116: {  	_ =	swait.ge [sflag:s30], $0x4000  }
0x117: {  	[sflag:s30] =	ssyncset.done $0x0  }
0x118: {  	[sflag:s30] =	ssyncadd.s32 $0xFFFFC000  }
0x119: {  	[spmem:s3] =	stream.indirect.scatter.add.f32 [tilespmem:s26], [sflag:$0x4], $0x80, s14, s25, $0xb8;
	[tilespmem:$0x1EC00] =	vst v63  }
0x11a: {  	_ =	swait.ge [sflag:s21], $0x4000  }
0x11b: {  	[sflag:s21] =	ssyncset.done $0x0  }
0x11c: {  	[sflag:s21] =	ssyncadd.s32 $0xFFFFC000  }
0x11d: {  	[tilespmem:s26], [sflag:$0x3] =	stream.indirect.gather [hbm4b:s0+s25], $0x80, s15, s25, $0xb8;
	[tilespmem:$0x1EC00] =	vst v63  }
0x11e: {  	_ =	swait.ge [sflag:s28], $0x4000  }
0x11f: {  	[sflag:s28] =	ssyncset.done $0x0  }
0x120: {  	[sflag:s28] =	ssyncadd.s32 $0xFFFFC000  }
0x121: {  	[spmem:s3] =	stream.indirect.scatter.add.f32 [tilespmem:s20], [sflag:$0x4], $0x80, s16, s25, $0xb8;
	[tilespmem:$0x1EC00] =	vst v63  }
0x122: {  	_ =	swait.ge [sflag:s21], $0x4000  }
0x123: {  	[sflag:s21] =	ssyncset.done $0x0  }
0x124: {  	[sflag:s21] =	ssyncadd.s32 $0xFFFFC000  }
0x125: {  	[tilespmem:s20], [sflag:$0x2] =	stream.indirect.gather [hbm4b:s0+s25], $0x80, s17, s25, $0xb8;
	[tilespmem:$0x1EC00] =	vst v63  }
0x126: {  	_ =	swait.ge [sflag:s30], $0x4000  }
0x127: {  	[sflag:s30] =	ssyncset.done $0x0  }
0x128: {  	[sflag:s30] =	ssyncadd.s32 $0xFFFFC000  }
0x129: {  	[spmem:s3] =	stream.indirect.scatter.add.f32 [tilespmem:s26], [sflag:$0x4], $0x80, s18, s25, $0xb8;
	[tilespmem:$0x1EC00] =	vst v63  }
0x12a: {  	_ =	swait.ge [sflag:s21], $0x4000  }
0x12b: {  	[sflag:s21] =	ssyncset.done $0x0  }
0x12c: {  	[sflag:s21] =	ssyncadd.s32 $0xFFFFC000  }
0x12d: {  	[tilespmem:s26], [sflag:$0x3] =	stream.indirect.gather [hbm4b:s0+s25], $0x80, s19, s25, $0xb8;
	[tilespmem:$0x1EC00] =	vst v63  }
0x12e: {  	_ =	swait.ge [sflag:s28], $0x4000  }
0x12f: {  	[sflag:s28] =	ssyncset.done $0x0  }
0x130: {  	[sflag:s28] =	ssyncadd.s32 $0xFFFFC000  }
0x131: {  	[spmem:s3] =	stream.indirect.scatter.add.f32 [tilespmem:s20], [sflag:$0x4], $0x80, s22, s25, $0xb8;
	[tilespmem:$0x1EC00] =	vst v63  }
0x132: {  	_ =	swait.ge [sflag:s21], $0x4000  }
0x133: {  	[sflag:s21] =	ssyncset.done $0x0  }
0x134: {  	[sflag:s21] =	ssyncadd.s32 $0xFFFFC000  }
0x135: {  	[tilespmem:s20], [sflag:$0x2] =	stream.indirect.gather [hbm4b:s0+s25], $0x80, s29, s25, $0xb8;
	[tilespmem:$0x1EC00] =	vst v63  }
0x136: {  	_ =	swait.ge [sflag:s30], $0x4000  }
0x137: {  	[sflag:s30] =	ssyncset.done $0x0  }
0x138: {  	[sflag:s30] =	ssyncadd.s32 $0xFFFFC000  }
0x139: {  	[spmem:s3] =	stream.indirect.scatter.add.f32 [tilespmem:s26], [sflag:$0x4], $0x80, s31, s25, $0xb8;
	[tilespmem:$0x1EC00] =	vst v63  }
0x13a: {  	_ =	swait.ge [sflag:s21], $0x4000  }
0x13b: {  	[sflag:s21] =	ssyncset.done $0x0  }
0x13c: {  	s9 =	simm.s32 $0x1C80;
	[sflag:s21] =	ssyncadd.s32 $0xFFFFC000  }
0x13d: {  	[tilespmem:s26], [sflag:$0x3] =	stream.indirect.gather [hbm4b:s0+s25], $0x80, s9, s25, $0xb8;
	[tilespmem:$0x1EC00] =	vst v63  }
0x13e: {  	_ =	swait.ge [sflag:s28], $0x4000  }
0x13f: {  	[sflag:s28] =	ssyncset.done $0x0  }
0x140: {  	s9 =	simm.s32 $0x2800;
	[sflag:s28] =	ssyncadd.s32 $0xFFFFC000  }
0x141: {  	[spmem:s3] =	stream.indirect.scatter.add.f32 [tilespmem:s20], [sflag:$0x4], $0x80, s9, s25, $0xb8;
	[tilespmem:$0x1EC00] =	vst v63  }
0x142: {  	_ =	swait.ge [sflag:s21], $0x4000  }
0x143: {  	[sflag:s21] =	ssyncset.done $0x0  }
0x144: {  	s9 =	simm.s32 $0x1D00;
	[sflag:s21] =	ssyncadd.s32 $0xFFFFC000  }
0x145: {  	[tilespmem:s20], [sflag:$0x2] =	stream.indirect.gather [hbm4b:s0+s25], $0x80, s9, s25, $0xb8;
	[tilespmem:$0x1EC00] =	vst v63  }
0x146: {  	_ =	swait.ge [sflag:s30], $0x4000  }
0x147: {  	[sflag:s30] =	ssyncset.done $0x0  }
0x148: {  	s9 =	simm.s32 $0x2880;
	[sflag:s30] =	ssyncadd.s32 $0xFFFFC000  }
0x149: {  	[spmem:s3] =	stream.indirect.scatter.add.f32 [tilespmem:s26], [sflag:$0x4], $0x80, s9, s25, $0xb8;
	[tilespmem:$0x1EC00] =	vst v63  }
0x14a: {  	_ =	swait.ge [sflag:s21], $0x4000  }
0x14b: {  	[sflag:s21] =	ssyncset.done $0x0  }
0x14c: {  	s9 =	simm.s32 $0x1D80;
	[sflag:s21] =	ssyncadd.s32 $0xFFFFC000  }
0x14d: {  	[tilespmem:s26], [sflag:$0x3] =	stream.indirect.gather [hbm4b:s0+s25], $0x80, s9, s25, $0xb8;
	[tilespmem:$0x1EC00] =	vst v63  }
0x14e: {  	_ =	swait.ge [sflag:s28], $0x4000  }
0x14f: {  	[sflag:s28] =	ssyncset.done $0x0  }
0x150: {  	s9 =	simm.s32 $0x2900;
	[sflag:s28] =	ssyncadd.s32 $0xFFFFC000  }
0x151: {  	[spmem:s3] =	stream.indirect.scatter.add.f32 [tilespmem:s20], [sflag:$0x4], $0x80, s9, s25, $0xb8;
	[tilespmem:$0x1EC00] =	vst v63  }
0x152: {  	_ =	swait.ge [sflag:s21], $0x4000  }
0x153: {  	[sflag:s21] =	ssyncset.done $0x0  }
0x154: {  	s9 =	simm.s32 $0x1E00;
	[sflag:s21] =	ssyncadd.s32 $0xFFFFC000  }
0x155: {  	[tilespmem:s20], [sflag:$0x2] =	stream.indirect.gather [hbm4b:s0+s25], $0x80, s9, s25, $0xb8;
	[tilespmem:$0x1EC00] =	vst v63  }
0x156: {  	_ =	swait.ge [sflag:s30], $0x4000  }
0x157: {  	[sflag:s30] =	ssyncset.done $0x0  }
0x158: {  	s9 =	simm.s32 $0x2980;
	[sflag:s30] =	ssyncadd.s32 $0xFFFFC000  }
0x159: {  	[spmem:s3] =	stream.indirect.scatter.add.f32 [tilespmem:s26], [sflag:$0x4], $0x80, s9, s25, $0xb8;
	[tilespmem:$0x1EC00] =	vst v63  }
0x15a: {  	_ =	swait.ge [sflag:s21], $0x4000  }
0x15b: {  	[sflag:s21] =	ssyncset.done $0x0  }
0x15c: {  	s9 =	simm.s32 $0x1E80;
	[sflag:s21] =	ssyncadd.s32 $0xFFFFC000  }
0x15d: {  	[tilespmem:s26], [sflag:$0x3] =	stream.indirect.gather [hbm4b:s0+s25], $0x80, s9, s25, $0xb8;
	[tilespmem:$0x1EC00] =	vst v63  }
0x15e: {  	_ =	swait.ge [sflag:s28], $0x4000  }
0x15f: {  	[sflag:s28] =	ssyncset.done $0x0  }
0x160: {  	s9 =	simm.s32 $0x2A00;
	[sflag:s28] =	ssyncadd.s32 $0xFFFFC000  }
0x161: {  	[spmem:s3] =	stream.indirect.scatter.add.f32 [tilespmem:s20], [sflag:$0x4], $0x80, s9, s25, $0xb8;
	[tilespmem:$0x1EC00] =	vst v63  }
0x162: {  	_ =	swait.ge [sflag:s21], $0x4000  }
0x163: {  	[sflag:s21] =	ssyncset.done $0x0  }
0x164: {  	s9 =	simm.s32 $0x1F00;
	[sflag:s21] =	ssyncadd.s32 $0xFFFFC000  }
0x165: {  	[tilespmem:s20], [sflag:$0x2] =	stream.indirect.gather [hbm4b:s0+s25], $0x80, s9, s25, $0xb8;
	[tilespmem:$0x1EC00] =	vst v63  }
0x166: {  	_ =	swait.ge [sflag:s30], $0x4000  }
0x167: {  	[sflag:s30] =	ssyncset.done $0x0  }
0x168: {  	s9 =	simm.s32 $0x2A80;
	[sflag:s30] =	ssyncadd.s32 $0xFFFFC000  }
0x169: {  	[spmem:s3] =	stream.indirect.scatter.add.f32 [tilespmem:s26], [sflag:$0x4], $0x80, s9, s25, $0xb8;
	[tilespmem:$0x1EC00] =	vst v63  }
0x16a: {  	_ =	swait.ge [sflag:s21], $0x4000  }
0x16b: {  	[sflag:s21] =	ssyncset.done $0x0  }
0x16c: {  	s9 =	simm.s32 $0x1F80;
	[sflag:s21] =	ssyncadd.s32 $0xFFFFC000  }
0x16d: {  	[tilespmem:s26], [sflag:$0x3] =	stream.indirect.gather [hbm4b:s0+s25], $0x80, s9, s25, $0xb8;
	[tilespmem:$0x1EC00] =	vst v63  }
0x16e: {  	_ =	swait.ge [sflag:s28], $0x4000  }
0x16f: {  	[sflag:s28] =	ssyncset.done $0x0  }
0x170: {  	s9 =	simm.s32 $0x2B00;
	[sflag:s28] =	ssyncadd.s32 $0xFFFFC000  }
0x171: {  	[spmem:s3] =	stream.indirect.scatter.add.f32 [tilespmem:s20], [sflag:$0x4], $0x80, s9, s25, $0xb8;
	[tilespmem:$0x1EC00] =	vst v63  }
0x172: {  	_ =	swait.ge [sflag:s21], $0x4000  }
0x173: {  	[sflag:s21] =	ssyncset.done $0x0  }
0x174: {  	s9 =	simm.s32 $0x2000;
	[sflag:s21] =	ssyncadd.s32 $0xFFFFC000  }
0x175: {  	[tilespmem:s20], [sflag:$0x2] =	stream.indirect.gather [hbm4b:s0+s25], $0x80, s9, s25, $0xb8;
	[tilespmem:$0x1EC00] =	vst v63  }
0x176: {  	_ =	swait.ge [sflag:s30], $0x4000  }
0x177: {  	[sflag:s30] =	ssyncset.done $0x0  }
0x178: {  	s9 =	simm.s32 $0x2B80;
	[sflag:s30] =	ssyncadd.s32 $0xFFFFC000  }
0x179: {  	[spmem:s3] =	stream.indirect.scatter.add.f32 [tilespmem:s26], [sflag:$0x4], $0x80, s9, s25, $0xb8;
	[tilespmem:$0x1EC00] =	vst v63  }
0x17a: {  	_ =	swait.ge [sflag:s21], $0x4000  }
0x17b: {  	[sflag:s21] =	ssyncset.done $0x0  }
0x17c: {  	s9 =	simm.s32 $0x2080;
	[sflag:s21] =	ssyncadd.s32 $0xFFFFC000  }
0x17d: {  	[tilespmem:s26], [sflag:$0x3] =	stream.indirect.gather [hbm4b:s0+s25], $0x80, s9, s25, $0xb8;
	[tilespmem:$0x1EC00] =	vst v63  }
0x17e: {  	_ =	swait.ge [sflag:s28], $0x4000  }
0x17f: {  	[sflag:s28] =	ssyncset.done $0x0  }
0x180: {  	s9 =	simm.s32 $0x2C00;
	[sflag:s28] =	ssyncadd.s32 $0xFFFFC000  }
0x181: {  	[spmem:s3] =	stream.indirect.scatter.add.f32 [tilespmem:s20], [sflag:$0x4], $0x80, s9, s25, $0xb8;
	[tilespmem:$0x1EC00] =	vst v63  }
0x182: {  	_ =	swait.ge [sflag:s21], $0x4000  }
0x183: {  	[sflag:s21] =	ssyncset.done $0x0  }
0x184: {  	s9 =	simm.s32 $0x2100;
	[sflag:s21] =	ssyncadd.s32 $0xFFFFC000  }
0x185: {  	[tilespmem:s20], [sflag:$0x2] =	stream.indirect.gather [hbm4b:s0+s25], $0x80, s9, s25, $0xb8;
	[tilespmem:$0x1EC00] =	vst v63  }
0x186: {  	_ =	swait.ge [sflag:s30], $0x4000  }
0x187: {  	[sflag:s30] =	ssyncset.done $0x0  }
0x188: {  	s9 =	simm.s32 $0x2C80;
	[sflag:s30] =	ssyncadd.s32 $0xFFFFC000  }
0x189: {  	[spmem:s3] =	stream.indirect.scatter.add.f32 [tilespmem:s26], [sflag:$0x4], $0x80, s9, s25, $0xb8;
	[tilespmem:$0x1EC00] =	vst v63  }
0x18a: {  	_ =	swait.ge [sflag:s21], $0x4000  }
0x18b: {  	[sflag:s21] =	ssyncset.done $0x0  }
0x18c: {  	s9 =	simm.s32 $0x2180;
	[sflag:s21] =	ssyncadd.s32 $0xFFFFC000  }
0x18d: {  	[tilespmem:s26], [sflag:$0x3] =	stream.indirect.gather [hbm4b:s0+s25], $0x80, s9, s25, $0xb8;
	[tilespmem:$0x1EC00] =	vst v63  }
0x18e: {  	_ =	swait.ge [sflag:s28], $0x4000  }
0x18f: {  	[sflag:s28] =	ssyncset.done $0x0  }
0x190: {  	s9 =	simm.s32 $0x2D00;
	[sflag:s28] =	ssyncadd.s32 $0xFFFFC000  }
0x191: {  	[spmem:s3] =	stream.indirect.scatter.add.f32 [tilespmem:s20], [sflag:$0x4], $0x80, s9, s25, $0xb8;
	[tilespmem:$0x1EC00] =	vst v63  }
0x192: {  	_ =	swait.ge [sflag:s21], $0x4000  }
0x193: {  	[sflag:s21] =	ssyncset.done $0x0  }
0x194: {  	[sflag:s21] =	ssyncadd.s32 $0xFFFFC000  }
0x195: {  	_ =	swait.ge [sflag:s30], $0x4000  }
0x196: {  	[sflag:s30] =	ssyncset.done $0x0  }
0x197: {  	s9 =	simm.s32 $0x2D80;
	[sflag:s30] =	ssyncadd.s32 $0xFFFFC000  }
0x198: {  	[spmem:s3] =	stream.indirect.scatter.add.f32 [tilespmem:s26], [sflag:$0x4], $0x80, s9, s25, $0xb8;
	[tilespmem:$0x1EC00] =	vst v63  }
0x199: {  	_ =	swait.ge [sflag:s21], $0x4000  }
0x19a: {  	[sflag:s21] =	ssyncset.done $0x0  }
0x19b: {  	[sflag:s21] =	ssyncadd.s32 $0xFFFFC000  }
0x19c: {  	_ =	swait.ge [sflag:s1], $0xA00  }
0x19d: {  	[sflag:s1] =	ssyncset.done $0x0  }
0x19e: {  	[sflag:s1] =	ssyncadd.s32 $0xFFFFF600  }
0x19f: {  	_ =	swait.ge [sflag:s1], $0xA00  }
0x1a0: {  	[sflag:s1] =	ssyncset.done $0x0  }
0x1a1: {  	s9 =	rddreg [dreg:$0xe];
	[sflag:s1] =	ssyncadd.s32 $0xFFFFF600  }
0x1a2: {  	[tilespmem:s24], [sflag:$0x1] =	stream.linear.gather [hbm4b:s9+s4], $0xA00, $0x38;
	[tilespmem:$0x1EC00] =	vst v63  }
0x1a3: {  	s9 =	rddreg [dreg:$0xf]  }
0x1a4: {  	[tilespmem:s5], [sflag:$0x1] =	stream.linear.gather [hbm4b:s9+s4], $0xA00, $0x38;
	[tilespmem:$0x1EC00] =	vst v63  }
0x1a5: {  	_ = 	snop  }
0x1a6: {  	[tilespmem:s20], [sflag:$0x2] =	stream.indirect.gather [hbm4b:s0+s25], $0x80, s4, s25, $0xb8;
	[tilespmem:$0x1EC00] =	vst v63  }
0x1a7: {  	_ = 	snop  }
0x1a8: {  	[tilespmem:s26], [sflag:$0x3] =	stream.indirect.gather [hbm4b:s0+s25], $0x80, s25, s25, $0xb8;
	[tilespmem:$0x1EC00] =	vst v63  }
0x1a9: {  	_ =	swait.ge [sflag:s28], $0x4000  }
0x1aa: {  	[sflag:s28] =	ssyncset.done $0x0  }
0x1ab: {  	[sflag:s28] =	ssyncadd.s32 $0xFFFFC000  }
0x1ac: {  	[spmem:s3] =	stream.indirect.scatter.add.f32 [tilespmem:s20], [sflag:$0x4], $0x80, s23, s25, $0xb8;
	[tilespmem:$0x1EC00] =	vst v63  }
0x1ad: {  	_ =	swait.ge [sflag:s21], $0x4000  }
0x1ae: {  	[sflag:s21] =	ssyncset.done $0x0  }
0x1af: {  	s9 =	simm.s32 $0x100;
	[sflag:s21] =	ssyncadd.s32 $0xFFFFC000  }
0x1b0: {  	[tilespmem:s20], [sflag:$0x2] =	stream.indirect.gather [hbm4b:s0+s25], $0x80, s9, s25, $0xb8;
	[tilespmem:$0x1EC00] =	vst v63  }
0x1b1: {  	_ =	swait.ge [sflag:s30], $0x4000  }
0x1b2: {  	[sflag:s30] =	ssyncset.done $0x0  }
0x1b3: {  	s9 =	simm.s32 $0xC80;
	[sflag:s30] =	ssyncadd.s32 $0xFFFFC000  }
0x1b4: {  	[spmem:s3] =	stream.indirect.scatter.add.f32 [tilespmem:s26], [sflag:$0x4], $0x80, s9, s25, $0xb8;
	[tilespmem:$0x1EC00] =	vst v63  }
0x1b5: {  	_ =	swait.ge [sflag:s21], $0x4000  }
0x1b6: {  	[sflag:s21] =	ssyncset.done $0x0  }
0x1b7: {  	s9 =	simm.s32 $0x180;
	[sflag:s21] =	ssyncadd.s32 $0xFFFFC000  }
0x1b8: {  	[tilespmem:s26], [sflag:$0x3] =	stream.indirect.gather [hbm4b:s0+s25], $0x80, s9, s25, $0xb8;
	[tilespmem:$0x1EC00] =	vst v63  }
0x1b9: {  	_ =	swait.ge [sflag:s28], $0x4000  }
0x1ba: {  	[sflag:s28] =	ssyncset.done $0x0  }
0x1bb: {  	s9 =	simm.s32 $0xD00;
	[sflag:s28] =	ssyncadd.s32 $0xFFFFC000  }
0x1bc: {  	[spmem:s3] =	stream.indirect.scatter.add.f32 [tilespmem:s20], [sflag:$0x4], $0x80, s9, s25, $0xb8;
	[tilespmem:$0x1EC00] =	vst v63  }
0x1bd: {  	_ =	swait.ge [sflag:s21], $0x4000  }
0x1be: {  	[sflag:s21] =	ssyncset.done $0x0  }
0x1bf: {  	s9 =	simm.s32 $0x200;
	[sflag:s21] =	ssyncadd.s32 $0xFFFFC000  }
0x1c0: {  	[tilespmem:s20], [sflag:$0x2] =	stream.indirect.gather [hbm4b:s0+s25], $0x80, s9, s25, $0xb8;
	[tilespmem:$0x1EC00] =	vst v63  }
0x1c1: {  	_ =	swait.ge [sflag:s30], $0x4000  }
0x1c2: {  	[sflag:s30] =	ssyncset.done $0x0  }
0x1c3: {  	s9 =	simm.s32 $0xD80;
	[sflag:s30] =	ssyncadd.s32 $0xFFFFC000  }
0x1c4: {  	[spmem:s3] =	stream.indirect.scatter.add.f32 [tilespmem:s26], [sflag:$0x4], $0x80, s9, s25, $0xb8;
	[tilespmem:$0x1EC00] =	vst v63  }
0x1c5: {  	_ =	swait.ge [sflag:s21], $0x4000  }
0x1c6: {  	[sflag:s21] =	ssyncset.done $0x0  }
0x1c7: {  	s9 =	simm.s32 $0x280;
	[sflag:s21] =	ssyncadd.s32 $0xFFFFC000  }
0x1c8: {  	[tilespmem:s26], [sflag:$0x3] =	stream.indirect.gather [hbm4b:s0+s25], $0x80, s9, s25, $0xb8;
	[tilespmem:$0x1EC00] =	vst v63  }
0x1c9: {  	_ =	swait.ge [sflag:s28], $0x4000  }
0x1ca: {  	[sflag:s28] =	ssyncset.done $0x0  }
0x1cb: {  	s9 =	simm.s32 $0xE00;
	[sflag:s28] =	ssyncadd.s32 $0xFFFFC000  }
0x1cc: {  	[spmem:s3] =	stream.indirect.scatter.add.f32 [tilespmem:s20], [sflag:$0x4], $0x80, s9, s25, $0xb8;
	[tilespmem:$0x1EC00] =	vst v63  }
0x1cd: {  	_ =	swait.ge [sflag:s21], $0x4000  }
0x1ce: {  	[sflag:s21] =	ssyncset.done $0x0  }
0x1cf: {  	s9 =	simm.s32 $0x300;
	[sflag:s21] =	ssyncadd.s32 $0xFFFFC000  }
0x1d0: {  	[tilespmem:s20], [sflag:$0x2] =	stream.indirect.gather [hbm4b:s0+s25], $0x80, s9, s25, $0xb8;
	[tilespmem:$0x1EC00] =	vst v63  }
0x1d1: {  	_ =	swait.ge [sflag:s30], $0x4000  }
0x1d2: {  	[sflag:s30] =	ssyncset.done $0x0  }
0x1d3: {  	s9 =	simm.s32 $0xE80;
	[sflag:s30] =	ssyncadd.s32 $0xFFFFC000  }
0x1d4: {  	[spmem:s3] =	stream.indirect.scatter.add.f32 [tilespmem:s26], [sflag:$0x4], $0x80, s9, s25, $0xb8;
	[tilespmem:$0x1EC00] =	vst v63  }
0x1d5: {  	_ =	swait.ge [sflag:s21], $0x4000  }
0x1d6: {  	[sflag:s21] =	ssyncset.done $0x0  }
0x1d7: {  	s9 =	simm.s32 $0x380;
	[sflag:s21] =	ssyncadd.s32 $0xFFFFC000  }
0x1d8: {  	[tilespmem:s26], [sflag:$0x3] =	stream.indirect.gather [hbm4b:s0+s25], $0x80, s9, s25, $0xb8;
	[tilespmem:$0x1EC00] =	vst v63  }
0x1d9: {  	_ =	swait.ge [sflag:s28], $0x4000  }
0x1da: {  	[sflag:s28] =	ssyncset.done $0x0  }
0x1db: {  	s9 =	simm.s32 $0xF00;
	[sflag:s28] =	ssyncadd.s32 $0xFFFFC000  }
0x1dc: {  	[spmem:s3] =	stream.indirect.scatter.add.f32 [tilespmem:s20], [sflag:$0x4], $0x80, s9, s25, $0xb8;
	[tilespmem:$0x1EC00] =	vst v63  }
0x1dd: {  	_ =	swait.ge [sflag:s21], $0x4000  }
0x1de: {  	[sflag:s21] =	ssyncset.done $0x0  }
0x1df: {  	s9 =	simm.s32 $0x400;
	[sflag:s21] =	ssyncadd.s32 $0xFFFFC000  }
0x1e0: {  	[tilespmem:s20], [sflag:$0x2] =	stream.indirect.gather [hbm4b:s0+s25], $0x80, s9, s25, $0xb8;
	[tilespmem:$0x1EC00] =	vst v63  }
0x1e1: {  	_ =	swait.ge [sflag:s30], $0x4000  }
0x1e2: {  	[sflag:s30] =	ssyncset.done $0x0  }
0x1e3: {  	s9 =	simm.s32 $0xF80;
	[sflag:s30] =	ssyncadd.s32 $0xFFFFC000  }
0x1e4: {  	[spmem:s3] =	stream.indirect.scatter.add.f32 [tilespmem:s26], [sflag:$0x4], $0x80, s9, s25, $0xb8;
	[tilespmem:$0x1EC00] =	vst v63  }
0x1e5: {  	_ =	swait.ge [sflag:s21], $0x4000  }
0x1e6: {  	[sflag:s21] =	ssyncset.done $0x0  }
0x1e7: {  	s9 =	simm.s32 $0x480;
	[sflag:s21] =	ssyncadd.s32 $0xFFFFC000  }
0x1e8: {  	[tilespmem:s26], [sflag:$0x3] =	stream.indirect.gather [hbm4b:s0+s25], $0x80, s9, s25, $0xb8;
	[tilespmem:$0x1EC00] =	vst v63  }
0x1e9: {  	_ =	swait.ge [sflag:s28], $0x4000  }
0x1ea: {  	[sflag:s28] =	ssyncset.done $0x0  }
0x1eb: {  	s9 =	simm.s32 $0x1000;
	[sflag:s28] =	ssyncadd.s32 $0xFFFFC000  }
0x1ec: {  	[spmem:s3] =	stream.indirect.scatter.add.f32 [tilespmem:s20], [sflag:$0x4], $0x80, s9, s25, $0xb8;
	[tilespmem:$0x1EC00] =	vst v63  }
0x1ed: {  	_ =	swait.ge [sflag:s21], $0x4000  }
0x1ee: {  	[sflag:s21] =	ssyncset.done $0x0  }
0x1ef: {  	s9 =	simm.s32 $0x500;
	[sflag:s21] =	ssyncadd.s32 $0xFFFFC000  }
0x1f0: {  	[tilespmem:s20], [sflag:$0x2] =	stream.indirect.gather [hbm4b:s0+s25], $0x80, s9, s25, $0xb8;
	[tilespmem:$0x1EC00] =	vst v63  }
0x1f1: {  	_ =	swait.ge [sflag:s30], $0x4000  }
0x1f2: {  	[sflag:s30] =	ssyncset.done $0x0  }
0x1f3: {  	s9 =	simm.s32 $0x1080;
	[sflag:s30] =	ssyncadd.s32 $0xFFFFC000  }
0x1f4: {  	[spmem:s3] =	stream.indirect.scatter.add.f32 [tilespmem:s26], [sflag:$0x4], $0x80, s9, s25, $0xb8;
	[tilespmem:$0x1EC00] =	vst v63  }
0x1f5: {  	_ =	swait.ge [sflag:s21], $0x4000  }
0x1f6: {  	[sflag:s21] =	ssyncset.done $0x0  }
0x1f7: {  	s9 =	simm.s32 $0x580;
	[sflag:s21] =	ssyncadd.s32 $0xFFFFC000  }
0x1f8: {  	[tilespmem:s26], [sflag:$0x3] =	stream.indirect.gather [hbm4b:s0+s25], $0x80, s9, s25, $0xb8;
	[tilespmem:$0x1EC00] =	vst v63  }
0x1f9: {  	_ =	swait.ge [sflag:s28], $0x4000  }
0x1fa: {  	[sflag:s28] =	ssyncset.done $0x0  }
0x1fb: {  	s9 =	simm.s32 $0x1100;
	[sflag:s28] =	ssyncadd.s32 $0xFFFFC000  }
0x1fc: {  	[spmem:s3] =	stream.indirect.scatter.add.f32 [tilespmem:s20], [sflag:$0x4], $0x80, s9, s25, $0xb8;
	[tilespmem:$0x1EC00] =	vst v63  }
0x1fd: {  	_ =	swait.ge [sflag:s21], $0x4000  }
0x1fe: {  	[sflag:s21] =	ssyncset.done $0x0  }
0x1ff: {  	s9 =	simm.s32 $0x600;
	[sflag:s21] =	ssyncadd.s32 $0xFFFFC000  }
0x200: {  	[tilespmem:s20], [sflag:$0x2] =	stream.indirect.gather [hbm4b:s0+s25], $0x80, s9, s25, $0xb8;
	[tilespmem:$0x1EC00] =	vst v63  }
0x201: {  	_ =	swait.ge [sflag:s30], $0x4000  }
0x202: {  	[sflag:s30] =	ssyncset.done $0x0  }
0x203: {  	s9 =	simm.s32 $0x1180;
	[sflag:s30] =	ssyncadd.s32 $0xFFFFC000  }
0x204: {  	[spmem:s3] =	stream.indirect.scatter.add.f32 [tilespmem:s26], [sflag:$0x4], $0x80, s9, s25, $0xb8;
	[tilespmem:$0x1EC00] =	vst v63  }
0x205: {  	_ =	swait.ge [sflag:s21], $0x4000  }
0x206: {  	[sflag:s21] =	ssyncset.done $0x0  }
0x207: {  	s9 =	simm.s32 $0x680;
	[sflag:s21] =	ssyncadd.s32 $0xFFFFC000  }
0x208: {  	[tilespmem:s26], [sflag:$0x3] =	stream.indirect.gather [hbm4b:s0+s25], $0x80, s9, s25, $0xb8;
	[tilespmem:$0x1EC00] =	vst v63  }
0x209: {  	_ =	swait.ge [sflag:s28], $0x4000  }
0x20a: {  	[sflag:s28] =	ssyncset.done $0x0  }
0x20b: {  	s9 =	simm.s32 $0x1200;
	[sflag:s28] =	ssyncadd.s32 $0xFFFFC000  }
0x20c: {  	[spmem:s3] =	stream.indirect.scatter.add.f32 [tilespmem:s20], [sflag:$0x4], $0x80, s9, s25, $0xb8;
	[tilespmem:$0x1EC00] =	vst v63  }
0x20d: {  	_ =	swait.ge [sflag:s21], $0x4000  }
0x20e: {  	[sflag:s21] =	ssyncset.done $0x0  }
0x20f: {  	s9 =	simm.s32 $0x700;
	[sflag:s21] =	ssyncadd.s32 $0xFFFFC000  }
0x210: {  	[tilespmem:s20], [sflag:$0x2] =	stream.indirect.gather [hbm4b:s0+s25], $0x80, s9, s25, $0xb8;
	[tilespmem:$0x1EC00] =	vst v63  }
0x211: {  	_ =	swait.ge [sflag:s30], $0x4000  }
0x212: {  	[sflag:s30] =	ssyncset.done $0x0  }
0x213: {  	s9 =	simm.s32 $0x1280;
	[sflag:s30] =	ssyncadd.s32 $0xFFFFC000  }
0x214: {  	[spmem:s3] =	stream.indirect.scatter.add.f32 [tilespmem:s26], [sflag:$0x4], $0x80, s9, s25, $0xb8;
	[tilespmem:$0x1EC00] =	vst v63  }
0x215: {  	_ =	swait.ge [sflag:s21], $0x4000  }
0x216: {  	[sflag:s21] =	ssyncset.done $0x0  }
0x217: {  	s9 =	simm.s32 $0x780;
	[sflag:s21] =	ssyncadd.s32 $0xFFFFC000  }
0x218: {  	[tilespmem:s26], [sflag:$0x3] =	stream.indirect.gather [hbm4b:s0+s25], $0x80, s9, s25, $0xb8;
	[tilespmem:$0x1EC00] =	vst v63  }
0x219: {  	_ =	swait.ge [sflag:s28], $0x4000  }
0x21a: {  	[sflag:s28] =	ssyncset.done $0x0  }
0x21b: {  	s9 =	simm.s32 $0x1300;
	[sflag:s28] =	ssyncadd.s32 $0xFFFFC000  }
0x21c: {  	[spmem:s3] =	stream.indirect.scatter.add.f32 [tilespmem:s20], [sflag:$0x4], $0x80, s9, s25, $0xb8;
	[tilespmem:$0x1EC00] =	vst v63  }
0x21d: {  	_ =	swait.ge [sflag:s21], $0x4000  }
0x21e: {  	[sflag:s21] =	ssyncset.done $0x0  }
0x21f: {  	s9 =	simm.s32 $0x800;
	[sflag:s21] =	ssyncadd.s32 $0xFFFFC000  }
0x220: {  	[tilespmem:s20], [sflag:$0x2] =	stream.indirect.gather [hbm4b:s0+s25], $0x80, s9, s25, $0xb8;
	[tilespmem:$0x1EC00] =	vst v63  }
0x221: {  	_ =	swait.ge [sflag:s30], $0x4000  }
0x222: {  	[sflag:s30] =	ssyncset.done $0x0  }
0x223: {  	s9 =	simm.s32 $0x1380;
	[sflag:s30] =	ssyncadd.s32 $0xFFFFC000  }
0x224: {  	[spmem:s3] =	stream.indirect.scatter.add.f32 [tilespmem:s26], [sflag:$0x4], $0x80, s9, s25, $0xb8;
	[tilespmem:$0x1EC00] =	vst v63  }
0x225: {  	_ =	swait.ge [sflag:s21], $0x4000  }
0x226: {  	[sflag:s21] =	ssyncset.done $0x0  }
0x227: {  	s9 =	simm.s32 $0x880;
	[sflag:s21] =	ssyncadd.s32 $0xFFFFC000  }
0x228: {  	[tilespmem:s26], [sflag:$0x3] =	stream.indirect.gather [hbm4b:s0+s25], $0x80, s9, s25, $0xb8;
	[tilespmem:$0x1EC00] =	vst v63  }
0x229: {  	_ =	swait.ge [sflag:s28], $0x4000  }
0x22a: {  	[sflag:s28] =	ssyncset.done $0x0  }
0x22b: {  	s9 =	simm.s32 $0x1400;
	[sflag:s28] =	ssyncadd.s32 $0xFFFFC000  }
0x22c: {  	[spmem:s3] =	stream.indirect.scatter.add.f32 [tilespmem:s20], [sflag:$0x4], $0x80, s9, s25, $0xb8;
	[tilespmem:$0x1EC00] =	vst v63  }
0x22d: {  	_ =	swait.ge [sflag:s21], $0x4000  }
0x22e: {  	[sflag:s21] =	ssyncset.done $0x0  }
0x22f: {  	s9 =	simm.s32 $0x900;
	[sflag:s21] =	ssyncadd.s32 $0xFFFFC000  }
0x230: {  	[tilespmem:s20], [sflag:$0x2] =	stream.indirect.gather [hbm4b:s0+s25], $0x80, s9, s25, $0xb8;
	[tilespmem:$0x1EC00] =	vst v63  }
0x231: {  	_ =	swait.ge [sflag:s30], $0x4000  }
0x232: {  	[sflag:s30] =	ssyncset.done $0x0  }
0x233: {  	s9 =	simm.s32 $0x1480;
	[sflag:s30] =	ssyncadd.s32 $0xFFFFC000  }
0x234: {  	[spmem:s3] =	stream.indirect.scatter.add.f32 [tilespmem:s26], [sflag:$0x4], $0x80, s9, s25, $0xb8;
	[tilespmem:$0x1EC00] =	vst v63  }
0x235: {  	_ =	swait.ge [sflag:s21], $0x4000  }
0x236: {  	[sflag:s21] =	ssyncset.done $0x0  }
0x237: {  	s9 =	simm.s32 $0x980;
	[sflag:s21] =	ssyncadd.s32 $0xFFFFC000  }
0x238: {  	[tilespmem:s26], [sflag:$0x3] =	stream.indirect.gather [hbm4b:s0+s25], $0x80, s9, s25, $0xb8;
	[tilespmem:$0x1EC00] =	vst v63  }
0x239: {  	_ =	swait.ge [sflag:s28], $0x4000  }
0x23a: {  	[sflag:s28] =	ssyncset.done $0x0  }
0x23b: {  	s9 =	simm.s32 $0x1500;
	[sflag:s28] =	ssyncadd.s32 $0xFFFFC000  }
0x23c: {  	[spmem:s3] =	stream.indirect.scatter.add.f32 [tilespmem:s20], [sflag:$0x4], $0x80, s9, s25, $0xb8;
	[tilespmem:$0x1EC00] =	vst v63  }
0x23d: {  	_ =	swait.ge [sflag:s21], $0x4000  }
0x23e: {  	[sflag:s21] =	ssyncset.done $0x0  }
0x23f: {  	[sflag:s21] =	ssyncadd.s32 $0xFFFFC000  }
0x240: {  	_ =	swait.ge [sflag:s30], $0x4000  }
0x241: {  	[sflag:s30] =	ssyncset.done $0x0  }
0x242: {  	s9 =	simm.s32 $0x1580;
	[sflag:s30] =	ssyncadd.s32 $0xFFFFC000  }
0x243: {  	[spmem:s3] =	stream.indirect.scatter.add.f32 [tilespmem:s26], [sflag:$0x4], $0x80, s9, s25, $0xb8;
	[tilespmem:$0x1EC00] =	vst v63  }
0x244: {  	_ =	swait.ge [sflag:s21], $0x4000  }
0x245: {  	[sflag:s21] =	ssyncset.done $0x0  }
0x246: {  	[sflag:s21] =	ssyncadd.s32 $0xFFFFC000  }
0x247: {  	_ =	swait.ge [sflag:s1], $0xA00  }
0x248: {  	[sflag:s1] =	ssyncset.done $0x0  }
0x249: {  	[sflag:s1] =	ssyncadd.s32 $0xFFFFF600  }
0x24a: {  	_ =	swait.ge [sflag:s1], $0xA00  }
0x24b: {  	[sflag:s1] =	ssyncset.done $0x0  }
0x24c: {  	[sflag:s1] =	ssyncadd.s32 $0xFFFFF600  }
0x24d: {  	[tilespmem:s20], [sflag:$0x2] =	stream.indirect.gather [hbm4b:s0+s25], $0x80, s24, s25, $0xb8;
	[tilespmem:$0x1EC00] =	vst v63  }
0x24e: {  	_ = 	snop  }
0x24f: {  	[tilespmem:s26], [sflag:$0x3] =	stream.indirect.gather [hbm4b:s0+s25], $0x80, s6, s25, $0xb8;
	[tilespmem:$0x1EC00] =	vst v63  }
0x250: {  	_ =	swait.ge [sflag:s28], $0x4000  }
0x251: {  	[sflag:s28] =	ssyncset.done $0x0  }
0x252: {  	[sflag:s28] =	ssyncadd.s32 $0xFFFFC000  }
0x253: {  	[spmem:s3] =	stream.indirect.scatter.add.f32 [tilespmem:s20], [sflag:$0x4], $0x80, s5, s25, $0xb8;
	[tilespmem:$0x1EC00] =	vst v63  }
0x254: {  	_ =	swait.ge [sflag:s21], $0x4000  }
0x255: {  	[sflag:s21] =	ssyncset.done $0x0  }
0x256: {  	[sflag:s21] =	ssyncadd.s32 $0xFFFFC000  }
0x257: {  	[tilespmem:s20], [sflag:$0x2] =	stream.indirect.gather [hbm4b:s0+s25], $0x80, s7, s25, $0xb8;
	[tilespmem:$0x1EC00] =	vst v63  }
0x258: {  	_ =	swait.ge [sflag:s30], $0x4000  }
0x259: {  	[sflag:s30] =	ssyncset.done $0x0  }
0x25a: {  	[sflag:s30] =	ssyncadd.s32 $0xFFFFC000  }
0x25b: {  	[spmem:s3] =	stream.indirect.scatter.add.f32 [tilespmem:s26], [sflag:$0x4], $0x80, s10, s25, $0xb8;
	[tilespmem:$0x1EC00] =	vst v63  }
0x25c: {  	_ =	swait.ge [sflag:s21], $0x4000  }
0x25d: {  	[sflag:s21] =	ssyncset.done $0x0  }
0x25e: {  	[sflag:s21] =	ssyncadd.s32 $0xFFFFC000  }
0x25f: {  	[tilespmem:s26], [sflag:$0x3] =	stream.indirect.gather [hbm4b:s0+s25], $0x80, s11, s25, $0xb8;
	[tilespmem:$0x1EC00] =	vst v63  }
0x260: {  	_ =	swait.ge [sflag:s28], $0x4000  }
0x261: {  	[sflag:s28] =	ssyncset.done $0x0  }
0x262: {  	[sflag:s28] =	ssyncadd.s32 $0xFFFFC000  }
0x263: {  	[spmem:s3] =	stream.indirect.scatter.add.f32 [tilespmem:s20], [sflag:$0x4], $0x80, s12, s25, $0xb8;
	[tilespmem:$0x1EC00] =	vst v63  }
0x264: {  	_ =	swait.ge [sflag:s21], $0x4000  }
0x265: {  	[sflag:s21] =	ssyncset.done $0x0  }
0x266: {  	[sflag:s21] =	ssyncadd.s32 $0xFFFFC000  }
0x267: {  	[tilespmem:s20], [sflag:$0x2] =	stream.indirect.gather [hbm4b:s0+s25], $0x80, s13, s25, $0xb8;
	[tilespmem:$0x1EC00] =	vst v63  }
0x268: {  	_ =	swait.ge [sflag:s30], $0x4000  }
0x269: {  	[sflag:s30] =	ssyncset.done $0x0  }
0x26a: {  	[sflag:s30] =	ssyncadd.s32 $0xFFFFC000  }
0x26b: {  	[spmem:s3] =	stream.indirect.scatter.add.f32 [tilespmem:s26], [sflag:$0x4], $0x80, s14, s25, $0xb8;
	[tilespmem:$0x1EC00] =	vst v63  }
0x26c: {  	_ =	swait.ge [sflag:s21], $0x4000  }
0x26d: {  	[sflag:s21] =	ssyncset.done $0x0  }
0x26e: {  	[sflag:s21] =	ssyncadd.s32 $0xFFFFC000  }
0x26f: {  	[tilespmem:s26], [sflag:$0x3] =	stream.indirect.gather [hbm4b:s0+s25], $0x80, s15, s25, $0xb8;
	[tilespmem:$0x1EC00] =	vst v63  }
0x270: {  	_ =	swait.ge [sflag:s28], $0x4000  }
0x271: {  	[sflag:s28] =	ssyncset.done $0x0  }
0x272: {  	[sflag:s28] =	ssyncadd.s32 $0xFFFFC000  }
0x273: {  	[spmem:s3] =	stream.indirect.scatter.add.f32 [tilespmem:s20], [sflag:$0x4], $0x80, s16, s25, $0xb8;
	[tilespmem:$0x1EC00] =	vst v63  }
0x274: {  	_ =	swait.ge [sflag:s21], $0x4000  }
0x275: {  	[sflag:s21] =	ssyncset.done $0x0  }
0x276: {  	[sflag:s21] =	ssyncadd.s32 $0xFFFFC000  }
0x277: {  	[tilespmem:s20], [sflag:$0x2] =	stream.indirect.gather [hbm4b:s0+s25], $0x80, s17, s25, $0xb8;
	[tilespmem:$0x1EC00] =	vst v63  }
0x278: {  	_ =	swait.ge [sflag:s30], $0x4000  }
0x279: {  	[sflag:s30] =	ssyncset.done $0x0  }
0x27a: {  	[sflag:s30] =	ssyncadd.s32 $0xFFFFC000  }
0x27b: {  	[spmem:s3] =	stream.indirect.scatter.add.f32 [tilespmem:s26], [sflag:$0x4], $0x80, s18, s25, $0xb8;
	[tilespmem:$0x1EC00] =	vst v63  }
0x27c: {  	_ =	swait.ge [sflag:s21], $0x4000  }
0x27d: {  	[sflag:s21] =	ssyncset.done $0x0  }
0x27e: {  	[sflag:s21] =	ssyncadd.s32 $0xFFFFC000  }
0x27f: {  	[tilespmem:s26], [sflag:$0x3] =	stream.indirect.gather [hbm4b:s0+s25], $0x80, s19, s25, $0xb8;
	[tilespmem:$0x1EC00] =	vst v63  }
0x280: {  	_ =	swait.ge [sflag:s28], $0x4000  }
0x281: {  	[sflag:s28] =	ssyncset.done $0x0  }
0x282: {  	[sflag:s28] =	ssyncadd.s32 $0xFFFFC000  }
0x283: {  	[spmem:s3] =	stream.indirect.scatter.add.f32 [tilespmem:s20], [sflag:$0x4], $0x80, s22, s25, $0xb8;
	[tilespmem:$0x1EC00] =	vst v63  }
0x284: {  	_ =	swait.ge [sflag:s21], $0x4000  }
0x285: {  	[sflag:s21] =	ssyncset.done $0x0  }
0x286: {  	[sflag:s21] =	ssyncadd.s32 $0xFFFFC000  }
0x287: {  	[tilespmem:s20], [sflag:$0x2] =	stream.indirect.gather [hbm4b:s0+s25], $0x80, s29, s25, $0xb8;
	[tilespmem:$0x1EC00] =	vst v63  }
0x288: {  	_ =	swait.ge [sflag:s30], $0x4000  }
0x289: {  	[sflag:s30] =	ssyncset.done $0x0  }
0x28a: {  	[sflag:s30] =	ssyncadd.s32 $0xFFFFC000  }
0x28b: {  	[spmem:s3] =	stream.indirect.scatter.add.f32 [tilespmem:s26], [sflag:$0x4], $0x80, s31, s25, $0xb8;
	[tilespmem:$0x1EC00] =	vst v63  }
0x28c: {  	_ =	swait.ge [sflag:s21], $0x4000  }
0x28d: {  	[sflag:s21] =	ssyncset.done $0x0  }
0x28e: {  	s6 =	simm.s32 $0x1C80;
	[sflag:s21] =	ssyncadd.s32 $0xFFFFC000  }
0x28f: {  	[tilespmem:s26], [sflag:$0x3] =	stream.indirect.gather [hbm4b:s0+s25], $0x80, s6, s25, $0xb8;
	[tilespmem:$0x1EC00] =	vst v63  }
0x290: {  	_ =	swait.ge [sflag:s28], $0x4000  }
0x291: {  	[sflag:s28] =	ssyncset.done $0x0  }
0x292: {  	s9 =	simm.s32 $0x2800;
	[sflag:s28] =	ssyncadd.s32 $0xFFFFC000  }
0x293: {  	[spmem:s3] =	stream.indirect.scatter.add.f32 [tilespmem:s20], [sflag:$0x4], $0x80, s9, s25, $0xb8;
	[tilespmem:$0x1EC00] =	vst v63  }
0x294: {  	_ =	swait.ge [sflag:s21], $0x4000  }
0x295: {  	[sflag:s21] =	ssyncset.done $0x0  }
0x296: {  	s10 =	simm.s32 $0x1D00;
	[sflag:s21] =	ssyncadd.s32 $0xFFFFC000  }
0x297: {  	[tilespmem:s20], [sflag:$0x2] =	stream.indirect.gather [hbm4b:s0+s25], $0x80, s10, s25, $0xb8;
	[tilespmem:$0x1EC00] =	vst v63  }
0x298: {  	_ =	swait.ge [sflag:s30], $0x4000  }
0x299: {  	[sflag:s30] =	ssyncset.done $0x0  }
0x29a: {  	s11 =	simm.s32 $0x2880;
	[sflag:s30] =	ssyncadd.s32 $0xFFFFC000  }
0x29b: {  	[spmem:s3] =	stream.indirect.scatter.add.f32 [tilespmem:s26], [sflag:$0x4], $0x80, s11, s25, $0xb8;
	[tilespmem:$0x1EC00] =	vst v63  }
0x29c: {  	_ =	swait.ge [sflag:s21], $0x4000  }
0x29d: {  	[sflag:s21] =	ssyncset.done $0x0  }
0x29e: {  	s6 =	simm.s32 $0x1D80;
	[sflag:s21] =	ssyncadd.s32 $0xFFFFC000  }
0x29f: {  	[tilespmem:s26], [sflag:$0x3] =	stream.indirect.gather [hbm4b:s0+s25], $0x80, s6, s25, $0xb8;
	[tilespmem:$0x1EC00] =	vst v63  }
0x2a0: {  	_ =	swait.ge [sflag:s28], $0x4000  }
0x2a1: {  	[sflag:s28] =	ssyncset.done $0x0  }
0x2a2: {  	s9 =	simm.s32 $0x2900;
	[sflag:s28] =	ssyncadd.s32 $0xFFFFC000  }
0x2a3: {  	[spmem:s3] =	stream.indirect.scatter.add.f32 [tilespmem:s20], [sflag:$0x4], $0x80, s9, s25, $0xb8;
	[tilespmem:$0x1EC00] =	vst v63  }
0x2a4: {  	_ =	swait.ge [sflag:s21], $0x4000  }
0x2a5: {  	[sflag:s21] =	ssyncset.done $0x0  }
0x2a6: {  	s10 =	simm.s32 $0x1E00;
	[sflag:s21] =	ssyncadd.s32 $0xFFFFC000  }
0x2a7: {  	[tilespmem:s20], [sflag:$0x2] =	stream.indirect.gather [hbm4b:s0+s25], $0x80, s10, s25, $0xb8;
	[tilespmem:$0x1EC00] =	vst v63  }
0x2a8: {  	_ =	swait.ge [sflag:s30], $0x4000  }
0x2a9: {  	[sflag:s30] =	ssyncset.done $0x0  }
0x2aa: {  	s11 =	simm.s32 $0x2980;
	[sflag:s30] =	ssyncadd.s32 $0xFFFFC000  }
0x2ab: {  	[spmem:s3] =	stream.indirect.scatter.add.f32 [tilespmem:s26], [sflag:$0x4], $0x80, s11, s25, $0xb8;
	[tilespmem:$0x1EC00] =	vst v63  }
0x2ac: {  	_ =	swait.ge [sflag:s21], $0x4000  }
0x2ad: {  	[sflag:s21] =	ssyncset.done $0x0  }
0x2ae: {  	s6 =	simm.s32 $0x1E80;
	[sflag:s21] =	ssyncadd.s32 $0xFFFFC000  }
0x2af: {  	[tilespmem:s26], [sflag:$0x3] =	stream.indirect.gather [hbm4b:s0+s25], $0x80, s6, s25, $0xb8;
	[tilespmem:$0x1EC00] =	vst v63  }
0x2b0: {  	_ =	swait.ge [sflag:s28], $0x4000  }
0x2b1: {  	[sflag:s28] =	ssyncset.done $0x0  }
0x2b2: {  	s9 =	simm.s32 $0x2A00;
	[sflag:s28] =	ssyncadd.s32 $0xFFFFC000  }
0x2b3: {  	[spmem:s3] =	stream.indirect.scatter.add.f32 [tilespmem:s20], [sflag:$0x4], $0x80, s9, s25, $0xb8;
	[tilespmem:$0x1EC00] =	vst v63  }
0x2b4: {  	_ =	swait.ge [sflag:s21], $0x4000  }
0x2b5: {  	[sflag:s21] =	ssyncset.done $0x0  }
0x2b6: {  	s10 =	simm.s32 $0x1F00;
	[sflag:s21] =	ssyncadd.s32 $0xFFFFC000  }
0x2b7: {  	[tilespmem:s20], [sflag:$0x2] =	stream.indirect.gather [hbm4b:s0+s25], $0x80, s10, s25, $0xb8;
	[tilespmem:$0x1EC00] =	vst v63  }
0x2b8: {  	_ =	swait.ge [sflag:s30], $0x4000  }
0x2b9: {  	[sflag:s30] =	ssyncset.done $0x0  }
0x2ba: {  	s11 =	simm.s32 $0x2A80;
	[sflag:s30] =	ssyncadd.s32 $0xFFFFC000  }
0x2bb: {  	[spmem:s3] =	stream.indirect.scatter.add.f32 [tilespmem:s26], [sflag:$0x4], $0x80, s11, s25, $0xb8;
	[tilespmem:$0x1EC00] =	vst v63  }
0x2bc: {  	_ =	swait.ge [sflag:s21], $0x4000  }
0x2bd: {  	[sflag:s21] =	ssyncset.done $0x0  }
0x2be: {  	s6 =	simm.s32 $0x1F80;
	[sflag:s21] =	ssyncadd.s32 $0xFFFFC000  }
0x2bf: {  	[tilespmem:s26], [sflag:$0x3] =	stream.indirect.gather [hbm4b:s0+s25], $0x80, s6, s25, $0xb8;
	[tilespmem:$0x1EC00] =	vst v63  }
0x2c0: {  	_ =	swait.ge [sflag:s28], $0x4000  }
0x2c1: {  	[sflag:s28] =	ssyncset.done $0x0  }
0x2c2: {  	s9 =	simm.s32 $0x2B00;
	[sflag:s28] =	ssyncadd.s32 $0xFFFFC000  }
0x2c3: {  	[spmem:s3] =	stream.indirect.scatter.add.f32 [tilespmem:s20], [sflag:$0x4], $0x80, s9, s25, $0xb8;
	[tilespmem:$0x1EC00] =	vst v63  }
0x2c4: {  	_ =	swait.ge [sflag:s21], $0x4000  }
0x2c5: {  	[sflag:s21] =	ssyncset.done $0x0  }
0x2c6: {  	s10 =	simm.s32 $0x2000;
	[sflag:s21] =	ssyncadd.s32 $0xFFFFC000  }
0x2c7: {  	[tilespmem:s20], [sflag:$0x2] =	stream.indirect.gather [hbm4b:s0+s25], $0x80, s10, s25, $0xb8;
	[tilespmem:$0x1EC00] =	vst v63  }
0x2c8: {  	_ =	swait.ge [sflag:s30], $0x4000  }
0x2c9: {  	[sflag:s30] =	ssyncset.done $0x0  }
0x2ca: {  	s11 =	simm.s32 $0x2B80;
	[sflag:s30] =	ssyncadd.s32 $0xFFFFC000  }
0x2cb: {  	[spmem:s3] =	stream.indirect.scatter.add.f32 [tilespmem:s26], [sflag:$0x4], $0x80, s11, s25, $0xb8;
	[tilespmem:$0x1EC00] =	vst v63  }
0x2cc: {  	_ =	swait.ge [sflag:s21], $0x4000  }
0x2cd: {  	[sflag:s21] =	ssyncset.done $0x0  }
0x2ce: {  	s6 =	simm.s32 $0x2080;
	[sflag:s21] =	ssyncadd.s32 $0xFFFFC000  }
0x2cf: {  	[tilespmem:s26], [sflag:$0x3] =	stream.indirect.gather [hbm4b:s0+s25], $0x80, s6, s25, $0xb8;
	[tilespmem:$0x1EC00] =	vst v63  }
0x2d0: {  	_ =	swait.ge [sflag:s28], $0x4000  }
0x2d1: {  	[sflag:s28] =	ssyncset.done $0x0  }
0x2d2: {  	s9 =	simm.s32 $0x2C00;
	[sflag:s28] =	ssyncadd.s32 $0xFFFFC000  }
0x2d3: {  	[spmem:s3] =	stream.indirect.scatter.add.f32 [tilespmem:s20], [sflag:$0x4], $0x80, s9, s25, $0xb8;
	[tilespmem:$0x1EC00] =	vst v63  }
0x2d4: {  	_ =	swait.ge [sflag:s21], $0x4000  }
0x2d5: {  	[sflag:s21] =	ssyncset.done $0x0  }
0x2d6: {  	s10 =	simm.s32 $0x2100;
	[sflag:s21] =	ssyncadd.s32 $0xFFFFC000  }
0x2d7: {  	[tilespmem:s20], [sflag:$0x2] =	stream.indirect.gather [hbm4b:s0+s25], $0x80, s10, s25, $0xb8;
	[tilespmem:$0x1EC00] =	vst v63  }
0x2d8: {  	_ =	swait.ge [sflag:s30], $0x4000  }
0x2d9: {  	[sflag:s30] =	ssyncset.done $0x0  }
0x2da: {  	s11 =	simm.s32 $0x2C80;
	[sflag:s30] =	ssyncadd.s32 $0xFFFFC000  }
0x2db: {  	[spmem:s3] =	stream.indirect.scatter.add.f32 [tilespmem:s26], [sflag:$0x4], $0x80, s11, s25, $0xb8;
	[tilespmem:$0x1EC00] =	vst v63  }
0x2dc: {  	_ =	swait.ge [sflag:s21], $0x4000  }
0x2dd: {  	[sflag:s21] =	ssyncset.done $0x0  }
0x2de: {  	s6 =	simm.s32 $0x2180;
	[sflag:s21] =	ssyncadd.s32 $0xFFFFC000  }
0x2df: {  	[tilespmem:s26], [sflag:$0x3] =	stream.indirect.gather [hbm4b:s0+s25], $0x80, s6, s25, $0xb8;
	[tilespmem:$0x1EC00] =	vst v63  }
0x2e0: {  	_ =	swait.ge [sflag:s28], $0x4000  }
0x2e1: {  	[sflag:s28] =	ssyncset.done $0x0  }
0x2e2: {  	s9 =	simm.s32 $0x2D00;
	[sflag:s28] =	ssyncadd.s32 $0xFFFFC000  }
0x2e3: {  	[spmem:s3] =	stream.indirect.scatter.add.f32 [tilespmem:s20], [sflag:$0x4], $0x80, s9, s25, $0xb8;
	[tilespmem:$0x1EC00] =	vst v63  }
0x2e4: {  	_ =	swait.ge [sflag:s21], $0x4000  }
0x2e5: {  	[sflag:s21] =	ssyncset.done $0x0  }
0x2e6: {  	[sflag:s21] =	ssyncadd.s32 $0xFFFFC000  }
0x2e7: {  	_ =	swait.ge [sflag:s30], $0x4000  }
0x2e8: {  	[sflag:s30] =	ssyncset.done $0x0  }
0x2e9: {  	s10 =	simm.s32 $0x2D80;
	[sflag:s30] =	ssyncadd.s32 $0xFFFFC000  }
0x2ea: {  	[spmem:s3] =	stream.indirect.scatter.add.f32 [tilespmem:s26], [sflag:$0x4], $0x80, s10, s25, $0xb8;
	[tilespmem:$0x1EC00] =	vst v63  }
0x2eb: {  	_ =	swait.ge [sflag:s21], $0x4000  }
0x2ec: {  	[sflag:s21] =	ssyncset.done $0x0  }
0x2ed: {  	s11 =	stileid.u32;
	[sflag:s21] =	ssyncadd.s32 $0xFFFFC000  }
0x2ee: {  	s9 =	sshll.u32 s11, $0x6;
	[bflag:$0x0] =	sbarrier.arrive $0xFFFF  }
0x2ef: {  	s5 =	sshrl.u32 s2, $0x3;
	s9 =	sor.u32 $0x1C04, s9;
	s6 =	rddreg [dreg:$0x10]  }
0x2f0: {  	[hbm:s6], [sflag:s9] =	dma.local [spmem:s5], $0x2780  }
0x2f1: {  	_ =	swait.ge [sflag:s21], $0x2780  }
0x2f2: {  	s8 =	sadd.s32 $0x1, s8;
	s11 =	rddreg [dreg:$0x11]  }
0x2f3: {  	p0 =	sne.s32 s8, s11  }
.Ltmp1:
0x2f4: {  	_ = 	snop;
	(pc) =	sbr.rel @p0 .LBB2_1-.Ltmp1, $3  }
0x2f5: {  	_ =	sdelay $0x1  }
0x2f6: {  	[sflag:s21] =	ssyncset.done $0x0  }
0x2f7: {  	[sflag:s21] =	ssyncadd.s32 $0xFFFFD880  }
0x2f8: {  	_ =	sfence.sel $0x180000  }
0x2f9: {  	[bflag:$0x0] =	sbarrier.arrive $0xFFFF  }
0x2fa: {  	_ =	strace $0x90000047  }
0x2fb: {  	s0 =	stileid.u32;
	[bflag:$0x2] =	sbarrier.arrive $0xFFFF  }
0x2fc: {  	p0 =	sne.s32 s0, $0x0;
	s0 =	rddreg [dreg:$0x3]  }
0x2fd: {  	s0 =	sadd.s32 @!p0 $0x100000, s0  }
0x2fe: {  	[sflag:s0] =	ssyncadd.tile.s32 @!p0 $0x1;
	_ =	shalt  }
.Lfunc_end2:
_tile_overlayer_lowered:
.L_overlay_start_2:
0x2ff: {  	(tag) =	ssettag $0x2  }
0x300: {  	s0 =	rddreg [dreg:$0x0];
	s2 =	stileid.u32  }
0x301: {  	s1 =	rddreg [dreg:$0x1];
	p0 =	sne.s32 s2, $0x0  }
0x302: {  	s3 =	rddreg [dreg:$0x2];
	[bflag:$0x3] =	sbarrier.arrive $0xFFFF;
	s2 =	simm.s32 @!p0 $0x1C04  }
0x303: {  	[timem:s3], [sflag:s2] =	dma.local @!p0 [hbm:s0], s1  }
0x304: {  	s0 =	simm.s32 @!p0 $0x4  }
0x305: {  	_ =	swait.ge @!p0 [sflag:s0], s1  }
0x306: {  	s1 =	ssub.s32 @!p0 $0x0, s1;
	[sflag:s0] =	ssyncset.done @!p0 $0x0  }
0x307: {  	[sflag:s0] =	ssyncadd.s32 @!p0 s1  }
0x308: {  	[bflag:$0x3] =	sbarrier.arrive $0xFFFF  }
0x309: {  	_ =	shalt  }

</sc_bundles>
